<compile_context>
chip_gen: v7x
topology: tpu7x:2x2x1
jax: 0.10.2.dev20260603
libtpu: 0.0.44.dev20260713+nightly
codegen_flags: <defaults>
</compile_context>

<pallas_src>
import functools

import jax
import jax.numpy as jnp
from jax import lax
from jax.experimental import pallas as pl
from jax.experimental.pallas import tpu as pltpu
from jax.experimental.pallas import tpu_sc as plsc

N = 10000
N_EXT = 10112
E = 320000
NC, NS = 2, 16
NW = NC * NS
CH = 128
NCHUNK = 80
EPT = NCHUNK * CH
E_PAD = NW * EPT
ROWS2D = E_PAD // CH
RPT = N_EXT // NS

_MESH = plsc.VectorSubcoreMesh(core_axis_name="c", subcore_axis_name="s")



@functools.partial(
    pl.kernel,
    out_type=jax.ShapeDtypeStruct((NW, N_EXT), jnp.float32),
    mesh=_MESH,
    scratch_types=[
        pltpu.VMEM((N_EXT,), jnp.float32),
        pltpu.VMEM((NCHUNK, CH), jnp.int32),
    ],
    compiler_params=pltpu.CompilerParams(
        needs_layout_passes=False, use_tc_tiling_on_sc=False),
)
def _deg(dst_hbm, degp_hbm, deg_v, didx_v):
    cid = lax.axis_index("c")
    sid = lax.axis_index("s")
    wid = sid * NC + cid

    zeros = jnp.zeros((16,), jnp.float32)

    def zbody(i, c):
        deg_v[pl.ds(i * 16, 16)] = zeros
        return c

    lax.fori_loop(0, N_EXT // 16, zbody, 0)

    pltpu.sync_copy(dst_hbm.at[pl.ds(wid * NCHUNK, NCHUNK)], didx_v)

    ones = jnp.full((16,), 1.0, jnp.float32)

    def ebody(i, c):
        idx = didx_v[i // (CH // 16), pl.ds((i % (CH // 16)) * 16, 16)]
        plsc.addupdate_scatter(deg_v, [idx], ones)
        return c

    lax.fori_loop(0, EPT // 16, ebody, 0)

    pltpu.sync_copy(deg_v, degp_hbm.at[wid])


NBUF = 10
GRP = NCHUNK // NBUF


def _make_agg(F):
    @functools.partial(
        pl.kernel,
        out_type=jax.ShapeDtypeStruct((N_EXT, 2 * F), jnp.float32),
        mesh=_MESH,
        scratch_types=(
            [
                pltpu.VMEM_SHARED((N_EXT, F), jnp.float32),
                pltpu.VMEM((NCHUNK, CH), jnp.int32),
                pltpu.VMEM((NCHUNK, CH), jnp.int32),
            ]
            + [pltpu.VMEM((CH, F), jnp.float32) for _ in range(NBUF)]
            + [pltpu.SemaphoreType.DMA for _ in range(2 * NBUF)]
        ),
        compiler_params=pltpu.CompilerParams(use_tc_tiling_on_sc=False),
    )
    def agg(u_hbm, src_hbm, dst_hbm, p_hbm, acc, sidx, didx, *bufs_sems):
        rows = bufs_sems[:NBUF]
        gs = bufs_sems[NBUF:2 * NBUF]
        ss = bufs_sems[2 * NBUF:]
        cid = lax.axis_index("c")
        sid = lax.axis_index("s")
        wid = sid * NC + cid
        rbase = sid * RPT

        pltpu.sync_copy(u_hbm.at[pl.ds(rbase, RPT)], acc.at[pl.ds(rbase, RPT)])

        pltpu.sync_copy(src_hbm.at[pl.ds(wid * NCHUNK, NCHUNK)], sidx)
        pltpu.sync_copy(dst_hbm.at[pl.ds(wid * NCHUNK, NCHUNK)], didx)

        plsc.subcore_barrier()

        for b in range(NBUF):
            pltpu.async_copy(u_hbm.at[sidx.at[b]], rows[b], gs[b])

        def round_(g, c):
            for b in range(NBUF):
                j = g * NBUF + b
                pltpu.make_async_copy(u_hbm.at[sidx.at[j]], rows[b], gs[b]).wait()
                pltpu.async_copy(rows[b], acc.at[didx.at[j]], ss[b], add=True)
            for b in range(NBUF):
                pltpu.make_async_copy(rows[b], acc.at[didx.at[b]], ss[b]).wait()

                @pl.when(g + 1 < GRP)
                def _():
                    jn = (g + 1) * NBUF + b
                    pltpu.async_copy(u_hbm.at[sidx.at[jn]], rows[b], gs[b])

            return c

        lax.fori_loop(0, GRP, round_, 0)

        plsc.subcore_barrier()

        pltpu.sync_copy(acc.at[pl.ds(rbase, RPT)],
                        p_hbm.at[pl.ds(rbase, RPT), pl.ds(cid * F, F)])

    return agg


_agg8 = _make_agg(8)
_agg16 = _make_agg(16)
_agg40 = _make_agg(40)



_PAD = N_EXT - N


def _tc_first_body(degp_ref, x_ref, w_ref, dinv_ref, u_ref):
    deg = jnp.dot(jnp.ones((1, NW), jnp.float32), degp_ref[...],
                  preferred_element_type=jnp.float32)
    col = lax.broadcasted_iota(jnp.int32, (1, N_EXT), 1)
    dinv = jnp.where(col < N, lax.rsqrt(deg + 1.0), 0.0)
    dinv_ref[...] = dinv
    h = lax.dot_general(w_ref[...], x_ref[...], (((1,), (1,)), ((), ())),
                        preferred_element_type=jnp.float32)
    full = jnp.concatenate(
        [h, jnp.zeros((w_ref.shape[0], _PAD), jnp.float32)], axis=1)
    u_ref[...] = dinv * full


def _tc_mid_body(dinv_ref, p_ref, u_ref, b_ref, w_ref, un_ref):
    dinv = dinv_ref[...]
    fv = u_ref.shape[0]
    p = p_ref[...]
    s = p[:fv] + p[fv:] - u_ref[...]
    pre = dinv * s + b_ref[...]
    h = jnp.maximum(pre, 0.0)
    un_ref[...] = dinv * jnp.dot(w_ref[...], h,
                                 preferred_element_type=jnp.float32)


def _tc_last_body(dinv_ref, p_ref, u_ref, b_ref, o_ref):
    dinv = dinv_ref[...][:, :N]
    fv = u_ref.shape[0]
    p = p_ref[:, pl.ds(0, N)]
    s = p[:fv] + p[fv:] - u_ref[:, pl.ds(0, N)]
    pre = dinv * s + b_ref[...]
    m = jnp.max(pre, axis=0, keepdims=True)
    lse = jnp.log(jnp.sum(jnp.exp(pre - m), axis=0, keepdims=True)) + m
    o_ref[...] = pre - lse


def _tc_first(degp, x, wT):
    return pl.pallas_call(
        _tc_first_body,
        out_shape=(
            jax.ShapeDtypeStruct((1, N_EXT), jnp.float32),
            jax.ShapeDtypeStruct((wT.shape[0], N_EXT), jnp.float32),
        ),
    )(degp, x, wT)


def _tc_mid(dinv, pT, uT, bT, wT):
    return pl.pallas_call(
        _tc_mid_body,
        out_shape=jax.ShapeDtypeStruct((wT.shape[0], N_EXT), jnp.float32),
    )(dinv, pT, uT, bT, wT)


def _tc_last(dinv, pT, uT, bT):
    return pl.pallas_call(
        _tc_last_body,
        out_shape=jax.ShapeDtypeStruct((uT.shape[0], N), jnp.float32),
    )(dinv, pT, uT, bT)



def kernel(x, adj, W1, b1, W2, b2, W3, b3, W4, b4):
    src = adj[0].astype(jnp.int32)
    dst = adj[1].astype(jnp.int32)
    pad = (jnp.arange(E_PAD - E, dtype=jnp.int32) % _PAD) + N
    src2 = jnp.concatenate([src, pad]).reshape(ROWS2D, CH)
    dst2 = jnp.concatenate([dst, pad]).reshape(ROWS2D, CH)

    degp = _deg(dst2)

    dinv, u1T = _tc_first(degp, x, W1.T)

    p1 = _agg8(u1T.T, src2, dst2)
    u2T = _tc_mid(dinv, p1.T, u1T, b1.reshape(-1, 1), W2.T)

    p2 = _agg16(u2T.T, src2, dst2)
    u3T = _tc_mid(dinv, p2.T, u2T, b2.reshape(-1, 1), W3.T)

    p3 = _agg8(u3T.T, src2, dst2)
    u4T = _tc_mid(dinv, p3.T, u3T, b3.reshape(-1, 1), W4.T)

    p4 = _agg40(u4T.T, src2, dst2)
    outT = _tc_last(dinv, p4.T, u4T, b4.reshape(-1, 1))
    return outT.T

# --- scband reference (transcript-rebuilt; emitter-appended) ---
"""Pipeline reference for scband-gcn-24721831756423 (READ-ONLY COPY).

The authoritative reference and input builder live on the scoring server;
editing this copy changes nothing except your own understanding.
"""

import jax, jax.numpy as jnp
import numpy as np

N_NODES = 10000


def gcn_conv(x, src, dst, W, b):
    n = x.shape[0]
    loop = jnp.arange(n, dtype=src.dtype)
    src2 = jnp.concatenate([src, loop])
    dst2 = jnp.concatenate([dst, loop])
    deg = jax.ops.segment_sum(jnp.ones_like(dst2, dtype=x.dtype), dst2, num_segments=n)
    dinv = jnp.where(deg > 0, 1.0 / jnp.sqrt(deg), 0.0)
    norm = dinv[src2] * dinv[dst2]
    h = x @ W
    msg = h[src2] * norm[:, None]
    out = jax.ops.segment_sum(msg, dst2, num_segments=n) + b
    return out


def setup_inputs(seed: int = 0) -> dict:
    key = jax.random.key(seed)
    ks = jax.random.split(key, 12)
    x = jax.random.normal(ks[0], (N_NODES, 128), dtype=jnp.float32)
    adj = jax.random.randint(ks[1], (2, 320000), 0, N_NODES, dtype=jnp.int64)
    def glorot(k, fi, fo):
        lim = float(np.sqrt(6.0 / (fi + fo)))
        return jax.random.uniform(k, (fi, fo), minval=-lim, maxval=lim, dtype=jnp.float32)
    return {
        "x": x,
        "adj": adj,
        "W1": glorot(ks[2], 128, 8), "b1": jnp.zeros((8,), jnp.float32),
        "W2": glorot(ks[3], 8, 16), "b2": jnp.zeros((16,), jnp.float32),
        "W3": glorot(ks[4], 16, 8), "b3": jnp.zeros((8,), jnp.float32),
        "W4": glorot(ks[5], 8, 40), "b4": jnp.zeros((40,), jnp.float32),
    }


def reference(x, adj, W1, b1, W2, b2, W3, b3, W4, b4):
    src, dst = adj[0], adj[1]
    # dropout is identity in eval mode
    h = jax.nn.relu(gcn_conv(x, src, dst, W1, b1))
    h = jax.nn.relu(gcn_conv(h, src, dst, W2, b2))
    h = jax.nn.relu(gcn_conv(h, src, dst, W3, b3))
    h = gcn_conv(h, src, dst, W4, b4)
    return jax.nn.log_softmax(h, axis=1)

if __name__ == "__main__":
    import jax
    _d = setup_inputs()
    print(jax.jit(kernel)(*tuple(_d.values())))

</pallas_src>

<mosaic_0001>
#map = affine_map<(d0, d1) -> (0, 0)>
module attributes {stable_mosaic.version = 14 : i64} {
  func.func @_deg(%arg0: i32, %arg1: i32, %arg2: memref<2560x128xi32, #tpu.memory_space<hbm>>, %arg3: memref<32x10112xf32, #tpu.memory_space<hbm>>, %arg4: memref<10112xf32, #tpu.memory_space<vmem>>, %arg5: memref<80x128xi32, #tpu.memory_space<vmem>>) attributes {dimension_semantics = [#tpu.dimension_semantics<core_parallel>, #tpu.dimension_semantics<subcore_parallel>], iteration_bounds = array<i64: 2, 16>, scalar_prefetch = 0 : i64, scratch_operands = 2 : i64, tpu.core_type = #tpu.core_type<sc_vector_subcore>, window_params = [{transform_indices = #map}, {transform_indices = #map}]} {
    %mul3A = arith.constant 2 : i32
    %mul3A_0 = arith.muli %arg1, %mul3A : i32
    %add3A = arith.addi %mul3A_0, %arg0 : i32
    %broadcast_in_dim3A = arith.constant 0.000000e+00 : f32
    %broadcast_in_dim3A_1 = vector.broadcast %broadcast_in_dim3A : f32 to vector<16xf32>
    %scan3A = arith.constant 0 : i32
    %scan3A_2 = arith.constant 0 : i32
    %scan3A_3 = arith.constant 632 : i32
    %scan3A_4 = arith.addi %scan3A_2, %scan3A_3 : i32
    %scan3A_5 = arith.constant 1 : i32
    scf.for %scan3A_17 = %scan3A_2 to %scan3A_4 step %scan3A_5  : i32 {
      %mul3A_18 = arith.constant 16 : i32
      %mul3A_19 = arith.muli %scan3A_17, %mul3A_18 : i32
      %swap3A = arith.index_cast %mul3A_19 : i32 to index
      %swap3A_20 = tpu.vector_load %arg4[%swap3A] {strides = array<i32>} : memref<10112xf32, #tpu.memory_space<vmem>>, vector<16xf32>,
      tpu.vector_store %arg4[%swap3A], %broadcast_in_dim3A_1 {strides = array<i32>} : memref<10112xf32, #tpu.memory_space<vmem>>, vector<16xf32>,
    }
    %scan3A_6 = arith.constant 632 : i32
    %mul3A_7 = arith.constant 80 : i32
    %mul3A_8 = arith.muli %add3A, %mul3A_7 : i32
    "tpu.region"() ({
      %run_scoped3A = tpu.sem_alloc : memref<!tpu.dma_semaphore, #tpu.memory_space<semaphore_mem>>
      %dma_start3A = arith.constant 0 : i32
      %dma_start3A_17 = tpu.memref_slice %arg2[%mul3A_8, %dma_start3A] : memref<2560x128xi32, #tpu.memory_space<hbm>> -> memref<80x128xi32, #tpu.memory_space<hbm>>
      %dma_start3A_18 = arith.constant 0 : i32
      %dma_start3A_19 = tpu.memref_slice %arg2[%mul3A_8, %dma_start3A_18] : memref<2560x128xi32, #tpu.memory_space<hbm>> -> memref<80x128xi32, #tpu.memory_space<hbm>>
      tpu.enqueue_dma source(%dma_start3A_19 : memref<80x128xi32, #tpu.memory_space<hbm>>) target(%arg5 : memref<80x128xi32, #tpu.memory_space<vmem>>) target_semaphore(%run_scoped3A : memref<!tpu.dma_semaphore, #tpu.memory_space<semaphore_mem>>)
      %dma_wait3A = arith.constant 0 : i32
      %dma_wait3A_20 = tpu.memref_slice %arg2[%mul3A_8, %dma_wait3A] : memref<2560x128xi32, #tpu.memory_space<hbm>> -> memref<80x128xi32, #tpu.memory_space<hbm>>
      %dma_wait3A_21 = arith.constant 0 : i32
      %dma_wait3A_22 = tpu.memref_slice %arg2[%mul3A_8, %dma_wait3A_21] : memref<2560x128xi32, #tpu.memory_space<hbm>> -> memref<80x128xi32, #tpu.memory_space<hbm>>
      tpu.wait_dma2 semaphore(%run_scoped3A : memref<!tpu.dma_semaphore, #tpu.memory_space<semaphore_mem>>) src(%dma_wait3A_22 : memref<80x128xi32, #tpu.memory_space<hbm>>) dst(%arg5 : memref<80x128xi32, #tpu.memory_space<vmem>>)
      tpu.yield
    }) : () -> ()
    %broadcast_in_dim3A_9 = arith.constant 1.000000e+00 : f32
    %broadcast_in_dim3A_10 = vector.broadcast %broadcast_in_dim3A_9 : f32 to vector<16xf32>
    %scan3A_11 = arith.constant 0 : i32
    %scan3A_12 = arith.constant 0 : i32
    %scan3A_13 = arith.constant 640 : i32
    %scan3A_14 = arith.addi %scan3A_12, %scan3A_13 : i32
    %scan3A_15 = arith.constant 1 : i32
    scf.for %scan3A_17 = %scan3A_12 to %scan3A_14 step %scan3A_15  : i32 {
      %jit3A = arith.constant 8 : i32
      %div3A = arith.divsi %scan3A_17, %jit3A : i32
      %sign3A = arith.constant 0 : i32
      %sign3A_18 = arith.cmpi sgt, %scan3A_17, %sign3A : i32
      %sign3A_19 = arith.extui %sign3A_18 : i1 to i32
      %sign3A_20 = arith.constant 0 : i32
      %sign3A_21 = arith.cmpi slt, %scan3A_17, %sign3A_20 : i32
      %sign3A_22 = arith.extui %sign3A_21 : i1 to i32
      %sign3A_23 = arith.subi %sign3A_19, %sign3A_22 : i32
      %sign3A_24 = arith.constant 0 : i32
      %sign3A_25 = arith.cmpi sgt, %jit3A, %sign3A_24 : i32
      %sign3A_26 = arith.extui %sign3A_25 : i1 to i32
      %sign3A_27 = arith.constant 0 : i32
      %sign3A_28 = arith.cmpi slt, %jit3A, %sign3A_27 : i32
      %sign3A_29 = arith.extui %sign3A_28 : i1 to i32
      %sign3A_30 = arith.subi %sign3A_26, %sign3A_29 : i32
      %ne3A = arith.cmpi ne, %sign3A_23, %sign3A_30 : i32
      %rem3A = arith.remsi %scan3A_17, %jit3A : i32
      %ne3A_31 = arith.constant 0 : i32
      %ne3A_32 = arith.cmpi ne, %rem3A, %ne3A_31 : i32
      %and3A = arith.andi %ne3A, %ne3A_32 : i1
      %sub3A = arith.constant 1 : i32
      %sub3A_33 = arith.subi %div3A, %sub3A : i32
      %select_n3A = arith.select %and3A, %sub3A_33, %div3A : i32
      %jit3A_34 = arith.constant 8 : i32
      %eq3A = arith.constant 0 : i32
      %eq3A_35 = arith.cmpi eq, %jit3A_34, %eq3A : i32
      %jit3A_36 = arith.constant 1 : i32
      %select_n3A_37 = arith.select %eq3A_35, %jit3A_36, %jit3A_34 : i32
      %rem3A_38 = arith.remsi %scan3A_17, %select_n3A_37 : i32
      %ne3A_39 = arith.constant 0 : i32
      %ne3A_40 = arith.cmpi ne, %rem3A_38, %ne3A_39 : i32
      %lt3A = arith.constant 0 : i32
      %lt3A_41 = arith.cmpi slt, %rem3A_38, %lt3A : i32
      %lt3A_42 = arith.constant 0 : i32
      %lt3A_43 = arith.cmpi slt, %select_n3A_37, %lt3A_42 : i32
      %ne3A_44 = arith.xori %lt3A_41, %lt3A_43 : i1
      %and3A_45 = arith.andi %ne3A_44, %ne3A_40 : i1
      %add3A_46 = arith.addi %rem3A_38, %select_n3A_37 : i32
      %select_n3A_47 = arith.select %and3A_45, %add3A_46, %rem3A_38 : i32
      %mul3A_48 = arith.constant 16 : i32
      %mul3A_49 = arith.muli %select_n3A_47, %mul3A_48 : i32
      %get3A = arith.index_cast %select_n3A : i32 to index
      %get3A_50 = arith.index_cast %mul3A_49 : i32 to index
      %get3A_51 = tpu.vector_load %arg5[%get3A, %get3A_50] {strides = array<i32>} : memref<80x128xi32, #tpu.memory_space<vmem>>, vector<16xi32>,
      tpu.vector_store_idx %arg4[%get3A_51], %broadcast_in_dim3A_10 {add = true} : memref<10112xf32, #tpu.memory_space<vmem>>[vector<16xi32>], vector<16xf32>,
    }
    %scan3A_16 = arith.constant 640 : i32
    "tpu.region"() ({
      %run_scoped3A = tpu.sem_alloc : memref<!tpu.dma_semaphore, #tpu.memory_space<semaphore_mem>>
      %dma_start3A = arith.constant 0 : i32
      %dma_start3A_17 = tpu.memref_slice %arg3[%add3A, %dma_start3A] : memref<32x10112xf32, #tpu.memory_space<hbm>> -> memref<1x10112xf32, #tpu.memory_space<hbm>>
      %dma_start3A_18 = tpu.memref_squeeze %dma_start3A_17 : memref<1x10112xf32, #tpu.memory_space<hbm>> -> memref<10112xf32, #tpu.memory_space<hbm>>
      %dma_start3A_19 = arith.constant 0 : i32
      %dma_start3A_20 = tpu.memref_slice %arg3[%add3A, %dma_start3A_19] : memref<32x10112xf32, #tpu.memory_space<hbm>> -> memref<1x10112xf32, #tpu.memory_space<hbm>>
      %dma_start3A_21 = tpu.memref_squeeze %dma_start3A_20 : memref<1x10112xf32, #tpu.memory_space<hbm>> -> memref<10112xf32, #tpu.memory_space<hbm>>
      tpu.enqueue_dma source(%arg4 : memref<10112xf32, #tpu.memory_space<vmem>>) target(%dma_start3A_21 : memref<10112xf32, #tpu.memory_space<hbm>>) target_semaphore(%run_scoped3A : memref<!tpu.dma_semaphore, #tpu.memory_space<semaphore_mem>>)
      %dma_wait3A = arith.constant 0 : i32
      %dma_wait3A_22 = tpu.memref_slice %arg3[%add3A, %dma_wait3A] : memref<32x10112xf32, #tpu.memory_space<hbm>> -> memref<1x10112xf32, #tpu.memory_space<hbm>>
      %dma_wait3A_23 = tpu.memref_squeeze %dma_wait3A_22 : memref<1x10112xf32, #tpu.memory_space<hbm>> -> memref<10112xf32, #tpu.memory_space<hbm>>
      %dma_wait3A_24 = arith.constant 0 : i32
      %dma_wait3A_25 = tpu.memref_slice %arg3[%add3A, %dma_wait3A_24] : memref<32x10112xf32, #tpu.memory_space<hbm>> -> memref<1x10112xf32, #tpu.memory_space<hbm>>
      %dma_wait3A_26 = tpu.memref_squeeze %dma_wait3A_25 : memref<1x10112xf32, #tpu.memory_space<hbm>> -> memref<10112xf32, #tpu.memory_space<hbm>>
      tpu.wait_dma2 semaphore(%run_scoped3A : memref<!tpu.dma_semaphore, #tpu.memory_space<semaphore_mem>>) src(%arg4 : memref<10112xf32, #tpu.memory_space<vmem>>) dst(%dma_wait3A_26 : memref<10112xf32, #tpu.memory_space<hbm>>)
      tpu.yield
    }) : () -> ()
    return
  }
}

#map = affine_map<(d0, d1) -> (0, 0)>
module attributes {stable_mosaic.version = 14 : i64} {
  func.func @agg(%arg0: i32, %arg1: i32, %arg2: memref<10112x8xf32, #tpu.memory_space<hbm>>, %arg3: memref<2560x128xi32, #tpu.memory_space<hbm>>, %arg4: memref<2560x128xi32, #tpu.memory_space<hbm>>, %arg5: memref<10112x16xf32, #tpu.memory_space<hbm>>, %arg6: memref<10112x8xf32, #tpu.memory_space<vmem_shared>>, %arg7: memref<80x128xi32, #tpu.memory_space<vmem>>, %arg8: memref<80x128xi32, #tpu.memory_space<vmem>>, %arg9: memref<128x8xf32, #tpu.memory_space<vmem>>, %arg10: memref<128x8xf32, #tpu.memory_space<vmem>>, %arg11: memref<128x8xf32, #tpu.memory_space<vmem>>, %arg12: memref<128x8xf32, #tpu.memory_space<vmem>>, %arg13: memref<128x8xf32, #tpu.memory_space<vmem>>, %arg14: memref<128x8xf32, #tpu.memory_space<vmem>>, %arg15: memref<128x8xf32, #tpu.memory_space<vmem>>, %arg16: memref<128x8xf32, #tpu.memory_space<vmem>>, %arg17: memref<128x8xf32, #tpu.memory_space<vmem>>, %arg18: memref<128x8xf32, #tpu.memory_space<vmem>>, %arg19: memref<!tpu.dma_semaphore, #tpu.memory_space<semaphore_mem>>, %arg20: memref<!tpu.dma_semaphore, #tpu.memory_space<semaphore_mem>>, %arg21: memref<!tpu.dma_semaphore, #tpu.memory_space<semaphore_mem>>, %arg22: memref<!tpu.dma_semaphore, #tpu.memory_space<semaphore_mem>>, %arg23: memref<!tpu.dma_semaphore, #tpu.memory_space<semaphore_mem>>, %arg24: memref<!tpu.dma_semaphore, #tpu.memory_space<semaphore_mem>>, %arg25: memref<!tpu.dma_semaphore, #tpu.memory_space<semaphore_mem>>, %arg26: memref<!tpu.dma_semaphore, #tpu.memory_space<semaphore_mem>>, %arg27: memref<!tpu.dma_semaphore, #tpu.memory_space<semaphore_mem>>, %arg28: memref<!tpu.dma_semaphore, #tpu.memory_space<semaphore_mem>>, %arg29: memref<!tpu.dma_semaphore, #tpu.memory_space<semaphore_mem>>, %arg30: memref<!tpu.dma_semaphore, #tpu.memory_space<semaphore_mem>>, %arg31: memref<!tpu.dma_semaphore, #tpu.memory_space<semaphore_mem>>, %arg32: memref<!tpu.dma_semaphore, #tpu.memory_space<semaphore_mem>>, %arg33: memref<!tpu.dma_semaphore, #tpu.memory_space<semaphore_mem>>, %arg34: memref<!tpu.dma_semaphore, #tpu.memory_space<semaphore_mem>>, %arg35: memref<!tpu.dma_semaphore, #tpu.memory_space<semaphore_mem>>, %arg36: memref<!tpu.dma_semaphore, #tpu.memory_space<semaphore_mem>>, %arg37: memref<!tpu.dma_semaphore, #tpu.memory_space<semaphore_mem>>, %arg38: memref<!tpu.dma_semaphore, #tpu.memory_space<semaphore_mem>>) attributes {dimension_semantics = [#tpu.dimension_semantics<core_parallel>, #tpu.dimension_semantics<subcore_parallel>], iteration_bounds = array<i64: 2, 16>, scalar_prefetch = 0 : i64, scratch_operands = 33 : i64, tpu.core_type = #tpu.core_type<sc_vector_subcore>, window_params = [{transform_indices = #map}, {transform_indices = #map}, {transform_indices = #map}, {transform_indices = #map}]} {
    %mul3A = arith.constant 2 : i32
    %mul3A_0 = arith.muli %arg1, %mul3A : i32
    %add3A = arith.addi %mul3A_0, %arg0 : i32
    %mul3A_1 = arith.constant 632 : i32
    %mul3A_2 = arith.muli %arg1, %mul3A_1 : i32
    "tpu.region"() ({
      %run_scoped3A = tpu.sem_alloc : memref<!tpu.dma_semaphore, #tpu.memory_space<semaphore_mem>>
      %dma_start3A_84 = arith.constant 0 : i32
      %dma_start3A_85 = tpu.memref_slice %arg6[%mul3A_2, %dma_start3A_84] : memref<10112x8xf32, #tpu.memory_space<vmem_shared>> -> memref<632x8xf32, #tpu.memory_space<vmem_shared>>
      %dma_start3A_86 = arith.constant 0 : i32
      %dma_start3A_87 = tpu.memref_slice %arg2[%mul3A_2, %dma_start3A_86] : memref<10112x8xf32, #tpu.memory_space<hbm>> -> memref<632x8xf32, #tpu.memory_space<hbm>>
      tpu.enqueue_dma source(%dma_start3A_87 : memref<632x8xf32, #tpu.memory_space<hbm>>) target(%dma_start3A_85 : memref<632x8xf32, #tpu.memory_space<vmem_shared>>) target_semaphore(%run_scoped3A : memref<!tpu.dma_semaphore, #tpu.memory_space<semaphore_mem>>)
      %dma_wait3A = arith.constant 0 : i32
      %dma_wait3A_88 = tpu.memref_slice %arg6[%mul3A_2, %dma_wait3A] : memref<10112x8xf32, #tpu.memory_space<vmem_shared>> -> memref<632x8xf32, #tpu.memory_space<vmem_shared>>
      %dma_wait3A_89 = arith.constant 0 : i32
      %dma_wait3A_90 = tpu.memref_slice %arg2[%mul3A_2, %dma_wait3A_89] : memref<10112x8xf32, #tpu.memory_space<hbm>> -> memref<632x8xf32, #tpu.memory_space<hbm>>
      tpu.wait_dma2 semaphore(%run_scoped3A : memref<!tpu.dma_semaphore, #tpu.memory_space<semaphore_mem>>) src(%dma_wait3A_90 : memref<632x8xf32, #tpu.memory_space<hbm>>) dst(%dma_wait3A_88 : memref<632x8xf32, #tpu.memory_space<vmem_shared>>)
      tpu.yield
    }) : () -> ()
    %mul3A_3 = arith.constant 80 : i32
    %mul3A_4 = arith.muli %add3A, %mul3A_3 : i32
    "tpu.region"() ({
      %run_scoped3A = tpu.sem_alloc : memref<!tpu.dma_semaphore, #tpu.memory_space<semaphore_mem>>
      %dma_start3A_84 = arith.constant 0 : i32
      %dma_start3A_85 = tpu.memref_slice %arg3[%mul3A_4, %dma_start3A_84] : memref<2560x128xi32, #tpu.memory_space<hbm>> -> memref<80x128xi32, #tpu.memory_space<hbm>>
      %dma_start3A_86 = arith.constant 0 : i32
      %dma_start3A_87 = tpu.memref_slice %arg3[%mul3A_4, %dma_start3A_86] : memref<2560x128xi32, #tpu.memory_space<hbm>> -> memref<80x128xi32, #tpu.memory_space<hbm>>
      tpu.enqueue_dma source(%dma_start3A_87 : memref<80x128xi32, #tpu.memory_space<hbm>>) target(%arg7 : memref<80x128xi32, #tpu.memory_space<vmem>>) target_semaphore(%run_scoped3A : memref<!tpu.dma_semaphore, #tpu.memory_space<semaphore_mem>>)
      %dma_wait3A = arith.constant 0 : i32
      %dma_wait3A_88 = tpu.memref_slice %arg3[%mul3A_4, %dma_wait3A] : memref<2560x128xi32, #tpu.memory_space<hbm>> -> memref<80x128xi32, #tpu.memory_space<hbm>>
      %dma_wait3A_89 = arith.constant 0 : i32
      %dma_wait3A_90 = tpu.memref_slice %arg3[%mul3A_4, %dma_wait3A_89] : memref<2560x128xi32, #tpu.memory_space<hbm>> -> memref<80x128xi32, #tpu.memory_space<hbm>>
      tpu.wait_dma2 semaphore(%run_scoped3A : memref<!tpu.dma_semaphore, #tpu.memory_space<semaphore_mem>>) src(%dma_wait3A_90 : memref<80x128xi32, #tpu.memory_space<hbm>>) dst(%arg7 : memref<80x128xi32, #tpu.memory_space<vmem>>)
      tpu.yield
    }) : () -> ()
    %mul3A_5 = arith.constant 80 : i32
    %mul3A_6 = arith.muli %add3A, %mul3A_5 : i32
    "tpu.region"() ({
      %run_scoped3A = tpu.sem_alloc : memref<!tpu.dma_semaphore, #tpu.memory_space<semaphore_mem>>
      %dma_start3A_84 = arith.constant 0 : i32
      %dma_start3A_85 = tpu.memref_slice %arg4[%mul3A_6, %dma_start3A_84] : memref<2560x128xi32, #tpu.memory_space<hbm>> -> memref<80x128xi32, #tpu.memory_space<hbm>>
      %dma_start3A_86 = arith.constant 0 : i32
      %dma_start3A_87 = tpu.memref_slice %arg4[%mul3A_6, %dma_start3A_86] : memref<2560x128xi32, #tpu.memory_space<hbm>> -> memref<80x128xi32, #tpu.memory_space<hbm>>
      tpu.enqueue_dma source(%dma_start3A_87 : memref<80x128xi32, #tpu.memory_space<hbm>>) target(%arg8 : memref<80x128xi32, #tpu.memory_space<vmem>>) target_semaphore(%run_scoped3A : memref<!tpu.dma_semaphore, #tpu.memory_space<semaphore_mem>>)
      %dma_wait3A = arith.constant 0 : i32
      %dma_wait3A_88 = tpu.memref_slice %arg4[%mul3A_6, %dma_wait3A] : memref<2560x128xi32, #tpu.memory_space<hbm>> -> memref<80x128xi32, #tpu.memory_space<hbm>>
      %dma_wait3A_89 = arith.constant 0 : i32
      %dma_wait3A_90 = tpu.memref_slice %arg4[%mul3A_6, %dma_wait3A_89] : memref<2560x128xi32, #tpu.memory_space<hbm>> -> memref<80x128xi32, #tpu.memory_space<hbm>>
      tpu.wait_dma2 semaphore(%run_scoped3A : memref<!tpu.dma_semaphore, #tpu.memory_space<semaphore_mem>>) src(%dma_wait3A_90 : memref<80x128xi32, #tpu.memory_space<hbm>>) dst(%arg8 : memref<80x128xi32, #tpu.memory_space<vmem>>)
      tpu.yield
    }) : () -> ()
    %barrier3A = arith.constant 0 : index
    tpu.barrier barrier_id(%barrier3A)
    %dma_start3A = arith.constant 0 : i32
    %dma_start3A_7 = arith.constant 0 : i32
    %dma_start3A_8 = tpu.memref_slice %arg7[%dma_start3A, %dma_start3A_7] : memref<80x128xi32, #tpu.memory_space<vmem>> -> memref<1x128xi32, #tpu.memory_space<vmem>>
    %dma_start3A_9 = tpu.memref_squeeze %dma_start3A_8 : memref<1x128xi32, #tpu.memory_space<vmem>> -> memref<128xi32, #tpu.memory_space<vmem>>
    %dma_start3A_10 = arith.constant 0 : i32
    %dma_start3A_11 = arith.constant 0 : i32
    %dma_start3A_12 = tpu.memref_slice %arg2[%dma_start3A_10, %dma_start3A_11] : memref<10112x8xf32, #tpu.memory_space<hbm>> -> memref<10112x8xf32, #tpu.memory_space<hbm>>
    tpu.enqueue_indirect_dma source(%dma_start3A_12 : memref<10112x8xf32, #tpu.memory_space<hbm>>) target(%arg9 : memref<128x8xf32, #tpu.memory_space<vmem>>) offsets(%dma_start3A_9 : memref<128xi32, #tpu.memory_space<vmem>>) semaphore(%arg19 : memref<!tpu.dma_semaphore, #tpu.memory_space<semaphore_mem>>)
    %dma_start3A_13 = arith.constant 1 : i32
    %dma_start3A_14 = arith.constant 0 : i32
    %dma_start3A_15 = tpu.memref_slice %arg7[%dma_start3A_13, %dma_start3A_14] : memref<80x128xi32, #tpu.memory_space<vmem>> -> memref<1x128xi32, #tpu.memory_space<vmem>>
    %dma_start3A_16 = tpu.memref_squeeze %dma_start3A_15 : memref<1x128xi32, #tpu.memory_space<vmem>> -> memref<128xi32, #tpu.memory_space<vmem>>
    %dma_start3A_17 = arith.constant 0 : i32
    %dma_start3A_18 = arith.constant 0 : i32
    %dma_start3A_19 = tpu.memref_slice %arg2[%dma_start3A_17, %dma_start3A_18] : memref<10112x8xf32, #tpu.memory_space<hbm>> -> memref<10112x8xf32, #tpu.memory_space<hbm>>
    tpu.enqueue_indirect_dma source(%dma_start3A_19 : memref<10112x8xf32, #tpu.memory_space<hbm>>) target(%arg10 : memref<128x8xf32, #tpu.memory_space<vmem>>) offsets(%dma_start3A_16 : memref<128xi32, #tpu.memory_space<vmem>>) semaphore(%arg20 : memref<!tpu.dma_semaphore, #tpu.memory_space<semaphore_mem>>)
    %dma_start3A_20 = arith.constant 2 : i32
    %dma_start3A_21 = arith.constant 0 : i32
    %dma_start3A_22 = tpu.memref_slice %arg7[%dma_start3A_20, %dma_start3A_21] : memref<80x128xi32, #tpu.memory_space<vmem>> -> memref<1x128xi32, #tpu.memory_space<vmem>>
    %dma_start3A_23 = tpu.memref_squeeze %dma_start3A_22 : memref<1x128xi32, #tpu.memory_space<vmem>> -> memref<128xi32, #tpu.memory_space<vmem>>
    %dma_start3A_24 = arith.constant 0 : i32
    %dma_start3A_25 = arith.constant 0 : i32
    %dma_start3A_26 = tpu.memref_slice %arg2[%dma_start3A_24, %dma_start3A_25] : memref<10112x8xf32, #tpu.memory_space<hbm>> -> memref<10112x8xf32, #tpu.memory_space<hbm>>
    tpu.enqueue_indirect_dma source(%dma_start3A_26 : memref<10112x8xf32, #tpu.memory_space<hbm>>) target(%arg11 : memref<128x8xf32, #tpu.memory_space<vmem>>) offsets(%dma_start3A_23 : memref<128xi32, #tpu.memory_space<vmem>>) semaphore(%arg21 : memref<!tpu.dma_semaphore, #tpu.memory_space<semaphore_mem>>)
    %dma_start3A_27 = arith.constant 3 : i32
    %dma_start3A_28 = arith.constant 0 : i32
    %dma_start3A_29 = tpu.memref_slice %arg7[%dma_start3A_27, %dma_start3A_28] : memref<80x128xi32, #tpu.memory_space<vmem>> -> memref<1x128xi32, #tpu.memory_space<vmem>>
    %dma_start3A_30 = tpu.memref_squeeze %dma_start3A_29 : memref<1x128xi32, #tpu.memory_space<vmem>> -> memref<128xi32, #tpu.memory_space<vmem>>
    %dma_start3A_31 = arith.constant 0 : i32
    %dma_start3A_32 = arith.constant 0 : i32
    %dma_start3A_33 = tpu.memref_slice %arg2[%dma_start3A_31, %dma_start3A_32] : memref<10112x8xf32, #tpu.memory_space<hbm>> -> memref<10112x8xf32, #tpu.memory_space<hbm>>
    tpu.enqueue_indirect_dma source(%dma_start3A_33 : memref<10112x8xf32, #tpu.memory_space<hbm>>) target(%arg12 : memref<128x8xf32, #tpu.memory_space<vmem>>) offsets(%dma_start3A_30 : memref<128xi32, #tpu.memory_space<vmem>>) semaphore(%arg22 : memref<!tpu.dma_semaphore, #tpu.memory_space<semaphore_mem>>)
    %dma_start3A_34 = arith.constant 4 : i32
    %dma_start3A_35 = arith.constant 0 : i32
    %dma_start3A_36 = tpu.memref_slice %arg7[%dma_start3A_34, %dma_start3A_35] : memref<80x128xi32, #tpu.memory_space<vmem>> -> memref<1x128xi32, #tpu.memory_space<vmem>>
    %dma_start3A_37 = tpu.memref_squeeze %dma_start3A_36 : memref<1x128xi32, #tpu.memory_space<vmem>> -> memref<128xi32, #tpu.memory_space<vmem>>
    %dma_start3A_38 = arith.constant 0 : i32
    %dma_start3A_39 = arith.constant 0 : i32
    %dma_start3A_40 = tpu.memref_slice %arg2[%dma_start3A_38, %dma_start3A_39] : memref<10112x8xf32, #tpu.memory_space<hbm>> -> memref<10112x8xf32, #tpu.memory_space<hbm>>
    tpu.enqueue_indirect_dma source(%dma_start3A_40 : memref<10112x8xf32, #tpu.memory_space<hbm>>) target(%arg13 : memref<128x8xf32, #tpu.memory_space<vmem>>) offsets(%dma_start3A_37 : memref<128xi32, #tpu.memory_space<vmem>>) semaphore(%arg23 : memref<!tpu.dma_semaphore, #tpu.memory_space<semaphore_mem>>)
    %dma_start3A_41 = arith.constant 5 : i32
    %dma_start3A_42 = arith.constant 0 : i32
    %dma_start3A_43 = tpu.memref_slice %arg7[%dma_start3A_41, %dma_start3A_42] : memref<80x128xi32, #tpu.memory_space<vmem>> -> memref<1x128xi32, #tpu.memory_space<vmem>>
    %dma_start3A_44 = tpu.memref_squeeze %dma_start3A_43 : memref<1x128xi32, #tpu.memory_space<vmem>> -> memref<128xi32, #tpu.memory_space<vmem>>
    %dma_start3A_45 = arith.constant 0 : i32
    %dma_start3A_46 = arith.constant 0 : i32
    %dma_start3A_47 = tpu.memref_slice %arg2[%dma_start3A_45, %dma_start3A_46] : memref<10112x8xf32, #tpu.memory_space<hbm>> -> memref<10112x8xf32, #tpu.memory_space<hbm>>
    tpu.enqueue_indirect_dma source(%dma_start3A_47 : memref<10112x8xf32, #tpu.memory_space<hbm>>) target(%arg14 : memref<128x8xf32, #tpu.memory_space<vmem>>) offsets(%dma_start3A_44 : memref<128xi32, #tpu.memory_space<vmem>>) semaphore(%arg24 : memref<!tpu.dma_semaphore, #tpu.memory_space<semaphore_mem>>)
    %dma_start3A_48 = arith.constant 6 : i32
    %dma_start3A_49 = arith.constant 0 : i32
    %dma_start3A_50 = tpu.memref_slice %arg7[%dma_start3A_48, %dma_start3A_49] : memref<80x128xi32, #tpu.memory_space<vmem>> -> memref<1x128xi32, #tpu.memory_space<vmem>>
    %dma_start3A_51 = tpu.memref_squeeze %dma_start3A_50 : memref<1x128xi32, #tpu.memory_space<vmem>> -> memref<128xi32, #tpu.memory_space<vmem>>
    %dma_start3A_52 = arith.constant 0 : i32
    %dma_start3A_53 = arith.constant 0 : i32
    %dma_start3A_54 = tpu.memref_slice %arg2[%dma_start3A_52, %dma_start3A_53] : memref<10112x8xf32, #tpu.memory_space<hbm>> -> memref<10112x8xf32, #tpu.memory_space<hbm>>
    tpu.enqueue_indirect_dma source(%dma_start3A_54 : memref<10112x8xf32, #tpu.memory_space<hbm>>) target(%arg15 : memref<128x8xf32, #tpu.memory_space<vmem>>) offsets(%dma_start3A_51 : memref<128xi32, #tpu.memory_space<vmem>>) semaphore(%arg25 : memref<!tpu.dma_semaphore, #tpu.memory_space<semaphore_mem>>)
    %dma_start3A_55 = arith.constant 7 : i32
    %dma_start3A_56 = arith.constant 0 : i32
    %dma_start3A_57 = tpu.memref_slice %arg7[%dma_start3A_55, %dma_start3A_56] : memref<80x128xi32, #tpu.memory_space<vmem>> -> memref<1x128xi32, #tpu.memory_space<vmem>>
    %dma_start3A_58 = tpu.memref_squeeze %dma_start3A_57 : memref<1x128xi32, #tpu.memory_space<vmem>> -> memref<128xi32, #tpu.memory_space<vmem>>
    %dma_start3A_59 = arith.constant 0 : i32
    %dma_start3A_60 = arith.constant 0 : i32
    %dma_start3A_61 = tpu.memref_slice %arg2[%dma_start3A_59, %dma_start3A_60] : memref<10112x8xf32, #tpu.memory_space<hbm>> -> memref<10112x8xf32, #tpu.memory_space<hbm>>
    tpu.enqueue_indirect_dma source(%dma_start3A_61 : memref<10112x8xf32, #tpu.memory_space<hbm>>) target(%arg16 : memref<128x8xf32, #tpu.memory_space<vmem>>) offsets(%dma_start3A_58 : memref<128xi32, #tpu.memory_space<vmem>>) semaphore(%arg26 : memref<!tpu.dma_semaphore, #tpu.memory_space<semaphore_mem>>)
    %dma_start3A_62 = arith.constant 8 : i32
    %dma_start3A_63 = arith.constant 0 : i32
    %dma_start3A_64 = tpu.memref_slice %arg7[%dma_start3A_62, %dma_start3A_63] : memref<80x128xi32, #tpu.memory_space<vmem>> -> memref<1x128xi32, #tpu.memory_space<vmem>>
    %dma_start3A_65 = tpu.memref_squeeze %dma_start3A_64 : memref<1x128xi32, #tpu.memory_space<vmem>> -> memref<128xi32, #tpu.memory_space<vmem>>
    %dma_start3A_66 = arith.constant 0 : i32
    %dma_start3A_67 = arith.constant 0 : i32
    %dma_start3A_68 = tpu.memref_slice %arg2[%dma_start3A_66, %dma_start3A_67] : memref<10112x8xf32, #tpu.memory_space<hbm>> -> memref<10112x8xf32, #tpu.memory_space<hbm>>
    tpu.enqueue_indirect_dma source(%dma_start3A_68 : memref<10112x8xf32, #tpu.memory_space<hbm>>) target(%arg17 : memref<128x8xf32, #tpu.memory_space<vmem>>) offsets(%dma_start3A_65 : memref<128xi32, #tpu.memory_space<vmem>>) semaphore(%arg27 : memref<!tpu.dma_semaphore, #tpu.memory_space<semaphore_mem>>)
    %dma_start3A_69 = arith.constant 9 : i32
    %dma_start3A_70 = arith.constant 0 : i32
    %dma_start3A_71 = tpu.memref_slice %arg7[%dma_start3A_69, %dma_start3A_70] : memref<80x128xi32, #tpu.memory_space<vmem>> -> memref<1x128xi32, #tpu.memory_space<vmem>>
    %dma_start3A_72 = tpu.memref_squeeze %dma_start3A_71 : memref<1x128xi32, #tpu.memory_space<vmem>> -> memref<128xi32, #tpu.memory_space<vmem>>
    %dma_start3A_73 = arith.constant 0 : i32
    %dma_start3A_74 = arith.constant 0 : i32
    %dma_start3A_75 = tpu.memref_slice %arg2[%dma_start3A_73, %dma_start3A_74] : memref<10112x8xf32, #tpu.memory_space<hbm>> -> memref<10112x8xf32, #tpu.memory_space<hbm>>
    tpu.enqueue_indirect_dma source(%dma_start3A_75 : memref<10112x8xf32, #tpu.memory_space<hbm>>) target(%arg18 : memref<128x8xf32, #tpu.memory_space<vmem>>) offsets(%dma_start3A_72 : memref<128xi32, #tpu.memory_space<vmem>>) semaphore(%arg28 : memref<!tpu.dma_semaphore, #tpu.memory_space<semaphore_mem>>)
    %scan3A = arith.constant 0 : i32
    %scan3A_76 = arith.constant 0 : i32
    %scan3A_77 = arith.constant 8 : i32
    %scan3A_78 = arith.addi %scan3A_76, %scan3A_77 : i32
    %scan3A_79 = arith.constant 1 : i32
    scf.for %scan3A_84 = %scan3A_76 to %scan3A_78 step %scan3A_79  : i32 {
      %mul3A_85 = arith.constant 10 : i32
      %mul3A_86 = arith.muli %scan3A_84, %mul3A_85 : i32
      %add3A_87 = arith.constant 0 : i32
      %add3A_88 = arith.addi %mul3A_86, %add3A_87 : i32
      %dma_wait3A = arith.constant 0 : i32
      %dma_wait3A_89 = tpu.memref_slice %arg7[%add3A_88, %dma_wait3A] : memref<80x128xi32, #tpu.memory_space<vmem>> -> memref<1x128xi32, #tpu.memory_space<vmem>>
      %dma_wait3A_90 = tpu.memref_squeeze %dma_wait3A_89 : memref<1x128xi32, #tpu.memory_space<vmem>> -> memref<128xi32, #tpu.memory_space<vmem>>
      %dma_wait3A_91 = arith.constant 0 : i32
      %dma_wait3A_92 = arith.constant 0 : i32
      %dma_wait3A_93 = tpu.memref_slice %arg2[%dma_wait3A_91, %dma_wait3A_92] : memref<10112x8xf32, #tpu.memory_space<hbm>> -> memref<10112x8xf32, #tpu.memory_space<hbm>>
      tpu.wait_indirect_dma semaphore(%arg19 : memref<!tpu.dma_semaphore, #tpu.memory_space<semaphore_mem>>) src(%dma_wait3A_93 : memref<10112x8xf32, #tpu.memory_space<hbm>>) dst(%arg9 : memref<128x8xf32, #tpu.memory_space<vmem>>)
      %dma_start3A_94 = arith.constant 0 : i32
      %dma_start3A_95 = tpu.memref_slice %arg8[%add3A_88, %dma_start3A_94] : memref<80x128xi32, #tpu.memory_space<vmem>> -> memref<1x128xi32, #tpu.memory_space<vmem>>
      %dma_start3A_96 = tpu.memref_squeeze %dma_start3A_95 : memref<1x128xi32, #tpu.memory_space<vmem>> -> memref<128xi32, #tpu.memory_space<vmem>>
      %dma_start3A_97 = arith.constant 0 : i32
      %dma_start3A_98 = arith.constant 0 : i32
      %dma_start3A_99 = tpu.memref_slice %arg6[%dma_start3A_97, %dma_start3A_98] : memref<10112x8xf32, #tpu.memory_space<vmem_shared>> -> memref<10112x8xf32, #tpu.memory_space<vmem_shared>>
      tpu.enqueue_indirect_dma source(%arg9 : memref<128x8xf32, #tpu.memory_space<vmem>>) target(%dma_start3A_99 : memref<10112x8xf32, #tpu.memory_space<vmem_shared>>) offsets(%dma_start3A_96 : memref<128xi32, #tpu.memory_space<vmem>>) semaphore(%arg29 : memref<!tpu.dma_semaphore, #tpu.memory_space<semaphore_mem>>) {add = true}
      %mul3A_100 = arith.constant 10 : i32
      %mul3A_101 = arith.muli %scan3A_84, %mul3A_100 : i32
      %add3A_102 = arith.constant 1 : i32
      %add3A_103 = arith.addi %mul3A_101, %add3A_102 : i32
      %dma_wait3A_104 = arith.constant 0 : i32
      %dma_wait3A_105 = tpu.memref_slice %arg7[%add3A_103, %dma_wait3A_104] : memref<80x128xi32, #tpu.memory_space<vmem>> -> memref<1x128xi32, #tpu.memory_space<vmem>>
      %dma_wait3A_106 = tpu.memref_squeeze %dma_wait3A_105 : memref<1x128xi32, #tpu.memory_space<vmem>> -> memref<128xi32, #tpu.memory_space<vmem>>
      %dma_wait3A_107 = arith.constant 0 : i32
      %dma_wait3A_108 = arith.constant 0 : i32
      %dma_wait3A_109 = tpu.memref_slice %arg2[%dma_wait3A_107, %dma_wait3A_108] : memref<10112x8xf32, #tpu.memory_space<hbm>> -> memref<10112x8xf32, #tpu.memory_space<hbm>>
      tpu.wait_indirect_dma semaphore(%arg20 : memref<!tpu.dma_semaphore, #tpu.memory_space<semaphore_mem>>) src(%dma_wait3A_109 : memref<10112x8xf32, #tpu.memory_space<hbm>>) dst(%arg10 : memref<128x8xf32, #tpu.memory_space<vmem>>)
      %dma_start3A_110 = arith.constant 0 : i32
      %dma_start3A_111 = tpu.memref_slice %arg8[%add3A_103, %dma_start3A_110] : memref<80x128xi32, #tpu.memory_space<vmem>> -> memref<1x128xi32, #tpu.memory_space<vmem>>
      %dma_start3A_112 = tpu.memref_squeeze %dma_start3A_111 : memref<1x128xi32, #tpu.memory_space<vmem>> -> memref<128xi32, #tpu.memory_space<vmem>>
      %dma_start3A_113 = arith.constant 0 : i32
      %dma_start3A_114 = arith.constant 0 : i32
      %dma_start3A_115 = tpu.memref_slice %arg6[%dma_start3A_113, %dma_start3A_114] : memref<10112x8xf32, #tpu.memory_space<vmem_shared>> -> memref<10112x8xf32, #tpu.memory_space<vmem_shared>>
      tpu.enqueue_indirect_dma source(%arg10 : memref<128x8xf32, #tpu.memory_space<vmem>>) target(%dma_start3A_115 : memref<10112x8xf32, #tpu.memory_space<vmem_shared>>) offsets(%dma_start3A_112 : memref<128xi32, #tpu.memory_space<vmem>>) semaphore(%arg30 : memref<!tpu.dma_semaphore, #tpu.memory_space<semaphore_mem>>) {add = true}
      %mul3A_116 = arith.constant 10 : i32
      %mul3A_117 = arith.muli %scan3A_84, %mul3A_116 : i32
      %add3A_118 = arith.constant 2 : i32
      %add3A_119 = arith.addi %mul3A_117, %add3A_118 : i32
      %dma_wait3A_120 = arith.constant 0 : i32
      %dma_wait3A_121 = tpu.memref_slice %arg7[%add3A_119, %dma_wait3A_120] : memref<80x128xi32, #tpu.memory_space<vmem>> -> memref<1x128xi32, #tpu.memory_space<vmem>>
      %dma_wait3A_122 = tpu.memref_squeeze %dma_wait3A_121 : memref<1x128xi32, #tpu.memory_space<vmem>> -> memref<128xi32, #tpu.memory_space<vmem>>
      %dma_wait3A_123 = arith.constant 0 : i32
      %dma_wait3A_124 = arith.constant 0 : i32
      %dma_wait3A_125 = tpu.memref_slice %arg2[%dma_wait3A_123, %dma_wait3A_124] : memref<10112x8xf32, #tpu.memory_space<hbm>> -> memref<10112x8xf32, #tpu.memory_space<hbm>>
      tpu.wait_indirect_dma semaphore(%arg21 : memref<!tpu.dma_semaphore, #tpu.memory_space<semaphore_mem>>) src(%dma_wait3A_125 : memref<10112x8xf32, #tpu.memory_space<hbm>>) dst(%arg11 : memref<128x8xf32, #tpu.memory_space<vmem>>)
      %dma_start3A_126 = arith.constant 0 : i32
      %dma_start3A_127 = tpu.memref_slice %arg8[%add3A_119, %dma_start3A_126] : memref<80x128xi32, #tpu.memory_space<vmem>> -> memref<1x128xi32, #tpu.memory_space<vmem>>
      %dma_start3A_128 = tpu.memref_squeeze %dma_start3A_127 : memref<1x128xi32, #tpu.memory_space<vmem>> -> memref<128xi32, #tpu.memory_space<vmem>>
      %dma_start3A_129 = arith.constant 0 : i32
      %dma_start3A_130 = arith.constant 0 : i32
      %dma_start3A_131 = tpu.memref_slice %arg6[%dma_start3A_129, %dma_start3A_130] : memref<10112x8xf32, #tpu.memory_space<vmem_shared>> -> memref<10112x8xf32, #tpu.memory_space<vmem_shared>>
      tpu.enqueue_indirect_dma source(%arg11 : memref<128x8xf32, #tpu.memory_space<vmem>>) target(%dma_start3A_131 : memref<10112x8xf32, #tpu.memory_space<vmem_shared>>) offsets(%dma_start3A_128 : memref<128xi32, #tpu.memory_space<vmem>>) semaphore(%arg31 : memref<!tpu.dma_semaphore, #tpu.memory_space<semaphore_mem>>) {add = true}
      %mul3A_132 = arith.constant 10 : i32
      %mul3A_133 = arith.muli %scan3A_84, %mul3A_132 : i32
      %add3A_134 = arith.constant 3 : i32
      %add3A_135 = arith.addi %mul3A_133, %add3A_134 : i32
      %dma_wait3A_136 = arith.constant 0 : i32
      %dma_wait3A_137 = tpu.memref_slice %arg7[%add3A_135, %dma_wait3A_136] : memref<80x128xi32, #tpu.memory_space<vmem>> -> memref<1x128xi32, #tpu.memory_space<vmem>>
      %dma_wait3A_138 = tpu.memref_squeeze %dma_wait3A_137 : memref<1x128xi32, #tpu.memory_space<vmem>> -> memref<128xi32, #tpu.memory_space<vmem>>
      %dma_wait3A_139 = arith.constant 0 : i32
      %dma_wait3A_140 = arith.constant 0 : i32
      %dma_wait3A_141 = tpu.memref_slice %arg2[%dma_wait3A_139, %dma_wait3A_140] : memref<10112x8xf32, #tpu.memory_space<hbm>> -> memref<10112x8xf32, #tpu.memory_space<hbm>>
      tpu.wait_indirect_dma semaphore(%arg22 : memref<!tpu.dma_semaphore, #tpu.memory_space<semaphore_mem>>) src(%dma_wait3A_141 : memref<10112x8xf32, #tpu.memory_space<hbm>>) dst(%arg12 : memref<128x8xf32, #tpu.memory_space<vmem>>)
      %dma_start3A_142 = arith.constant 0 : i32
      %dma_start3A_143 = tpu.memref_slice %arg8[%add3A_135, %dma_start3A_142] : memref<80x128xi32, #tpu.memory_space<vmem>> -> memref<1x128xi32, #tpu.memory_space<vmem>>
      %dma_start3A_144 = tpu.memref_squeeze %dma_start3A_143 : memref<1x128xi32, #tpu.memory_space<vmem>> -> memref<128xi32, #tpu.memory_space<vmem>>
      %dma_start3A_145 = arith.constant 0 : i32
      %dma_start3A_146 = arith.constant 0 : i32
      %dma_start3A_147 = tpu.memref_slice %arg6[%dma_start3A_145, %dma_start3A_146] : memref<10112x8xf32, #tpu.memory_space<vmem_shared>> -> memref<10112x8xf32, #tpu.memory_space<vmem_shared>>
      tpu.enqueue_indirect_dma source(%arg12 : memref<128x8xf32, #tpu.memory_space<vmem>>) target(%dma_start3A_147 : memref<10112x8xf32, #tpu.memory_space<vmem_shared>>) offsets(%dma_start3A_144 : memref<128xi32, #tpu.memory_space<vmem>>) semaphore(%arg32 : memref<!tpu.dma_semaphore, #tpu.memory_space<semaphore_mem>>) {add = true}
      %mul3A_148 = arith.constant 10 : i32
      %mul3A_149 = arith.muli %scan3A_84, %mul3A_148 : i32
      %add3A_150 = arith.constant 4 : i32
      %add3A_151 = arith.addi %mul3A_149, %add3A_150 : i32
      %dma_wait3A_152 = arith.constant 0 : i32
      %dma_wait3A_153 = tpu.memref_slice %arg7[%add3A_151, %dma_wait3A_152] : memref<80x128xi32, #tpu.memory_space<vmem>> -> memref<1x128xi32, #tpu.memory_space<vmem>>
      %dma_wait3A_154 = tpu.memref_squeeze %dma_wait3A_153 : memref<1x128xi32, #tpu.memory_space<vmem>> -> memref<128xi32, #tpu.memory_space<vmem>>
      %dma_wait3A_155 = arith.constant 0 : i32
      %dma_wait3A_156 = arith.constant 0 : i32
      %dma_wait3A_157 = tpu.memref_slice %arg2[%dma_wait3A_155, %dma_wait3A_156] : memref<10112x8xf32, #tpu.memory_space<hbm>> -> memref<10112x8xf32, #tpu.memory_space<hbm>>
      tpu.wait_indirect_dma semaphore(%arg23 : memref<!tpu.dma_semaphore, #tpu.memory_space<semaphore_mem>>) src(%dma_wait3A_157 : memref<10112x8xf32, #tpu.memory_space<hbm>>) dst(%arg13 : memref<128x8xf32, #tpu.memory_space<vmem>>)
      %dma_start3A_158 = arith.constant 0 : i32
      %dma_start3A_159 = tpu.memref_slice %arg8[%add3A_151, %dma_start3A_158] : memref<80x128xi32, #tpu.memory_space<vmem>> -> memref<1x128xi32, #tpu.memory_space<vmem>>
      %dma_start3A_160 = tpu.memref_squeeze %dma_start3A_159 : memref<1x128xi32, #tpu.memory_space<vmem>> -> memref<128xi32, #tpu.memory_space<vmem>>
      %dma_start3A_161 = arith.constant 0 : i32
      %dma_start3A_162 = arith.constant 0 : i32
      %dma_start3A_163 = tpu.memref_slice %arg6[%dma_start3A_161, %dma_start3A_162] : memref<10112x8xf32, #tpu.memory_space<vmem_shared>> -> memref<10112x8xf32, #tpu.memory_space<vmem_shared>>
      tpu.enqueue_indirect_dma source(%arg13 : memref<128x8xf32, #tpu.memory_space<vmem>>) target(%dma_start3A_163 : memref<10112x8xf32, #tpu.memory_space<vmem_shared>>) offsets(%dma_start3A_160 : memref<128xi32, #tpu.memory_space<vmem>>) semaphore(%arg33 : memref<!tpu.dma_semaphore, #tpu.memory_space<semaphore_mem>>) {add = true}
      %mul3A_164 = arith.constant 10 : i32
      %mul3A_165 = arith.muli %scan3A_84, %mul3A_164 : i32
      %add3A_166 = arith.constant 5 : i32
      %add3A_167 = arith.addi %mul3A_165, %add3A_166 : i32
      %dma_wait3A_168 = arith.constant 0 : i32
      %dma_wait3A_169 = tpu.memref_slice %arg7[%add3A_167, %dma_wait3A_168] : memref<80x128xi32, #tpu.memory_space<vmem>> -> memref<1x128xi32, #tpu.memory_space<vmem>>
      %dma_wait3A_170 = tpu.memref_squeeze %dma_wait3A_169 : memref<1x128xi32, #tpu.memory_space<vmem>> -> memref<128xi32, #tpu.memory_space<vmem>>
      %dma_wait3A_171 = arith.constant 0 : i32
      %dma_wait3A_172 = arith.constant 0 : i32
      %dma_wait3A_173 = tpu.memref_slice %arg2[%dma_wait3A_171, %dma_wait3A_172] : memref<10112x8xf32, #tpu.memory_space<hbm>> -> memref<10112x8xf32, #tpu.memory_space<hbm>>
      tpu.wait_indirect_dma semaphore(%arg24 : memref<!tpu.dma_semaphore, #tpu.memory_space<semaphore_mem>>) src(%dma_wait3A_173 : memref<10112x8xf32, #tpu.memory_space<hbm>>) dst(%arg14 : memref<128x8xf32, #tpu.memory_space<vmem>>)
      %dma_start3A_174 = arith.constant 0 : i32
      %dma_start3A_175 = tpu.memref_slice %arg8[%add3A_167, %dma_start3A_174] : memref<80x128xi32, #tpu.memory_space<vmem>> -> memref<1x128xi32, #tpu.memory_space<vmem>>
      %dma_start3A_176 = tpu.memref_squeeze %dma_start3A_175 : memref<1x128xi32, #tpu.memory_space<vmem>> -> memref<128xi32, #tpu.memory_space<vmem>>
      %dma_start3A_177 = arith.constant 0 : i32
      %dma_start3A_178 = arith.constant 0 : i32
      %dma_start3A_179 = tpu.memref_slice %arg6[%dma_start3A_177, %dma_start3A_178] : memref<10112x8xf32, #tpu.memory_space<vmem_shared>> -> memref<10112x8xf32, #tpu.memory_space<vmem_shared>>
      tpu.enqueue_indirect_dma source(%arg14 : memref<128x8xf32, #tpu.memory_space<vmem>>) target(%dma_start3A_179 : memref<10112x8xf32, #tpu.memory_space<vmem_shared>>) offsets(%dma_start3A_176 : memref<128xi32, #tpu.memory_space<vmem>>) semaphore(%arg34 : memref<!tpu.dma_semaphore, #tpu.memory_space<semaphore_mem>>) {add = true}
      %mul3A_180 = arith.constant 10 : i32
      %mul3A_181 = arith.muli %scan3A_84, %mul3A_180 : i32
      %add3A_182 = arith.constant 6 : i32
      %add3A_183 = arith.addi %mul3A_181, %add3A_182 : i32
      %dma_wait3A_184 = arith.constant 0 : i32
      %dma_wait3A_185 = tpu.memref_slice %arg7[%add3A_183, %dma_wait3A_184] : memref<80x128xi32, #tpu.memory_space<vmem>> -> memref<1x128xi32, #tpu.memory_space<vmem>>
      %dma_wait3A_186 = tpu.memref_squeeze %dma_wait3A_185 : memref<1x128xi32, #tpu.memory_space<vmem>> -> memref<128xi32, #tpu.memory_space<vmem>>
      %dma_wait3A_187 = arith.constant 0 : i32
      %dma_wait3A_188 = arith.constant 0 : i32
      %dma_wait3A_189 = tpu.memref_slice %arg2[%dma_wait3A_187, %dma_wait3A_188] : memref<10112x8xf32, #tpu.memory_space<hbm>> -> memref<10112x8xf32, #tpu.memory_space<hbm>>
      tpu.wait_indirect_dma semaphore(%arg25 : memref<!tpu.dma_semaphore, #tpu.memory_space<semaphore_mem>>) src(%dma_wait3A_189 : memref<10112x8xf32, #tpu.memory_space<hbm>>) dst(%arg15 : memref<128x8xf32, #tpu.memory_space<vmem>>)
      %dma_start3A_190 = arith.constant 0 : i32
      %dma_start3A_191 = tpu.memref_slice %arg8[%add3A_183, %dma_start3A_190] : memref<80x128xi32, #tpu.memory_space<vmem>> -> memref<1x128xi32, #tpu.memory_space<vmem>>
      %dma_start3A_192 = tpu.memref_squeeze %dma_start3A_191 : memref<1x128xi32, #tpu.memory_space<vmem>> -> memref<128xi32, #tpu.memory_space<vmem>>
      %dma_start3A_193 = arith.constant 0 : i32
      %dma_start3A_194 = arith.constant 0 : i32
      %dma_start3A_195 = tpu.memref_slice %arg6[%dma_start3A_193, %dma_start3A_194] : memref<10112x8xf32, #tpu.memory_space<vmem_shared>> -> memref<10112x8xf32, #tpu.memory_space<vmem_shared>>
      tpu.enqueue_indirect_dma source(%arg15 : memref<128x8xf32, #tpu.memory_space<vmem>>) target(%dma_start3A_195 : memref<10112x8xf32, #tpu.memory_space<vmem_shared>>) offsets(%dma_start3A_192 : memref<128xi32, #tpu.memory_space<vmem>>) semaphore(%arg35 : memref<!tpu.dma_semaphore, #tpu.memory_space<semaphore_mem>>) {add = true}
      %mul3A_196 = arith.constant 10 : i32
      %mul3A_197 = arith.muli %scan3A_84, %mul3A_196 : i32
      %add3A_198 = arith.constant 7 : i32
      %add3A_199 = arith.addi %mul3A_197, %add3A_198 : i32
      %dma_wait3A_200 = arith.constant 0 : i32
      %dma_wait3A_201 = tpu.memref_slice %arg7[%add3A_199, %dma_wait3A_200] : memref<80x128xi32, #tpu.memory_space<vmem>> -> memref<1x128xi32, #tpu.memory_space<vmem>>
      %dma_wait3A_202 = tpu.memref_squeeze %dma_wait3A_201 : memref<1x128xi32, #tpu.memory_space<vmem>> -> memref<128xi32, #tpu.memory_space<vmem>>
      %dma_wait3A_203 = arith.constant 0 : i32
      %dma_wait3A_204 = arith.constant 0 : i32
      %dma_wait3A_205 = tpu.memref_slice %arg2[%dma_wait3A_203, %dma_wait3A_204] : memref<10112x8xf32, #tpu.memory_space<hbm>> -> memref<10112x8xf32, #tpu.memory_space<hbm>>
      tpu.wait_indirect_dma semaphore(%arg26 : memref<!tpu.dma_semaphore, #tpu.memory_space<semaphore_mem>>) src(%dma_wait3A_205 : memref<10112x8xf32, #tpu.memory_space<hbm>>) dst(%arg16 : memref<128x8xf32, #tpu.memory_space<vmem>>)
      %dma_start3A_206 = arith.constant 0 : i32
      %dma_start3A_207 = tpu.memref_slice %arg8[%add3A_199, %dma_start3A_206] : memref<80x128xi32, #tpu.memory_space<vmem>> -> memref<1x128xi32, #tpu.memory_space<vmem>>
      %dma_start3A_208 = tpu.memref_squeeze %dma_start3A_207 : memref<1x128xi32, #tpu.memory_space<vmem>> -> memref<128xi32, #tpu.memory_space<vmem>>
      %dma_start3A_209 = arith.constant 0 : i32
      %dma_start3A_210 = arith.constant 0 : i32
      %dma_start3A_211 = tpu.memref_slice %arg6[%dma_start3A_209, %dma_start3A_210] : memref<10112x8xf32, #tpu.memory_space<vmem_shared>> -> memref<10112x8xf32, #tpu.memory_space<vmem_shared>>
      tpu.enqueue_indirect_dma source(%arg16 : memref<128x8xf32, #tpu.memory_space<vmem>>) target(%dma_start3A_211 : memref<10112x8xf32, #tpu.memory_space<vmem_shared>>) offsets(%dma_start3A_208 : memref<128xi32, #tpu.memory_space<vmem>>) semaphore(%arg36 : memref<!tpu.dma_semaphore, #tpu.memory_space<semaphore_mem>>) {add = true}
      %mul3A_212 = arith.constant 10 : i32
      %mul3A_213 = arith.muli %scan3A_84, %mul3A_212 : i32
      %add3A_214 = arith.constant 8 : i32
      %add3A_215 = arith.addi %mul3A_213, %add3A_214 : i32
      %dma_wait3A_216 = arith.constant 0 : i32
      %dma_wait3A_217 = tpu.memref_slice %arg7[%add3A_215, %dma_wait3A_216] : memref<80x128xi32, #tpu.memory_space<vmem>> -> memref<1x128xi32, #tpu.memory_space<vmem>>
      %dma_wait3A_218 = tpu.memref_squeeze %dma_wait3A_217 : memref<1x128xi32, #tpu.memory_space<vmem>> -> memref<128xi32, #tpu.memory_space<vmem>>
      %dma_wait3A_219 = arith.constant 0 : i32
      %dma_wait3A_220 = arith.constant 0 : i32
      %dma_wait3A_221 = tpu.memref_slice %arg2[%dma_wait3A_219, %dma_wait3A_220] : memref<10112x8xf32, #tpu.memory_space<hbm>> -> memref<10112x8xf32, #tpu.memory_space<hbm>>
      tpu.wait_indirect_dma semaphore(%arg27 : memref<!tpu.dma_semaphore, #tpu.memory_space<semaphore_mem>>) src(%dma_wait3A_221 : memref<10112x8xf32, #tpu.memory_space<hbm>>) dst(%arg17 : memref<128x8xf32, #tpu.memory_space<vmem>>)
      %dma_start3A_222 = arith.constant 0 : i32
      %dma_start3A_223 = tpu.memref_slice %arg8[%add3A_215, %dma_start3A_222] : memref<80x128xi32, #tpu.memory_space<vmem>> -> memref<1x128xi32, #tpu.memory_space<vmem>>
      %dma_start3A_224 = tpu.memref_squeeze %dma_start3A_223 : memref<1x128xi32, #tpu.memory_space<vmem>> -> memref<128xi32, #tpu.memory_space<vmem>>
      %dma_start3A_225 = arith.constant 0 : i32
      %dma_start3A_226 = arith.constant 0 : i32
      %dma_start3A_227 = tpu.memref_slice %arg6[%dma_start3A_225, %dma_start3A_226] : memref<10112x8xf32, #tpu.memory_space<vmem_shared>> -> memref<10112x8xf32, #tpu.memory_space<vmem_shared>>
      tpu.enqueue_indirect_dma source(%arg17 : memref<128x8xf32, #tpu.memory_space<vmem>>) target(%dma_start3A_227 : memref<10112x8xf32, #tpu.memory_space<vmem_shared>>) offsets(%dma_start3A_224 : memref<128xi32, #tpu.memory_space<vmem>>) semaphore(%arg37 : memref<!tpu.dma_semaphore, #tpu.memory_space<semaphore_mem>>) {add = true}
      %mul3A_228 = arith.constant 10 : i32
      %mul3A_229 = arith.muli %scan3A_84, %mul3A_228 : i32
      %add3A_230 = arith.constant 9 : i32
      %add3A_231 = arith.addi %mul3A_229, %add3A_230 : i32
      %dma_wait3A_232 = arith.constant 0 : i32
      %dma_wait3A_233 = tpu.memref_slice %arg7[%add3A_231, %dma_wait3A_232] : memref<80x128xi32, #tpu.memory_space<vmem>> -> memref<1x128xi32, #tpu.memory_space<vmem>>
      %dma_wait3A_234 = tpu.memref_squeeze %dma_wait3A_233 : memref<1x128xi32, #tpu.memory_space<vmem>> -> memref<128xi32, #tpu.memory_space<vmem>>
      %dma_wait3A_235 = arith.constant 0 : i32
      %dma_wait3A_236 = arith.constant 0 : i32
      %dma_wait3A_237 = tpu.memref_slice %arg2[%dma_wait3A_235, %dma_wait3A_236] : memref<10112x8xf32, #tpu.memory_space<hbm>> -> memref<10112x8xf32, #tpu.memory_space<hbm>>
      tpu.wait_indirect_dma semaphore(%arg28 : memref<!tpu.dma_semaphore, #tpu.memory_space<semaphore_mem>>) src(%dma_wait3A_237 : memref<10112x8xf32, #tpu.memory_space<hbm>>) dst(%arg18 : memref<128x8xf32, #tpu.memory_space<vmem>>)
      %dma_start3A_238 = arith.constant 0 : i32
      %dma_start3A_239 = tpu.memref_slice %arg8[%add3A_231, %dma_start3A_238] : memref<80x128xi32, #tpu.memory_space<vmem>> -> memref<1x128xi32, #tpu.memory_space<vmem>>
      %dma_start3A_240 = tpu.memref_squeeze %dma_start3A_239 : memref<1x128xi32, #tpu.memory_space<vmem>> -> memref<128xi32, #tpu.memory_space<vmem>>
      %dma_start3A_241 = arith.constant 0 : i32
      %dma_start3A_242 = arith.constant 0 : i32
      %dma_start3A_243 = tpu.memref_slice %arg6[%dma_start3A_241, %dma_start3A_242] : memref<10112x8xf32, #tpu.memory_space<vmem_shared>> -> memref<10112x8xf32, #tpu.memory_space<vmem_shared>>
      tpu.enqueue_indirect_dma source(%arg18 : memref<128x8xf32, #tpu.memory_space<vmem>>) target(%dma_start3A_243 : memref<10112x8xf32, #tpu.memory_space<vmem_shared>>) offsets(%dma_start3A_240 : memref<128xi32, #tpu.memory_space<vmem>>) semaphore(%arg38 : memref<!tpu.dma_semaphore, #tpu.memory_space<semaphore_mem>>) {add = true}
      %dma_wait3A_244 = arith.constant 0 : i32
      %dma_wait3A_245 = arith.constant 0 : i32
      %dma_wait3A_246 = tpu.memref_slice %arg8[%dma_wait3A_244, %dma_wait3A_245] : memref<80x128xi32, #tpu.memory_space<vmem>> -> memref<1x128xi32, #tpu.memory_space<vmem>>
      %dma_wait3A_247 = tpu.memref_squeeze %dma_wait3A_246 : memref<1x128xi32, #tpu.memory_space<vmem>> -> memref<128xi32, #tpu.memory_space<vmem>>
      %dma_wait3A_248 = arith.constant 0 : i32
      %dma_wait3A_249 = arith.constant 0 : i32
      %dma_wait3A_250 = tpu.memref_slice %arg6[%dma_wait3A_248, %dma_wait3A_249] : memref<10112x8xf32, #tpu.memory_space<vmem_shared>> -> memref<10112x8xf32, #tpu.memory_space<vmem_shared>>
      tpu.wait_indirect_dma semaphore(%arg29 : memref<!tpu.dma_semaphore, #tpu.memory_space<semaphore_mem>>) src(%arg9 : memref<128x8xf32, #tpu.memory_space<vmem>>) dst(%dma_wait3A_250 : memref<10112x8xf32, #tpu.memory_space<vmem_shared>>)
      %add3A_251 = arith.constant 1 : i32
      %add3A_252 = arith.addi %scan3A_84, %add3A_251 : i32
      %lt3A = arith.constant 8 : i32
      %lt3A_253 = arith.cmpi slt, %add3A_252, %lt3A : i32
      %convert_element_type3A = arith.extui %lt3A_253 : i1 to i32
      %cond3A = arith.constant 0 : i32
      %cond3A_254 = arith.cmpi ne, %convert_element_type3A, %cond3A : i32
      scf.if %cond3A_254 {
        %add3A_381 = arith.constant 1 : i32
        %add3A_382 = arith.addi %scan3A_84, %add3A_381 : i32
        %mul3A_383 = arith.constant 10 : i32
        %mul3A_384 = arith.muli %add3A_382, %mul3A_383 : i32
        %add3A_385 = arith.constant 0 : i32
        %add3A_386 = arith.addi %mul3A_384, %add3A_385 : i32
        %dma_start3A_387 = arith.constant 0 : i32
        %dma_start3A_388 = tpu.memref_slice %arg7[%add3A_386, %dma_start3A_387] : memref<80x128xi32, #tpu.memory_space<vmem>> -> memref<1x128xi32, #tpu.memory_space<vmem>>
        %dma_start3A_389 = tpu.memref_squeeze %dma_start3A_388 : memref<1x128xi32, #tpu.memory_space<vmem>> -> memref<128xi32, #tpu.memory_space<vmem>>
        %dma_start3A_390 = arith.constant 0 : i32
        %dma_start3A_391 = arith.constant 0 : i32
        %dma_start3A_392 = tpu.memref_slice %arg2[%dma_start3A_390, %dma_start3A_391] : memref<10112x8xf32, #tpu.memory_space<hbm>> -> memref<10112x8xf32, #tpu.memory_space<hbm>>
        tpu.enqueue_indirect_dma source(%dma_start3A_392 : memref<10112x8xf32, #tpu.memory_space<hbm>>) target(%arg9 : memref<128x8xf32, #tpu.memory_space<vmem>>) offsets(%dma_start3A_389 : memref<128xi32, #tpu.memory_space<vmem>>) semaphore(%arg19 : memref<!tpu.dma_semaphore, #tpu.memory_space<semaphore_mem>>)
      } else {
      }
      %dma_wait3A_255 = arith.constant 1 : i32
      %dma_wait3A_256 = arith.constant 0 : i32
      %dma_wait3A_257 = tpu.memref_slice %arg8[%dma_wait3A_255, %dma_wait3A_256] : memref<80x128xi32, #tpu.memory_space<vmem>> -> memref<1x128xi32, #tpu.memory_space<vmem>>
      %dma_wait3A_258 = tpu.memref_squeeze %dma_wait3A_257 : memref<1x128xi32, #tpu.memory_space<vmem>> -> memref<128xi32, #tpu.memory_space<vmem>>
      %dma_wait3A_259 = arith.constant 0 : i32
      %dma_wait3A_260 = arith.constant 0 : i32
      %dma_wait3A_261 = tpu.memref_slice %arg6[%dma_wait3A_259, %dma_wait3A_260] : memref<10112x8xf32, #tpu.memory_space<vmem_shared>> -> memref<10112x8xf32, #tpu.memory_space<vmem_shared>>
      tpu.wait_indirect_dma semaphore(%arg30 : memref<!tpu.dma_semaphore, #tpu.memory_space<semaphore_mem>>) src(%arg10 : memref<128x8xf32, #tpu.memory_space<vmem>>) dst(%dma_wait3A_261 : memref<10112x8xf32, #tpu.memory_space<vmem_shared>>)
      %add3A_262 = arith.constant 1 : i32
      %add3A_263 = arith.addi %scan3A_84, %add3A_262 : i32
      %lt3A_264 = arith.constant 8 : i32
      %lt3A_265 = arith.cmpi slt, %add3A_263, %lt3A_264 : i32
      %convert_element_type3A_266 = arith.extui %lt3A_265 : i1 to i32
      %cond3A_267 = arith.constant 0 : i32
      %cond3A_268 = arith.cmpi ne, %convert_element_type3A_266, %cond3A_267 : i32
      scf.if %cond3A_268 {
        %add3A_381 = arith.constant 1 : i32
        %add3A_382 = arith.addi %scan3A_84, %add3A_381 : i32
        %mul3A_383 = arith.constant 10 : i32
        %mul3A_384 = arith.muli %add3A_382, %mul3A_383 : i32
        %add3A_385 = arith.constant 1 : i32
        %add3A_386 = arith.addi %mul3A_384, %add3A_385 : i32
        %dma_start3A_387 = arith.constant 0 : i32
        %dma_start3A_388 = tpu.memref_slice %arg7[%add3A_386, %dma_start3A_387] : memref<80x128xi32, #tpu.memory_space<vmem>> -> memref<1x128xi32, #tpu.memory_space<vmem>>
        %dma_start3A_389 = tpu.memref_squeeze %dma_start3A_388 : memref<1x128xi32, #tpu.memory_space<vmem>> -> memref<128xi32, #tpu.memory_space<vmem>>
        %dma_start3A_390 = arith.constant 0 : i32
        %dma_start3A_391 = arith.constant 0 : i32
        %dma_start3A_392 = tpu.memref_slice %arg2[%dma_start3A_390, %dma_start3A_391] : memref<10112x8xf32, #tpu.memory_space<hbm>> -> memref<10112x8xf32, #tpu.memory_space<hbm>>
        tpu.enqueue_indirect_dma source(%dma_start3A_392 : memref<10112x8xf32, #tpu.memory_space<hbm>>) target(%arg10 : memref<128x8xf32, #tpu.memory_space<vmem>>) offsets(%dma_start3A_389 : memref<128xi32, #tpu.memory_space<vmem>>) semaphore(%arg20 : memref<!tpu.dma_semaphore, #tpu.memory_space<semaphore_mem>>)
      } else {
      }
      %dma_wait3A_269 = arith.constant 2 : i32
      %dma_wait3A_270 = arith.constant 0 : i32
      %dma_wait3A_271 = tpu.memref_slice %arg8[%dma_wait3A_269, %dma_wait3A_270] : memref<80x128xi32, #tpu.memory_space<vmem>> -> memref<1x128xi32, #tpu.memory_space<vmem>>
      %dma_wait3A_272 = tpu.memref_squeeze %dma_wait3A_271 : memref<1x128xi32, #tpu.memory_space<vmem>> -> memref<128xi32, #tpu.memory_space<vmem>>
      %dma_wait3A_273 = arith.constant 0 : i32
      %dma_wait3A_274 = arith.constant 0 : i32
      %dma_wait3A_275 = tpu.memref_slice %arg6[%dma_wait3A_273, %dma_wait3A_274] : memref<10112x8xf32, #tpu.memory_space<vmem_shared>> -> memref<10112x8xf32, #tpu.memory_space<vmem_shared>>
      tpu.wait_indirect_dma semaphore(%arg31 : memref<!tpu.dma_semaphore, #tpu.memory_space<semaphore_mem>>) src(%arg11 : memref<128x8xf32, #tpu.memory_space<vmem>>) dst(%dma_wait3A_275 : memref<10112x8xf32, #tpu.memory_space<vmem_shared>>)
      %add3A_276 = arith.constant 1 : i32
      %add3A_277 = arith.addi %scan3A_84, %add3A_276 : i32
      %lt3A_278 = arith.constant 8 : i32
      %lt3A_279 = arith.cmpi slt, %add3A_277, %lt3A_278 : i32
      %convert_element_type3A_280 = arith.extui %lt3A_279 : i1 to i32
      %cond3A_281 = arith.constant 0 : i32
      %cond3A_282 = arith.cmpi ne, %convert_element_type3A_280, %cond3A_281 : i32
      scf.if %cond3A_282 {
        %add3A_381 = arith.constant 1 : i32
        %add3A_382 = arith.addi %scan3A_84, %add3A_381 : i32
        %mul3A_383 = arith.constant 10 : i32
        %mul3A_384 = arith.muli %add3A_382, %mul3A_383 : i32
        %add3A_385 = arith.constant 2 : i32
        %add3A_386 = arith.addi %mul3A_384, %add3A_385 : i32
        %dma_start3A_387 = arith.constant 0 : i32
        %dma_start3A_388 = tpu.memref_slice %arg7[%add3A_386, %dma_start3A_387] : memref<80x128xi32, #tpu.memory_space<vmem>> -> memref<1x128xi32, #tpu.memory_space<vmem>>
        %dma_start3A_389 = tpu.memref_squeeze %dma_start3A_388 : memref<1x128xi32, #tpu.memory_space<vmem>> -> memref<128xi32, #tpu.memory_space<vmem>>
        %dma_start3A_390 = arith.constant 0 : i32
        %dma_start3A_391 = arith.constant 0 : i32
        %dma_start3A_392 = tpu.memref_slice %arg2[%dma_start3A_390, %dma_start3A_391] : memref<10112x8xf32, #tpu.memory_space<hbm>> -> memref<10112x8xf32, #tpu.memory_space<hbm>>
        tpu.enqueue_indirect_dma source(%dma_start3A_392 : memref<10112x8xf32, #tpu.memory_space<hbm>>) target(%arg11 : memref<128x8xf32, #tpu.memory_space<vmem>>) offsets(%dma_start3A_389 : memref<128xi32, #tpu.memory_space<vmem>>) semaphore(%arg21 : memref<!tpu.dma_semaphore, #tpu.memory_space<semaphore_mem>>)
      } else {
      }
      %dma_wait3A_283 = arith.constant 3 : i32
      %dma_wait3A_284 = arith.constant 0 : i32
      %dma_wait3A_285 = tpu.memref_slice %arg8[%dma_wait3A_283, %dma_wait3A_284] : memref<80x128xi32, #tpu.memory_space<vmem>> -> memref<1x128xi32, #tpu.memory_space<vmem>>
      %dma_wait3A_286 = tpu.memref_squeeze %dma_wait3A_285 : memref<1x128xi32, #tpu.memory_space<vmem>> -> memref<128xi32, #tpu.memory_space<vmem>>
      %dma_wait3A_287 = arith.constant 0 : i32
      %dma_wait3A_288 = arith.constant 0 : i32
      %dma_wait3A_289 = tpu.memref_slice %arg6[%dma_wait3A_287, %dma_wait3A_288] : memref<10112x8xf32, #tpu.memory_space<vmem_shared>> -> memref<10112x8xf32, #tpu.memory_space<vmem_shared>>
      tpu.wait_indirect_dma semaphore(%arg32 : memref<!tpu.dma_semaphore, #tpu.memory_space<semaphore_mem>>) src(%arg12 : memref<128x8xf32, #tpu.memory_space<vmem>>) dst(%dma_wait3A_289 : memref<10112x8xf32, #tpu.memory_space<vmem_shared>>)
      %add3A_290 = arith.constant 1 : i32
      %add3A_291 = arith.addi %scan3A_84, %add3A_290 : i32
      %lt3A_292 = arith.constant 8 : i32
      %lt3A_293 = arith.cmpi slt, %add3A_291, %lt3A_292 : i32
      %convert_element_type3A_294 = arith.extui %lt3A_293 : i1 to i32
      %cond3A_295 = arith.constant 0 : i32
      %cond3A_296 = arith.cmpi ne, %convert_element_type3A_294, %cond3A_295 : i32
      scf.if %cond3A_296 {
        %add3A_381 = arith.constant 1 : i32
        %add3A_382 = arith.addi %scan3A_84, %add3A_381 : i32
        %mul3A_383 = arith.constant 10 : i32
        %mul3A_384 = arith.muli %add3A_382, %mul3A_383 : i32
        %add3A_385 = arith.constant 3 : i32
        %add3A_386 = arith.addi %mul3A_384, %add3A_385 : i32
        %dma_start3A_387 = arith.constant 0 : i32
        %dma_start3A_388 = tpu.memref_slice %arg7[%add3A_386, %dma_start3A_387] : memref<80x128xi32, #tpu.memory_space<vmem>> -> memref<1x128xi32, #tpu.memory_space<vmem>>
        %dma_start3A_389 = tpu.memref_squeeze %dma_start3A_388 : memref<1x128xi32, #tpu.memory_space<vmem>> -> memref<128xi32, #tpu.memory_space<vmem>>
        %dma_start3A_390 = arith.constant 0 : i32
        %dma_start3A_391 = arith.constant 0 : i32
        %dma_start3A_392 = tpu.memref_slice %arg2[%dma_start3A_390, %dma_start3A_391] : memref<10112x8xf32, #tpu.memory_space<hbm>> -> memref<10112x8xf32, #tpu.memory_space<hbm>>
        tpu.enqueue_indirect_dma source(%dma_start3A_392 : memref<10112x8xf32, #tpu.memory_space<hbm>>) target(%arg12 : memref<128x8xf32, #tpu.memory_space<vmem>>) offsets(%dma_start3A_389 : memref<128xi32, #tpu.memory_space<vmem>>) semaphore(%arg22 : memref<!tpu.dma_semaphore, #tpu.memory_space<semaphore_mem>>)
      } else {
      }
      %dma_wait3A_297 = arith.constant 4 : i32
      %dma_wait3A_298 = arith.constant 0 : i32
      %dma_wait3A_299 = tpu.memref_slice %arg8[%dma_wait3A_297, %dma_wait3A_298] : memref<80x128xi32, #tpu.memory_space<vmem>> -> memref<1x128xi32, #tpu.memory_space<vmem>>
      %dma_wait3A_300 = tpu.memref_squeeze %dma_wait3A_299 : memref<1x128xi32, #tpu.memory_space<vmem>> -> memref<128xi32, #tpu.memory_space<vmem>>
      %dma_wait3A_301 = arith.constant 0 : i32
      %dma_wait3A_302 = arith.constant 0 : i32
      %dma_wait3A_303 = tpu.memref_slice %arg6[%dma_wait3A_301, %dma_wait3A_302] : memref<10112x8xf32, #tpu.memory_space<vmem_shared>> -> memref<10112x8xf32, #tpu.memory_space<vmem_shared>>
      tpu.wait_indirect_dma semaphore(%arg33 : memref<!tpu.dma_semaphore, #tpu.memory_space<semaphore_mem>>) src(%arg13 : memref<128x8xf32, #tpu.memory_space<vmem>>) dst(%dma_wait3A_303 : memref<10112x8xf32, #tpu.memory_space<vmem_shared>>)
      %add3A_304 = arith.constant 1 : i32
      %add3A_305 = arith.addi %scan3A_84, %add3A_304 : i32
      %lt3A_306 = arith.constant 8 : i32
      %lt3A_307 = arith.cmpi slt, %add3A_305, %lt3A_306 : i32
      %convert_element_type3A_308 = arith.extui %lt3A_307 : i1 to i32
      %cond3A_309 = arith.constant 0 : i32
      %cond3A_310 = arith.cmpi ne, %convert_element_type3A_308, %cond3A_309 : i32
      scf.if %cond3A_310 {
        %add3A_381 = arith.constant 1 : i32
        %add3A_382 = arith.addi %scan3A_84, %add3A_381 : i32
        %mul3A_383 = arith.constant 10 : i32
        %mul3A_384 = arith.muli %add3A_382, %mul3A_383 : i32
        %add3A_385 = arith.constant 4 : i32
        %add3A_386 = arith.addi %mul3A_384, %add3A_385 : i32
        %dma_start3A_387 = arith.constant 0 : i32
        %dma_start3A_388 = tpu.memref_slice %arg7[%add3A_386, %dma_start3A_387] : memref<80x128xi32, #tpu.memory_space<vmem>> -> memref<1x128xi32, #tpu.memory_space<vmem>>
        %dma_start3A_389 = tpu.memref_squeeze %dma_start3A_388 : memref<1x128xi32, #tpu.memory_space<vmem>> -> memref<128xi32, #tpu.memory_space<vmem>>
        %dma_start3A_390 = arith.constant 0 : i32
        %dma_start3A_391 = arith.constant 0 : i32
        %dma_start3A_392 = tpu.memref_slice %arg2[%dma_start3A_390, %dma_start3A_391] : memref<10112x8xf32, #tpu.memory_space<hbm>> -> memref<10112x8xf32, #tpu.memory_space<hbm>>
        tpu.enqueue_indirect_dma source(%dma_start3A_392 : memref<10112x8xf32, #tpu.memory_space<hbm>>) target(%arg13 : memref<128x8xf32, #tpu.memory_space<vmem>>) offsets(%dma_start3A_389 : memref<128xi32, #tpu.memory_space<vmem>>) semaphore(%arg23 : memref<!tpu.dma_semaphore, #tpu.memory_space<semaphore_mem>>)
      } else {
      }
      %dma_wait3A_311 = arith.constant 5 : i32
      %dma_wait3A_312 = arith.constant 0 : i32
      %dma_wait3A_313 = tpu.memref_slice %arg8[%dma_wait3A_311, %dma_wait3A_312] : memref<80x128xi32, #tpu.memory_space<vmem>> -> memref<1x128xi32, #tpu.memory_space<vmem>>
      %dma_wait3A_314 = tpu.memref_squeeze %dma_wait3A_313 : memref<1x128xi32, #tpu.memory_space<vmem>> -> memref<128xi32, #tpu.memory_space<vmem>>
      %dma_wait3A_315 = arith.constant 0 : i32
      %dma_wait3A_316 = arith.constant 0 : i32
      %dma_wait3A_317 = tpu.memref_slice %arg6[%dma_wait3A_315, %dma_wait3A_316] : memref<10112x8xf32, #tpu.memory_space<vmem_shared>> -> memref<10112x8xf32, #tpu.memory_space<vmem_shared>>
      tpu.wait_indirect_dma semaphore(%arg34 : memref<!tpu.dma_semaphore, #tpu.memory_space<semaphore_mem>>) src(%arg14 : memref<128x8xf32, #tpu.memory_space<vmem>>) dst(%dma_wait3A_317 : memref<10112x8xf32, #tpu.memory_space<vmem_shared>>)
      %add3A_318 = arith.constant 1 : i32
      %add3A_319 = arith.addi %scan3A_84, %add3A_318 : i32
      %lt3A_320 = arith.constant 8 : i32
      %lt3A_321 = arith.cmpi slt, %add3A_319, %lt3A_320 : i32
      %convert_element_type3A_322 = arith.extui %lt3A_321 : i1 to i32
      %cond3A_323 = arith.constant 0 : i32
      %cond3A_324 = arith.cmpi ne, %convert_element_type3A_322, %cond3A_323 : i32
      scf.if %cond3A_324 {
        %add3A_381 = arith.constant 1 : i32
        %add3A_382 = arith.addi %scan3A_84, %add3A_381 : i32
        %mul3A_383 = arith.constant 10 : i32
        %mul3A_384 = arith.muli %add3A_382, %mul3A_383 : i32
        %add3A_385 = arith.constant 5 : i32
        %add3A_386 = arith.addi %mul3A_384, %add3A_385 : i32
        %dma_start3A_387 = arith.constant 0 : i32
        %dma_start3A_388 = tpu.memref_slice %arg7[%add3A_386, %dma_start3A_387] : memref<80x128xi32, #tpu.memory_space<vmem>> -> memref<1x128xi32, #tpu.memory_space<vmem>>
        %dma_start3A_389 = tpu.memref_squeeze %dma_start3A_388 : memref<1x128xi32, #tpu.memory_space<vmem>> -> memref<128xi32, #tpu.memory_space<vmem>>
        %dma_start3A_390 = arith.constant 0 : i32
        %dma_start3A_391 = arith.constant 0 : i32
        %dma_start3A_392 = tpu.memref_slice %arg2[%dma_start3A_390, %dma_start3A_391] : memref<10112x8xf32, #tpu.memory_space<hbm>> -> memref<10112x8xf32, #tpu.memory_space<hbm>>
        tpu.enqueue_indirect_dma source(%dma_start3A_392 : memref<10112x8xf32, #tpu.memory_space<hbm>>) target(%arg14 : memref<128x8xf32, #tpu.memory_space<vmem>>) offsets(%dma_start3A_389 : memref<128xi32, #tpu.memory_space<vmem>>) semaphore(%arg24 : memref<!tpu.dma_semaphore, #tpu.memory_space<semaphore_mem>>)
      } else {
      }
      %dma_wait3A_325 = arith.constant 6 : i32
      %dma_wait3A_326 = arith.constant 0 : i32
      %dma_wait3A_327 = tpu.memref_slice %arg8[%dma_wait3A_325, %dma_wait3A_326] : memref<80x128xi32, #tpu.memory_space<vmem>> -> memref<1x128xi32, #tpu.memory_space<vmem>>
      %dma_wait3A_328 = tpu.memref_squeeze %dma_wait3A_327 : memref<1x128xi32, #tpu.memory_space<vmem>> -> memref<128xi32, #tpu.memory_space<vmem>>
      %dma_wait3A_329 = arith.constant 0 : i32
      %dma_wait3A_330 = arith.constant 0 : i32
      %dma_wait3A_331 = tpu.memref_slice %arg6[%dma_wait3A_329, %dma_wait3A_330] : memref<10112x8xf32, #tpu.memory_space<vmem_shared>> -> memref<10112x8xf32, #tpu.memory_space<vmem_shared>>
      tpu.wait_indirect_dma semaphore(%arg35 : memref<!tpu.dma_semaphore, #tpu.memory_space<semaphore_mem>>) src(%arg15 : memref<128x8xf32, #tpu.memory_space<vmem>>) dst(%dma_wait3A_331 : memref<10112x8xf32, #tpu.memory_space<vmem_shared>>)
      %add3A_332 = arith.constant 1 : i32
      %add3A_333 = arith.addi %scan3A_84, %add3A_332 : i32
      %lt3A_334 = arith.constant 8 : i32
      %lt3A_335 = arith.cmpi slt, %add3A_333, %lt3A_334 : i32
      %convert_element_type3A_336 = arith.extui %lt3A_335 : i1 to i32
      %cond3A_337 = arith.constant 0 : i32
      %cond3A_338 = arith.cmpi ne, %convert_element_type3A_336, %cond3A_337 : i32
      scf.if %cond3A_338 {
        %add3A_381 = arith.constant 1 : i32
        %add3A_382 = arith.addi %scan3A_84, %add3A_381 : i32
        %mul3A_383 = arith.constant 10 : i32
        %mul3A_384 = arith.muli %add3A_382, %mul3A_383 : i32
        %add3A_385 = arith.constant 6 : i32
        %add3A_386 = arith.addi %mul3A_384, %add3A_385 : i32
        %dma_start3A_387 = arith.constant 0 : i32
        %dma_start3A_388 = tpu.memref_slice %arg7[%add3A_386, %dma_start3A_387] : memref<80x128xi32, #tpu.memory_space<vmem>> -> memref<1x128xi32, #tpu.memory_space<vmem>>
        %dma_start3A_389 = tpu.memref_squeeze %dma_start3A_388 : memref<1x128xi32, #tpu.memory_space<vmem>> -> memref<128xi32, #tpu.memory_space<vmem>>
        %dma_start3A_390 = arith.constant 0 : i32
        %dma_start3A_391 = arith.constant 0 : i32
        %dma_start3A_392 = tpu.memref_slice %arg2[%dma_start3A_390, %dma_start3A_391] : memref<10112x8xf32, #tpu.memory_space<hbm>> -> memref<10112x8xf32, #tpu.memory_space<hbm>>
        tpu.enqueue_indirect_dma source(%dma_start3A_392 : memref<10112x8xf32, #tpu.memory_space<hbm>>) target(%arg15 : memref<128x8xf32, #tpu.memory_space<vmem>>) offsets(%dma_start3A_389 : memref<128xi32, #tpu.memory_space<vmem>>) semaphore(%arg25 : memref<!tpu.dma_semaphore, #tpu.memory_space<semaphore_mem>>)
      } else {
      }
      %dma_wait3A_339 = arith.constant 7 : i32
      %dma_wait3A_340 = arith.constant 0 : i32
      %dma_wait3A_341 = tpu.memref_slice %arg8[%dma_wait3A_339, %dma_wait3A_340] : memref<80x128xi32, #tpu.memory_space<vmem>> -> memref<1x128xi32, #tpu.memory_space<vmem>>
      %dma_wait3A_342 = tpu.memref_squeeze %dma_wait3A_341 : memref<1x128xi32, #tpu.memory_space<vmem>> -> memref<128xi32, #tpu.memory_space<vmem>>
      %dma_wait3A_343 = arith.constant 0 : i32
      %dma_wait3A_344 = arith.constant 0 : i32
      %dma_wait3A_345 = tpu.memref_slice %arg6[%dma_wait3A_343, %dma_wait3A_344] : memref<10112x8xf32, #tpu.memory_space<vmem_shared>> -> memref<10112x8xf32, #tpu.memory_space<vmem_shared>>
      tpu.wait_indirect_dma semaphore(%arg36 : memref<!tpu.dma_semaphore, #tpu.memory_space<semaphore_mem>>) src(%arg16 : memref<128x8xf32, #tpu.memory_space<vmem>>) dst(%dma_wait3A_345 : memref<10112x8xf32, #tpu.memory_space<vmem_shared>>)
      %add3A_346 = arith.constant 1 : i32
      %add3A_347 = arith.addi %scan3A_84, %add3A_346 : i32
      %lt3A_348 = arith.constant 8 : i32
      %lt3A_349 = arith.cmpi slt, %add3A_347, %lt3A_348 : i32
      %convert_element_type3A_350 = arith.extui %lt3A_349 : i1 to i32
      %cond3A_351 = arith.constant 0 : i32
      %cond3A_352 = arith.cmpi ne, %convert_element_type3A_350, %cond3A_351 : i32
      scf.if %cond3A_352 {
        %add3A_381 = arith.constant 1 : i32
        %add3A_382 = arith.addi %scan3A_84, %add3A_381 : i32
        %mul3A_383 = arith.constant 10 : i32
        %mul3A_384 = arith.muli %add3A_382, %mul3A_383 : i32
        %add3A_385 = arith.constant 7 : i32
        %add3A_386 = arith.addi %mul3A_384, %add3A_385 : i32
        %dma_start3A_387 = arith.constant 0 : i32
        %dma_start3A_388 = tpu.memref_slice %arg7[%add3A_386, %dma_start3A_387] : memref<80x128xi32, #tpu.memory_space<vmem>> -> memref<1x128xi32, #tpu.memory_space<vmem>>
        %dma_start3A_389 = tpu.memref_squeeze %dma_start3A_388 : memref<1x128xi32, #tpu.memory_space<vmem>> -> memref<128xi32, #tpu.memory_space<vmem>>
        %dma_start3A_390 = arith.constant 0 : i32
        %dma_start3A_391 = arith.constant 0 : i32
        %dma_start3A_392 = tpu.memref_slice %arg2[%dma_start3A_390, %dma_start3A_391] : memref<10112x8xf32, #tpu.memory_space<hbm>> -> memref<10112x8xf32, #tpu.memory_space<hbm>>
        tpu.enqueue_indirect_dma source(%dma_start3A_392 : memref<10112x8xf32, #tpu.memory_space<hbm>>) target(%arg16 : memref<128x8xf32, #tpu.memory_space<vmem>>) offsets(%dma_start3A_389 : memref<128xi32, #tpu.memory_space<vmem>>) semaphore(%arg26 : memref<!tpu.dma_semaphore, #tpu.memory_space<semaphore_mem>>)
      } else {
      }
      %dma_wait3A_353 = arith.constant 8 : i32
      %dma_wait3A_354 = arith.constant 0 : i32
      %dma_wait3A_355 = tpu.memref_slice %arg8[%dma_wait3A_353, %dma_wait3A_354] : memref<80x128xi32, #tpu.memory_space<vmem>> -> memref<1x128xi32, #tpu.memory_space<vmem>>
      %dma_wait3A_356 = tpu.memref_squeeze %dma_wait3A_355 : memref<1x128xi32, #tpu.memory_space<vmem>> -> memref<128xi32, #tpu.memory_space<vmem>>
      %dma_wait3A_357 = arith.constant 0 : i32
      %dma_wait3A_358 = arith.constant 0 : i32
      %dma_wait3A_359 = tpu.memref_slice %arg6[%dma_wait3A_357, %dma_wait3A_358] : memref<10112x8xf32, #tpu.memory_space<vmem_shared>> -> memref<10112x8xf32, #tpu.memory_space<vmem_shared>>
      tpu.wait_indirect_dma semaphore(%arg37 : memref<!tpu.dma_semaphore, #tpu.memory_space<semaphore_mem>>) src(%arg17 : memref<128x8xf32, #tpu.memory_space<vmem>>) dst(%dma_wait3A_359 : memref<10112x8xf32, #tpu.memory_space<vmem_shared>>)
      %add3A_360 = arith.constant 1 : i32
      %add3A_361 = arith.addi %scan3A_84, %add3A_360 : i32
      %lt3A_362 = arith.constant 8 : i32
      %lt3A_363 = arith.cmpi slt, %add3A_361, %lt3A_362 : i32
      %convert_element_type3A_364 = arith.extui %lt3A_363 : i1 to i32
      %cond3A_365 = arith.constant 0 : i32
      %cond3A_366 = arith.cmpi ne, %convert_element_type3A_364, %cond3A_365 : i32
      scf.if %cond3A_366 {
        %add3A_381 = arith.constant 1 : i32
        %add3A_382 = arith.addi %scan3A_84, %add3A_381 : i32
        %mul3A_383 = arith.constant 10 : i32
        %mul3A_384 = arith.muli %add3A_382, %mul3A_383 : i32
        %add3A_385 = arith.constant 8 : i32
        %add3A_386 = arith.addi %mul3A_384, %add3A_385 : i32
        %dma_start3A_387 = arith.constant 0 : i32
        %dma_start3A_388 = tpu.memref_slice %arg7[%add3A_386, %dma_start3A_387] : memref<80x128xi32, #tpu.memory_space<vmem>> -> memref<1x128xi32, #tpu.memory_space<vmem>>
        %dma_start3A_389 = tpu.memref_squeeze %dma_start3A_388 : memref<1x128xi32, #tpu.memory_space<vmem>> -> memref<128xi32, #tpu.memory_space<vmem>>
        %dma_start3A_390 = arith.constant 0 : i32
        %dma_start3A_391 = arith.constant 0 : i32
        %dma_start3A_392 = tpu.memref_slice %arg2[%dma_start3A_390, %dma_start3A_391] : memref<10112x8xf32, #tpu.memory_space<hbm>> -> memref<10112x8xf32, #tpu.memory_space<hbm>>
        tpu.enqueue_indirect_dma source(%dma_start3A_392 : memref<10112x8xf32, #tpu.memory_space<hbm>>) target(%arg17 : memref<128x8xf32, #tpu.memory_space<vmem>>) offsets(%dma_start3A_389 : memref<128xi32, #tpu.memory_space<vmem>>) semaphore(%arg27 : memref<!tpu.dma_semaphore, #tpu.memory_space<semaphore_mem>>)
      } else {
      }
      %dma_wait3A_367 = arith.constant 9 : i32
      %dma_wait3A_368 = arith.constant 0 : i32
      %dma_wait3A_369 = tpu.memref_slice %arg8[%dma_wait3A_367, %dma_wait3A_368] : memref<80x128xi32, #tpu.memory_space<vmem>> -> memref<1x128xi32, #tpu.memory_space<vmem>>
      %dma_wait3A_370 = tpu.memref_squeeze %dma_wait3A_369 : memref<1x128xi32, #tpu.memory_space<vmem>> -> memref<128xi32, #tpu.memory_space<vmem>>
      %dma_wait3A_371 = arith.constant 0 : i32
      %dma_wait3A_372 = arith.constant 0 : i32
      %dma_wait3A_373 = tpu.memref_slice %arg6[%dma_wait3A_371, %dma_wait3A_372] : memref<10112x8xf32, #tpu.memory_space<vmem_shared>> -> memref<10112x8xf32, #tpu.memory_space<vmem_shared>>
      tpu.wait_indirect_dma semaphore(%arg38 : memref<!tpu.dma_semaphore, #tpu.memory_space<semaphore_mem>>) src(%arg18 : memref<128x8xf32, #tpu.memory_space<vmem>>) dst(%dma_wait3A_373 : memref<10112x8xf32, #tpu.memory_space<vmem_shared>>)
      %add3A_374 = arith.constant 1 : i32
      %add3A_375 = arith.addi %scan3A_84, %add3A_374 : i32
      %lt3A_376 = arith.constant 8 : i32
      %lt3A_377 = arith.cmpi slt, %add3A_375, %lt3A_376 : i32
      %convert_element_type3A_378 = arith.extui %lt3A_377 : i1 to i32
      %cond3A_379 = arith.constant 0 : i32
      %cond3A_380 = arith.cmpi ne, %convert_element_type3A_378, %cond3A_379 : i32
      scf.if %cond3A_380 {
        %add3A_381 = arith.constant 1 : i32
        %add3A_382 = arith.addi %scan3A_84, %add3A_381 : i32
        %mul3A_383 = arith.constant 10 : i32
        %mul3A_384 = arith.muli %add3A_382, %mul3A_383 : i32
        %add3A_385 = arith.constant 9 : i32
        %add3A_386 = arith.addi %mul3A_384, %add3A_385 : i32
        %dma_start3A_387 = arith.constant 0 : i32
        %dma_start3A_388 = tpu.memref_slice %arg7[%add3A_386, %dma_start3A_387] : memref<80x128xi32, #tpu.memory_space<vmem>> -> memref<1x128xi32, #tpu.memory_space<vmem>>
        %dma_start3A_389 = tpu.memref_squeeze %dma_start3A_388 : memref<1x128xi32, #tpu.memory_space<vmem>> -> memref<128xi32, #tpu.memory_space<vmem>>
        %dma_start3A_390 = arith.constant 0 : i32
        %dma_start3A_391 = arith.constant 0 : i32
        %dma_start3A_392 = tpu.memref_slice %arg2[%dma_start3A_390, %dma_start3A_391] : memref<10112x8xf32, #tpu.memory_space<hbm>> -> memref<10112x8xf32, #tpu.memory_space<hbm>>
        tpu.enqueue_indirect_dma source(%dma_start3A_392 : memref<10112x8xf32, #tpu.memory_space<hbm>>) target(%arg18 : memref<128x8xf32, #tpu.memory_space<vmem>>) offsets(%dma_start3A_389 : memref<128xi32, #tpu.memory_space<vmem>>) semaphore(%arg28 : memref<!tpu.dma_semaphore, #tpu.memory_space<semaphore_mem>>)
      } else {
      }
    }
    %scan3A_80 = arith.constant 8 : i32
    %barrier3A_81 = arith.constant 0 : index
    tpu.barrier barrier_id(%barrier3A_81)
    %mul3A_82 = arith.constant 8 : i32
    %mul3A_83 = arith.muli %arg0, %mul3A_82 : i32
    "tpu.region"() ({
      %run_scoped3A = tpu.sem_alloc : memref<!tpu.dma_semaphore, #tpu.memory_space<semaphore_mem>>
      %dma_start3A_84 = tpu.memref_slice %arg5[%mul3A_2, %mul3A_83] : memref<10112x16xf32, #tpu.memory_space<hbm>> -> memref<632x8xf32, #tpu.memory_space<hbm>>
      %dma_start3A_85 = arith.constant 0 : i32
      %dma_start3A_86 = tpu.memref_slice %arg6[%mul3A_2, %dma_start3A_85] : memref<10112x8xf32, #tpu.memory_space<vmem_shared>> -> memref<632x8xf32, #tpu.memory_space<vmem_shared>>
      tpu.enqueue_dma source(%dma_start3A_86 : memref<632x8xf32, #tpu.memory_space<vmem_shared>>) target(%dma_start3A_84 : memref<632x8xf32, #tpu.memory_space<hbm>>) target_semaphore(%run_scoped3A : memref<!tpu.dma_semaphore, #tpu.memory_space<semaphore_mem>>)
      %dma_wait3A = tpu.memref_slice %arg5[%mul3A_2, %mul3A_83] : memref<10112x16xf32, #tpu.memory_space<hbm>> -> memref<632x8xf32, #tpu.memory_space<hbm>>
      %dma_wait3A_87 = arith.constant 0 : i32
      %dma_wait3A_88 = tpu.memref_slice %arg6[%mul3A_2, %dma_wait3A_87] : memref<10112x8xf32, #tpu.memory_space<vmem_shared>> -> memref<632x8xf32, #tpu.memory_space<vmem_shared>>
      tpu.wait_dma2 semaphore(%run_scoped3A : memref<!tpu.dma_semaphore, #tpu.memory_space<semaphore_mem>>) src(%dma_wait3A_88 : memref<632x8xf32, #tpu.memory_space<vmem_shared>>) dst(%dma_wait3A : memref<632x8xf32, #tpu.memory_space<hbm>>)
      tpu.yield
    }) : () -> ()
    return
  }
}

#map = affine_map<(d0, d1) -> (0, 0)>
module attributes {stable_mosaic.version = 14 : i64} {
  func.func @agg(%arg0: i32, %arg1: i32, %arg2: memref<10112x16xf32, #tpu.memory_space<hbm>>, %arg3: memref<2560x128xi32, #tpu.memory_space<hbm>>, %arg4: memref<2560x128xi32, #tpu.memory_space<hbm>>, %arg5: memref<10112x32xf32, #tpu.memory_space<hbm>>, %arg6: memref<10112x16xf32, #tpu.memory_space<vmem_shared>>, %arg7: memref<80x128xi32, #tpu.memory_space<vmem>>, %arg8: memref<80x128xi32, #tpu.memory_space<vmem>>, %arg9: memref<128x16xf32, #tpu.memory_space<vmem>>, %arg10: memref<128x16xf32, #tpu.memory_space<vmem>>, %arg11: memref<128x16xf32, #tpu.memory_space<vmem>>, %arg12: memref<128x16xf32, #tpu.memory_space<vmem>>, %arg13: memref<128x16xf32, #tpu.memory_space<vmem>>, %arg14: memref<128x16xf32, #tpu.memory_space<vmem>>, %arg15: memref<128x16xf32, #tpu.memory_space<vmem>>, %arg16: memref<128x16xf32, #tpu.memory_space<vmem>>, %arg17: memref<128x16xf32, #tpu.memory_space<vmem>>, %arg18: memref<128x16xf32, #tpu.memory_space<vmem>>, %arg19: memref<!tpu.dma_semaphore, #tpu.memory_space<semaphore_mem>>, %arg20: memref<!tpu.dma_semaphore, #tpu.memory_space<semaphore_mem>>, %arg21: memref<!tpu.dma_semaphore, #tpu.memory_space<semaphore_mem>>, %arg22: memref<!tpu.dma_semaphore, #tpu.memory_space<semaphore_mem>>, %arg23: memref<!tpu.dma_semaphore, #tpu.memory_space<semaphore_mem>>, %arg24: memref<!tpu.dma_semaphore, #tpu.memory_space<semaphore_mem>>, %arg25: memref<!tpu.dma_semaphore, #tpu.memory_space<semaphore_mem>>, %arg26: memref<!tpu.dma_semaphore, #tpu.memory_space<semaphore_mem>>, %arg27: memref<!tpu.dma_semaphore, #tpu.memory_space<semaphore_mem>>, %arg28: memref<!tpu.dma_semaphore, #tpu.memory_space<semaphore_mem>>, %arg29: memref<!tpu.dma_semaphore, #tpu.memory_space<semaphore_mem>>, %arg30: memref<!tpu.dma_semaphore, #tpu.memory_space<semaphore_mem>>, %arg31: memref<!tpu.dma_semaphore, #tpu.memory_space<semaphore_mem>>, %arg32: memref<!tpu.dma_semaphore, #tpu.memory_space<semaphore_mem>>, %arg33: memref<!tpu.dma_semaphore, #tpu.memory_space<semaphore_mem>>, %arg34: memref<!tpu.dma_semaphore, #tpu.memory_space<semaphore_mem>>, %arg35: memref<!tpu.dma_semaphore, #tpu.memory_space<semaphore_mem>>, %arg36: memref<!tpu.dma_semaphore, #tpu.memory_space<semaphore_mem>>, %arg37: memref<!tpu.dma_semaphore, #tpu.memory_space<semaphore_mem>>, %arg38: memref<!tpu.dma_semaphore, #tpu.memory_space<semaphore_mem>>) attributes {dimension_semantics = [#tpu.dimension_semantics<core_parallel>, #tpu.dimension_semantics<subcore_parallel>], iteration_bounds = array<i64: 2, 16>, scalar_prefetch = 0 : i64, scratch_operands = 33 : i64, tpu.core_type = #tpu.core_type<sc_vector_subcore>, window_params = [{transform_indices = #map}, {transform_indices = #map}, {transform_indices = #map}, {transform_indices = #map}]} {
    %mul3A = arith.constant 2 : i32
    %mul3A_0 = arith.muli %arg1, %mul3A : i32
    %add3A = arith.addi %mul3A_0, %arg0 : i32
    %mul3A_1 = arith.constant 632 : i32
    %mul3A_2 = arith.muli %arg1, %mul3A_1 : i32
    "tpu.region"() ({
      %run_scoped3A = tpu.sem_alloc : memref<!tpu.dma_semaphore, #tpu.memory_space<semaphore_mem>>
      %dma_start3A_84 = arith.constant 0 : i32
      %dma_start3A_85 = tpu.memref_slice %arg6[%mul3A_2, %dma_start3A_84] : memref<10112x16xf32, #tpu.memory_space<vmem_shared>> -> memref<632x16xf32, #tpu.memory_space<vmem_shared>>
      %dma_start3A_86 = arith.constant 0 : i32
      %dma_start3A_87 = tpu.memref_slice %arg2[%mul3A_2, %dma_start3A_86] : memref<10112x16xf32, #tpu.memory_space<hbm>> -> memref<632x16xf32, #tpu.memory_space<hbm>>
      tpu.enqueue_dma source(%dma_start3A_87 : memref<632x16xf32, #tpu.memory_space<hbm>>) target(%dma_start3A_85 : memref<632x16xf32, #tpu.memory_space<vmem_shared>>) target_semaphore(%run_scoped3A : memref<!tpu.dma_semaphore, #tpu.memory_space<semaphore_mem>>)
      %dma_wait3A = arith.constant 0 : i32
      %dma_wait3A_88 = tpu.memref_slice %arg6[%mul3A_2, %dma_wait3A] : memref<10112x16xf32, #tpu.memory_space<vmem_shared>> -> memref<632x16xf32, #tpu.memory_space<vmem_shared>>
      %dma_wait3A_89 = arith.constant 0 : i32
      %dma_wait3A_90 = tpu.memref_slice %arg2[%mul3A_2, %dma_wait3A_89] : memref<10112x16xf32, #tpu.memory_space<hbm>> -> memref<632x16xf32, #tpu.memory_space<hbm>>
      tpu.wait_dma2 semaphore(%run_scoped3A : memref<!tpu.dma_semaphore, #tpu.memory_space<semaphore_mem>>) src(%dma_wait3A_90 : memref<632x16xf32, #tpu.memory_space<hbm>>) dst(%dma_wait3A_88 : memref<632x16xf32, #tpu.memory_space<vmem_shared>>)
      tpu.yield
    }) : () -> ()
    %mul3A_3 = arith.constant 80 : i32
    %mul3A_4 = arith.muli %add3A, %mul3A_3 : i32
    "tpu.region"() ({
      %run_scoped3A = tpu.sem_alloc : memref<!tpu.dma_semaphore, #tpu.memory_space<semaphore_mem>>
      %dma_start3A_84 = arith.constant 0 : i32
      %dma_start3A_85 = tpu.memref_slice %arg3[%mul3A_4, %dma_start3A_84] : memref<2560x128xi32, #tpu.memory_space<hbm>> -> memref<80x128xi32, #tpu.memory_space<hbm>>
      %dma_start3A_86 = arith.constant 0 : i32
      %dma_start3A_87 = tpu.memref_slice %arg3[%mul3A_4, %dma_start3A_86] : memref<2560x128xi32, #tpu.memory_space<hbm>> -> memref<80x128xi32, #tpu.memory_space<hbm>>
      tpu.enqueue_dma source(%dma_start3A_87 : memref<80x128xi32, #tpu.memory_space<hbm>>) target(%arg7 : memref<80x128xi32, #tpu.memory_space<vmem>>) target_semaphore(%run_scoped3A : memref<!tpu.dma_semaphore, #tpu.memory_space<semaphore_mem>>)
      %dma_wait3A = arith.constant 0 : i32
      %dma_wait3A_88 = tpu.memref_slice %arg3[%mul3A_4, %dma_wait3A] : memref<2560x128xi32, #tpu.memory_space<hbm>> -> memref<80x128xi32, #tpu.memory_space<hbm>>
      %dma_wait3A_89 = arith.constant 0 : i32
      %dma_wait3A_90 = tpu.memref_slice %arg3[%mul3A_4, %dma_wait3A_89] : memref<2560x128xi32, #tpu.memory_space<hbm>> -> memref<80x128xi32, #tpu.memory_space<hbm>>
      tpu.wait_dma2 semaphore(%run_scoped3A : memref<!tpu.dma_semaphore, #tpu.memory_space<semaphore_mem>>) src(%dma_wait3A_90 : memref<80x128xi32, #tpu.memory_space<hbm>>) dst(%arg7 : memref<80x128xi32, #tpu.memory_space<vmem>>)
      tpu.yield
    }) : () -> ()
    %mul3A_5 = arith.constant 80 : i32
    %mul3A_6 = arith.muli %add3A, %mul3A_5 : i32
    "tpu.region"() ({
      %run_scoped3A = tpu.sem_alloc : memref<!tpu.dma_semaphore, #tpu.memory_space<semaphore_mem>>
      %dma_start3A_84 = arith.constant 0 : i32
      %dma_start3A_85 = tpu.memref_slice %arg4[%mul3A_6, %dma_start3A_84] : memref<2560x128xi32, #tpu.memory_space<hbm>> -> memref<80x128xi32, #tpu.memory_space<hbm>>
      %dma_start3A_86 = arith.constant 0 : i32
      %dma_start3A_87 = tpu.memref_slice %arg4[%mul3A_6, %dma_start3A_86] : memref<2560x128xi32, #tpu.memory_space<hbm>> -> memref<80x128xi32, #tpu.memory_space<hbm>>
      tpu.enqueue_dma source(%dma_start3A_87 : memref<80x128xi32, #tpu.memory_space<hbm>>) target(%arg8 : memref<80x128xi32, #tpu.memory_space<vmem>>) target_semaphore(%run_scoped3A : memref<!tpu.dma_semaphore, #tpu.memory_space<semaphore_mem>>)
      %dma_wait3A = arith.constant 0 : i32
      %dma_wait3A_88 = tpu.memref_slice %arg4[%mul3A_6, %dma_wait3A] : memref<2560x128xi32, #tpu.memory_space<hbm>> -> memref<80x128xi32, #tpu.memory_space<hbm>>
      %dma_wait3A_89 = arith.constant 0 : i32
      %dma_wait3A_90 = tpu.memref_slice %arg4[%mul3A_6, %dma_wait3A_89] : memref<2560x128xi32, #tpu.memory_space<hbm>> -> memref<80x128xi32, #tpu.memory_space<hbm>>
      tpu.wait_dma2 semaphore(%run_scoped3A : memref<!tpu.dma_semaphore, #tpu.memory_space<semaphore_mem>>) src(%dma_wait3A_90 : memref<80x128xi32, #tpu.memory_space<hbm>>) dst(%arg8 : memref<80x128xi32, #tpu.memory_space<vmem>>)
      tpu.yield
    }) : () -> ()
    %barrier3A = arith.constant 0 : index
    tpu.barrier barrier_id(%barrier3A)
    %dma_start3A = arith.constant 0 : i32
    %dma_start3A_7 = arith.constant 0 : i32
    %dma_start3A_8 = tpu.memref_slice %arg7[%dma_start3A, %dma_start3A_7] : memref<80x128xi32, #tpu.memory_space<vmem>> -> memref<1x128xi32, #tpu.memory_space<vmem>>
    %dma_start3A_9 = tpu.memref_squeeze %dma_start3A_8 : memref<1x128xi32, #tpu.memory_space<vmem>> -> memref<128xi32, #tpu.memory_space<vmem>>
    %dma_start3A_10 = arith.constant 0 : i32
    %dma_start3A_11 = arith.constant 0 : i32
    %dma_start3A_12 = tpu.memref_slice %arg2[%dma_start3A_10, %dma_start3A_11] : memref<10112x16xf32, #tpu.memory_space<hbm>> -> memref<10112x16xf32, #tpu.memory_space<hbm>>
    tpu.enqueue_indirect_dma source(%dma_start3A_12 : memref<10112x16xf32, #tpu.memory_space<hbm>>) target(%arg9 : memref<128x16xf32, #tpu.memory_space<vmem>>) offsets(%dma_start3A_9 : memref<128xi32, #tpu.memory_space<vmem>>) semaphore(%arg19 : memref<!tpu.dma_semaphore, #tpu.memory_space<semaphore_mem>>)
    %dma_start3A_13 = arith.constant 1 : i32
    %dma_start3A_14 = arith.constant 0 : i32
    %dma_start3A_15 = tpu.memref_slice %arg7[%dma_start3A_13, %dma_start3A_14] : memref<80x128xi32, #tpu.memory_space<vmem>> -> memref<1x128xi32, #tpu.memory_space<vmem>>
    %dma_start3A_16 = tpu.memref_squeeze %dma_start3A_15 : memref<1x128xi32, #tpu.memory_space<vmem>> -> memref<128xi32, #tpu.memory_space<vmem>>
    %dma_start3A_17 = arith.constant 0 : i32
    %dma_start3A_18 = arith.constant 0 : i32
    %dma_start3A_19 = tpu.memref_slice %arg2[%dma_start3A_17, %dma_start3A_18] : memref<10112x16xf32, #tpu.memory_space<hbm>> -> memref<10112x16xf32, #tpu.memory_space<hbm>>
    tpu.enqueue_indirect_dma source(%dma_start3A_19 : memref<10112x16xf32, #tpu.memory_space<hbm>>) target(%arg10 : memref<128x16xf32, #tpu.memory_space<vmem>>) offsets(%dma_start3A_16 : memref<128xi32, #tpu.memory_space<vmem>>) semaphore(%arg20 : memref<!tpu.dma_semaphore, #tpu.memory_space<semaphore_mem>>)
    %dma_start3A_20 = arith.constant 2 : i32
    %dma_start3A_21 = arith.constant 0 : i32
    %dma_start3A_22 = tpu.memref_slice %arg7[%dma_start3A_20, %dma_start3A_21] : memref<80x128xi32, #tpu.memory_space<vmem>> -> memref<1x128xi32, #tpu.memory_space<vmem>>
    %dma_start3A_23 = tpu.memref_squeeze %dma_start3A_22 : memref<1x128xi32, #tpu.memory_space<vmem>> -> memref<128xi32, #tpu.memory_space<vmem>>
    %dma_start3A_24 = arith.constant 0 : i32
    %dma_start3A_25 = arith.constant 0 : i32
    %dma_start3A_26 = tpu.memref_slice %arg2[%dma_start3A_24, %dma_start3A_25] : memref<10112x16xf32, #tpu.memory_space<hbm>> -> memref<10112x16xf32, #tpu.memory_space<hbm>>
    tpu.enqueue_indirect_dma source(%dma_start3A_26 : memref<10112x16xf32, #tpu.memory_space<hbm>>) target(%arg11 : memref<128x16xf32, #tpu.memory_space<vmem>>) offsets(%dma_start3A_23 : memref<128xi32, #tpu.memory_space<vmem>>) semaphore(%arg21 : memref<!tpu.dma_semaphore, #tpu.memory_space<semaphore_mem>>)
    %dma_start3A_27 = arith.constant 3 : i32
    %dma_start3A_28 = arith.constant 0 : i32
    %dma_start3A_29 = tpu.memref_slice %arg7[%dma_start3A_27, %dma_start3A_28] : memref<80x128xi32, #tpu.memory_space<vmem>> -> memref<1x128xi32, #tpu.memory_space<vmem>>
    %dma_start3A_30 = tpu.memref_squeeze %dma_start3A_29 : memref<1x128xi32, #tpu.memory_space<vmem>> -> memref<128xi32, #tpu.memory_space<vmem>>
    %dma_start3A_31 = arith.constant 0 : i32
    %dma_start3A_32 = arith.constant 0 : i32
    %dma_start3A_33 = tpu.memref_slice %arg2[%dma_start3A_31, %dma_start3A_32] : memref<10112x16xf32, #tpu.memory_space<hbm>> -> memref<10112x16xf32, #tpu.memory_space<hbm>>
    tpu.enqueue_indirect_dma source(%dma_start3A_33 : memref<10112x16xf32, #tpu.memory_space<hbm>>) target(%arg12 : memref<128x16xf32, #tpu.memory_space<vmem>>) offsets(%dma_start3A_30 : memref<128xi32, #tpu.memory_space<vmem>>) semaphore(%arg22 : memref<!tpu.dma_semaphore, #tpu.memory_space<semaphore_mem>>)
    %dma_start3A_34 = arith.constant 4 : i32
    %dma_start3A_35 = arith.constant 0 : i32
    %dma_start3A_36 = tpu.memref_slice %arg7[%dma_start3A_34, %dma_start3A_35] : memref<80x128xi32, #tpu.memory_space<vmem>> -> memref<1x128xi32, #tpu.memory_space<vmem>>
    %dma_start3A_37 = tpu.memref_squeeze %dma_start3A_36 : memref<1x128xi32, #tpu.memory_space<vmem>> -> memref<128xi32, #tpu.memory_space<vmem>>
    %dma_start3A_38 = arith.constant 0 : i32
    %dma_start3A_39 = arith.constant 0 : i32
    %dma_start3A_40 = tpu.memref_slice %arg2[%dma_start3A_38, %dma_start3A_39] : memref<10112x16xf32, #tpu.memory_space<hbm>> -> memref<10112x16xf32, #tpu.memory_space<hbm>>
    tpu.enqueue_indirect_dma source(%dma_start3A_40 : memref<10112x16xf32, #tpu.memory_space<hbm>>) target(%arg13 : memref<128x16xf32, #tpu.memory_space<vmem>>) offsets(%dma_start3A_37 : memref<128xi32, #tpu.memory_space<vmem>>) semaphore(%arg23 : memref<!tpu.dma_semaphore, #tpu.memory_space<semaphore_mem>>)
    %dma_start3A_41 = arith.constant 5 : i32
    %dma_start3A_42 = arith.constant 0 : i32
    %dma_start3A_43 = tpu.memref_slice %arg7[%dma_start3A_41, %dma_start3A_42] : memref<80x128xi32, #tpu.memory_space<vmem>> -> memref<1x128xi32, #tpu.memory_space<vmem>>
    %dma_start3A_44 = tpu.memref_squeeze %dma_start3A_43 : memref<1x128xi32, #tpu.memory_space<vmem>> -> memref<128xi32, #tpu.memory_space<vmem>>
    %dma_start3A_45 = arith.constant 0 : i32
    %dma_start3A_46 = arith.constant 0 : i32
    %dma_start3A_47 = tpu.memref_slice %arg2[%dma_start3A_45, %dma_start3A_46] : memref<10112x16xf32, #tpu.memory_space<hbm>> -> memref<10112x16xf32, #tpu.memory_space<hbm>>
    tpu.enqueue_indirect_dma source(%dma_start3A_47 : memref<10112x16xf32, #tpu.memory_space<hbm>>) target(%arg14 : memref<128x16xf32, #tpu.memory_space<vmem>>) offsets(%dma_start3A_44 : memref<128xi32, #tpu.memory_space<vmem>>) semaphore(%arg24 : memref<!tpu.dma_semaphore, #tpu.memory_space<semaphore_mem>>)
    %dma_start3A_48 = arith.constant 6 : i32
    %dma_start3A_49 = arith.constant 0 : i32
    %dma_start3A_50 = tpu.memref_slice %arg7[%dma_start3A_48, %dma_start3A_49] : memref<80x128xi32, #tpu.memory_space<vmem>> -> memref<1x128xi32, #tpu.memory_space<vmem>>
    %dma_start3A_51 = tpu.memref_squeeze %dma_start3A_50 : memref<1x128xi32, #tpu.memory_space<vmem>> -> memref<128xi32, #tpu.memory_space<vmem>>
    %dma_start3A_52 = arith.constant 0 : i32
    %dma_start3A_53 = arith.constant 0 : i32
    %dma_start3A_54 = tpu.memref_slice %arg2[%dma_start3A_52, %dma_start3A_53] : memref<10112x16xf32, #tpu.memory_space<hbm>> -> memref<10112x16xf32, #tpu.memory_space<hbm>>
    tpu.enqueue_indirect_dma source(%dma_start3A_54 : memref<10112x16xf32, #tpu.memory_space<hbm>>) target(%arg15 : memref<128x16xf32, #tpu.memory_space<vmem>>) offsets(%dma_start3A_51 : memref<128xi32, #tpu.memory_space<vmem>>) semaphore(%arg25 : memref<!tpu.dma_semaphore, #tpu.memory_space<semaphore_mem>>)
    %dma_start3A_55 = arith.constant 7 : i32
    %dma_start3A_56 = arith.constant 0 : i32
    %dma_start3A_57 = tpu.memref_slice %arg7[%dma_start3A_55, %dma_start3A_56] : memref<80x128xi32, #tpu.memory_space<vmem>> -> memref<1x128xi32, #tpu.memory_space<vmem>>
    %dma_start3A_58 = tpu.memref_squeeze %dma_start3A_57 : memref<1x128xi32, #tpu.memory_space<vmem>> -> memref<128xi32, #tpu.memory_space<vmem>>
    %dma_start3A_59 = arith.constant 0 : i32
    %dma_start3A_60 = arith.constant 0 : i32
    %dma_start3A_61 = tpu.memref_slice %arg2[%dma_start3A_59, %dma_start3A_60] : memref<10112x16xf32, #tpu.memory_space<hbm>> -> memref<10112x16xf32, #tpu.memory_space<hbm>>
    tpu.enqueue_indirect_dma source(%dma_start3A_61 : memref<10112x16xf32, #tpu.memory_space<hbm>>) target(%arg16 : memref<128x16xf32, #tpu.memory_space<vmem>>) offsets(%dma_start3A_58 : memref<128xi32, #tpu.memory_space<vmem>>) semaphore(%arg26 : memref<!tpu.dma_semaphore, #tpu.memory_space<semaphore_mem>>)
    %dma_start3A_62 = arith.constant 8 : i32
    %dma_start3A_63 = arith.constant 0 : i32
    %dma_start3A_64 = tpu.memref_slice %arg7[%dma_start3A_62, %dma_start3A_63] : memref<80x128xi32, #tpu.memory_space<vmem>> -> memref<1x128xi32, #tpu.memory_space<vmem>>
    %dma_start3A_65 = tpu.memref_squeeze %dma_start3A_64 : memref<1x128xi32, #tpu.memory_space<vmem>> -> memref<128xi32, #tpu.memory_space<vmem>>
    %dma_start3A_66 = arith.constant 0 : i32
    %dma_start3A_67 = arith.constant 0 : i32
    %dma_start3A_68 = tpu.memref_slice %arg2[%dma_start3A_66, %dma_start3A_67] : memref<10112x16xf32, #tpu.memory_space<hbm>> -> memref<10112x16xf32, #tpu.memory_space<hbm>>
    tpu.enqueue_indirect_dma source(%dma_start3A_68 : memref<10112x16xf32, #tpu.memory_space<hbm>>) target(%arg17 : memref<128x16xf32, #tpu.memory_space<vmem>>) offsets(%dma_start3A_65 : memref<128xi32, #tpu.memory_space<vmem>>) semaphore(%arg27 : memref<!tpu.dma_semaphore, #tpu.memory_space<semaphore_mem>>)
    %dma_start3A_69 = arith.constant 9 : i32
    %dma_start3A_70 = arith.constant 0 : i32
    %dma_start3A_71 = tpu.memref_slice %arg7[%dma_start3A_69, %dma_start3A_70] : memref<80x128xi32, #tpu.memory_space<vmem>> -> memref<1x128xi32, #tpu.memory_space<vmem>>
    %dma_start3A_72 = tpu.memref_squeeze %dma_start3A_71 : memref<1x128xi32, #tpu.memory_space<vmem>> -> memref<128xi32, #tpu.memory_space<vmem>>
    %dma_start3A_73 = arith.constant 0 : i32
    %dma_start3A_74 = arith.constant 0 : i32
    %dma_start3A_75 = tpu.memref_slice %arg2[%dma_start3A_73, %dma_start3A_74] : memref<10112x16xf32, #tpu.memory_space<hbm>> -> memref<10112x16xf32, #tpu.memory_space<hbm>>
    tpu.enqueue_indirect_dma source(%dma_start3A_75 : memref<10112x16xf32, #tpu.memory_space<hbm>>) target(%arg18 : memref<128x16xf32, #tpu.memory_space<vmem>>) offsets(%dma_start3A_72 : memref<128xi32, #tpu.memory_space<vmem>>) semaphore(%arg28 : memref<!tpu.dma_semaphore, #tpu.memory_space<semaphore_mem>>)
    %scan3A = arith.constant 0 : i32
    %scan3A_76 = arith.constant 0 : i32
    %scan3A_77 = arith.constant 8 : i32
    %scan3A_78 = arith.addi %scan3A_76, %scan3A_77 : i32
    %scan3A_79 = arith.constant 1 : i32
    scf.for %scan3A_84 = %scan3A_76 to %scan3A_78 step %scan3A_79  : i32 {
      %mul3A_85 = arith.constant 10 : i32
      %mul3A_86 = arith.muli %scan3A_84, %mul3A_85 : i32
      %add3A_87 = arith.constant 0 : i32
      %add3A_88 = arith.addi %mul3A_86, %add3A_87 : i32
      %dma_wait3A = arith.constant 0 : i32
      %dma_wait3A_89 = tpu.memref_slice %arg7[%add3A_88, %dma_wait3A] : memref<80x128xi32, #tpu.memory_space<vmem>> -> memref<1x128xi32, #tpu.memory_space<vmem>>
      %dma_wait3A_90 = tpu.memref_squeeze %dma_wait3A_89 : memref<1x128xi32, #tpu.memory_space<vmem>> -> memref<128xi32, #tpu.memory_space<vmem>>
      %dma_wait3A_91 = arith.constant 0 : i32
      %dma_wait3A_92 = arith.constant 0 : i32
      %dma_wait3A_93 = tpu.memref_slice %arg2[%dma_wait3A_91, %dma_wait3A_92] : memref<10112x16xf32, #tpu.memory_space<hbm>> -> memref<10112x16xf32, #tpu.memory_space<hbm>>
      tpu.wait_indirect_dma semaphore(%arg19 : memref<!tpu.dma_semaphore, #tpu.memory_space<semaphore_mem>>) src(%dma_wait3A_93 : memref<10112x16xf32, #tpu.memory_space<hbm>>) dst(%arg9 : memref<128x16xf32, #tpu.memory_space<vmem>>)
      %dma_start3A_94 = arith.constant 0 : i32
      %dma_start3A_95 = tpu.memref_slice %arg8[%add3A_88, %dma_start3A_94] : memref<80x128xi32, #tpu.memory_space<vmem>> -> memref<1x128xi32, #tpu.memory_space<vmem>>
      %dma_start3A_96 = tpu.memref_squeeze %dma_start3A_95 : memref<1x128xi32, #tpu.memory_space<vmem>> -> memref<128xi32, #tpu.memory_space<vmem>>
      %dma_start3A_97 = arith.constant 0 : i32
      %dma_start3A_98 = arith.constant 0 : i32
      %dma_start3A_99 = tpu.memref_slice %arg6[%dma_start3A_97, %dma_start3A_98] : memref<10112x16xf32, #tpu.memory_space<vmem_shared>> -> memref<10112x16xf32, #tpu.memory_space<vmem_shared>>
      tpu.enqueue_indirect_dma source(%arg9 : memref<128x16xf32, #tpu.memory_space<vmem>>) target(%dma_start3A_99 : memref<10112x16xf32, #tpu.memory_space<vmem_shared>>) offsets(%dma_start3A_96 : memref<128xi32, #tpu.memory_space<vmem>>) semaphore(%arg29 : memref<!tpu.dma_semaphore, #tpu.memory_space<semaphore_mem>>) {add = true}
      %mul3A_100 = arith.constant 10 : i32
      %mul3A_101 = arith.muli %scan3A_84, %mul3A_100 : i32
      %add3A_102 = arith.constant 1 : i32
      %add3A_103 = arith.addi %mul3A_101, %add3A_102 : i32
      %dma_wait3A_104 = arith.constant 0 : i32
      %dma_wait3A_105 = tpu.memref_slice %arg7[%add3A_103, %dma_wait3A_104] : memref<80x128xi32, #tpu.memory_space<vmem>> -> memref<1x128xi32, #tpu.memory_space<vmem>>
      %dma_wait3A_106 = tpu.memref_squeeze %dma_wait3A_105 : memref<1x128xi32, #tpu.memory_space<vmem>> -> memref<128xi32, #tpu.memory_space<vmem>>
      %dma_wait3A_107 = arith.constant 0 : i32
      %dma_wait3A_108 = arith.constant 0 : i32
      %dma_wait3A_109 = tpu.memref_slice %arg2[%dma_wait3A_107, %dma_wait3A_108] : memref<10112x16xf32, #tpu.memory_space<hbm>> -> memref<10112x16xf32, #tpu.memory_space<hbm>>
      tpu.wait_indirect_dma semaphore(%arg20 : memref<!tpu.dma_semaphore, #tpu.memory_space<semaphore_mem>>) src(%dma_wait3A_109 : memref<10112x16xf32, #tpu.memory_space<hbm>>) dst(%arg10 : memref<128x16xf32, #tpu.memory_space<vmem>>)
      %dma_start3A_110 = arith.constant 0 : i32
      %dma_start3A_111 = tpu.memref_slice %arg8[%add3A_103, %dma_start3A_110] : memref<80x128xi32, #tpu.memory_space<vmem>> -> memref<1x128xi32, #tpu.memory_space<vmem>>
      %dma_start3A_112 = tpu.memref_squeeze %dma_start3A_111 : memref<1x128xi32, #tpu.memory_space<vmem>> -> memref<128xi32, #tpu.memory_space<vmem>>
      %dma_start3A_113 = arith.constant 0 : i32
      %dma_start3A_114 = arith.constant 0 : i32
      %dma_start3A_115 = tpu.memref_slice %arg6[%dma_start3A_113, %dma_start3A_114] : memref<10112x16xf32, #tpu.memory_space<vmem_shared>> -> memref<10112x16xf32, #tpu.memory_space<vmem_shared>>
      tpu.enqueue_indirect_dma source(%arg10 : memref<128x16xf32, #tpu.memory_space<vmem>>) target(%dma_start3A_115 : memref<10112x16xf32, #tpu.memory_space<vmem_shared>>) offsets(%dma_start3A_112 : memref<128xi32, #tpu.memory_space<vmem>>) semaphore(%arg30 : memref<!tpu.dma_semaphore, #tpu.memory_space<semaphore_mem>>) {add = true}
      %mul3A_116 = arith.constant 10 : i32
      %mul3A_117 = arith.muli %scan3A_84, %mul3A_116 : i32
      %add3A_118 = arith.constant 2 : i32
      %add3A_119 = arith.addi %mul3A_117, %add3A_118 : i32
      %dma_wait3A_120 = arith.constant 0 : i32
      %dma_wait3A_121 = tpu.memref_slice %arg7[%add3A_119, %dma_wait3A_120] : memref<80x128xi32, #tpu.memory_space<vmem>> -> memref<1x128xi32, #tpu.memory_space<vmem>>
      %dma_wait3A_122 = tpu.memref_squeeze %dma_wait3A_121 : memref<1x128xi32, #tpu.memory_space<vmem>> -> memref<128xi32, #tpu.memory_space<vmem>>
      %dma_wait3A_123 = arith.constant 0 : i32
      %dma_wait3A_124 = arith.constant 0 : i32
      %dma_wait3A_125 = tpu.memref_slice %arg2[%dma_wait3A_123, %dma_wait3A_124] : memref<10112x16xf32, #tpu.memory_space<hbm>> -> memref<10112x16xf32, #tpu.memory_space<hbm>>
      tpu.wait_indirect_dma semaphore(%arg21 : memref<!tpu.dma_semaphore, #tpu.memory_space<semaphore_mem>>) src(%dma_wait3A_125 : memref<10112x16xf32, #tpu.memory_space<hbm>>) dst(%arg11 : memref<128x16xf32, #tpu.memory_space<vmem>>)
      %dma_start3A_126 = arith.constant 0 : i32
      %dma_start3A_127 = tpu.memref_slice %arg8[%add3A_119, %dma_start3A_126] : memref<80x128xi32, #tpu.memory_space<vmem>> -> memref<1x128xi32, #tpu.memory_space<vmem>>
      %dma_start3A_128 = tpu.memref_squeeze %dma_start3A_127 : memref<1x128xi32, #tpu.memory_space<vmem>> -> memref<128xi32, #tpu.memory_space<vmem>>
      %dma_start3A_129 = arith.constant 0 : i32
      %dma_start3A_130 = arith.constant 0 : i32
      %dma_start3A_131 = tpu.memref_slice %arg6[%dma_start3A_129, %dma_start3A_130] : memref<10112x16xf32, #tpu.memory_space<vmem_shared>> -> memref<10112x16xf32, #tpu.memory_space<vmem_shared>>
      tpu.enqueue_indirect_dma source(%arg11 : memref<128x16xf32, #tpu.memory_space<vmem>>) target(%dma_start3A_131 : memref<10112x16xf32, #tpu.memory_space<vmem_shared>>) offsets(%dma_start3A_128 : memref<128xi32, #tpu.memory_space<vmem>>) semaphore(%arg31 : memref<!tpu.dma_semaphore, #tpu.memory_space<semaphore_mem>>) {add = true}
      %mul3A_132 = arith.constant 10 : i32
      %mul3A_133 = arith.muli %scan3A_84, %mul3A_132 : i32
      %add3A_134 = arith.constant 3 : i32
      %add3A_135 = arith.addi %mul3A_133, %add3A_134 : i32
      %dma_wait3A_136 = arith.constant 0 : i32
      %dma_wait3A_137 = tpu.memref_slice %arg7[%add3A_135, %dma_wait3A_136] : memref<80x128xi32, #tpu.memory_space<vmem>> -> memref<1x128xi32, #tpu.memory_space<vmem>>
      %dma_wait3A_138 = tpu.memref_squeeze %dma_wait3A_137 : memref<1x128xi32, #tpu.memory_space<vmem>> -> memref<128xi32, #tpu.memory_space<vmem>>
      %dma_wait3A_139 = arith.constant 0 : i32
      %dma_wait3A_140 = arith.constant 0 : i32
      %dma_wait3A_141 = tpu.memref_slice %arg2[%dma_wait3A_139, %dma_wait3A_140] : memref<10112x16xf32, #tpu.memory_space<hbm>> -> memref<10112x16xf32, #tpu.memory_space<hbm>>
      tpu.wait_indirect_dma semaphore(%arg22 : memref<!tpu.dma_semaphore, #tpu.memory_space<semaphore_mem>>) src(%dma_wait3A_141 : memref<10112x16xf32, #tpu.memory_space<hbm>>) dst(%arg12 : memref<128x16xf32, #tpu.memory_space<vmem>>)
      %dma_start3A_142 = arith.constant 0 : i32
      %dma_start3A_143 = tpu.memref_slice %arg8[%add3A_135, %dma_start3A_142] : memref<80x128xi32, #tpu.memory_space<vmem>> -> memref<1x128xi32, #tpu.memory_space<vmem>>
      %dma_start3A_144 = tpu.memref_squeeze %dma_start3A_143 : memref<1x128xi32, #tpu.memory_space<vmem>> -> memref<128xi32, #tpu.memory_space<vmem>>
      %dma_start3A_145 = arith.constant 0 : i32
      %dma_start3A_146 = arith.constant 0 : i32
      %dma_start3A_147 = tpu.memref_slice %arg6[%dma_start3A_145, %dma_start3A_146] : memref<10112x16xf32, #tpu.memory_space<vmem_shared>> -> memref<10112x16xf32, #tpu.memory_space<vmem_shared>>
      tpu.enqueue_indirect_dma source(%arg12 : memref<128x16xf32, #tpu.memory_space<vmem>>) target(%dma_start3A_147 : memref<10112x16xf32, #tpu.memory_space<vmem_shared>>) offsets(%dma_start3A_144 : memref<128xi32, #tpu.memory_space<vmem>>) semaphore(%arg32 : memref<!tpu.dma_semaphore, #tpu.memory_space<semaphore_mem>>) {add = true}
      %mul3A_148 = arith.constant 10 : i32
      %mul3A_149 = arith.muli %scan3A_84, %mul3A_148 : i32
      %add3A_150 = arith.constant 4 : i32
      %add3A_151 = arith.addi %mul3A_149, %add3A_150 : i32
      %dma_wait3A_152 = arith.constant 0 : i32
      %dma_wait3A_153 = tpu.memref_slice %arg7[%add3A_151, %dma_wait3A_152] : memref<80x128xi32, #tpu.memory_space<vmem>> -> memref<1x128xi32, #tpu.memory_space<vmem>>
      %dma_wait3A_154 = tpu.memref_squeeze %dma_wait3A_153 : memref<1x128xi32, #tpu.memory_space<vmem>> -> memref<128xi32, #tpu.memory_space<vmem>>
      %dma_wait3A_155 = arith.constant 0 : i32
      %dma_wait3A_156 = arith.constant 0 : i32
      %dma_wait3A_157 = tpu.memref_slice %arg2[%dma_wait3A_155, %dma_wait3A_156] : memref<10112x16xf32, #tpu.memory_space<hbm>> -> memref<10112x16xf32, #tpu.memory_space<hbm>>
      tpu.wait_indirect_dma semaphore(%arg23 : memref<!tpu.dma_semaphore, #tpu.memory_space<semaphore_mem>>) src(%dma_wait3A_157 : memref<10112x16xf32, #tpu.memory_space<hbm>>) dst(%arg13 : memref<128x16xf32, #tpu.memory_space<vmem>>)
      %dma_start3A_158 = arith.constant 0 : i32
      %dma_start3A_159 = tpu.memref_slice %arg8[%add3A_151, %dma_start3A_158] : memref<80x128xi32, #tpu.memory_space<vmem>> -> memref<1x128xi32, #tpu.memory_space<vmem>>
      %dma_start3A_160 = tpu.memref_squeeze %dma_start3A_159 : memref<1x128xi32, #tpu.memory_space<vmem>> -> memref<128xi32, #tpu.memory_space<vmem>>
      %dma_start3A_161 = arith.constant 0 : i32
      %dma_start3A_162 = arith.constant 0 : i32
      %dma_start3A_163 = tpu.memref_slice %arg6[%dma_start3A_161, %dma_start3A_162] : memref<10112x16xf32, #tpu.memory_space<vmem_shared>> -> memref<10112x16xf32, #tpu.memory_space<vmem_shared>>
      tpu.enqueue_indirect_dma source(%arg13 : memref<128x16xf32, #tpu.memory_space<vmem>>) target(%dma_start3A_163 : memref<10112x16xf32, #tpu.memory_space<vmem_shared>>) offsets(%dma_start3A_160 : memref<128xi32, #tpu.memory_space<vmem>>) semaphore(%arg33 : memref<!tpu.dma_semaphore, #tpu.memory_space<semaphore_mem>>) {add = true}
      %mul3A_164 = arith.constant 10 : i32
      %mul3A_165 = arith.muli %scan3A_84, %mul3A_164 : i32
      %add3A_166 = arith.constant 5 : i32
      %add3A_167 = arith.addi %mul3A_165, %add3A_166 : i32
      %dma_wait3A_168 = arith.constant 0 : i32
      %dma_wait3A_169 = tpu.memref_slice %arg7[%add3A_167, %dma_wait3A_168] : memref<80x128xi32, #tpu.memory_space<vmem>> -> memref<1x128xi32, #tpu.memory_space<vmem>>
      %dma_wait3A_170 = tpu.memref_squeeze %dma_wait3A_169 : memref<1x128xi32, #tpu.memory_space<vmem>> -> memref<128xi32, #tpu.memory_space<vmem>>
      %dma_wait3A_171 = arith.constant 0 : i32
      %dma_wait3A_172 = arith.constant 0 : i32
      %dma_wait3A_173 = tpu.memref_slice %arg2[%dma_wait3A_171, %dma_wait3A_172] : memref<10112x16xf32, #tpu.memory_space<hbm>> -> memref<10112x16xf32, #tpu.memory_space<hbm>>
      tpu.wait_indirect_dma semaphore(%arg24 : memref<!tpu.dma_semaphore, #tpu.memory_space<semaphore_mem>>) src(%dma_wait3A_173 : memref<10112x16xf32, #tpu.memory_space<hbm>>) dst(%arg14 : memref<128x16xf32, #tpu.memory_space<vmem>>)
      %dma_start3A_174 = arith.constant 0 : i32
      %dma_start3A_175 = tpu.memref_slice %arg8[%add3A_167, %dma_start3A_174] : memref<80x128xi32, #tpu.memory_space<vmem>> -> memref<1x128xi32, #tpu.memory_space<vmem>>
      %dma_start3A_176 = tpu.memref_squeeze %dma_start3A_175 : memref<1x128xi32, #tpu.memory_space<vmem>> -> memref<128xi32, #tpu.memory_space<vmem>>
      %dma_start3A_177 = arith.constant 0 : i32
      %dma_start3A_178 = arith.constant 0 : i32
      %dma_start3A_179 = tpu.memref_slice %arg6[%dma_start3A_177, %dma_start3A_178] : memref<10112x16xf32, #tpu.memory_space<vmem_shared>> -> memref<10112x16xf32, #tpu.memory_space<vmem_shared>>
      tpu.enqueue_indirect_dma source(%arg14 : memref<128x16xf32, #tpu.memory_space<vmem>>) target(%dma_start3A_179 : memref<10112x16xf32, #tpu.memory_space<vmem_shared>>) offsets(%dma_start3A_176 : memref<128xi32, #tpu.memory_space<vmem>>) semaphore(%arg34 : memref<!tpu.dma_semaphore, #tpu.memory_space<semaphore_mem>>) {add = true}
      %mul3A_180 = arith.constant 10 : i32
      %mul3A_181 = arith.muli %scan3A_84, %mul3A_180 : i32
      %add3A_182 = arith.constant 6 : i32
      %add3A_183 = arith.addi %mul3A_181, %add3A_182 : i32
      %dma_wait3A_184 = arith.constant 0 : i32
      %dma_wait3A_185 = tpu.memref_slice %arg7[%add3A_183, %dma_wait3A_184] : memref<80x128xi32, #tpu.memory_space<vmem>> -> memref<1x128xi32, #tpu.memory_space<vmem>>
      %dma_wait3A_186 = tpu.memref_squeeze %dma_wait3A_185 : memref<1x128xi32, #tpu.memory_space<vmem>> -> memref<128xi32, #tpu.memory_space<vmem>>
      %dma_wait3A_187 = arith.constant 0 : i32
      %dma_wait3A_188 = arith.constant 0 : i32
      %dma_wait3A_189 = tpu.memref_slice %arg2[%dma_wait3A_187, %dma_wait3A_188] : memref<10112x16xf32, #tpu.memory_space<hbm>> -> memref<10112x16xf32, #tpu.memory_space<hbm>>
      tpu.wait_indirect_dma semaphore(%arg25 : memref<!tpu.dma_semaphore, #tpu.memory_space<semaphore_mem>>) src(%dma_wait3A_189 : memref<10112x16xf32, #tpu.memory_space<hbm>>) dst(%arg15 : memref<128x16xf32, #tpu.memory_space<vmem>>)
      %dma_start3A_190 = arith.constant 0 : i32
      %dma_start3A_191 = tpu.memref_slice %arg8[%add3A_183, %dma_start3A_190] : memref<80x128xi32, #tpu.memory_space<vmem>> -> memref<1x128xi32, #tpu.memory_space<vmem>>
      %dma_start3A_192 = tpu.memref_squeeze %dma_start3A_191 : memref<1x128xi32, #tpu.memory_space<vmem>> -> memref<128xi32, #tpu.memory_space<vmem>>
      %dma_start3A_193 = arith.constant 0 : i32
      %dma_start3A_194 = arith.constant 0 : i32
      %dma_start3A_195 = tpu.memref_slice %arg6[%dma_start3A_193, %dma_start3A_194] : memref<10112x16xf32, #tpu.memory_space<vmem_shared>> -> memref<10112x16xf32, #tpu.memory_space<vmem_shared>>
      tpu.enqueue_indirect_dma source(%arg15 : memref<128x16xf32, #tpu.memory_space<vmem>>) target(%dma_start3A_195 : memref<10112x16xf32, #tpu.memory_space<vmem_shared>>) offsets(%dma_start3A_192 : memref<128xi32, #tpu.memory_space<vmem>>) semaphore(%arg35 : memref<!tpu.dma_semaphore, #tpu.memory_space<semaphore_mem>>) {add = true}
      %mul3A_196 = arith.constant 10 : i32
      %mul3A_197 = arith.muli %scan3A_84, %mul3A_196 : i32
      %add3A_198 = arith.constant 7 : i32
      %add3A_199 = arith.addi %mul3A_197, %add3A_198 : i32
      %dma_wait3A_200 = arith.constant 0 : i32
      %dma_wait3A_201 = tpu.memref_slice %arg7[%add3A_199, %dma_wait3A_200] : memref<80x128xi32, #tpu.memory_space<vmem>> -> memref<1x128xi32, #tpu.memory_space<vmem>>
      %dma_wait3A_202 = tpu.memref_squeeze %dma_wait3A_201 : memref<1x128xi32, #tpu.memory_space<vmem>> -> memref<128xi32, #tpu.memory_space<vmem>>
      %dma_wait3A_203 = arith.constant 0 : i32
      %dma_wait3A_204 = arith.constant 0 : i32
      %dma_wait3A_205 = tpu.memref_slice %arg2[%dma_wait3A_203, %dma_wait3A_204] : memref<10112x16xf32, #tpu.memory_space<hbm>> -> memref<10112x16xf32, #tpu.memory_space<hbm>>
      tpu.wait_indirect_dma semaphore(%arg26 : memref<!tpu.dma_semaphore, #tpu.memory_space<semaphore_mem>>) src(%dma_wait3A_205 : memref<10112x16xf32, #tpu.memory_space<hbm>>) dst(%arg16 : memref<128x16xf32, #tpu.memory_space<vmem>>)
      %dma_start3A_206 = arith.constant 0 : i32
      %dma_start3A_207 = tpu.memref_slice %arg8[%add3A_199, %dma_start3A_206] : memref<80x128xi32, #tpu.memory_space<vmem>> -> memref<1x128xi32, #tpu.memory_space<vmem>>
      %dma_start3A_208 = tpu.memref_squeeze %dma_start3A_207 : memref<1x128xi32, #tpu.memory_space<vmem>> -> memref<128xi32, #tpu.memory_space<vmem>>
      %dma_start3A_209 = arith.constant 0 : i32
      %dma_start3A_210 = arith.constant 0 : i32
      %dma_start3A_211 = tpu.memref_slice %arg6[%dma_start3A_209, %dma_start3A_210] : memref<10112x16xf32, #tpu.memory_space<vmem_shared>> -> memref<10112x16xf32, #tpu.memory_space<vmem_shared>>
      tpu.enqueue_indirect_dma source(%arg16 : memref<128x16xf32, #tpu.memory_space<vmem>>) target(%dma_start3A_211 : memref<10112x16xf32, #tpu.memory_space<vmem_shared>>) offsets(%dma_start3A_208 : memref<128xi32, #tpu.memory_space<vmem>>) semaphore(%arg36 : memref<!tpu.dma_semaphore, #tpu.memory_space<semaphore_mem>>) {add = true}
      %mul3A_212 = arith.constant 10 : i32
      %mul3A_213 = arith.muli %scan3A_84, %mul3A_212 : i32
      %add3A_214 = arith.constant 8 : i32
      %add3A_215 = arith.addi %mul3A_213, %add3A_214 : i32
      %dma_wait3A_216 = arith.constant 0 : i32
      %dma_wait3A_217 = tpu.memref_slice %arg7[%add3A_215, %dma_wait3A_216] : memref<80x128xi32, #tpu.memory_space<vmem>> -> memref<1x128xi32, #tpu.memory_space<vmem>>
      %dma_wait3A_218 = tpu.memref_squeeze %dma_wait3A_217 : memref<1x128xi32, #tpu.memory_space<vmem>> -> memref<128xi32, #tpu.memory_space<vmem>>
      %dma_wait3A_219 = arith.constant 0 : i32
      %dma_wait3A_220 = arith.constant 0 : i32
      %dma_wait3A_221 = tpu.memref_slice %arg2[%dma_wait3A_219, %dma_wait3A_220] : memref<10112x16xf32, #tpu.memory_space<hbm>> -> memref<10112x16xf32, #tpu.memory_space<hbm>>
      tpu.wait_indirect_dma semaphore(%arg27 : memref<!tpu.dma_semaphore, #tpu.memory_space<semaphore_mem>>) src(%dma_wait3A_221 : memref<10112x16xf32, #tpu.memory_space<hbm>>) dst(%arg17 : memref<128x16xf32, #tpu.memory_space<vmem>>)
      %dma_start3A_222 = arith.constant 0 : i32
      %dma_start3A_223 = tpu.memref_slice %arg8[%add3A_215, %dma_start3A_222] : memref<80x128xi32, #tpu.memory_space<vmem>> -> memref<1x128xi32, #tpu.memory_space<vmem>>
      %dma_start3A_224 = tpu.memref_squeeze %dma_start3A_223 : memref<1x128xi32, #tpu.memory_space<vmem>> -> memref<128xi32, #tpu.memory_space<vmem>>
      %dma_start3A_225 = arith.constant 0 : i32
      %dma_start3A_226 = arith.constant 0 : i32
      %dma_start3A_227 = tpu.memref_slice %arg6[%dma_start3A_225, %dma_start3A_226] : memref<10112x16xf32, #tpu.memory_space<vmem_shared>> -> memref<10112x16xf32, #tpu.memory_space<vmem_shared>>
      tpu.enqueue_indirect_dma source(%arg17 : memref<128x16xf32, #tpu.memory_space<vmem>>) target(%dma_start3A_227 : memref<10112x16xf32, #tpu.memory_space<vmem_shared>>) offsets(%dma_start3A_224 : memref<128xi32, #tpu.memory_space<vmem>>) semaphore(%arg37 : memref<!tpu.dma_semaphore, #tpu.memory_space<semaphore_mem>>) {add = true}
      %mul3A_228 = arith.constant 10 : i32
      %mul3A_229 = arith.muli %scan3A_84, %mul3A_228 : i32
      %add3A_230 = arith.constant 9 : i32
      %add3A_231 = arith.addi %mul3A_229, %add3A_230 : i32
      %dma_wait3A_232 = arith.constant 0 : i32
      %dma_wait3A_233 = tpu.memref_slice %arg7[%add3A_231, %dma_wait3A_232] : memref<80x128xi32, #tpu.memory_space<vmem>> -> memref<1x128xi32, #tpu.memory_space<vmem>>
      %dma_wait3A_234 = tpu.memref_squeeze %dma_wait3A_233 : memref<1x128xi32, #tpu.memory_space<vmem>> -> memref<128xi32, #tpu.memory_space<vmem>>
      %dma_wait3A_235 = arith.constant 0 : i32
      %dma_wait3A_236 = arith.constant 0 : i32
      %dma_wait3A_237 = tpu.memref_slice %arg2[%dma_wait3A_235, %dma_wait3A_236] : memref<10112x16xf32, #tpu.memory_space<hbm>> -> memref<10112x16xf32, #tpu.memory_space<hbm>>
      tpu.wait_indirect_dma semaphore(%arg28 : memref<!tpu.dma_semaphore, #tpu.memory_space<semaphore_mem>>) src(%dma_wait3A_237 : memref<10112x16xf32, #tpu.memory_space<hbm>>) dst(%arg18 : memref<128x16xf32, #tpu.memory_space<vmem>>)
      %dma_start3A_238 = arith.constant 0 : i32
      %dma_start3A_239 = tpu.memref_slice %arg8[%add3A_231, %dma_start3A_238] : memref<80x128xi32, #tpu.memory_space<vmem>> -> memref<1x128xi32, #tpu.memory_space<vmem>>
      %dma_start3A_240 = tpu.memref_squeeze %dma_start3A_239 : memref<1x128xi32, #tpu.memory_space<vmem>> -> memref<128xi32, #tpu.memory_space<vmem>>
      %dma_start3A_241 = arith.constant 0 : i32
      %dma_start3A_242 = arith.constant 0 : i32
      %dma_start3A_243 = tpu.memref_slice %arg6[%dma_start3A_241, %dma_start3A_242] : memref<10112x16xf32, #tpu.memory_space<vmem_shared>> -> memref<10112x16xf32, #tpu.memory_space<vmem_shared>>
      tpu.enqueue_indirect_dma source(%arg18 : memref<128x16xf32, #tpu.memory_space<vmem>>) target(%dma_start3A_243 : memref<10112x16xf32, #tpu.memory_space<vmem_shared>>) offsets(%dma_start3A_240 : memref<128xi32, #tpu.memory_space<vmem>>) semaphore(%arg38 : memref<!tpu.dma_semaphore, #tpu.memory_space<semaphore_mem>>) {add = true}
      %dma_wait3A_244 = arith.constant 0 : i32
      %dma_wait3A_245 = arith.constant 0 : i32
      %dma_wait3A_246 = tpu.memref_slice %arg8[%dma_wait3A_244, %dma_wait3A_245] : memref<80x128xi32, #tpu.memory_space<vmem>> -> memref<1x128xi32, #tpu.memory_space<vmem>>
      %dma_wait3A_247 = tpu.memref_squeeze %dma_wait3A_246 : memref<1x128xi32, #tpu.memory_space<vmem>> -> memref<128xi32, #tpu.memory_space<vmem>>
      %dma_wait3A_248 = arith.constant 0 : i32
      %dma_wait3A_249 = arith.constant 0 : i32
      %dma_wait3A_250 = tpu.memref_slice %arg6[%dma_wait3A_248, %dma_wait3A_249] : memref<10112x16xf32, #tpu.memory_space<vmem_shared>> -> memref<10112x16xf32, #tpu.memory_space<vmem_shared>>
      tpu.wait_indirect_dma semaphore(%arg29 : memref<!tpu.dma_semaphore, #tpu.memory_space<semaphore_mem>>) src(%arg9 : memref<128x16xf32, #tpu.memory_space<vmem>>) dst(%dma_wait3A_250 : memref<10112x16xf32, #tpu.memory_space<vmem_shared>>)
      %add3A_251 = arith.constant 1 : i32
      %add3A_252 = arith.addi %scan3A_84, %add3A_251 : i32
      %lt3A = arith.constant 8 : i32
      %lt3A_253 = arith.cmpi slt, %add3A_252, %lt3A : i32
      %convert_element_type3A = arith.extui %lt3A_253 : i1 to i32
      %cond3A = arith.constant 0 : i32
      %cond3A_254 = arith.cmpi ne, %convert_element_type3A, %cond3A : i32
      scf.if %cond3A_254 {
        %add3A_381 = arith.constant 1 : i32
        %add3A_382 = arith.addi %scan3A_84, %add3A_381 : i32
        %mul3A_383 = arith.constant 10 : i32
        %mul3A_384 = arith.muli %add3A_382, %mul3A_383 : i32
        %add3A_385 = arith.constant 0 : i32
        %add3A_386 = arith.addi %mul3A_384, %add3A_385 : i32
        %dma_start3A_387 = arith.constant 0 : i32
        %dma_start3A_388 = tpu.memref_slice %arg7[%add3A_386, %dma_start3A_387] : memref<80x128xi32, #tpu.memory_space<vmem>> -> memref<1x128xi32, #tpu.memory_space<vmem>>
        %dma_start3A_389 = tpu.memref_squeeze %dma_start3A_388 : memref<1x128xi32, #tpu.memory_space<vmem>> -> memref<128xi32, #tpu.memory_space<vmem>>
        %dma_start3A_390 = arith.constant 0 : i32
        %dma_start3A_391 = arith.constant 0 : i32
        %dma_start3A_392 = tpu.memref_slice %arg2[%dma_start3A_390, %dma_start3A_391] : memref<10112x16xf32, #tpu.memory_space<hbm>> -> memref<10112x16xf32, #tpu.memory_space<hbm>>
        tpu.enqueue_indirect_dma source(%dma_start3A_392 : memref<10112x16xf32, #tpu.memory_space<hbm>>) target(%arg9 : memref<128x16xf32, #tpu.memory_space<vmem>>) offsets(%dma_start3A_389 : memref<128xi32, #tpu.memory_space<vmem>>) semaphore(%arg19 : memref<!tpu.dma_semaphore, #tpu.memory_space<semaphore_mem>>)
      } else {
      }
      %dma_wait3A_255 = arith.constant 1 : i32
      %dma_wait3A_256 = arith.constant 0 : i32
      %dma_wait3A_257 = tpu.memref_slice %arg8[%dma_wait3A_255, %dma_wait3A_256] : memref<80x128xi32, #tpu.memory_space<vmem>> -> memref<1x128xi32, #tpu.memory_space<vmem>>
      %dma_wait3A_258 = tpu.memref_squeeze %dma_wait3A_257 : memref<1x128xi32, #tpu.memory_space<vmem>> -> memref<128xi32, #tpu.memory_space<vmem>>
      %dma_wait3A_259 = arith.constant 0 : i32
      %dma_wait3A_260 = arith.constant 0 : i32
      %dma_wait3A_261 = tpu.memref_slice %arg6[%dma_wait3A_259, %dma_wait3A_260] : memref<10112x16xf32, #tpu.memory_space<vmem_shared>> -> memref<10112x16xf32, #tpu.memory_space<vmem_shared>>
      tpu.wait_indirect_dma semaphore(%arg30 : memref<!tpu.dma_semaphore, #tpu.memory_space<semaphore_mem>>) src(%arg10 : memref<128x16xf32, #tpu.memory_space<vmem>>) dst(%dma_wait3A_261 : memref<10112x16xf32, #tpu.memory_space<vmem_shared>>)
      %add3A_262 = arith.constant 1 : i32
      %add3A_263 = arith.addi %scan3A_84, %add3A_262 : i32
      %lt3A_264 = arith.constant 8 : i32
      %lt3A_265 = arith.cmpi slt, %add3A_263, %lt3A_264 : i32
      %convert_element_type3A_266 = arith.extui %lt3A_265 : i1 to i32
      %cond3A_267 = arith.constant 0 : i32
      %cond3A_268 = arith.cmpi ne, %convert_element_type3A_266, %cond3A_267 : i32
      scf.if %cond3A_268 {
        %add3A_381 = arith.constant 1 : i32
        %add3A_382 = arith.addi %scan3A_84, %add3A_381 : i32
        %mul3A_383 = arith.constant 10 : i32
        %mul3A_384 = arith.muli %add3A_382, %mul3A_383 : i32
        %add3A_385 = arith.constant 1 : i32
        %add3A_386 = arith.addi %mul3A_384, %add3A_385 : i32
        %dma_start3A_387 = arith.constant 0 : i32
        %dma_start3A_388 = tpu.memref_slice %arg7[%add3A_386, %dma_start3A_387] : memref<80x128xi32, #tpu.memory_space<vmem>> -> memref<1x128xi32, #tpu.memory_space<vmem>>
        %dma_start3A_389 = tpu.memref_squeeze %dma_start3A_388 : memref<1x128xi32, #tpu.memory_space<vmem>> -> memref<128xi32, #tpu.memory_space<vmem>>
        %dma_start3A_390 = arith.constant 0 : i32
        %dma_start3A_391 = arith.constant 0 : i32
        %dma_start3A_392 = tpu.memref_slice %arg2[%dma_start3A_390, %dma_start3A_391] : memref<10112x16xf32, #tpu.memory_space<hbm>> -> memref<10112x16xf32, #tpu.memory_space<hbm>>
        tpu.enqueue_indirect_dma source(%dma_start3A_392 : memref<10112x16xf32, #tpu.memory_space<hbm>>) target(%arg10 : memref<128x16xf32, #tpu.memory_space<vmem>>) offsets(%dma_start3A_389 : memref<128xi32, #tpu.memory_space<vmem>>) semaphore(%arg20 : memref<!tpu.dma_semaphore, #tpu.memory_space<semaphore_mem>>)
      } else {
      }
      %dma_wait3A_269 = arith.constant 2 : i32
      %dma_wait3A_270 = arith.constant 0 : i32
      %dma_wait3A_271 = tpu.memref_slice %arg8[%dma_wait3A_269, %dma_wait3A_270] : memref<80x128xi32, #tpu.memory_space<vmem>> -> memref<1x128xi32, #tpu.memory_space<vmem>>
      %dma_wait3A_272 = tpu.memref_squeeze %dma_wait3A_271 : memref<1x128xi32, #tpu.memory_space<vmem>> -> memref<128xi32, #tpu.memory_space<vmem>>
      %dma_wait3A_273 = arith.constant 0 : i32
      %dma_wait3A_274 = arith.constant 0 : i32
      %dma_wait3A_275 = tpu.memref_slice %arg6[%dma_wait3A_273, %dma_wait3A_274] : memref<10112x16xf32, #tpu.memory_space<vmem_shared>> -> memref<10112x16xf32, #tpu.memory_space<vmem_shared>>
      tpu.wait_indirect_dma semaphore(%arg31 : memref<!tpu.dma_semaphore, #tpu.memory_space<semaphore_mem>>) src(%arg11 : memref<128x16xf32, #tpu.memory_space<vmem>>) dst(%dma_wait3A_275 : memref<10112x16xf32, #tpu.memory_space<vmem_shared>>)
      %add3A_276 = arith.constant 1 : i32
      %add3A_277 = arith.addi %scan3A_84, %add3A_276 : i32
      %lt3A_278 = arith.constant 8 : i32
      %lt3A_279 = arith.cmpi slt, %add3A_277, %lt3A_278 : i32
      %convert_element_type3A_280 = arith.extui %lt3A_279 : i1 to i32
      %cond3A_281 = arith.constant 0 : i32
      %cond3A_282 = arith.cmpi ne, %convert_element_type3A_280, %cond3A_281 : i32
      scf.if %cond3A_282 {
        %add3A_381 = arith.constant 1 : i32
        %add3A_382 = arith.addi %scan3A_84, %add3A_381 : i32
        %mul3A_383 = arith.constant 10 : i32
        %mul3A_384 = arith.muli %add3A_382, %mul3A_383 : i32
        %add3A_385 = arith.constant 2 : i32
        %add3A_386 = arith.addi %mul3A_384, %add3A_385 : i32
        %dma_start3A_387 = arith.constant 0 : i32
        %dma_start3A_388 = tpu.memref_slice %arg7[%add3A_386, %dma_start3A_387] : memref<80x128xi32, #tpu.memory_space<vmem>> -> memref<1x128xi32, #tpu.memory_space<vmem>>
        %dma_start3A_389 = tpu.memref_squeeze %dma_start3A_388 : memref<1x128xi32, #tpu.memory_space<vmem>> -> memref<128xi32, #tpu.memory_space<vmem>>
        %dma_start3A_390 = arith.constant 0 : i32
        %dma_start3A_391 = arith.constant 0 : i32
        %dma_start3A_392 = tpu.memref_slice %arg2[%dma_start3A_390, %dma_start3A_391] : memref<10112x16xf32, #tpu.memory_space<hbm>> -> memref<10112x16xf32, #tpu.memory_space<hbm>>
        tpu.enqueue_indirect_dma source(%dma_start3A_392 : memref<10112x16xf32, #tpu.memory_space<hbm>>) target(%arg11 : memref<128x16xf32, #tpu.memory_space<vmem>>) offsets(%dma_start3A_389 : memref<128xi32, #tpu.memory_space<vmem>>) semaphore(%arg21 : memref<!tpu.dma_semaphore, #tpu.memory_space<semaphore_mem>>)
      } else {
      }
      %dma_wait3A_283 = arith.constant 3 : i32
      %dma_wait3A_284 = arith.constant 0 : i32
      %dma_wait3A_285 = tpu.memref_slice %arg8[%dma_wait3A_283, %dma_wait3A_284] : memref<80x128xi32, #tpu.memory_space<vmem>> -> memref<1x128xi32, #tpu.memory_space<vmem>>
      %dma_wait3A_286 = tpu.memref_squeeze %dma_wait3A_285 : memref<1x128xi32, #tpu.memory_space<vmem>> -> memref<128xi32, #tpu.memory_space<vmem>>
      %dma_wait3A_287 = arith.constant 0 : i32
      %dma_wait3A_288 = arith.constant 0 : i32
      %dma_wait3A_289 = tpu.memref_slice %arg6[%dma_wait3A_287, %dma_wait3A_288] : memref<10112x16xf32, #tpu.memory_space<vmem_shared>> -> memref<10112x16xf32, #tpu.memory_space<vmem_shared>>
      tpu.wait_indirect_dma semaphore(%arg32 : memref<!tpu.dma_semaphore, #tpu.memory_space<semaphore_mem>>) src(%arg12 : memref<128x16xf32, #tpu.memory_space<vmem>>) dst(%dma_wait3A_289 : memref<10112x16xf32, #tpu.memory_space<vmem_shared>>)
      %add3A_290 = arith.constant 1 : i32
      %add3A_291 = arith.addi %scan3A_84, %add3A_290 : i32
      %lt3A_292 = arith.constant 8 : i32
      %lt3A_293 = arith.cmpi slt, %add3A_291, %lt3A_292 : i32
      %convert_element_type3A_294 = arith.extui %lt3A_293 : i1 to i32
      %cond3A_295 = arith.constant 0 : i32
      %cond3A_296 = arith.cmpi ne, %convert_element_type3A_294, %cond3A_295 : i32
      scf.if %cond3A_296 {
        %add3A_381 = arith.constant 1 : i32
        %add3A_382 = arith.addi %scan3A_84, %add3A_381 : i32
        %mul3A_383 = arith.constant 10 : i32
        %mul3A_384 = arith.muli %add3A_382, %mul3A_383 : i32
        %add3A_385 = arith.constant 3 : i32
        %add3A_386 = arith.addi %mul3A_384, %add3A_385 : i32
        %dma_start3A_387 = arith.constant 0 : i32
        %dma_start3A_388 = tpu.memref_slice %arg7[%add3A_386, %dma_start3A_387] : memref<80x128xi32, #tpu.memory_space<vmem>> -> memref<1x128xi32, #tpu.memory_space<vmem>>
        %dma_start3A_389 = tpu.memref_squeeze %dma_start3A_388 : memref<1x128xi32, #tpu.memory_space<vmem>> -> memref<128xi32, #tpu.memory_space<vmem>>
        %dma_start3A_390 = arith.constant 0 : i32
        %dma_start3A_391 = arith.constant 0 : i32
        %dma_start3A_392 = tpu.memref_slice %arg2[%dma_start3A_390, %dma_start3A_391] : memref<10112x16xf32, #tpu.memory_space<hbm>> -> memref<10112x16xf32, #tpu.memory_space<hbm>>
        tpu.enqueue_indirect_dma source(%dma_start3A_392 : memref<10112x16xf32, #tpu.memory_space<hbm>>) target(%arg12 : memref<128x16xf32, #tpu.memory_space<vmem>>) offsets(%dma_start3A_389 : memref<128xi32, #tpu.memory_space<vmem>>) semaphore(%arg22 : memref<!tpu.dma_semaphore, #tpu.memory_space<semaphore_mem>>)
      } else {
      }
      %dma_wait3A_297 = arith.constant 4 : i32
      %dma_wait3A_298 = arith.constant 0 : i32
      %dma_wait3A_299 = tpu.memref_slice %arg8[%dma_wait3A_297, %dma_wait3A_298] : memref<80x128xi32, #tpu.memory_space<vmem>> -> memref<1x128xi32, #tpu.memory_space<vmem>>
      %dma_wait3A_300 = tpu.memref_squeeze %dma_wait3A_299 : memref<1x128xi32, #tpu.memory_space<vmem>> -> memref<128xi32, #tpu.memory_space<vmem>>
      %dma_wait3A_301 = arith.constant 0 : i32
      %dma_wait3A_302 = arith.constant 0 : i32
      %dma_wait3A_303 = tpu.memref_slice %arg6[%dma_wait3A_301, %dma_wait3A_302] : memref<10112x16xf32, #tpu.memory_space<vmem_shared>> -> memref<10112x16xf32, #tpu.memory_space<vmem_shared>>
      tpu.wait_indirect_dma semaphore(%arg33 : memref<!tpu.dma_semaphore, #tpu.memory_space<semaphore_mem>>) src(%arg13 : memref<128x16xf32, #tpu.memory_space<vmem>>) dst(%dma_wait3A_303 : memref<10112x16xf32, #tpu.memory_space<vmem_shared>>)
      %add3A_304 = arith.constant 1 : i32
      %add3A_305 = arith.addi %scan3A_84, %add3A_304 : i32
      %lt3A_306 = arith.constant 8 : i32
      %lt3A_307 = arith.cmpi slt, %add3A_305, %lt3A_306 : i32
      %convert_element_type3A_308 = arith.extui %lt3A_307 : i1 to i32
      %cond3A_309 = arith.constant 0 : i32
      %cond3A_310 = arith.cmpi ne, %convert_element_type3A_308, %cond3A_309 : i32
      scf.if %cond3A_310 {
        %add3A_381 = arith.constant 1 : i32
        %add3A_382 = arith.addi %scan3A_84, %add3A_381 : i32
        %mul3A_383 = arith.constant 10 : i32
        %mul3A_384 = arith.muli %add3A_382, %mul3A_383 : i32
        %add3A_385 = arith.constant 4 : i32
        %add3A_386 = arith.addi %mul3A_384, %add3A_385 : i32
        %dma_start3A_387 = arith.constant 0 : i32
        %dma_start3A_388 = tpu.memref_slice %arg7[%add3A_386, %dma_start3A_387] : memref<80x128xi32, #tpu.memory_space<vmem>> -> memref<1x128xi32, #tpu.memory_space<vmem>>
        %dma_start3A_389 = tpu.memref_squeeze %dma_start3A_388 : memref<1x128xi32, #tpu.memory_space<vmem>> -> memref<128xi32, #tpu.memory_space<vmem>>
        %dma_start3A_390 = arith.constant 0 : i32
        %dma_start3A_391 = arith.constant 0 : i32
        %dma_start3A_392 = tpu.memref_slice %arg2[%dma_start3A_390, %dma_start3A_391] : memref<10112x16xf32, #tpu.memory_space<hbm>> -> memref<10112x16xf32, #tpu.memory_space<hbm>>
        tpu.enqueue_indirect_dma source(%dma_start3A_392 : memref<10112x16xf32, #tpu.memory_space<hbm>>) target(%arg13 : memref<128x16xf32, #tpu.memory_space<vmem>>) offsets(%dma_start3A_389 : memref<128xi32, #tpu.memory_space<vmem>>) semaphore(%arg23 : memref<!tpu.dma_semaphore, #tpu.memory_space<semaphore_mem>>)
      } else {
      }
      %dma_wait3A_311 = arith.constant 5 : i32
      %dma_wait3A_312 = arith.constant 0 : i32
      %dma_wait3A_313 = tpu.memref_slice %arg8[%dma_wait3A_311, %dma_wait3A_312] : memref<80x128xi32, #tpu.memory_space<vmem>> -> memref<1x128xi32, #tpu.memory_space<vmem>>
      %dma_wait3A_314 = tpu.memref_squeeze %dma_wait3A_313 : memref<1x128xi32, #tpu.memory_space<vmem>> -> memref<128xi32, #tpu.memory_space<vmem>>
      %dma_wait3A_315 = arith.constant 0 : i32
      %dma_wait3A_316 = arith.constant 0 : i32
      %dma_wait3A_317 = tpu.memref_slice %arg6[%dma_wait3A_315, %dma_wait3A_316] : memref<10112x16xf32, #tpu.memory_space<vmem_shared>> -> memref<10112x16xf32, #tpu.memory_space<vmem_shared>>
      tpu.wait_indirect_dma semaphore(%arg34 : memref<!tpu.dma_semaphore, #tpu.memory_space<semaphore_mem>>) src(%arg14 : memref<128x16xf32, #tpu.memory_space<vmem>>) dst(%dma_wait3A_317 : memref<10112x16xf32, #tpu.memory_space<vmem_shared>>)
      %add3A_318 = arith.constant 1 : i32
      %add3A_319 = arith.addi %scan3A_84, %add3A_318 : i32
      %lt3A_320 = arith.constant 8 : i32
      %lt3A_321 = arith.cmpi slt, %add3A_319, %lt3A_320 : i32
      %convert_element_type3A_322 = arith.extui %lt3A_321 : i1 to i32
      %cond3A_323 = arith.constant 0 : i32
      %cond3A_324 = arith.cmpi ne, %convert_element_type3A_322, %cond3A_323 : i32
      scf.if %cond3A_324 {
        %add3A_381 = arith.constant 1 : i32
        %add3A_382 = arith.addi %scan3A_84, %add3A_381 : i32
        %mul3A_383 = arith.constant 10 : i32
        %mul3A_384 = arith.muli %add3A_382, %mul3A_383 : i32
        %add3A_385 = arith.constant 5 : i32
        %add3A_386 = arith.addi %mul3A_384, %add3A_385 : i32
        %dma_start3A_387 = arith.constant 0 : i32
        %dma_start3A_388 = tpu.memref_slice %arg7[%add3A_386, %dma_start3A_387] : memref<80x128xi32, #tpu.memory_space<vmem>> -> memref<1x128xi32, #tpu.memory_space<vmem>>
        %dma_start3A_389 = tpu.memref_squeeze %dma_start3A_388 : memref<1x128xi32, #tpu.memory_space<vmem>> -> memref<128xi32, #tpu.memory_space<vmem>>
        %dma_start3A_390 = arith.constant 0 : i32
        %dma_start3A_391 = arith.constant 0 : i32
        %dma_start3A_392 = tpu.memref_slice %arg2[%dma_start3A_390, %dma_start3A_391] : memref<10112x16xf32, #tpu.memory_space<hbm>> -> memref<10112x16xf32, #tpu.memory_space<hbm>>
        tpu.enqueue_indirect_dma source(%dma_start3A_392 : memref<10112x16xf32, #tpu.memory_space<hbm>>) target(%arg14 : memref<128x16xf32, #tpu.memory_space<vmem>>) offsets(%dma_start3A_389 : memref<128xi32, #tpu.memory_space<vmem>>) semaphore(%arg24 : memref<!tpu.dma_semaphore, #tpu.memory_space<semaphore_mem>>)
      } else {
      }
      %dma_wait3A_325 = arith.constant 6 : i32
      %dma_wait3A_326 = arith.constant 0 : i32
      %dma_wait3A_327 = tpu.memref_slice %arg8[%dma_wait3A_325, %dma_wait3A_326] : memref<80x128xi32, #tpu.memory_space<vmem>> -> memref<1x128xi32, #tpu.memory_space<vmem>>
      %dma_wait3A_328 = tpu.memref_squeeze %dma_wait3A_327 : memref<1x128xi32, #tpu.memory_space<vmem>> -> memref<128xi32, #tpu.memory_space<vmem>>
      %dma_wait3A_329 = arith.constant 0 : i32
      %dma_wait3A_330 = arith.constant 0 : i32
      %dma_wait3A_331 = tpu.memref_slice %arg6[%dma_wait3A_329, %dma_wait3A_330] : memref<10112x16xf32, #tpu.memory_space<vmem_shared>> -> memref<10112x16xf32, #tpu.memory_space<vmem_shared>>
      tpu.wait_indirect_dma semaphore(%arg35 : memref<!tpu.dma_semaphore, #tpu.memory_space<semaphore_mem>>) src(%arg15 : memref<128x16xf32, #tpu.memory_space<vmem>>) dst(%dma_wait3A_331 : memref<10112x16xf32, #tpu.memory_space<vmem_shared>>)
      %add3A_332 = arith.constant 1 : i32
      %add3A_333 = arith.addi %scan3A_84, %add3A_332 : i32
      %lt3A_334 = arith.constant 8 : i32
      %lt3A_335 = arith.cmpi slt, %add3A_333, %lt3A_334 : i32
      %convert_element_type3A_336 = arith.extui %lt3A_335 : i1 to i32
      %cond3A_337 = arith.constant 0 : i32
      %cond3A_338 = arith.cmpi ne, %convert_element_type3A_336, %cond3A_337 : i32
      scf.if %cond3A_338 {
        %add3A_381 = arith.constant 1 : i32
        %add3A_382 = arith.addi %scan3A_84, %add3A_381 : i32
        %mul3A_383 = arith.constant 10 : i32
        %mul3A_384 = arith.muli %add3A_382, %mul3A_383 : i32
        %add3A_385 = arith.constant 6 : i32
        %add3A_386 = arith.addi %mul3A_384, %add3A_385 : i32
        %dma_start3A_387 = arith.constant 0 : i32
        %dma_start3A_388 = tpu.memref_slice %arg7[%add3A_386, %dma_start3A_387] : memref<80x128xi32, #tpu.memory_space<vmem>> -> memref<1x128xi32, #tpu.memory_space<vmem>>
        %dma_start3A_389 = tpu.memref_squeeze %dma_start3A_388 : memref<1x128xi32, #tpu.memory_space<vmem>> -> memref<128xi32, #tpu.memory_space<vmem>>
        %dma_start3A_390 = arith.constant 0 : i32
        %dma_start3A_391 = arith.constant 0 : i32
        %dma_start3A_392 = tpu.memref_slice %arg2[%dma_start3A_390, %dma_start3A_391] : memref<10112x16xf32, #tpu.memory_space<hbm>> -> memref<10112x16xf32, #tpu.memory_space<hbm>>
        tpu.enqueue_indirect_dma source(%dma_start3A_392 : memref<10112x16xf32, #tpu.memory_space<hbm>>) target(%arg15 : memref<128x16xf32, #tpu.memory_space<vmem>>) offsets(%dma_start3A_389 : memref<128xi32, #tpu.memory_space<vmem>>) semaphore(%arg25 : memref<!tpu.dma_semaphore, #tpu.memory_space<semaphore_mem>>)
      } else {
      }
      %dma_wait3A_339 = arith.constant 7 : i32
      %dma_wait3A_340 = arith.constant 0 : i32
      %dma_wait3A_341 = tpu.memref_slice %arg8[%dma_wait3A_339, %dma_wait3A_340] : memref<80x128xi32, #tpu.memory_space<vmem>> -> memref<1x128xi32, #tpu.memory_space<vmem>>
      %dma_wait3A_342 = tpu.memref_squeeze %dma_wait3A_341 : memref<1x128xi32, #tpu.memory_space<vmem>> -> memref<128xi32, #tpu.memory_space<vmem>>
      %dma_wait3A_343 = arith.constant 0 : i32
      %dma_wait3A_344 = arith.constant 0 : i32
      %dma_wait3A_345 = tpu.memref_slice %arg6[%dma_wait3A_343, %dma_wait3A_344] : memref<10112x16xf32, #tpu.memory_space<vmem_shared>> -> memref<10112x16xf32, #tpu.memory_space<vmem_shared>>
      tpu.wait_indirect_dma semaphore(%arg36 : memref<!tpu.dma_semaphore, #tpu.memory_space<semaphore_mem>>) src(%arg16 : memref<128x16xf32, #tpu.memory_space<vmem>>) dst(%dma_wait3A_345 : memref<10112x16xf32, #tpu.memory_space<vmem_shared>>)
      %add3A_346 = arith.constant 1 : i32
      %add3A_347 = arith.addi %scan3A_84, %add3A_346 : i32
      %lt3A_348 = arith.constant 8 : i32
      %lt3A_349 = arith.cmpi slt, %add3A_347, %lt3A_348 : i32
      %convert_element_type3A_350 = arith.extui %lt3A_349 : i1 to i32
      %cond3A_351 = arith.constant 0 : i32
      %cond3A_352 = arith.cmpi ne, %convert_element_type3A_350, %cond3A_351 : i32
      scf.if %cond3A_352 {
        %add3A_381 = arith.constant 1 : i32
        %add3A_382 = arith.addi %scan3A_84, %add3A_381 : i32
        %mul3A_383 = arith.constant 10 : i32
        %mul3A_384 = arith.muli %add3A_382, %mul3A_383 : i32
        %add3A_385 = arith.constant 7 : i32
        %add3A_386 = arith.addi %mul3A_384, %add3A_385 : i32
        %dma_start3A_387 = arith.constant 0 : i32
        %dma_start3A_388 = tpu.memref_slice %arg7[%add3A_386, %dma_start3A_387] : memref<80x128xi32, #tpu.memory_space<vmem>> -> memref<1x128xi32, #tpu.memory_space<vmem>>
        %dma_start3A_389 = tpu.memref_squeeze %dma_start3A_388 : memref<1x128xi32, #tpu.memory_space<vmem>> -> memref<128xi32, #tpu.memory_space<vmem>>
        %dma_start3A_390 = arith.constant 0 : i32
        %dma_start3A_391 = arith.constant 0 : i32
        %dma_start3A_392 = tpu.memref_slice %arg2[%dma_start3A_390, %dma_start3A_391] : memref<10112x16xf32, #tpu.memory_space<hbm>> -> memref<10112x16xf32, #tpu.memory_space<hbm>>
        tpu.enqueue_indirect_dma source(%dma_start3A_392 : memref<10112x16xf32, #tpu.memory_space<hbm>>) target(%arg16 : memref<128x16xf32, #tpu.memory_space<vmem>>) offsets(%dma_start3A_389 : memref<128xi32, #tpu.memory_space<vmem>>) semaphore(%arg26 : memref<!tpu.dma_semaphore, #tpu.memory_space<semaphore_mem>>)
      } else {
      }
      %dma_wait3A_353 = arith.constant 8 : i32
      %dma_wait3A_354 = arith.constant 0 : i32
      %dma_wait3A_355 = tpu.memref_slice %arg8[%dma_wait3A_353, %dma_wait3A_354] : memref<80x128xi32, #tpu.memory_space<vmem>> -> memref<1x128xi32, #tpu.memory_space<vmem>>
      %dma_wait3A_356 = tpu.memref_squeeze %dma_wait3A_355 : memref<1x128xi32, #tpu.memory_space<vmem>> -> memref<128xi32, #tpu.memory_space<vmem>>
      %dma_wait3A_357 = arith.constant 0 : i32
      %dma_wait3A_358 = arith.constant 0 : i32
      %dma_wait3A_359 = tpu.memref_slice %arg6[%dma_wait3A_357, %dma_wait3A_358] : memref<10112x16xf32, #tpu.memory_space<vmem_shared>> -> memref<10112x16xf32, #tpu.memory_space<vmem_shared>>
      tpu.wait_indirect_dma semaphore(%arg37 : memref<!tpu.dma_semaphore, #tpu.memory_space<semaphore_mem>>) src(%arg17 : memref<128x16xf32, #tpu.memory_space<vmem>>) dst(%dma_wait3A_359 : memref<10112x16xf32, #tpu.memory_space<vmem_shared>>)
      %add3A_360 = arith.constant 1 : i32
      %add3A_361 = arith.addi %scan3A_84, %add3A_360 : i32
      %lt3A_362 = arith.constant 8 : i32
      %lt3A_363 = arith.cmpi slt, %add3A_361, %lt3A_362 : i32
      %convert_element_type3A_364 = arith.extui %lt3A_363 : i1 to i32
      %cond3A_365 = arith.constant 0 : i32
      %cond3A_366 = arith.cmpi ne, %convert_element_type3A_364, %cond3A_365 : i32
      scf.if %cond3A_366 {
        %add3A_381 = arith.constant 1 : i32
        %add3A_382 = arith.addi %scan3A_84, %add3A_381 : i32
        %mul3A_383 = arith.constant 10 : i32
        %mul3A_384 = arith.muli %add3A_382, %mul3A_383 : i32
        %add3A_385 = arith.constant 8 : i32
        %add3A_386 = arith.addi %mul3A_384, %add3A_385 : i32
        %dma_start3A_387 = arith.constant 0 : i32
        %dma_start3A_388 = tpu.memref_slice %arg7[%add3A_386, %dma_start3A_387] : memref<80x128xi32, #tpu.memory_space<vmem>> -> memref<1x128xi32, #tpu.memory_space<vmem>>
        %dma_start3A_389 = tpu.memref_squeeze %dma_start3A_388 : memref<1x128xi32, #tpu.memory_space<vmem>> -> memref<128xi32, #tpu.memory_space<vmem>>
        %dma_start3A_390 = arith.constant 0 : i32
        %dma_start3A_391 = arith.constant 0 : i32
        %dma_start3A_392 = tpu.memref_slice %arg2[%dma_start3A_390, %dma_start3A_391] : memref<10112x16xf32, #tpu.memory_space<hbm>> -> memref<10112x16xf32, #tpu.memory_space<hbm>>
        tpu.enqueue_indirect_dma source(%dma_start3A_392 : memref<10112x16xf32, #tpu.memory_space<hbm>>) target(%arg17 : memref<128x16xf32, #tpu.memory_space<vmem>>) offsets(%dma_start3A_389 : memref<128xi32, #tpu.memory_space<vmem>>) semaphore(%arg27 : memref<!tpu.dma_semaphore, #tpu.memory_space<semaphore_mem>>)
      } else {
      }
      %dma_wait3A_367 = arith.constant 9 : i32
      %dma_wait3A_368 = arith.constant 0 : i32
      %dma_wait3A_369 = tpu.memref_slice %arg8[%dma_wait3A_367, %dma_wait3A_368] : memref<80x128xi32, #tpu.memory_space<vmem>> -> memref<1x128xi32, #tpu.memory_space<vmem>>
      %dma_wait3A_370 = tpu.memref_squeeze %dma_wait3A_369 : memref<1x128xi32, #tpu.memory_space<vmem>> -> memref<128xi32, #tpu.memory_space<vmem>>
      %dma_wait3A_371 = arith.constant 0 : i32
      %dma_wait3A_372 = arith.constant 0 : i32
      %dma_wait3A_373 = tpu.memref_slice %arg6[%dma_wait3A_371, %dma_wait3A_372] : memref<10112x16xf32, #tpu.memory_space<vmem_shared>> -> memref<10112x16xf32, #tpu.memory_space<vmem_shared>>
      tpu.wait_indirect_dma semaphore(%arg38 : memref<!tpu.dma_semaphore, #tpu.memory_space<semaphore_mem>>) src(%arg18 : memref<128x16xf32, #tpu.memory_space<vmem>>) dst(%dma_wait3A_373 : memref<10112x16xf32, #tpu.memory_space<vmem_shared>>)
      %add3A_374 = arith.constant 1 : i32
      %add3A_375 = arith.addi %scan3A_84, %add3A_374 : i32
      %lt3A_376 = arith.constant 8 : i32
      %lt3A_377 = arith.cmpi slt, %add3A_375, %lt3A_376 : i32
      %convert_element_type3A_378 = arith.extui %lt3A_377 : i1 to i32
      %cond3A_379 = arith.constant 0 : i32
      %cond3A_380 = arith.cmpi ne, %convert_element_type3A_378, %cond3A_379 : i32
      scf.if %cond3A_380 {
        %add3A_381 = arith.constant 1 : i32
        %add3A_382 = arith.addi %scan3A_84, %add3A_381 : i32
        %mul3A_383 = arith.constant 10 : i32
        %mul3A_384 = arith.muli %add3A_382, %mul3A_383 : i32
        %add3A_385 = arith.constant 9 : i32
        %add3A_386 = arith.addi %mul3A_384, %add3A_385 : i32
        %dma_start3A_387 = arith.constant 0 : i32
        %dma_start3A_388 = tpu.memref_slice %arg7[%add3A_386, %dma_start3A_387] : memref<80x128xi32, #tpu.memory_space<vmem>> -> memref<1x128xi32, #tpu.memory_space<vmem>>
        %dma_start3A_389 = tpu.memref_squeeze %dma_start3A_388 : memref<1x128xi32, #tpu.memory_space<vmem>> -> memref<128xi32, #tpu.memory_space<vmem>>
        %dma_start3A_390 = arith.constant 0 : i32
        %dma_start3A_391 = arith.constant 0 : i32
        %dma_start3A_392 = tpu.memref_slice %arg2[%dma_start3A_390, %dma_start3A_391] : memref<10112x16xf32, #tpu.memory_space<hbm>> -> memref<10112x16xf32, #tpu.memory_space<hbm>>
        tpu.enqueue_indirect_dma source(%dma_start3A_392 : memref<10112x16xf32, #tpu.memory_space<hbm>>) target(%arg18 : memref<128x16xf32, #tpu.memory_space<vmem>>) offsets(%dma_start3A_389 : memref<128xi32, #tpu.memory_space<vmem>>) semaphore(%arg28 : memref<!tpu.dma_semaphore, #tpu.memory_space<semaphore_mem>>)
      } else {
      }
    }
    %scan3A_80 = arith.constant 8 : i32
    %barrier3A_81 = arith.constant 0 : index
    tpu.barrier barrier_id(%barrier3A_81)
    %mul3A_82 = arith.constant 16 : i32
    %mul3A_83 = arith.muli %arg0, %mul3A_82 : i32
    "tpu.region"() ({
      %run_scoped3A = tpu.sem_alloc : memref<!tpu.dma_semaphore, #tpu.memory_space<semaphore_mem>>
      %dma_start3A_84 = tpu.memref_slice %arg5[%mul3A_2, %mul3A_83] : memref<10112x32xf32, #tpu.memory_space<hbm>> -> memref<632x16xf32, #tpu.memory_space<hbm>>
      %dma_start3A_85 = arith.constant 0 : i32
      %dma_start3A_86 = tpu.memref_slice %arg6[%mul3A_2, %dma_start3A_85] : memref<10112x16xf32, #tpu.memory_space<vmem_shared>> -> memref<632x16xf32, #tpu.memory_space<vmem_shared>>
      tpu.enqueue_dma source(%dma_start3A_86 : memref<632x16xf32, #tpu.memory_space<vmem_shared>>) target(%dma_start3A_84 : memref<632x16xf32, #tpu.memory_space<hbm>>) target_semaphore(%run_scoped3A : memref<!tpu.dma_semaphore, #tpu.memory_space<semaphore_mem>>)
      %dma_wait3A = tpu.memref_slice %arg5[%mul3A_2, %mul3A_83] : memref<10112x32xf32, #tpu.memory_space<hbm>> -> memref<632x16xf32, #tpu.memory_space<hbm>>
      %dma_wait3A_87 = arith.constant 0 : i32
      %dma_wait3A_88 = tpu.memref_slice %arg6[%mul3A_2, %dma_wait3A_87] : memref<10112x16xf32, #tpu.memory_space<vmem_shared>> -> memref<632x16xf32, #tpu.memory_space<vmem_shared>>
      tpu.wait_dma2 semaphore(%run_scoped3A : memref<!tpu.dma_semaphore, #tpu.memory_space<semaphore_mem>>) src(%dma_wait3A_88 : memref<632x16xf32, #tpu.memory_space<vmem_shared>>) dst(%dma_wait3A : memref<632x16xf32, #tpu.memory_space<hbm>>)
      tpu.yield
    }) : () -> ()
    return
  }
}

#map = affine_map<(d0, d1) -> (0, 0)>
module attributes {stable_mosaic.version = 14 : i64} {
  func.func @agg(%arg0: i32, %arg1: i32, %arg2: memref<10112x8xf32, #tpu.memory_space<hbm>>, %arg3: memref<2560x128xi32, #tpu.memory_space<hbm>>, %arg4: memref<2560x128xi32, #tpu.memory_space<hbm>>, %arg5: memref<10112x16xf32, #tpu.memory_space<hbm>>, %arg6: memref<10112x8xf32, #tpu.memory_space<vmem_shared>>, %arg7: memref<80x128xi32, #tpu.memory_space<vmem>>, %arg8: memref<80x128xi32, #tpu.memory_space<vmem>>, %arg9: memref<128x8xf32, #tpu.memory_space<vmem>>, %arg10: memref<128x8xf32, #tpu.memory_space<vmem>>, %arg11: memref<128x8xf32, #tpu.memory_space<vmem>>, %arg12: memref<128x8xf32, #tpu.memory_space<vmem>>, %arg13: memref<128x8xf32, #tpu.memory_space<vmem>>, %arg14: memref<128x8xf32, #tpu.memory_space<vmem>>, %arg15: memref<128x8xf32, #tpu.memory_space<vmem>>, %arg16: memref<128x8xf32, #tpu.memory_space<vmem>>, %arg17: memref<128x8xf32, #tpu.memory_space<vmem>>, %arg18: memref<128x8xf32, #tpu.memory_space<vmem>>, %arg19: memref<!tpu.dma_semaphore, #tpu.memory_space<semaphore_mem>>, %arg20: memref<!tpu.dma_semaphore, #tpu.memory_space<semaphore_mem>>, %arg21: memref<!tpu.dma_semaphore, #tpu.memory_space<semaphore_mem>>, %arg22: memref<!tpu.dma_semaphore, #tpu.memory_space<semaphore_mem>>, %arg23: memref<!tpu.dma_semaphore, #tpu.memory_space<semaphore_mem>>, %arg24: memref<!tpu.dma_semaphore, #tpu.memory_space<semaphore_mem>>, %arg25: memref<!tpu.dma_semaphore, #tpu.memory_space<semaphore_mem>>, %arg26: memref<!tpu.dma_semaphore, #tpu.memory_space<semaphore_mem>>, %arg27: memref<!tpu.dma_semaphore, #tpu.memory_space<semaphore_mem>>, %arg28: memref<!tpu.dma_semaphore, #tpu.memory_space<semaphore_mem>>, %arg29: memref<!tpu.dma_semaphore, #tpu.memory_space<semaphore_mem>>, %arg30: memref<!tpu.dma_semaphore, #tpu.memory_space<semaphore_mem>>, %arg31: memref<!tpu.dma_semaphore, #tpu.memory_space<semaphore_mem>>, %arg32: memref<!tpu.dma_semaphore, #tpu.memory_space<semaphore_mem>>, %arg33: memref<!tpu.dma_semaphore, #tpu.memory_space<semaphore_mem>>, %arg34: memref<!tpu.dma_semaphore, #tpu.memory_space<semaphore_mem>>, %arg35: memref<!tpu.dma_semaphore, #tpu.memory_space<semaphore_mem>>, %arg36: memref<!tpu.dma_semaphore, #tpu.memory_space<semaphore_mem>>, %arg37: memref<!tpu.dma_semaphore, #tpu.memory_space<semaphore_mem>>, %arg38: memref<!tpu.dma_semaphore, #tpu.memory_space<semaphore_mem>>) attributes {dimension_semantics = [#tpu.dimension_semantics<core_parallel>, #tpu.dimension_semantics<subcore_parallel>], iteration_bounds = array<i64: 2, 16>, scalar_prefetch = 0 : i64, scratch_operands = 33 : i64, tpu.core_type = #tpu.core_type<sc_vector_subcore>, window_params = [{transform_indices = #map}, {transform_indices = #map}, {transform_indices = #map}, {transform_indices = #map}]} {
    %mul3A = arith.constant 2 : i32
    %mul3A_0 = arith.muli %arg1, %mul3A : i32
    %add3A = arith.addi %mul3A_0, %arg0 : i32
    %mul3A_1 = arith.constant 632 : i32
    %mul3A_2 = arith.muli %arg1, %mul3A_1 : i32
    "tpu.region"() ({
      %run_scoped3A = tpu.sem_alloc : memref<!tpu.dma_semaphore, #tpu.memory_space<semaphore_mem>>
      %dma_start3A_84 = arith.constant 0 : i32
      %dma_start3A_85 = tpu.memref_slice %arg6[%mul3A_2, %dma_start3A_84] : memref<10112x8xf32, #tpu.memory_space<vmem_shared>> -> memref<632x8xf32, #tpu.memory_space<vmem_shared>>
      %dma_start3A_86 = arith.constant 0 : i32
      %dma_start3A_87 = tpu.memref_slice %arg2[%mul3A_2, %dma_start3A_86] : memref<10112x8xf32, #tpu.memory_space<hbm>> -> memref<632x8xf32, #tpu.memory_space<hbm>>
      tpu.enqueue_dma source(%dma_start3A_87 : memref<632x8xf32, #tpu.memory_space<hbm>>) target(%dma_start3A_85 : memref<632x8xf32, #tpu.memory_space<vmem_shared>>) target_semaphore(%run_scoped3A : memref<!tpu.dma_semaphore, #tpu.memory_space<semaphore_mem>>)
      %dma_wait3A = arith.constant 0 : i32
      %dma_wait3A_88 = tpu.memref_slice %arg6[%mul3A_2, %dma_wait3A] : memref<10112x8xf32, #tpu.memory_space<vmem_shared>> -> memref<632x8xf32, #tpu.memory_space<vmem_shared>>
      %dma_wait3A_89 = arith.constant 0 : i32
      %dma_wait3A_90 = tpu.memref_slice %arg2[%mul3A_2, %dma_wait3A_89] : memref<10112x8xf32, #tpu.memory_space<hbm>> -> memref<632x8xf32, #tpu.memory_space<hbm>>
      tpu.wait_dma2 semaphore(%run_scoped3A : memref<!tpu.dma_semaphore, #tpu.memory_space<semaphore_mem>>) src(%dma_wait3A_90 : memref<632x8xf32, #tpu.memory_space<hbm>>) dst(%dma_wait3A_88 : memref<632x8xf32, #tpu.memory_space<vmem_shared>>)
      tpu.yield
    }) : () -> ()
    %mul3A_3 = arith.constant 80 : i32
    %mul3A_4 = arith.muli %add3A, %mul3A_3 : i32
    "tpu.region"() ({
      %run_scoped3A = tpu.sem_alloc : memref<!tpu.dma_semaphore, #tpu.memory_space<semaphore_mem>>
      %dma_start3A_84 = arith.constant 0 : i32
      %dma_start3A_85 = tpu.memref_slice %arg3[%mul3A_4, %dma_start3A_84] : memref<2560x128xi32, #tpu.memory_space<hbm>> -> memref<80x128xi32, #tpu.memory_space<hbm>>
      %dma_start3A_86 = arith.constant 0 : i32
      %dma_start3A_87 = tpu.memref_slice %arg3[%mul3A_4, %dma_start3A_86] : memref<2560x128xi32, #tpu.memory_space<hbm>> -> memref<80x128xi32, #tpu.memory_space<hbm>>
      tpu.enqueue_dma source(%dma_start3A_87 : memref<80x128xi32, #tpu.memory_space<hbm>>) target(%arg7 : memref<80x128xi32, #tpu.memory_space<vmem>>) target_semaphore(%run_scoped3A : memref<!tpu.dma_semaphore, #tpu.memory_space<semaphore_mem>>)
      %dma_wait3A = arith.constant 0 : i32
      %dma_wait3A_88 = tpu.memref_slice %arg3[%mul3A_4, %dma_wait3A] : memref<2560x128xi32, #tpu.memory_space<hbm>> -> memref<80x128xi32, #tpu.memory_space<hbm>>
      %dma_wait3A_89 = arith.constant 0 : i32
      %dma_wait3A_90 = tpu.memref_slice %arg3[%mul3A_4, %dma_wait3A_89] : memref<2560x128xi32, #tpu.memory_space<hbm>> -> memref<80x128xi32, #tpu.memory_space<hbm>>
      tpu.wait_dma2 semaphore(%run_scoped3A : memref<!tpu.dma_semaphore, #tpu.memory_space<semaphore_mem>>) src(%dma_wait3A_90 : memref<80x128xi32, #tpu.memory_space<hbm>>) dst(%arg7 : memref<80x128xi32, #tpu.memory_space<vmem>>)
      tpu.yield
    }) : () -> ()
    %mul3A_5 = arith.constant 80 : i32
    %mul3A_6 = arith.muli %add3A, %mul3A_5 : i32
    "tpu.region"() ({
      %run_scoped3A = tpu.sem_alloc : memref<!tpu.dma_semaphore, #tpu.memory_space<semaphore_mem>>
      %dma_start3A_84 = arith.constant 0 : i32
      %dma_start3A_85 = tpu.memref_slice %arg4[%mul3A_6, %dma_start3A_84] : memref<2560x128xi32, #tpu.memory_space<hbm>> -> memref<80x128xi32, #tpu.memory_space<hbm>>
      %dma_start3A_86 = arith.constant 0 : i32
      %dma_start3A_87 = tpu.memref_slice %arg4[%mul3A_6, %dma_start3A_86] : memref<2560x128xi32, #tpu.memory_space<hbm>> -> memref<80x128xi32, #tpu.memory_space<hbm>>
      tpu.enqueue_dma source(%dma_start3A_87 : memref<80x128xi32, #tpu.memory_space<hbm>>) target(%arg8 : memref<80x128xi32, #tpu.memory_space<vmem>>) target_semaphore(%run_scoped3A : memref<!tpu.dma_semaphore, #tpu.memory_space<semaphore_mem>>)
      %dma_wait3A = arith.constant 0 : i32
      %dma_wait3A_88 = tpu.memref_slice %arg4[%mul3A_6, %dma_wait3A] : memref<2560x128xi32, #tpu.memory_space<hbm>> -> memref<80x128xi32, #tpu.memory_space<hbm>>
      %dma_wait3A_89 = arith.constant 0 : i32
      %dma_wait3A_90 = tpu.memref_slice %arg4[%mul3A_6, %dma_wait3A_89] : memref<2560x128xi32, #tpu.memory_space<hbm>> -> memref<80x128xi32, #tpu.memory_space<hbm>>
      tpu.wait_dma2 semaphore(%run_scoped3A : memref<!tpu.dma_semaphore, #tpu.memory_space<semaphore_mem>>) src(%dma_wait3A_90 : memref<80x128xi32, #tpu.memory_space<hbm>>) dst(%arg8 : memref<80x128xi32, #tpu.memory_space<vmem>>)
      tpu.yield
    }) : () -> ()
    %barrier3A = arith.constant 0 : index
    tpu.barrier barrier_id(%barrier3A)
    %dma_start3A = arith.constant 0 : i32
    %dma_start3A_7 = arith.constant 0 : i32
    %dma_start3A_8 = tpu.memref_slice %arg7[%dma_start3A, %dma_start3A_7] : memref<80x128xi32, #tpu.memory_space<vmem>> -> memref<1x128xi32, #tpu.memory_space<vmem>>
    %dma_start3A_9 = tpu.memref_squeeze %dma_start3A_8 : memref<1x128xi32, #tpu.memory_space<vmem>> -> memref<128xi32, #tpu.memory_space<vmem>>
    %dma_start3A_10 = arith.constant 0 : i32
    %dma_start3A_11 = arith.constant 0 : i32
    %dma_start3A_12 = tpu.memref_slice %arg2[%dma_start3A_10, %dma_start3A_11] : memref<10112x8xf32, #tpu.memory_space<hbm>> -> memref<10112x8xf32, #tpu.memory_space<hbm>>
    tpu.enqueue_indirect_dma source(%dma_start3A_12 : memref<10112x8xf32, #tpu.memory_space<hbm>>) target(%arg9 : memref<128x8xf32, #tpu.memory_space<vmem>>) offsets(%dma_start3A_9 : memref<128xi32, #tpu.memory_space<vmem>>) semaphore(%arg19 : memref<!tpu.dma_semaphore, #tpu.memory_space<semaphore_mem>>)
    %dma_start3A_13 = arith.constant 1 : i32
    %dma_start3A_14 = arith.constant 0 : i32
    %dma_start3A_15 = tpu.memref_slice %arg7[%dma_start3A_13, %dma_start3A_14] : memref<80x128xi32, #tpu.memory_space<vmem>> -> memref<1x128xi32, #tpu.memory_space<vmem>>
    %dma_start3A_16 = tpu.memref_squeeze %dma_start3A_15 : memref<1x128xi32, #tpu.memory_space<vmem>> -> memref<128xi32, #tpu.memory_space<vmem>>
    %dma_start3A_17 = arith.constant 0 : i32
    %dma_start3A_18 = arith.constant 0 : i32
    %dma_start3A_19 = tpu.memref_slice %arg2[%dma_start3A_17, %dma_start3A_18] : memref<10112x8xf32, #tpu.memory_space<hbm>> -> memref<10112x8xf32, #tpu.memory_space<hbm>>
    tpu.enqueue_indirect_dma source(%dma_start3A_19 : memref<10112x8xf32, #tpu.memory_space<hbm>>) target(%arg10 : memref<128x8xf32, #tpu.memory_space<vmem>>) offsets(%dma_start3A_16 : memref<128xi32, #tpu.memory_space<vmem>>) semaphore(%arg20 : memref<!tpu.dma_semaphore, #tpu.memory_space<semaphore_mem>>)
    %dma_start3A_20 = arith.constant 2 : i32
    %dma_start3A_21 = arith.constant 0 : i32
    %dma_start3A_22 = tpu.memref_slice %arg7[%dma_start3A_20, %dma_start3A_21] : memref<80x128xi32, #tpu.memory_space<vmem>> -> memref<1x128xi32, #tpu.memory_space<vmem>>
    %dma_start3A_23 = tpu.memref_squeeze %dma_start3A_22 : memref<1x128xi32, #tpu.memory_space<vmem>> -> memref<128xi32, #tpu.memory_space<vmem>>
    %dma_start3A_24 = arith.constant 0 : i32
    %dma_start3A_25 = arith.constant 0 : i32
    %dma_start3A_26 = tpu.memref_slice %arg2[%dma_start3A_24, %dma_start3A_25] : memref<10112x8xf32, #tpu.memory_space<hbm>> -> memref<10112x8xf32, #tpu.memory_space<hbm>>
    tpu.enqueue_indirect_dma source(%dma_start3A_26 : memref<10112x8xf32, #tpu.memory_space<hbm>>) target(%arg11 : memref<128x8xf32, #tpu.memory_space<vmem>>) offsets(%dma_start3A_23 : memref<128xi32, #tpu.memory_space<vmem>>) semaphore(%arg21 : memref<!tpu.dma_semaphore, #tpu.memory_space<semaphore_mem>>)
    %dma_start3A_27 = arith.constant 3 : i32
    %dma_start3A_28 = arith.constant 0 : i32
    %dma_start3A_29 = tpu.memref_slice %arg7[%dma_start3A_27, %dma_start3A_28] : memref<80x128xi32, #tpu.memory_space<vmem>> -> memref<1x128xi32, #tpu.memory_space<vmem>>
    %dma_start3A_30 = tpu.memref_squeeze %dma_start3A_29 : memref<1x128xi32, #tpu.memory_space<vmem>> -> memref<128xi32, #tpu.memory_space<vmem>>
    %dma_start3A_31 = arith.constant 0 : i32
    %dma_start3A_32 = arith.constant 0 : i32
    %dma_start3A_33 = tpu.memref_slice %arg2[%dma_start3A_31, %dma_start3A_32] : memref<10112x8xf32, #tpu.memory_space<hbm>> -> memref<10112x8xf32, #tpu.memory_space<hbm>>
    tpu.enqueue_indirect_dma source(%dma_start3A_33 : memref<10112x8xf32, #tpu.memory_space<hbm>>) target(%arg12 : memref<128x8xf32, #tpu.memory_space<vmem>>) offsets(%dma_start3A_30 : memref<128xi32, #tpu.memory_space<vmem>>) semaphore(%arg22 : memref<!tpu.dma_semaphore, #tpu.memory_space<semaphore_mem>>)
    %dma_start3A_34 = arith.constant 4 : i32
    %dma_start3A_35 = arith.constant 0 : i32
    %dma_start3A_36 = tpu.memref_slice %arg7[%dma_start3A_34, %dma_start3A_35] : memref<80x128xi32, #tpu.memory_space<vmem>> -> memref<1x128xi32, #tpu.memory_space<vmem>>
    %dma_start3A_37 = tpu.memref_squeeze %dma_start3A_36 : memref<1x128xi32, #tpu.memory_space<vmem>> -> memref<128xi32, #tpu.memory_space<vmem>>
    %dma_start3A_38 = arith.constant 0 : i32
    %dma_start3A_39 = arith.constant 0 : i32
    %dma_start3A_40 = tpu.memref_slice %arg2[%dma_start3A_38, %dma_start3A_39] : memref<10112x8xf32, #tpu.memory_space<hbm>> -> memref<10112x8xf32, #tpu.memory_space<hbm>>
    tpu.enqueue_indirect_dma source(%dma_start3A_40 : memref<10112x8xf32, #tpu.memory_space<hbm>>) target(%arg13 : memref<128x8xf32, #tpu.memory_space<vmem>>) offsets(%dma_start3A_37 : memref<128xi32, #tpu.memory_space<vmem>>) semaphore(%arg23 : memref<!tpu.dma_semaphore, #tpu.memory_space<semaphore_mem>>)
    %dma_start3A_41 = arith.constant 5 : i32
    %dma_start3A_42 = arith.constant 0 : i32
    %dma_start3A_43 = tpu.memref_slice %arg7[%dma_start3A_41, %dma_start3A_42] : memref<80x128xi32, #tpu.memory_space<vmem>> -> memref<1x128xi32, #tpu.memory_space<vmem>>
    %dma_start3A_44 = tpu.memref_squeeze %dma_start3A_43 : memref<1x128xi32, #tpu.memory_space<vmem>> -> memref<128xi32, #tpu.memory_space<vmem>>
    %dma_start3A_45 = arith.constant 0 : i32
    %dma_start3A_46 = arith.constant 0 : i32
    %dma_start3A_47 = tpu.memref_slice %arg2[%dma_start3A_45, %dma_start3A_46] : memref<10112x8xf32, #tpu.memory_space<hbm>> -> memref<10112x8xf32, #tpu.memory_space<hbm>>
    tpu.enqueue_indirect_dma source(%dma_start3A_47 : memref<10112x8xf32, #tpu.memory_space<hbm>>) target(%arg14 : memref<128x8xf32, #tpu.memory_space<vmem>>) offsets(%dma_start3A_44 : memref<128xi32, #tpu.memory_space<vmem>>) semaphore(%arg24 : memref<!tpu.dma_semaphore, #tpu.memory_space<semaphore_mem>>)
    %dma_start3A_48 = arith.constant 6 : i32
    %dma_start3A_49 = arith.constant 0 : i32
    %dma_start3A_50 = tpu.memref_slice %arg7[%dma_start3A_48, %dma_start3A_49] : memref<80x128xi32, #tpu.memory_space<vmem>> -> memref<1x128xi32, #tpu.memory_space<vmem>>
    %dma_start3A_51 = tpu.memref_squeeze %dma_start3A_50 : memref<1x128xi32, #tpu.memory_space<vmem>> -> memref<128xi32, #tpu.memory_space<vmem>>
    %dma_start3A_52 = arith.constant 0 : i32
    %dma_start3A_53 = arith.constant 0 : i32
    %dma_start3A_54 = tpu.memref_slice %arg2[%dma_start3A_52, %dma_start3A_53] : memref<10112x8xf32, #tpu.memory_space<hbm>> -> memref<10112x8xf32, #tpu.memory_space<hbm>>
    tpu.enqueue_indirect_dma source(%dma_start3A_54 : memref<10112x8xf32, #tpu.memory_space<hbm>>) target(%arg15 : memref<128x8xf32, #tpu.memory_space<vmem>>) offsets(%dma_start3A_51 : memref<128xi32, #tpu.memory_space<vmem>>) semaphore(%arg25 : memref<!tpu.dma_semaphore, #tpu.memory_space<semaphore_mem>>)
    %dma_start3A_55 = arith.constant 7 : i32
    %dma_start3A_56 = arith.constant 0 : i32
    %dma_start3A_57 = tpu.memref_slice %arg7[%dma_start3A_55, %dma_start3A_56] : memref<80x128xi32, #tpu.memory_space<vmem>> -> memref<1x128xi32, #tpu.memory_space<vmem>>
    %dma_start3A_58 = tpu.memref_squeeze %dma_start3A_57 : memref<1x128xi32, #tpu.memory_space<vmem>> -> memref<128xi32, #tpu.memory_space<vmem>>
    %dma_start3A_59 = arith.constant 0 : i32
    %dma_start3A_60 = arith.constant 0 : i32
    %dma_start3A_61 = tpu.memref_slice %arg2[%dma_start3A_59, %dma_start3A_60] : memref<10112x8xf32, #tpu.memory_space<hbm>> -> memref<10112x8xf32, #tpu.memory_space<hbm>>
    tpu.enqueue_indirect_dma source(%dma_start3A_61 : memref<10112x8xf32, #tpu.memory_space<hbm>>) target(%arg16 : memref<128x8xf32, #tpu.memory_space<vmem>>) offsets(%dma_start3A_58 : memref<128xi32, #tpu.memory_space<vmem>>) semaphore(%arg26 : memref<!tpu.dma_semaphore, #tpu.memory_space<semaphore_mem>>)
    %dma_start3A_62 = arith.constant 8 : i32
    %dma_start3A_63 = arith.constant 0 : i32
    %dma_start3A_64 = tpu.memref_slice %arg7[%dma_start3A_62, %dma_start3A_63] : memref<80x128xi32, #tpu.memory_space<vmem>> -> memref<1x128xi32, #tpu.memory_space<vmem>>
    %dma_start3A_65 = tpu.memref_squeeze %dma_start3A_64 : memref<1x128xi32, #tpu.memory_space<vmem>> -> memref<128xi32, #tpu.memory_space<vmem>>
    %dma_start3A_66 = arith.constant 0 : i32
    %dma_start3A_67 = arith.constant 0 : i32
    %dma_start3A_68 = tpu.memref_slice %arg2[%dma_start3A_66, %dma_start3A_67] : memref<10112x8xf32, #tpu.memory_space<hbm>> -> memref<10112x8xf32, #tpu.memory_space<hbm>>
    tpu.enqueue_indirect_dma source(%dma_start3A_68 : memref<10112x8xf32, #tpu.memory_space<hbm>>) target(%arg17 : memref<128x8xf32, #tpu.memory_space<vmem>>) offsets(%dma_start3A_65 : memref<128xi32, #tpu.memory_space<vmem>>) semaphore(%arg27 : memref<!tpu.dma_semaphore, #tpu.memory_space<semaphore_mem>>)
    %dma_start3A_69 = arith.constant 9 : i32
    %dma_start3A_70 = arith.constant 0 : i32
    %dma_start3A_71 = tpu.memref_slice %arg7[%dma_start3A_69, %dma_start3A_70] : memref<80x128xi32, #tpu.memory_space<vmem>> -> memref<1x128xi32, #tpu.memory_space<vmem>>
    %dma_start3A_72 = tpu.memref_squeeze %dma_start3A_71 : memref<1x128xi32, #tpu.memory_space<vmem>> -> memref<128xi32, #tpu.memory_space<vmem>>
    %dma_start3A_73 = arith.constant 0 : i32
    %dma_start3A_74 = arith.constant 0 : i32
    %dma_start3A_75 = tpu.memref_slice %arg2[%dma_start3A_73, %dma_start3A_74] : memref<10112x8xf32, #tpu.memory_space<hbm>> -> memref<10112x8xf32, #tpu.memory_space<hbm>>
    tpu.enqueue_indirect_dma source(%dma_start3A_75 : memref<10112x8xf32, #tpu.memory_space<hbm>>) target(%arg18 : memref<128x8xf32, #tpu.memory_space<vmem>>) offsets(%dma_start3A_72 : memref<128xi32, #tpu.memory_space<vmem>>) semaphore(%arg28 : memref<!tpu.dma_semaphore, #tpu.memory_space<semaphore_mem>>)
    %scan3A = arith.constant 0 : i32
    %scan3A_76 = arith.constant 0 : i32
    %scan3A_77 = arith.constant 8 : i32
    %scan3A_78 = arith.addi %scan3A_76, %scan3A_77 : i32
    %scan3A_79 = arith.constant 1 : i32
    scf.for %scan3A_84 = %scan3A_76 to %scan3A_78 step %scan3A_79  : i32 {
      %mul3A_85 = arith.constant 10 : i32
      %mul3A_86 = arith.muli %scan3A_84, %mul3A_85 : i32
      %add3A_87 = arith.constant 0 : i32
      %add3A_88 = arith.addi %mul3A_86, %add3A_87 : i32
      %dma_wait3A = arith.constant 0 : i32
      %dma_wait3A_89 = tpu.memref_slice %arg7[%add3A_88, %dma_wait3A] : memref<80x128xi32, #tpu.memory_space<vmem>> -> memref<1x128xi32, #tpu.memory_space<vmem>>
      %dma_wait3A_90 = tpu.memref_squeeze %dma_wait3A_89 : memref<1x128xi32, #tpu.memory_space<vmem>> -> memref<128xi32, #tpu.memory_space<vmem>>
      %dma_wait3A_91 = arith.constant 0 : i32
      %dma_wait3A_92 = arith.constant 0 : i32
      %dma_wait3A_93 = tpu.memref_slice %arg2[%dma_wait3A_91, %dma_wait3A_92] : memref<10112x8xf32, #tpu.memory_space<hbm>> -> memref<10112x8xf32, #tpu.memory_space<hbm>>
      tpu.wait_indirect_dma semaphore(%arg19 : memref<!tpu.dma_semaphore, #tpu.memory_space<semaphore_mem>>) src(%dma_wait3A_93 : memref<10112x8xf32, #tpu.memory_space<hbm>>) dst(%arg9 : memref<128x8xf32, #tpu.memory_space<vmem>>)
      %dma_start3A_94 = arith.constant 0 : i32
      %dma_start3A_95 = tpu.memref_slice %arg8[%add3A_88, %dma_start3A_94] : memref<80x128xi32, #tpu.memory_space<vmem>> -> memref<1x128xi32, #tpu.memory_space<vmem>>
      %dma_start3A_96 = tpu.memref_squeeze %dma_start3A_95 : memref<1x128xi32, #tpu.memory_space<vmem>> -> memref<128xi32, #tpu.memory_space<vmem>>
      %dma_start3A_97 = arith.constant 0 : i32
      %dma_start3A_98 = arith.constant 0 : i32
      %dma_start3A_99 = tpu.memref_slice %arg6[%dma_start3A_97, %dma_start3A_98] : memref<10112x8xf32, #tpu.memory_space<vmem_shared>> -> memref<10112x8xf32, #tpu.memory_space<vmem_shared>>
      tpu.enqueue_indirect_dma source(%arg9 : memref<128x8xf32, #tpu.memory_space<vmem>>) target(%dma_start3A_99 : memref<10112x8xf32, #tpu.memory_space<vmem_shared>>) offsets(%dma_start3A_96 : memref<128xi32, #tpu.memory_space<vmem>>) semaphore(%arg29 : memref<!tpu.dma_semaphore, #tpu.memory_space<semaphore_mem>>) {add = true}
      %mul3A_100 = arith.constant 10 : i32
      %mul3A_101 = arith.muli %scan3A_84, %mul3A_100 : i32
      %add3A_102 = arith.constant 1 : i32
      %add3A_103 = arith.addi %mul3A_101, %add3A_102 : i32
      %dma_wait3A_104 = arith.constant 0 : i32
      %dma_wait3A_105 = tpu.memref_slice %arg7[%add3A_103, %dma_wait3A_104] : memref<80x128xi32, #tpu.memory_space<vmem>> -> memref<1x128xi32, #tpu.memory_space<vmem>>
      %dma_wait3A_106 = tpu.memref_squeeze %dma_wait3A_105 : memref<1x128xi32, #tpu.memory_space<vmem>> -> memref<128xi32, #tpu.memory_space<vmem>>
      %dma_wait3A_107 = arith.constant 0 : i32
      %dma_wait3A_108 = arith.constant 0 : i32
      %dma_wait3A_109 = tpu.memref_slice %arg2[%dma_wait3A_107, %dma_wait3A_108] : memref<10112x8xf32, #tpu.memory_space<hbm>> -> memref<10112x8xf32, #tpu.memory_space<hbm>>
      tpu.wait_indirect_dma semaphore(%arg20 : memref<!tpu.dma_semaphore, #tpu.memory_space<semaphore_mem>>) src(%dma_wait3A_109 : memref<10112x8xf32, #tpu.memory_space<hbm>>) dst(%arg10 : memref<128x8xf32, #tpu.memory_space<vmem>>)
      %dma_start3A_110 = arith.constant 0 : i32
      %dma_start3A_111 = tpu.memref_slice %arg8[%add3A_103, %dma_start3A_110] : memref<80x128xi32, #tpu.memory_space<vmem>> -> memref<1x128xi32, #tpu.memory_space<vmem>>
      %dma_start3A_112 = tpu.memref_squeeze %dma_start3A_111 : memref<1x128xi32, #tpu.memory_space<vmem>> -> memref<128xi32, #tpu.memory_space<vmem>>
      %dma_start3A_113 = arith.constant 0 : i32
      %dma_start3A_114 = arith.constant 0 : i32
      %dma_start3A_115 = tpu.memref_slice %arg6[%dma_start3A_113, %dma_start3A_114] : memref<10112x8xf32, #tpu.memory_space<vmem_shared>> -> memref<10112x8xf32, #tpu.memory_space<vmem_shared>>
      tpu.enqueue_indirect_dma source(%arg10 : memref<128x8xf32, #tpu.memory_space<vmem>>) target(%dma_start3A_115 : memref<10112x8xf32, #tpu.memory_space<vmem_shared>>) offsets(%dma_start3A_112 : memref<128xi32, #tpu.memory_space<vmem>>) semaphore(%arg30 : memref<!tpu.dma_semaphore, #tpu.memory_space<semaphore_mem>>) {add = true}
      %mul3A_116 = arith.constant 10 : i32
      %mul3A_117 = arith.muli %scan3A_84, %mul3A_116 : i32
      %add3A_118 = arith.constant 2 : i32
      %add3A_119 = arith.addi %mul3A_117, %add3A_118 : i32
      %dma_wait3A_120 = arith.constant 0 : i32
      %dma_wait3A_121 = tpu.memref_slice %arg7[%add3A_119, %dma_wait3A_120] : memref<80x128xi32, #tpu.memory_space<vmem>> -> memref<1x128xi32, #tpu.memory_space<vmem>>
      %dma_wait3A_122 = tpu.memref_squeeze %dma_wait3A_121 : memref<1x128xi32, #tpu.memory_space<vmem>> -> memref<128xi32, #tpu.memory_space<vmem>>
      %dma_wait3A_123 = arith.constant 0 : i32
      %dma_wait3A_124 = arith.constant 0 : i32
      %dma_wait3A_125 = tpu.memref_slice %arg2[%dma_wait3A_123, %dma_wait3A_124] : memref<10112x8xf32, #tpu.memory_space<hbm>> -> memref<10112x8xf32, #tpu.memory_space<hbm>>
      tpu.wait_indirect_dma semaphore(%arg21 : memref<!tpu.dma_semaphore, #tpu.memory_space<semaphore_mem>>) src(%dma_wait3A_125 : memref<10112x8xf32, #tpu.memory_space<hbm>>) dst(%arg11 : memref<128x8xf32, #tpu.memory_space<vmem>>)
      %dma_start3A_126 = arith.constant 0 : i32
      %dma_start3A_127 = tpu.memref_slice %arg8[%add3A_119, %dma_start3A_126] : memref<80x128xi32, #tpu.memory_space<vmem>> -> memref<1x128xi32, #tpu.memory_space<vmem>>
      %dma_start3A_128 = tpu.memref_squeeze %dma_start3A_127 : memref<1x128xi32, #tpu.memory_space<vmem>> -> memref<128xi32, #tpu.memory_space<vmem>>
      %dma_start3A_129 = arith.constant 0 : i32
      %dma_start3A_130 = arith.constant 0 : i32
      %dma_start3A_131 = tpu.memref_slice %arg6[%dma_start3A_129, %dma_start3A_130] : memref<10112x8xf32, #tpu.memory_space<vmem_shared>> -> memref<10112x8xf32, #tpu.memory_space<vmem_shared>>
      tpu.enqueue_indirect_dma source(%arg11 : memref<128x8xf32, #tpu.memory_space<vmem>>) target(%dma_start3A_131 : memref<10112x8xf32, #tpu.memory_space<vmem_shared>>) offsets(%dma_start3A_128 : memref<128xi32, #tpu.memory_space<vmem>>) semaphore(%arg31 : memref<!tpu.dma_semaphore, #tpu.memory_space<semaphore_mem>>) {add = true}
      %mul3A_132 = arith.constant 10 : i32
      %mul3A_133 = arith.muli %scan3A_84, %mul3A_132 : i32
      %add3A_134 = arith.constant 3 : i32
      %add3A_135 = arith.addi %mul3A_133, %add3A_134 : i32
      %dma_wait3A_136 = arith.constant 0 : i32
      %dma_wait3A_137 = tpu.memref_slice %arg7[%add3A_135, %dma_wait3A_136] : memref<80x128xi32, #tpu.memory_space<vmem>> -> memref<1x128xi32, #tpu.memory_space<vmem>>
      %dma_wait3A_138 = tpu.memref_squeeze %dma_wait3A_137 : memref<1x128xi32, #tpu.memory_space<vmem>> -> memref<128xi32, #tpu.memory_space<vmem>>
      %dma_wait3A_139 = arith.constant 0 : i32
      %dma_wait3A_140 = arith.constant 0 : i32
      %dma_wait3A_141 = tpu.memref_slice %arg2[%dma_wait3A_139, %dma_wait3A_140] : memref<10112x8xf32, #tpu.memory_space<hbm>> -> memref<10112x8xf32, #tpu.memory_space<hbm>>
      tpu.wait_indirect_dma semaphore(%arg22 : memref<!tpu.dma_semaphore, #tpu.memory_space<semaphore_mem>>) src(%dma_wait3A_141 : memref<10112x8xf32, #tpu.memory_space<hbm>>) dst(%arg12 : memref<128x8xf32, #tpu.memory_space<vmem>>)
      %dma_start3A_142 = arith.constant 0 : i32
      %dma_start3A_143 = tpu.memref_slice %arg8[%add3A_135, %dma_start3A_142] : memref<80x128xi32, #tpu.memory_space<vmem>> -> memref<1x128xi32, #tpu.memory_space<vmem>>
      %dma_start3A_144 = tpu.memref_squeeze %dma_start3A_143 : memref<1x128xi32, #tpu.memory_space<vmem>> -> memref<128xi32, #tpu.memory_space<vmem>>
      %dma_start3A_145 = arith.constant 0 : i32
      %dma_start3A_146 = arith.constant 0 : i32
      %dma_start3A_147 = tpu.memref_slice %arg6[%dma_start3A_145, %dma_start3A_146] : memref<10112x8xf32, #tpu.memory_space<vmem_shared>> -> memref<10112x8xf32, #tpu.memory_space<vmem_shared>>
      tpu.enqueue_indirect_dma source(%arg12 : memref<128x8xf32, #tpu.memory_space<vmem>>) target(%dma_start3A_147 : memref<10112x8xf32, #tpu.memory_space<vmem_shared>>) offsets(%dma_start3A_144 : memref<128xi32, #tpu.memory_space<vmem>>) semaphore(%arg32 : memref<!tpu.dma_semaphore, #tpu.memory_space<semaphore_mem>>) {add = true}
      %mul3A_148 = arith.constant 10 : i32
      %mul3A_149 = arith.muli %scan3A_84, %mul3A_148 : i32
      %add3A_150 = arith.constant 4 : i32
      %add3A_151 = arith.addi %mul3A_149, %add3A_150 : i32
      %dma_wait3A_152 = arith.constant 0 : i32
      %dma_wait3A_153 = tpu.memref_slice %arg7[%add3A_151, %dma_wait3A_152] : memref<80x128xi32, #tpu.memory_space<vmem>> -> memref<1x128xi32, #tpu.memory_space<vmem>>
      %dma_wait3A_154 = tpu.memref_squeeze %dma_wait3A_153 : memref<1x128xi32, #tpu.memory_space<vmem>> -> memref<128xi32, #tpu.memory_space<vmem>>
      %dma_wait3A_155 = arith.constant 0 : i32
      %dma_wait3A_156 = arith.constant 0 : i32
      %dma_wait3A_157 = tpu.memref_slice %arg2[%dma_wait3A_155, %dma_wait3A_156] : memref<10112x8xf32, #tpu.memory_space<hbm>> -> memref<10112x8xf32, #tpu.memory_space<hbm>>
      tpu.wait_indirect_dma semaphore(%arg23 : memref<!tpu.dma_semaphore, #tpu.memory_space<semaphore_mem>>) src(%dma_wait3A_157 : memref<10112x8xf32, #tpu.memory_space<hbm>>) dst(%arg13 : memref<128x8xf32, #tpu.memory_space<vmem>>)
      %dma_start3A_158 = arith.constant 0 : i32
      %dma_start3A_159 = tpu.memref_slice %arg8[%add3A_151, %dma_start3A_158] : memref<80x128xi32, #tpu.memory_space<vmem>> -> memref<1x128xi32, #tpu.memory_space<vmem>>
      %dma_start3A_160 = tpu.memref_squeeze %dma_start3A_159 : memref<1x128xi32, #tpu.memory_space<vmem>> -> memref<128xi32, #tpu.memory_space<vmem>>
      %dma_start3A_161 = arith.constant 0 : i32
      %dma_start3A_162 = arith.constant 0 : i32
      %dma_start3A_163 = tpu.memref_slice %arg6[%dma_start3A_161, %dma_start3A_162] : memref<10112x8xf32, #tpu.memory_space<vmem_shared>> -> memref<10112x8xf32, #tpu.memory_space<vmem_shared>>
      tpu.enqueue_indirect_dma source(%arg13 : memref<128x8xf32, #tpu.memory_space<vmem>>) target(%dma_start3A_163 : memref<10112x8xf32, #tpu.memory_space<vmem_shared>>) offsets(%dma_start3A_160 : memref<128xi32, #tpu.memory_space<vmem>>) semaphore(%arg33 : memref<!tpu.dma_semaphore, #tpu.memory_space<semaphore_mem>>) {add = true}
      %mul3A_164 = arith.constant 10 : i32
      %mul3A_165 = arith.muli %scan3A_84, %mul3A_164 : i32
      %add3A_166 = arith.constant 5 : i32
      %add3A_167 = arith.addi %mul3A_165, %add3A_166 : i32
      %dma_wait3A_168 = arith.constant 0 : i32
      %dma_wait3A_169 = tpu.memref_slice %arg7[%add3A_167, %dma_wait3A_168] : memref<80x128xi32, #tpu.memory_space<vmem>> -> memref<1x128xi32, #tpu.memory_space<vmem>>
      %dma_wait3A_170 = tpu.memref_squeeze %dma_wait3A_169 : memref<1x128xi32, #tpu.memory_space<vmem>> -> memref<128xi32, #tpu.memory_space<vmem>>
      %dma_wait3A_171 = arith.constant 0 : i32
      %dma_wait3A_172 = arith.constant 0 : i32
      %dma_wait3A_173 = tpu.memref_slice %arg2[%dma_wait3A_171, %dma_wait3A_172] : memref<10112x8xf32, #tpu.memory_space<hbm>> -> memref<10112x8xf32, #tpu.memory_space<hbm>>
      tpu.wait_indirect_dma semaphore(%arg24 : memref<!tpu.dma_semaphore, #tpu.memory_space<semaphore_mem>>) src(%dma_wait3A_173 : memref<10112x8xf32, #tpu.memory_space<hbm>>) dst(%arg14 : memref<128x8xf32, #tpu.memory_space<vmem>>)
      %dma_start3A_174 = arith.constant 0 : i32
      %dma_start3A_175 = tpu.memref_slice %arg8[%add3A_167, %dma_start3A_174] : memref<80x128xi32, #tpu.memory_space<vmem>> -> memref<1x128xi32, #tpu.memory_space<vmem>>
      %dma_start3A_176 = tpu.memref_squeeze %dma_start3A_175 : memref<1x128xi32, #tpu.memory_space<vmem>> -> memref<128xi32, #tpu.memory_space<vmem>>
      %dma_start3A_177 = arith.constant 0 : i32
      %dma_start3A_178 = arith.constant 0 : i32
      %dma_start3A_179 = tpu.memref_slice %arg6[%dma_start3A_177, %dma_start3A_178] : memref<10112x8xf32, #tpu.memory_space<vmem_shared>> -> memref<10112x8xf32, #tpu.memory_space<vmem_shared>>
      tpu.enqueue_indirect_dma source(%arg14 : memref<128x8xf32, #tpu.memory_space<vmem>>) target(%dma_start3A_179 : memref<10112x8xf32, #tpu.memory_space<vmem_shared>>) offsets(%dma_start3A_176 : memref<128xi32, #tpu.memory_space<vmem>>) semaphore(%arg34 : memref<!tpu.dma_semaphore, #tpu.memory_space<semaphore_mem>>) {add = true}
      %mul3A_180 = arith.constant 10 : i32
      %mul3A_181 = arith.muli %scan3A_84, %mul3A_180 : i32
      %add3A_182 = arith.constant 6 : i32
      %add3A_183 = arith.addi %mul3A_181, %add3A_182 : i32
      %dma_wait3A_184 = arith.constant 0 : i32
      %dma_wait3A_185 = tpu.memref_slice %arg7[%add3A_183, %dma_wait3A_184] : memref<80x128xi32, #tpu.memory_space<vmem>> -> memref<1x128xi32, #tpu.memory_space<vmem>>
      %dma_wait3A_186 = tpu.memref_squeeze %dma_wait3A_185 : memref<1x128xi32, #tpu.memory_space<vmem>> -> memref<128xi32, #tpu.memory_space<vmem>>
      %dma_wait3A_187 = arith.constant 0 : i32
      %dma_wait3A_188 = arith.constant 0 : i32
      %dma_wait3A_189 = tpu.memref_slice %arg2[%dma_wait3A_187, %dma_wait3A_188] : memref<10112x8xf32, #tpu.memory_space<hbm>> -> memref<10112x8xf32, #tpu.memory_space<hbm>>
      tpu.wait_indirect_dma semaphore(%arg25 : memref<!tpu.dma_semaphore, #tpu.memory_space<semaphore_mem>>) src(%dma_wait3A_189 : memref<10112x8xf32, #tpu.memory_space<hbm>>) dst(%arg15 : memref<128x8xf32, #tpu.memory_space<vmem>>)
      %dma_start3A_190 = arith.constant 0 : i32
      %dma_start3A_191 = tpu.memref_slice %arg8[%add3A_183, %dma_start3A_190] : memref<80x128xi32, #tpu.memory_space<vmem>> -> memref<1x128xi32, #tpu.memory_space<vmem>>
      %dma_start3A_192 = tpu.memref_squeeze %dma_start3A_191 : memref<1x128xi32, #tpu.memory_space<vmem>> -> memref<128xi32, #tpu.memory_space<vmem>>
      %dma_start3A_193 = arith.constant 0 : i32
      %dma_start3A_194 = arith.constant 0 : i32
      %dma_start3A_195 = tpu.memref_slice %arg6[%dma_start3A_193, %dma_start3A_194] : memref<10112x8xf32, #tpu.memory_space<vmem_shared>> -> memref<10112x8xf32, #tpu.memory_space<vmem_shared>>
      tpu.enqueue_indirect_dma source(%arg15 : memref<128x8xf32, #tpu.memory_space<vmem>>) target(%dma_start3A_195 : memref<10112x8xf32, #tpu.memory_space<vmem_shared>>) offsets(%dma_start3A_192 : memref<128xi32, #tpu.memory_space<vmem>>) semaphore(%arg35 : memref<!tpu.dma_semaphore, #tpu.memory_space<semaphore_mem>>) {add = true}
      %mul3A_196 = arith.constant 10 : i32
      %mul3A_197 = arith.muli %scan3A_84, %mul3A_196 : i32
      %add3A_198 = arith.constant 7 : i32
      %add3A_199 = arith.addi %mul3A_197, %add3A_198 : i32
      %dma_wait3A_200 = arith.constant 0 : i32
      %dma_wait3A_201 = tpu.memref_slice %arg7[%add3A_199, %dma_wait3A_200] : memref<80x128xi32, #tpu.memory_space<vmem>> -> memref<1x128xi32, #tpu.memory_space<vmem>>
      %dma_wait3A_202 = tpu.memref_squeeze %dma_wait3A_201 : memref<1x128xi32, #tpu.memory_space<vmem>> -> memref<128xi32, #tpu.memory_space<vmem>>
      %dma_wait3A_203 = arith.constant 0 : i32
      %dma_wait3A_204 = arith.constant 0 : i32
      %dma_wait3A_205 = tpu.memref_slice %arg2[%dma_wait3A_203, %dma_wait3A_204] : memref<10112x8xf32, #tpu.memory_space<hbm>> -> memref<10112x8xf32, #tpu.memory_space<hbm>>
      tpu.wait_indirect_dma semaphore(%arg26 : memref<!tpu.dma_semaphore, #tpu.memory_space<semaphore_mem>>) src(%dma_wait3A_205 : memref<10112x8xf32, #tpu.memory_space<hbm>>) dst(%arg16 : memref<128x8xf32, #tpu.memory_space<vmem>>)
      %dma_start3A_206 = arith.constant 0 : i32
      %dma_start3A_207 = tpu.memref_slice %arg8[%add3A_199, %dma_start3A_206] : memref<80x128xi32, #tpu.memory_space<vmem>> -> memref<1x128xi32, #tpu.memory_space<vmem>>
      %dma_start3A_208 = tpu.memref_squeeze %dma_start3A_207 : memref<1x128xi32, #tpu.memory_space<vmem>> -> memref<128xi32, #tpu.memory_space<vmem>>
      %dma_start3A_209 = arith.constant 0 : i32
      %dma_start3A_210 = arith.constant 0 : i32
      %dma_start3A_211 = tpu.memref_slice %arg6[%dma_start3A_209, %dma_start3A_210] : memref<10112x8xf32, #tpu.memory_space<vmem_shared>> -> memref<10112x8xf32, #tpu.memory_space<vmem_shared>>
      tpu.enqueue_indirect_dma source(%arg16 : memref<128x8xf32, #tpu.memory_space<vmem>>) target(%dma_start3A_211 : memref<10112x8xf32, #tpu.memory_space<vmem_shared>>) offsets(%dma_start3A_208 : memref<128xi32, #tpu.memory_space<vmem>>) semaphore(%arg36 : memref<!tpu.dma_semaphore, #tpu.memory_space<semaphore_mem>>) {add = true}
      %mul3A_212 = arith.constant 10 : i32
      %mul3A_213 = arith.muli %scan3A_84, %mul3A_212 : i32
      %add3A_214 = arith.constant 8 : i32
      %add3A_215 = arith.addi %mul3A_213, %add3A_214 : i32
      %dma_wait3A_216 = arith.constant 0 : i32
      %dma_wait3A_217 = tpu.memref_slice %arg7[%add3A_215, %dma_wait3A_216] : memref<80x128xi32, #tpu.memory_space<vmem>> -> memref<1x128xi32, #tpu.memory_space<vmem>>
      %dma_wait3A_218 = tpu.memref_squeeze %dma_wait3A_217 : memref<1x128xi32, #tpu.memory_space<vmem>> -> memref<128xi32, #tpu.memory_space<vmem>>
      %dma_wait3A_219 = arith.constant 0 : i32
      %dma_wait3A_220 = arith.constant 0 : i32
      %dma_wait3A_221 = tpu.memref_slice %arg2[%dma_wait3A_219, %dma_wait3A_220] : memref<10112x8xf32, #tpu.memory_space<hbm>> -> memref<10112x8xf32, #tpu.memory_space<hbm>>
      tpu.wait_indirect_dma semaphore(%arg27 : memref<!tpu.dma_semaphore, #tpu.memory_space<semaphore_mem>>) src(%dma_wait3A_221 : memref<10112x8xf32, #tpu.memory_space<hbm>>) dst(%arg17 : memref<128x8xf32, #tpu.memory_space<vmem>>)
      %dma_start3A_222 = arith.constant 0 : i32
      %dma_start3A_223 = tpu.memref_slice %arg8[%add3A_215, %dma_start3A_222] : memref<80x128xi32, #tpu.memory_space<vmem>> -> memref<1x128xi32, #tpu.memory_space<vmem>>
      %dma_start3A_224 = tpu.memref_squeeze %dma_start3A_223 : memref<1x128xi32, #tpu.memory_space<vmem>> -> memref<128xi32, #tpu.memory_space<vmem>>
      %dma_start3A_225 = arith.constant 0 : i32
      %dma_start3A_226 = arith.constant 0 : i32
      %dma_start3A_227 = tpu.memref_slice %arg6[%dma_start3A_225, %dma_start3A_226] : memref<10112x8xf32, #tpu.memory_space<vmem_shared>> -> memref<10112x8xf32, #tpu.memory_space<vmem_shared>>
      tpu.enqueue_indirect_dma source(%arg17 : memref<128x8xf32, #tpu.memory_space<vmem>>) target(%dma_start3A_227 : memref<10112x8xf32, #tpu.memory_space<vmem_shared>>) offsets(%dma_start3A_224 : memref<128xi32, #tpu.memory_space<vmem>>) semaphore(%arg37 : memref<!tpu.dma_semaphore, #tpu.memory_space<semaphore_mem>>) {add = true}
      %mul3A_228 = arith.constant 10 : i32
      %mul3A_229 = arith.muli %scan3A_84, %mul3A_228 : i32
      %add3A_230 = arith.constant 9 : i32
      %add3A_231 = arith.addi %mul3A_229, %add3A_230 : i32
      %dma_wait3A_232 = arith.constant 0 : i32
      %dma_wait3A_233 = tpu.memref_slice %arg7[%add3A_231, %dma_wait3A_232] : memref<80x128xi32, #tpu.memory_space<vmem>> -> memref<1x128xi32, #tpu.memory_space<vmem>>
      %dma_wait3A_234 = tpu.memref_squeeze %dma_wait3A_233 : memref<1x128xi32, #tpu.memory_space<vmem>> -> memref<128xi32, #tpu.memory_space<vmem>>
      %dma_wait3A_235 = arith.constant 0 : i32
      %dma_wait3A_236 = arith.constant 0 : i32
      %dma_wait3A_237 = tpu.memref_slice %arg2[%dma_wait3A_235, %dma_wait3A_236] : memref<10112x8xf32, #tpu.memory_space<hbm>> -> memref<10112x8xf32, #tpu.memory_space<hbm>>
      tpu.wait_indirect_dma semaphore(%arg28 : memref<!tpu.dma_semaphore, #tpu.memory_space<semaphore_mem>>) src(%dma_wait3A_237 : memref<10112x8xf32, #tpu.memory_space<hbm>>) dst(%arg18 : memref<128x8xf32, #tpu.memory_space<vmem>>)
      %dma_start3A_238 = arith.constant 0 : i32
      %dma_start3A_239 = tpu.memref_slice %arg8[%add3A_231, %dma_start3A_238] : memref<80x128xi32, #tpu.memory_space<vmem>> -> memref<1x128xi32, #tpu.memory_space<vmem>>
      %dma_start3A_240 = tpu.memref_squeeze %dma_start3A_239 : memref<1x128xi32, #tpu.memory_space<vmem>> -> memref<128xi32, #tpu.memory_space<vmem>>
      %dma_start3A_241 = arith.constant 0 : i32
      %dma_start3A_242 = arith.constant 0 : i32
      %dma_start3A_243 = tpu.memref_slice %arg6[%dma_start3A_241, %dma_start3A_242] : memref<10112x8xf32, #tpu.memory_space<vmem_shared>> -> memref<10112x8xf32, #tpu.memory_space<vmem_shared>>
      tpu.enqueue_indirect_dma source(%arg18 : memref<128x8xf32, #tpu.memory_space<vmem>>) target(%dma_start3A_243 : memref<10112x8xf32, #tpu.memory_space<vmem_shared>>) offsets(%dma_start3A_240 : memref<128xi32, #tpu.memory_space<vmem>>) semaphore(%arg38 : memref<!tpu.dma_semaphore, #tpu.memory_space<semaphore_mem>>) {add = true}
      %dma_wait3A_244 = arith.constant 0 : i32
      %dma_wait3A_245 = arith.constant 0 : i32
      %dma_wait3A_246 = tpu.memref_slice %arg8[%dma_wait3A_244, %dma_wait3A_245] : memref<80x128xi32, #tpu.memory_space<vmem>> -> memref<1x128xi32, #tpu.memory_space<vmem>>
      %dma_wait3A_247 = tpu.memref_squeeze %dma_wait3A_246 : memref<1x128xi32, #tpu.memory_space<vmem>> -> memref<128xi32, #tpu.memory_space<vmem>>
      %dma_wait3A_248 = arith.constant 0 : i32
      %dma_wait3A_249 = arith.constant 0 : i32
      %dma_wait3A_250 = tpu.memref_slice %arg6[%dma_wait3A_248, %dma_wait3A_249] : memref<10112x8xf32, #tpu.memory_space<vmem_shared>> -> memref<10112x8xf32, #tpu.memory_space<vmem_shared>>
      tpu.wait_indirect_dma semaphore(%arg29 : memref<!tpu.dma_semaphore, #tpu.memory_space<semaphore_mem>>) src(%arg9 : memref<128x8xf32, #tpu.memory_space<vmem>>) dst(%dma_wait3A_250 : memref<10112x8xf32, #tpu.memory_space<vmem_shared>>)
      %add3A_251 = arith.constant 1 : i32
      %add3A_252 = arith.addi %scan3A_84, %add3A_251 : i32
      %lt3A = arith.constant 8 : i32
      %lt3A_253 = arith.cmpi slt, %add3A_252, %lt3A : i32
      %convert_element_type3A = arith.extui %lt3A_253 : i1 to i32
      %cond3A = arith.constant 0 : i32
      %cond3A_254 = arith.cmpi ne, %convert_element_type3A, %cond3A : i32
      scf.if %cond3A_254 {
        %add3A_381 = arith.constant 1 : i32
        %add3A_382 = arith.addi %scan3A_84, %add3A_381 : i32
        %mul3A_383 = arith.constant 10 : i32
        %mul3A_384 = arith.muli %add3A_382, %mul3A_383 : i32
        %add3A_385 = arith.constant 0 : i32
        %add3A_386 = arith.addi %mul3A_384, %add3A_385 : i32
        %dma_start3A_387 = arith.constant 0 : i32
        %dma_start3A_388 = tpu.memref_slice %arg7[%add3A_386, %dma_start3A_387] : memref<80x128xi32, #tpu.memory_space<vmem>> -> memref<1x128xi32, #tpu.memory_space<vmem>>
        %dma_start3A_389 = tpu.memref_squeeze %dma_start3A_388 : memref<1x128xi32, #tpu.memory_space<vmem>> -> memref<128xi32, #tpu.memory_space<vmem>>
        %dma_start3A_390 = arith.constant 0 : i32
        %dma_start3A_391 = arith.constant 0 : i32
        %dma_start3A_392 = tpu.memref_slice %arg2[%dma_start3A_390, %dma_start3A_391] : memref<10112x8xf32, #tpu.memory_space<hbm>> -> memref<10112x8xf32, #tpu.memory_space<hbm>>
        tpu.enqueue_indirect_dma source(%dma_start3A_392 : memref<10112x8xf32, #tpu.memory_space<hbm>>) target(%arg9 : memref<128x8xf32, #tpu.memory_space<vmem>>) offsets(%dma_start3A_389 : memref<128xi32, #tpu.memory_space<vmem>>) semaphore(%arg19 : memref<!tpu.dma_semaphore, #tpu.memory_space<semaphore_mem>>)
      } else {
      }
      %dma_wait3A_255 = arith.constant 1 : i32
      %dma_wait3A_256 = arith.constant 0 : i32
      %dma_wait3A_257 = tpu.memref_slice %arg8[%dma_wait3A_255, %dma_wait3A_256] : memref<80x128xi32, #tpu.memory_space<vmem>> -> memref<1x128xi32, #tpu.memory_space<vmem>>
      %dma_wait3A_258 = tpu.memref_squeeze %dma_wait3A_257 : memref<1x128xi32, #tpu.memory_space<vmem>> -> memref<128xi32, #tpu.memory_space<vmem>>
      %dma_wait3A_259 = arith.constant 0 : i32
      %dma_wait3A_260 = arith.constant 0 : i32
      %dma_wait3A_261 = tpu.memref_slice %arg6[%dma_wait3A_259, %dma_wait3A_260] : memref<10112x8xf32, #tpu.memory_space<vmem_shared>> -> memref<10112x8xf32, #tpu.memory_space<vmem_shared>>
      tpu.wait_indirect_dma semaphore(%arg30 : memref<!tpu.dma_semaphore, #tpu.memory_space<semaphore_mem>>) src(%arg10 : memref<128x8xf32, #tpu.memory_space<vmem>>) dst(%dma_wait3A_261 : memref<10112x8xf32, #tpu.memory_space<vmem_shared>>)
      %add3A_262 = arith.constant 1 : i32
      %add3A_263 = arith.addi %scan3A_84, %add3A_262 : i32
      %lt3A_264 = arith.constant 8 : i32
      %lt3A_265 = arith.cmpi slt, %add3A_263, %lt3A_264 : i32
      %convert_element_type3A_266 = arith.extui %lt3A_265 : i1 to i32
      %cond3A_267 = arith.constant 0 : i32
      %cond3A_268 = arith.cmpi ne, %convert_element_type3A_266, %cond3A_267 : i32
      scf.if %cond3A_268 {
        %add3A_381 = arith.constant 1 : i32
        %add3A_382 = arith.addi %scan3A_84, %add3A_381 : i32
        %mul3A_383 = arith.constant 10 : i32
        %mul3A_384 = arith.muli %add3A_382, %mul3A_383 : i32
        %add3A_385 = arith.constant 1 : i32
        %add3A_386 = arith.addi %mul3A_384, %add3A_385 : i32
        %dma_start3A_387 = arith.constant 0 : i32
        %dma_start3A_388 = tpu.memref_slice %arg7[%add3A_386, %dma_start3A_387] : memref<80x128xi32, #tpu.memory_space<vmem>> -> memref<1x128xi32, #tpu.memory_space<vmem>>
        %dma_start3A_389 = tpu.memref_squeeze %dma_start3A_388 : memref<1x128xi32, #tpu.memory_space<vmem>> -> memref<128xi32, #tpu.memory_space<vmem>>
        %dma_start3A_390 = arith.constant 0 : i32
        %dma_start3A_391 = arith.constant 0 : i32
        %dma_start3A_392 = tpu.memref_slice %arg2[%dma_start3A_390, %dma_start3A_391] : memref<10112x8xf32, #tpu.memory_space<hbm>> -> memref<10112x8xf32, #tpu.memory_space<hbm>>
        tpu.enqueue_indirect_dma source(%dma_start3A_392 : memref<10112x8xf32, #tpu.memory_space<hbm>>) target(%arg10 : memref<128x8xf32, #tpu.memory_space<vmem>>) offsets(%dma_start3A_389 : memref<128xi32, #tpu.memory_space<vmem>>) semaphore(%arg20 : memref<!tpu.dma_semaphore, #tpu.memory_space<semaphore_mem>>)
      } else {
      }
      %dma_wait3A_269 = arith.constant 2 : i32
      %dma_wait3A_270 = arith.constant 0 : i32
      %dma_wait3A_271 = tpu.memref_slice %arg8[%dma_wait3A_269, %dma_wait3A_270] : memref<80x128xi32, #tpu.memory_space<vmem>> -> memref<1x128xi32, #tpu.memory_space<vmem>>
      %dma_wait3A_272 = tpu.memref_squeeze %dma_wait3A_271 : memref<1x128xi32, #tpu.memory_space<vmem>> -> memref<128xi32, #tpu.memory_space<vmem>>
      %dma_wait3A_273 = arith.constant 0 : i32
      %dma_wait3A_274 = arith.constant 0 : i32
      %dma_wait3A_275 = tpu.memref_slice %arg6[%dma_wait3A_273, %dma_wait3A_274] : memref<10112x8xf32, #tpu.memory_space<vmem_shared>> -> memref<10112x8xf32, #tpu.memory_space<vmem_shared>>
      tpu.wait_indirect_dma semaphore(%arg31 : memref<!tpu.dma_semaphore, #tpu.memory_space<semaphore_mem>>) src(%arg11 : memref<128x8xf32, #tpu.memory_space<vmem>>) dst(%dma_wait3A_275 : memref<10112x8xf32, #tpu.memory_space<vmem_shared>>)
      %add3A_276 = arith.constant 1 : i32
      %add3A_277 = arith.addi %scan3A_84, %add3A_276 : i32
      %lt3A_278 = arith.constant 8 : i32
      %lt3A_279 = arith.cmpi slt, %add3A_277, %lt3A_278 : i32
      %convert_element_type3A_280 = arith.extui %lt3A_279 : i1 to i32
      %cond3A_281 = arith.constant 0 : i32
      %cond3A_282 = arith.cmpi ne, %convert_element_type3A_280, %cond3A_281 : i32
      scf.if %cond3A_282 {
        %add3A_381 = arith.constant 1 : i32
        %add3A_382 = arith.addi %scan3A_84, %add3A_381 : i32
        %mul3A_383 = arith.constant 10 : i32
        %mul3A_384 = arith.muli %add3A_382, %mul3A_383 : i32
        %add3A_385 = arith.constant 2 : i32
        %add3A_386 = arith.addi %mul3A_384, %add3A_385 : i32
        %dma_start3A_387 = arith.constant 0 : i32
        %dma_start3A_388 = tpu.memref_slice %arg7[%add3A_386, %dma_start3A_387] : memref<80x128xi32, #tpu.memory_space<vmem>> -> memref<1x128xi32, #tpu.memory_space<vmem>>
        %dma_start3A_389 = tpu.memref_squeeze %dma_start3A_388 : memref<1x128xi32, #tpu.memory_space<vmem>> -> memref<128xi32, #tpu.memory_space<vmem>>
        %dma_start3A_390 = arith.constant 0 : i32
        %dma_start3A_391 = arith.constant 0 : i32
        %dma_start3A_392 = tpu.memref_slice %arg2[%dma_start3A_390, %dma_start3A_391] : memref<10112x8xf32, #tpu.memory_space<hbm>> -> memref<10112x8xf32, #tpu.memory_space<hbm>>
        tpu.enqueue_indirect_dma source(%dma_start3A_392 : memref<10112x8xf32, #tpu.memory_space<hbm>>) target(%arg11 : memref<128x8xf32, #tpu.memory_space<vmem>>) offsets(%dma_start3A_389 : memref<128xi32, #tpu.memory_space<vmem>>) semaphore(%arg21 : memref<!tpu.dma_semaphore, #tpu.memory_space<semaphore_mem>>)
      } else {
      }
      %dma_wait3A_283 = arith.constant 3 : i32
      %dma_wait3A_284 = arith.constant 0 : i32
      %dma_wait3A_285 = tpu.memref_slice %arg8[%dma_wait3A_283, %dma_wait3A_284] : memref<80x128xi32, #tpu.memory_space<vmem>> -> memref<1x128xi32, #tpu.memory_space<vmem>>
      %dma_wait3A_286 = tpu.memref_squeeze %dma_wait3A_285 : memref<1x128xi32, #tpu.memory_space<vmem>> -> memref<128xi32, #tpu.memory_space<vmem>>
      %dma_wait3A_287 = arith.constant 0 : i32
      %dma_wait3A_288 = arith.constant 0 : i32
      %dma_wait3A_289 = tpu.memref_slice %arg6[%dma_wait3A_287, %dma_wait3A_288] : memref<10112x8xf32, #tpu.memory_space<vmem_shared>> -> memref<10112x8xf32, #tpu.memory_space<vmem_shared>>
      tpu.wait_indirect_dma semaphore(%arg32 : memref<!tpu.dma_semaphore, #tpu.memory_space<semaphore_mem>>) src(%arg12 : memref<128x8xf32, #tpu.memory_space<vmem>>) dst(%dma_wait3A_289 : memref<10112x8xf32, #tpu.memory_space<vmem_shared>>)
      %add3A_290 = arith.constant 1 : i32
      %add3A_291 = arith.addi %scan3A_84, %add3A_290 : i32
      %lt3A_292 = arith.constant 8 : i32
      %lt3A_293 = arith.cmpi slt, %add3A_291, %lt3A_292 : i32
      %convert_element_type3A_294 = arith.extui %lt3A_293 : i1 to i32
      %cond3A_295 = arith.constant 0 : i32
      %cond3A_296 = arith.cmpi ne, %convert_element_type3A_294, %cond3A_295 : i32
      scf.if %cond3A_296 {
        %add3A_381 = arith.constant 1 : i32
        %add3A_382 = arith.addi %scan3A_84, %add3A_381 : i32
        %mul3A_383 = arith.constant 10 : i32
        %mul3A_384 = arith.muli %add3A_382, %mul3A_383 : i32
        %add3A_385 = arith.constant 3 : i32
        %add3A_386 = arith.addi %mul3A_384, %add3A_385 : i32
        %dma_start3A_387 = arith.constant 0 : i32
        %dma_start3A_388 = tpu.memref_slice %arg7[%add3A_386, %dma_start3A_387] : memref<80x128xi32, #tpu.memory_space<vmem>> -> memref<1x128xi32, #tpu.memory_space<vmem>>
        %dma_start3A_389 = tpu.memref_squeeze %dma_start3A_388 : memref<1x128xi32, #tpu.memory_space<vmem>> -> memref<128xi32, #tpu.memory_space<vmem>>
        %dma_start3A_390 = arith.constant 0 : i32
        %dma_start3A_391 = arith.constant 0 : i32
        %dma_start3A_392 = tpu.memref_slice %arg2[%dma_start3A_390, %dma_start3A_391] : memref<10112x8xf32, #tpu.memory_space<hbm>> -> memref<10112x8xf32, #tpu.memory_space<hbm>>
        tpu.enqueue_indirect_dma source(%dma_start3A_392 : memref<10112x8xf32, #tpu.memory_space<hbm>>) target(%arg12 : memref<128x8xf32, #tpu.memory_space<vmem>>) offsets(%dma_start3A_389 : memref<128xi32, #tpu.memory_space<vmem>>) semaphore(%arg22 : memref<!tpu.dma_semaphore, #tpu.memory_space<semaphore_mem>>)
      } else {
      }
      %dma_wait3A_297 = arith.constant 4 : i32
      %dma_wait3A_298 = arith.constant 0 : i32
      %dma_wait3A_299 = tpu.memref_slice %arg8[%dma_wait3A_297, %dma_wait3A_298] : memref<80x128xi32, #tpu.memory_space<vmem>> -> memref<1x128xi32, #tpu.memory_space<vmem>>
      %dma_wait3A_300 = tpu.memref_squeeze %dma_wait3A_299 : memref<1x128xi32, #tpu.memory_space<vmem>> -> memref<128xi32, #tpu.memory_space<vmem>>
      %dma_wait3A_301 = arith.constant 0 : i32
      %dma_wait3A_302 = arith.constant 0 : i32
      %dma_wait3A_303 = tpu.memref_slice %arg6[%dma_wait3A_301, %dma_wait3A_302] : memref<10112x8xf32, #tpu.memory_space<vmem_shared>> -> memref<10112x8xf32, #tpu.memory_space<vmem_shared>>
      tpu.wait_indirect_dma semaphore(%arg33 : memref<!tpu.dma_semaphore, #tpu.memory_space<semaphore_mem>>) src(%arg13 : memref<128x8xf32, #tpu.memory_space<vmem>>) dst(%dma_wait3A_303 : memref<10112x8xf32, #tpu.memory_space<vmem_shared>>)
      %add3A_304 = arith.constant 1 : i32
      %add3A_305 = arith.addi %scan3A_84, %add3A_304 : i32
      %lt3A_306 = arith.constant 8 : i32
      %lt3A_307 = arith.cmpi slt, %add3A_305, %lt3A_306 : i32
      %convert_element_type3A_308 = arith.extui %lt3A_307 : i1 to i32
      %cond3A_309 = arith.constant 0 : i32
      %cond3A_310 = arith.cmpi ne, %convert_element_type3A_308, %cond3A_309 : i32
      scf.if %cond3A_310 {
        %add3A_381 = arith.constant 1 : i32
        %add3A_382 = arith.addi %scan3A_84, %add3A_381 : i32
        %mul3A_383 = arith.constant 10 : i32
        %mul3A_384 = arith.muli %add3A_382, %mul3A_383 : i32
        %add3A_385 = arith.constant 4 : i32
        %add3A_386 = arith.addi %mul3A_384, %add3A_385 : i32
        %dma_start3A_387 = arith.constant 0 : i32
        %dma_start3A_388 = tpu.memref_slice %arg7[%add3A_386, %dma_start3A_387] : memref<80x128xi32, #tpu.memory_space<vmem>> -> memref<1x128xi32, #tpu.memory_space<vmem>>
        %dma_start3A_389 = tpu.memref_squeeze %dma_start3A_388 : memref<1x128xi32, #tpu.memory_space<vmem>> -> memref<128xi32, #tpu.memory_space<vmem>>
        %dma_start3A_390 = arith.constant 0 : i32
        %dma_start3A_391 = arith.constant 0 : i32
        %dma_start3A_392 = tpu.memref_slice %arg2[%dma_start3A_390, %dma_start3A_391] : memref<10112x8xf32, #tpu.memory_space<hbm>> -> memref<10112x8xf32, #tpu.memory_space<hbm>>
        tpu.enqueue_indirect_dma source(%dma_start3A_392 : memref<10112x8xf32, #tpu.memory_space<hbm>>) target(%arg13 : memref<128x8xf32, #tpu.memory_space<vmem>>) offsets(%dma_start3A_389 : memref<128xi32, #tpu.memory_space<vmem>>) semaphore(%arg23 : memref<!tpu.dma_semaphore, #tpu.memory_space<semaphore_mem>>)
      } else {
      }
      %dma_wait3A_311 = arith.constant 5 : i32
      %dma_wait3A_312 = arith.constant 0 : i32
      %dma_wait3A_313 = tpu.memref_slice %arg8[%dma_wait3A_311, %dma_wait3A_312] : memref<80x128xi32, #tpu.memory_space<vmem>> -> memref<1x128xi32, #tpu.memory_space<vmem>>
      %dma_wait3A_314 = tpu.memref_squeeze %dma_wait3A_313 : memref<1x128xi32, #tpu.memory_space<vmem>> -> memref<128xi32, #tpu.memory_space<vmem>>
      %dma_wait3A_315 = arith.constant 0 : i32
      %dma_wait3A_316 = arith.constant 0 : i32
      %dma_wait3A_317 = tpu.memref_slice %arg6[%dma_wait3A_315, %dma_wait3A_316] : memref<10112x8xf32, #tpu.memory_space<vmem_shared>> -> memref<10112x8xf32, #tpu.memory_space<vmem_shared>>
      tpu.wait_indirect_dma semaphore(%arg34 : memref<!tpu.dma_semaphore, #tpu.memory_space<semaphore_mem>>) src(%arg14 : memref<128x8xf32, #tpu.memory_space<vmem>>) dst(%dma_wait3A_317 : memref<10112x8xf32, #tpu.memory_space<vmem_shared>>)
      %add3A_318 = arith.constant 1 : i32
      %add3A_319 = arith.addi %scan3A_84, %add3A_318 : i32
      %lt3A_320 = arith.constant 8 : i32
      %lt3A_321 = arith.cmpi slt, %add3A_319, %lt3A_320 : i32
      %convert_element_type3A_322 = arith.extui %lt3A_321 : i1 to i32
      %cond3A_323 = arith.constant 0 : i32
      %cond3A_324 = arith.cmpi ne, %convert_element_type3A_322, %cond3A_323 : i32
      scf.if %cond3A_324 {
        %add3A_381 = arith.constant 1 : i32
        %add3A_382 = arith.addi %scan3A_84, %add3A_381 : i32
        %mul3A_383 = arith.constant 10 : i32
        %mul3A_384 = arith.muli %add3A_382, %mul3A_383 : i32
        %add3A_385 = arith.constant 5 : i32
        %add3A_386 = arith.addi %mul3A_384, %add3A_385 : i32
        %dma_start3A_387 = arith.constant 0 : i32
        %dma_start3A_388 = tpu.memref_slice %arg7[%add3A_386, %dma_start3A_387] : memref<80x128xi32, #tpu.memory_space<vmem>> -> memref<1x128xi32, #tpu.memory_space<vmem>>
        %dma_start3A_389 = tpu.memref_squeeze %dma_start3A_388 : memref<1x128xi32, #tpu.memory_space<vmem>> -> memref<128xi32, #tpu.memory_space<vmem>>
        %dma_start3A_390 = arith.constant 0 : i32
        %dma_start3A_391 = arith.constant 0 : i32
        %dma_start3A_392 = tpu.memref_slice %arg2[%dma_start3A_390, %dma_start3A_391] : memref<10112x8xf32, #tpu.memory_space<hbm>> -> memref<10112x8xf32, #tpu.memory_space<hbm>>
        tpu.enqueue_indirect_dma source(%dma_start3A_392 : memref<10112x8xf32, #tpu.memory_space<hbm>>) target(%arg14 : memref<128x8xf32, #tpu.memory_space<vmem>>) offsets(%dma_start3A_389 : memref<128xi32, #tpu.memory_space<vmem>>) semaphore(%arg24 : memref<!tpu.dma_semaphore, #tpu.memory_space<semaphore_mem>>)
      } else {
      }
      %dma_wait3A_325 = arith.constant 6 : i32
      %dma_wait3A_326 = arith.constant 0 : i32
      %dma_wait3A_327 = tpu.memref_slice %arg8[%dma_wait3A_325, %dma_wait3A_326] : memref<80x128xi32, #tpu.memory_space<vmem>> -> memref<1x128xi32, #tpu.memory_space<vmem>>
      %dma_wait3A_328 = tpu.memref_squeeze %dma_wait3A_327 : memref<1x128xi32, #tpu.memory_space<vmem>> -> memref<128xi32, #tpu.memory_space<vmem>>
      %dma_wait3A_329 = arith.constant 0 : i32
      %dma_wait3A_330 = arith.constant 0 : i32
      %dma_wait3A_331 = tpu.memref_slice %arg6[%dma_wait3A_329, %dma_wait3A_330] : memref<10112x8xf32, #tpu.memory_space<vmem_shared>> -> memref<10112x8xf32, #tpu.memory_space<vmem_shared>>
      tpu.wait_indirect_dma semaphore(%arg35 : memref<!tpu.dma_semaphore, #tpu.memory_space<semaphore_mem>>) src(%arg15 : memref<128x8xf32, #tpu.memory_space<vmem>>) dst(%dma_wait3A_331 : memref<10112x8xf32, #tpu.memory_space<vmem_shared>>)
      %add3A_332 = arith.constant 1 : i32
      %add3A_333 = arith.addi %scan3A_84, %add3A_332 : i32
      %lt3A_334 = arith.constant 8 : i32
      %lt3A_335 = arith.cmpi slt, %add3A_333, %lt3A_334 : i32
      %convert_element_type3A_336 = arith.extui %lt3A_335 : i1 to i32
      %cond3A_337 = arith.constant 0 : i32
      %cond3A_338 = arith.cmpi ne, %convert_element_type3A_336, %cond3A_337 : i32
      scf.if %cond3A_338 {
        %add3A_381 = arith.constant 1 : i32
        %add3A_382 = arith.addi %scan3A_84, %add3A_381 : i32
        %mul3A_383 = arith.constant 10 : i32
        %mul3A_384 = arith.muli %add3A_382, %mul3A_383 : i32
        %add3A_385 = arith.constant 6 : i32
        %add3A_386 = arith.addi %mul3A_384, %add3A_385 : i32
        %dma_start3A_387 = arith.constant 0 : i32
        %dma_start3A_388 = tpu.memref_slice %arg7[%add3A_386, %dma_start3A_387] : memref<80x128xi32, #tpu.memory_space<vmem>> -> memref<1x128xi32, #tpu.memory_space<vmem>>
        %dma_start3A_389 = tpu.memref_squeeze %dma_start3A_388 : memref<1x128xi32, #tpu.memory_space<vmem>> -> memref<128xi32, #tpu.memory_space<vmem>>
        %dma_start3A_390 = arith.constant 0 : i32
        %dma_start3A_391 = arith.constant 0 : i32
        %dma_start3A_392 = tpu.memref_slice %arg2[%dma_start3A_390, %dma_start3A_391] : memref<10112x8xf32, #tpu.memory_space<hbm>> -> memref<10112x8xf32, #tpu.memory_space<hbm>>
        tpu.enqueue_indirect_dma source(%dma_start3A_392 : memref<10112x8xf32, #tpu.memory_space<hbm>>) target(%arg15 : memref<128x8xf32, #tpu.memory_space<vmem>>) offsets(%dma_start3A_389 : memref<128xi32, #tpu.memory_space<vmem>>) semaphore(%arg25 : memref<!tpu.dma_semaphore, #tpu.memory_space<semaphore_mem>>)
      } else {
      }
      %dma_wait3A_339 = arith.constant 7 : i32
      %dma_wait3A_340 = arith.constant 0 : i32
      %dma_wait3A_341 = tpu.memref_slice %arg8[%dma_wait3A_339, %dma_wait3A_340] : memref<80x128xi32, #tpu.memory_space<vmem>> -> memref<1x128xi32, #tpu.memory_space<vmem>>
      %dma_wait3A_342 = tpu.memref_squeeze %dma_wait3A_341 : memref<1x128xi32, #tpu.memory_space<vmem>> -> memref<128xi32, #tpu.memory_space<vmem>>
      %dma_wait3A_343 = arith.constant 0 : i32
      %dma_wait3A_344 = arith.constant 0 : i32
      %dma_wait3A_345 = tpu.memref_slice %arg6[%dma_wait3A_343, %dma_wait3A_344] : memref<10112x8xf32, #tpu.memory_space<vmem_shared>> -> memref<10112x8xf32, #tpu.memory_space<vmem_shared>>
      tpu.wait_indirect_dma semaphore(%arg36 : memref<!tpu.dma_semaphore, #tpu.memory_space<semaphore_mem>>) src(%arg16 : memref<128x8xf32, #tpu.memory_space<vmem>>) dst(%dma_wait3A_345 : memref<10112x8xf32, #tpu.memory_space<vmem_shared>>)
      %add3A_346 = arith.constant 1 : i32
      %add3A_347 = arith.addi %scan3A_84, %add3A_346 : i32
      %lt3A_348 = arith.constant 8 : i32
      %lt3A_349 = arith.cmpi slt, %add3A_347, %lt3A_348 : i32
      %convert_element_type3A_350 = arith.extui %lt3A_349 : i1 to i32
      %cond3A_351 = arith.constant 0 : i32
      %cond3A_352 = arith.cmpi ne, %convert_element_type3A_350, %cond3A_351 : i32
      scf.if %cond3A_352 {
        %add3A_381 = arith.constant 1 : i32
        %add3A_382 = arith.addi %scan3A_84, %add3A_381 : i32
        %mul3A_383 = arith.constant 10 : i32
        %mul3A_384 = arith.muli %add3A_382, %mul3A_383 : i32
        %add3A_385 = arith.constant 7 : i32
        %add3A_386 = arith.addi %mul3A_384, %add3A_385 : i32
        %dma_start3A_387 = arith.constant 0 : i32
        %dma_start3A_388 = tpu.memref_slice %arg7[%add3A_386, %dma_start3A_387] : memref<80x128xi32, #tpu.memory_space<vmem>> -> memref<1x128xi32, #tpu.memory_space<vmem>>
        %dma_start3A_389 = tpu.memref_squeeze %dma_start3A_388 : memref<1x128xi32, #tpu.memory_space<vmem>> -> memref<128xi32, #tpu.memory_space<vmem>>
        %dma_start3A_390 = arith.constant 0 : i32
        %dma_start3A_391 = arith.constant 0 : i32
        %dma_start3A_392 = tpu.memref_slice %arg2[%dma_start3A_390, %dma_start3A_391] : memref<10112x8xf32, #tpu.memory_space<hbm>> -> memref<10112x8xf32, #tpu.memory_space<hbm>>
        tpu.enqueue_indirect_dma source(%dma_start3A_392 : memref<10112x8xf32, #tpu.memory_space<hbm>>) target(%arg16 : memref<128x8xf32, #tpu.memory_space<vmem>>) offsets(%dma_start3A_389 : memref<128xi32, #tpu.memory_space<vmem>>) semaphore(%arg26 : memref<!tpu.dma_semaphore, #tpu.memory_space<semaphore_mem>>)
      } else {
      }
      %dma_wait3A_353 = arith.constant 8 : i32
      %dma_wait3A_354 = arith.constant 0 : i32
      %dma_wait3A_355 = tpu.memref_slice %arg8[%dma_wait3A_353, %dma_wait3A_354] : memref<80x128xi32, #tpu.memory_space<vmem>> -> memref<1x128xi32, #tpu.memory_space<vmem>>
      %dma_wait3A_356 = tpu.memref_squeeze %dma_wait3A_355 : memref<1x128xi32, #tpu.memory_space<vmem>> -> memref<128xi32, #tpu.memory_space<vmem>>
      %dma_wait3A_357 = arith.constant 0 : i32
      %dma_wait3A_358 = arith.constant 0 : i32
      %dma_wait3A_359 = tpu.memref_slice %arg6[%dma_wait3A_357, %dma_wait3A_358] : memref<10112x8xf32, #tpu.memory_space<vmem_shared>> -> memref<10112x8xf32, #tpu.memory_space<vmem_shared>>
      tpu.wait_indirect_dma semaphore(%arg37 : memref<!tpu.dma_semaphore, #tpu.memory_space<semaphore_mem>>) src(%arg17 : memref<128x8xf32, #tpu.memory_space<vmem>>) dst(%dma_wait3A_359 : memref<10112x8xf32, #tpu.memory_space<vmem_shared>>)
      %add3A_360 = arith.constant 1 : i32
      %add3A_361 = arith.addi %scan3A_84, %add3A_360 : i32
      %lt3A_362 = arith.constant 8 : i32
      %lt3A_363 = arith.cmpi slt, %add3A_361, %lt3A_362 : i32
      %convert_element_type3A_364 = arith.extui %lt3A_363 : i1 to i32
      %cond3A_365 = arith.constant 0 : i32
      %cond3A_366 = arith.cmpi ne, %convert_element_type3A_364, %cond3A_365 : i32
      scf.if %cond3A_366 {
        %add3A_381 = arith.constant 1 : i32
        %add3A_382 = arith.addi %scan3A_84, %add3A_381 : i32
        %mul3A_383 = arith.constant 10 : i32
        %mul3A_384 = arith.muli %add3A_382, %mul3A_383 : i32
        %add3A_385 = arith.constant 8 : i32
        %add3A_386 = arith.addi %mul3A_384, %add3A_385 : i32
        %dma_start3A_387 = arith.constant 0 : i32
        %dma_start3A_388 = tpu.memref_slice %arg7[%add3A_386, %dma_start3A_387] : memref<80x128xi32, #tpu.memory_space<vmem>> -> memref<1x128xi32, #tpu.memory_space<vmem>>
        %dma_start3A_389 = tpu.memref_squeeze %dma_start3A_388 : memref<1x128xi32, #tpu.memory_space<vmem>> -> memref<128xi32, #tpu.memory_space<vmem>>
        %dma_start3A_390 = arith.constant 0 : i32
        %dma_start3A_391 = arith.constant 0 : i32
        %dma_start3A_392 = tpu.memref_slice %arg2[%dma_start3A_390, %dma_start3A_391] : memref<10112x8xf32, #tpu.memory_space<hbm>> -> memref<10112x8xf32, #tpu.memory_space<hbm>>
        tpu.enqueue_indirect_dma source(%dma_start3A_392 : memref<10112x8xf32, #tpu.memory_space<hbm>>) target(%arg17 : memref<128x8xf32, #tpu.memory_space<vmem>>) offsets(%dma_start3A_389 : memref<128xi32, #tpu.memory_space<vmem>>) semaphore(%arg27 : memref<!tpu.dma_semaphore, #tpu.memory_space<semaphore_mem>>)
      } else {
      }
      %dma_wait3A_367 = arith.constant 9 : i32
      %dma_wait3A_368 = arith.constant 0 : i32
      %dma_wait3A_369 = tpu.memref_slice %arg8[%dma_wait3A_367, %dma_wait3A_368] : memref<80x128xi32, #tpu.memory_space<vmem>> -> memref<1x128xi32, #tpu.memory_space<vmem>>
      %dma_wait3A_370 = tpu.memref_squeeze %dma_wait3A_369 : memref<1x128xi32, #tpu.memory_space<vmem>> -> memref<128xi32, #tpu.memory_space<vmem>>
      %dma_wait3A_371 = arith.constant 0 : i32
      %dma_wait3A_372 = arith.constant 0 : i32
      %dma_wait3A_373 = tpu.memref_slice %arg6[%dma_wait3A_371, %dma_wait3A_372] : memref<10112x8xf32, #tpu.memory_space<vmem_shared>> -> memref<10112x8xf32, #tpu.memory_space<vmem_shared>>
      tpu.wait_indirect_dma semaphore(%arg38 : memref<!tpu.dma_semaphore, #tpu.memory_space<semaphore_mem>>) src(%arg18 : memref<128x8xf32, #tpu.memory_space<vmem>>) dst(%dma_wait3A_373 : memref<10112x8xf32, #tpu.memory_space<vmem_shared>>)
      %add3A_374 = arith.constant 1 : i32
      %add3A_375 = arith.addi %scan3A_84, %add3A_374 : i32
      %lt3A_376 = arith.constant 8 : i32
      %lt3A_377 = arith.cmpi slt, %add3A_375, %lt3A_376 : i32
      %convert_element_type3A_378 = arith.extui %lt3A_377 : i1 to i32
      %cond3A_379 = arith.constant 0 : i32
      %cond3A_380 = arith.cmpi ne, %convert_element_type3A_378, %cond3A_379 : i32
      scf.if %cond3A_380 {
        %add3A_381 = arith.constant 1 : i32
        %add3A_382 = arith.addi %scan3A_84, %add3A_381 : i32
        %mul3A_383 = arith.constant 10 : i32
        %mul3A_384 = arith.muli %add3A_382, %mul3A_383 : i32
        %add3A_385 = arith.constant 9 : i32
        %add3A_386 = arith.addi %mul3A_384, %add3A_385 : i32
        %dma_start3A_387 = arith.constant 0 : i32
        %dma_start3A_388 = tpu.memref_slice %arg7[%add3A_386, %dma_start3A_387] : memref<80x128xi32, #tpu.memory_space<vmem>> -> memref<1x128xi32, #tpu.memory_space<vmem>>
        %dma_start3A_389 = tpu.memref_squeeze %dma_start3A_388 : memref<1x128xi32, #tpu.memory_space<vmem>> -> memref<128xi32, #tpu.memory_space<vmem>>
        %dma_start3A_390 = arith.constant 0 : i32
        %dma_start3A_391 = arith.constant 0 : i32
        %dma_start3A_392 = tpu.memref_slice %arg2[%dma_start3A_390, %dma_start3A_391] : memref<10112x8xf32, #tpu.memory_space<hbm>> -> memref<10112x8xf32, #tpu.memory_space<hbm>>
        tpu.enqueue_indirect_dma source(%dma_start3A_392 : memref<10112x8xf32, #tpu.memory_space<hbm>>) target(%arg18 : memref<128x8xf32, #tpu.memory_space<vmem>>) offsets(%dma_start3A_389 : memref<128xi32, #tpu.memory_space<vmem>>) semaphore(%arg28 : memref<!tpu.dma_semaphore, #tpu.memory_space<semaphore_mem>>)
      } else {
      }
    }
    %scan3A_80 = arith.constant 8 : i32
    %barrier3A_81 = arith.constant 0 : index
    tpu.barrier barrier_id(%barrier3A_81)
    %mul3A_82 = arith.constant 8 : i32
    %mul3A_83 = arith.muli %arg0, %mul3A_82 : i32
    "tpu.region"() ({
      %run_scoped3A = tpu.sem_alloc : memref<!tpu.dma_semaphore, #tpu.memory_space<semaphore_mem>>
      %dma_start3A_84 = tpu.memref_slice %arg5[%mul3A_2, %mul3A_83] : memref<10112x16xf32, #tpu.memory_space<hbm>> -> memref<632x8xf32, #tpu.memory_space<hbm>>
      %dma_start3A_85 = arith.constant 0 : i32
      %dma_start3A_86 = tpu.memref_slice %arg6[%mul3A_2, %dma_start3A_85] : memref<10112x8xf32, #tpu.memory_space<vmem_shared>> -> memref<632x8xf32, #tpu.memory_space<vmem_shared>>
      tpu.enqueue_dma source(%dma_start3A_86 : memref<632x8xf32, #tpu.memory_space<vmem_shared>>) target(%dma_start3A_84 : memref<632x8xf32, #tpu.memory_space<hbm>>) target_semaphore(%run_scoped3A : memref<!tpu.dma_semaphore, #tpu.memory_space<semaphore_mem>>)
      %dma_wait3A = tpu.memref_slice %arg5[%mul3A_2, %mul3A_83] : memref<10112x16xf32, #tpu.memory_space<hbm>> -> memref<632x8xf32, #tpu.memory_space<hbm>>
      %dma_wait3A_87 = arith.constant 0 : i32
      %dma_wait3A_88 = tpu.memref_slice %arg6[%mul3A_2, %dma_wait3A_87] : memref<10112x8xf32, #tpu.memory_space<vmem_shared>> -> memref<632x8xf32, #tpu.memory_space<vmem_shared>>
      tpu.wait_dma2 semaphore(%run_scoped3A : memref<!tpu.dma_semaphore, #tpu.memory_space<semaphore_mem>>) src(%dma_wait3A_88 : memref<632x8xf32, #tpu.memory_space<vmem_shared>>) dst(%dma_wait3A : memref<632x8xf32, #tpu.memory_space<hbm>>)
      tpu.yield
    }) : () -> ()
    return
  }
}

#map = affine_map<(d0, d1) -> (0, 0)>
module attributes {stable_mosaic.version = 14 : i64} {
  func.func @agg(%arg0: i32, %arg1: i32, %arg2: memref<10112x40xf32, #tpu.memory_space<hbm>>, %arg3: memref<2560x128xi32, #tpu.memory_space<hbm>>, %arg4: memref<2560x128xi32, #tpu.memory_space<hbm>>, %arg5: memref<10112x80xf32, #tpu.memory_space<hbm>>, %arg6: memref<10112x40xf32, #tpu.memory_space<vmem_shared>>, %arg7: memref<80x128xi32, #tpu.memory_space<vmem>>, %arg8: memref<80x128xi32, #tpu.memory_space<vmem>>, %arg9: memref<128x40xf32, #tpu.memory_space<vmem>>, %arg10: memref<128x40xf32, #tpu.memory_space<vmem>>, %arg11: memref<128x40xf32, #tpu.memory_space<vmem>>, %arg12: memref<128x40xf32, #tpu.memory_space<vmem>>, %arg13: memref<128x40xf32, #tpu.memory_space<vmem>>, %arg14: memref<128x40xf32, #tpu.memory_space<vmem>>, %arg15: memref<128x40xf32, #tpu.memory_space<vmem>>, %arg16: memref<128x40xf32, #tpu.memory_space<vmem>>, %arg17: memref<128x40xf32, #tpu.memory_space<vmem>>, %arg18: memref<128x40xf32, #tpu.memory_space<vmem>>, %arg19: memref<!tpu.dma_semaphore, #tpu.memory_space<semaphore_mem>>, %arg20: memref<!tpu.dma_semaphore, #tpu.memory_space<semaphore_mem>>, %arg21: memref<!tpu.dma_semaphore, #tpu.memory_space<semaphore_mem>>, %arg22: memref<!tpu.dma_semaphore, #tpu.memory_space<semaphore_mem>>, %arg23: memref<!tpu.dma_semaphore, #tpu.memory_space<semaphore_mem>>, %arg24: memref<!tpu.dma_semaphore, #tpu.memory_space<semaphore_mem>>, %arg25: memref<!tpu.dma_semaphore, #tpu.memory_space<semaphore_mem>>, %arg26: memref<!tpu.dma_semaphore, #tpu.memory_space<semaphore_mem>>, %arg27: memref<!tpu.dma_semaphore, #tpu.memory_space<semaphore_mem>>, %arg28: memref<!tpu.dma_semaphore, #tpu.memory_space<semaphore_mem>>, %arg29: memref<!tpu.dma_semaphore, #tpu.memory_space<semaphore_mem>>, %arg30: memref<!tpu.dma_semaphore, #tpu.memory_space<semaphore_mem>>, %arg31: memref<!tpu.dma_semaphore, #tpu.memory_space<semaphore_mem>>, %arg32: memref<!tpu.dma_semaphore, #tpu.memory_space<semaphore_mem>>, %arg33: memref<!tpu.dma_semaphore, #tpu.memory_space<semaphore_mem>>, %arg34: memref<!tpu.dma_semaphore, #tpu.memory_space<semaphore_mem>>, %arg35: memref<!tpu.dma_semaphore, #tpu.memory_space<semaphore_mem>>, %arg36: memref<!tpu.dma_semaphore, #tpu.memory_space<semaphore_mem>>, %arg37: memref<!tpu.dma_semaphore, #tpu.memory_space<semaphore_mem>>, %arg38: memref<!tpu.dma_semaphore, #tpu.memory_space<semaphore_mem>>) attributes {dimension_semantics = [#tpu.dimension_semantics<core_parallel>, #tpu.dimension_semantics<subcore_parallel>], iteration_bounds = array<i64: 2, 16>, scalar_prefetch = 0 : i64, scratch_operands = 33 : i64, tpu.core_type = #tpu.core_type<sc_vector_subcore>, window_params = [{transform_indices = #map}, {transform_indices = #map}, {transform_indices = #map}, {transform_indices = #map}]} {
    %mul3A = arith.constant 2 : i32
    %mul3A_0 = arith.muli %arg1, %mul3A : i32
    %add3A = arith.addi %mul3A_0, %arg0 : i32
    %mul3A_1 = arith.constant 632 : i32
    %mul3A_2 = arith.muli %arg1, %mul3A_1 : i32
    "tpu.region"() ({
      %run_scoped3A = tpu.sem_alloc : memref<!tpu.dma_semaphore, #tpu.memory_space<semaphore_mem>>
      %dma_start3A_84 = arith.constant 0 : i32
      %dma_start3A_85 = tpu.memref_slice %arg6[%mul3A_2, %dma_start3A_84] : memref<10112x40xf32, #tpu.memory_space<vmem_shared>> -> memref<632x40xf32, #tpu.memory_space<vmem_shared>>
      %dma_start3A_86 = arith.constant 0 : i32
      %dma_start3A_87 = tpu.memref_slice %arg2[%mul3A_2, %dma_start3A_86] : memref<10112x40xf32, #tpu.memory_space<hbm>> -> memref<632x40xf32, #tpu.memory_space<hbm>>
      tpu.enqueue_dma source(%dma_start3A_87 : memref<632x40xf32, #tpu.memory_space<hbm>>) target(%dma_start3A_85 : memref<632x40xf32, #tpu.memory_space<vmem_shared>>) target_semaphore(%run_scoped3A : memref<!tpu.dma_semaphore, #tpu.memory_space<semaphore_mem>>)
      %dma_wait3A = arith.constant 0 : i32
      %dma_wait3A_88 = tpu.memref_slice %arg6[%mul3A_2, %dma_wait3A] : memref<10112x40xf32, #tpu.memory_space<vmem_shared>> -> memref<632x40xf32, #tpu.memory_space<vmem_shared>>
      %dma_wait3A_89 = arith.constant 0 : i32
      %dma_wait3A_90 = tpu.memref_slice %arg2[%mul3A_2, %dma_wait3A_89] : memref<10112x40xf32, #tpu.memory_space<hbm>> -> memref<632x40xf32, #tpu.memory_space<hbm>>
      tpu.wait_dma2 semaphore(%run_scoped3A : memref<!tpu.dma_semaphore, #tpu.memory_space<semaphore_mem>>) src(%dma_wait3A_90 : memref<632x40xf32, #tpu.memory_space<hbm>>) dst(%dma_wait3A_88 : memref<632x40xf32, #tpu.memory_space<vmem_shared>>)
      tpu.yield
    }) : () -> ()
    %mul3A_3 = arith.constant 80 : i32
    %mul3A_4 = arith.muli %add3A, %mul3A_3 : i32
    "tpu.region"() ({
      %run_scoped3A = tpu.sem_alloc : memref<!tpu.dma_semaphore, #tpu.memory_space<semaphore_mem>>
      %dma_start3A_84 = arith.constant 0 : i32
      %dma_start3A_85 = tpu.memref_slice %arg3[%mul3A_4, %dma_start3A_84] : memref<2560x128xi32, #tpu.memory_space<hbm>> -> memref<80x128xi32, #tpu.memory_space<hbm>>
      %dma_start3A_86 = arith.constant 0 : i32
      %dma_start3A_87 = tpu.memref_slice %arg3[%mul3A_4, %dma_start3A_86] : memref<2560x128xi32, #tpu.memory_space<hbm>> -> memref<80x128xi32, #tpu.memory_space<hbm>>
      tpu.enqueue_dma source(%dma_start3A_87 : memref<80x128xi32, #tpu.memory_space<hbm>>) target(%arg7 : memref<80x128xi32, #tpu.memory_space<vmem>>) target_semaphore(%run_scoped3A : memref<!tpu.dma_semaphore, #tpu.memory_space<semaphore_mem>>)
      %dma_wait3A = arith.constant 0 : i32
      %dma_wait3A_88 = tpu.memref_slice %arg3[%mul3A_4, %dma_wait3A] : memref<2560x128xi32, #tpu.memory_space<hbm>> -> memref<80x128xi32, #tpu.memory_space<hbm>>
      %dma_wait3A_89 = arith.constant 0 : i32
      %dma_wait3A_90 = tpu.memref_slice %arg3[%mul3A_4, %dma_wait3A_89] : memref<2560x128xi32, #tpu.memory_space<hbm>> -> memref<80x128xi32, #tpu.memory_space<hbm>>
      tpu.wait_dma2 semaphore(%run_scoped3A : memref<!tpu.dma_semaphore, #tpu.memory_space<semaphore_mem>>) src(%dma_wait3A_90 : memref<80x128xi32, #tpu.memory_space<hbm>>) dst(%arg7 : memref<80x128xi32, #tpu.memory_space<vmem>>)
      tpu.yield
    }) : () -> ()
    %mul3A_5 = arith.constant 80 : i32
    %mul3A_6 = arith.muli %add3A, %mul3A_5 : i32
    "tpu.region"() ({
      %run_scoped3A = tpu.sem_alloc : memref<!tpu.dma_semaphore, #tpu.memory_space<semaphore_mem>>
      %dma_start3A_84 = arith.constant 0 : i32
      %dma_start3A_85 = tpu.memref_slice %arg4[%mul3A_6, %dma_start3A_84] : memref<2560x128xi32, #tpu.memory_space<hbm>> -> memref<80x128xi32, #tpu.memory_space<hbm>>
      %dma_start3A_86 = arith.constant 0 : i32
      %dma_start3A_87 = tpu.memref_slice %arg4[%mul3A_6, %dma_start3A_86] : memref<2560x128xi32, #tpu.memory_space<hbm>> -> memref<80x128xi32, #tpu.memory_space<hbm>>
      tpu.enqueue_dma source(%dma_start3A_87 : memref<80x128xi32, #tpu.memory_space<hbm>>) target(%arg8 : memref<80x128xi32, #tpu.memory_space<vmem>>) target_semaphore(%run_scoped3A : memref<!tpu.dma_semaphore, #tpu.memory_space<semaphore_mem>>)
      %dma_wait3A = arith.constant 0 : i32
      %dma_wait3A_88 = tpu.memref_slice %arg4[%mul3A_6, %dma_wait3A] : memref<2560x128xi32, #tpu.memory_space<hbm>> -> memref<80x128xi32, #tpu.memory_space<hbm>>
      %dma_wait3A_89 = arith.constant 0 : i32
      %dma_wait3A_90 = tpu.memref_slice %arg4[%mul3A_6, %dma_wait3A_89] : memref<2560x128xi32, #tpu.memory_space<hbm>> -> memref<80x128xi32, #tpu.memory_space<hbm>>
      tpu.wait_dma2 semaphore(%run_scoped3A : memref<!tpu.dma_semaphore, #tpu.memory_space<semaphore_mem>>) src(%dma_wait3A_90 : memref<80x128xi32, #tpu.memory_space<hbm>>) dst(%arg8 : memref<80x128xi32, #tpu.memory_space<vmem>>)
      tpu.yield
    }) : () -> ()
    %barrier3A = arith.constant 0 : index
    tpu.barrier barrier_id(%barrier3A)
    %dma_start3A = arith.constant 0 : i32
    %dma_start3A_7 = arith.constant 0 : i32
    %dma_start3A_8 = tpu.memref_slice %arg7[%dma_start3A, %dma_start3A_7] : memref<80x128xi32, #tpu.memory_space<vmem>> -> memref<1x128xi32, #tpu.memory_space<vmem>>
    %dma_start3A_9 = tpu.memref_squeeze %dma_start3A_8 : memref<1x128xi32, #tpu.memory_space<vmem>> -> memref<128xi32, #tpu.memory_space<vmem>>
    %dma_start3A_10 = arith.constant 0 : i32
    %dma_start3A_11 = arith.constant 0 : i32
    %dma_start3A_12 = tpu.memref_slice %arg2[%dma_start3A_10, %dma_start3A_11] : memref<10112x40xf32, #tpu.memory_space<hbm>> -> memref<10112x40xf32, #tpu.memory_space<hbm>>
    tpu.enqueue_indirect_dma source(%dma_start3A_12 : memref<10112x40xf32, #tpu.memory_space<hbm>>) target(%arg9 : memref<128x40xf32, #tpu.memory_space<vmem>>) offsets(%dma_start3A_9 : memref<128xi32, #tpu.memory_space<vmem>>) semaphore(%arg19 : memref<!tpu.dma_semaphore, #tpu.memory_space<semaphore_mem>>)
    %dma_start3A_13 = arith.constant 1 : i32
    %dma_start3A_14 = arith.constant 0 : i32
    %dma_start3A_15 = tpu.memref_slice %arg7[%dma_start3A_13, %dma_start3A_14] : memref<80x128xi32, #tpu.memory_space<vmem>> -> memref<1x128xi32, #tpu.memory_space<vmem>>
    %dma_start3A_16 = tpu.memref_squeeze %dma_start3A_15 : memref<1x128xi32, #tpu.memory_space<vmem>> -> memref<128xi32, #tpu.memory_space<vmem>>
    %dma_start3A_17 = arith.constant 0 : i32
    %dma_start3A_18 = arith.constant 0 : i32
    %dma_start3A_19 = tpu.memref_slice %arg2[%dma_start3A_17, %dma_start3A_18] : memref<10112x40xf32, #tpu.memory_space<hbm>> -> memref<10112x40xf32, #tpu.memory_space<hbm>>
    tpu.enqueue_indirect_dma source(%dma_start3A_19 : memref<10112x40xf32, #tpu.memory_space<hbm>>) target(%arg10 : memref<128x40xf32, #tpu.memory_space<vmem>>) offsets(%dma_start3A_16 : memref<128xi32, #tpu.memory_space<vmem>>) semaphore(%arg20 : memref<!tpu.dma_semaphore, #tpu.memory_space<semaphore_mem>>)
    %dma_start3A_20 = arith.constant 2 : i32
    %dma_start3A_21 = arith.constant 0 : i32
    %dma_start3A_22 = tpu.memref_slice %arg7[%dma_start3A_20, %dma_start3A_21] : memref<80x128xi32, #tpu.memory_space<vmem>> -> memref<1x128xi32, #tpu.memory_space<vmem>>
    %dma_start3A_23 = tpu.memref_squeeze %dma_start3A_22 : memref<1x128xi32, #tpu.memory_space<vmem>> -> memref<128xi32, #tpu.memory_space<vmem>>
    %dma_start3A_24 = arith.constant 0 : i32
    %dma_start3A_25 = arith.constant 0 : i32
    %dma_start3A_26 = tpu.memref_slice %arg2[%dma_start3A_24, %dma_start3A_25] : memref<10112x40xf32, #tpu.memory_space<hbm>> -> memref<10112x40xf32, #tpu.memory_space<hbm>>
    tpu.enqueue_indirect_dma source(%dma_start3A_26 : memref<10112x40xf32, #tpu.memory_space<hbm>>) target(%arg11 : memref<128x40xf32, #tpu.memory_space<vmem>>) offsets(%dma_start3A_23 : memref<128xi32, #tpu.memory_space<vmem>>) semaphore(%arg21 : memref<!tpu.dma_semaphore, #tpu.memory_space<semaphore_mem>>)
    %dma_start3A_27 = arith.constant 3 : i32
    %dma_start3A_28 = arith.constant 0 : i32
    %dma_start3A_29 = tpu.memref_slice %arg7[%dma_start3A_27, %dma_start3A_28] : memref<80x128xi32, #tpu.memory_space<vmem>> -> memref<1x128xi32, #tpu.memory_space<vmem>>
    %dma_start3A_30 = tpu.memref_squeeze %dma_start3A_29 : memref<1x128xi32, #tpu.memory_space<vmem>> -> memref<128xi32, #tpu.memory_space<vmem>>
    %dma_start3A_31 = arith.constant 0 : i32
    %dma_start3A_32 = arith.constant 0 : i32
    %dma_start3A_33 = tpu.memref_slice %arg2[%dma_start3A_31, %dma_start3A_32] : memref<10112x40xf32, #tpu.memory_space<hbm>> -> memref<10112x40xf32, #tpu.memory_space<hbm>>
    tpu.enqueue_indirect_dma source(%dma_start3A_33 : memref<10112x40xf32, #tpu.memory_space<hbm>>) target(%arg12 : memref<128x40xf32, #tpu.memory_space<vmem>>) offsets(%dma_start3A_30 : memref<128xi32, #tpu.memory_space<vmem>>) semaphore(%arg22 : memref<!tpu.dma_semaphore, #tpu.memory_space<semaphore_mem>>)
    %dma_start3A_34 = arith.constant 4 : i32
    %dma_start3A_35 = arith.constant 0 : i32
    %dma_start3A_36 = tpu.memref_slice %arg7[%dma_start3A_34, %dma_start3A_35] : memref<80x128xi32, #tpu.memory_space<vmem>> -> memref<1x128xi32, #tpu.memory_space<vmem>>
    %dma_start3A_37 = tpu.memref_squeeze %dma_start3A_36 : memref<1x128xi32, #tpu.memory_space<vmem>> -> memref<128xi32, #tpu.memory_space<vmem>>
    %dma_start3A_38 = arith.constant 0 : i32
    %dma_start3A_39 = arith.constant 0 : i32
    %dma_start3A_40 = tpu.memref_slice %arg2[%dma_start3A_38, %dma_start3A_39] : memref<10112x40xf32, #tpu.memory_space<hbm>> -> memref<10112x40xf32, #tpu.memory_space<hbm>>
    tpu.enqueue_indirect_dma source(%dma_start3A_40 : memref<10112x40xf32, #tpu.memory_space<hbm>>) target(%arg13 : memref<128x40xf32, #tpu.memory_space<vmem>>) offsets(%dma_start3A_37 : memref<128xi32, #tpu.memory_space<vmem>>) semaphore(%arg23 : memref<!tpu.dma_semaphore, #tpu.memory_space<semaphore_mem>>)
    %dma_start3A_41 = arith.constant 5 : i32
    %dma_start3A_42 = arith.constant 0 : i32
    %dma_start3A_43 = tpu.memref_slice %arg7[%dma_start3A_41, %dma_start3A_42] : memref<80x128xi32, #tpu.memory_space<vmem>> -> memref<1x128xi32, #tpu.memory_space<vmem>>
    %dma_start3A_44 = tpu.memref_squeeze %dma_start3A_43 : memref<1x128xi32, #tpu.memory_space<vmem>> -> memref<128xi32, #tpu.memory_space<vmem>>
    %dma_start3A_45 = arith.constant 0 : i32
    %dma_start3A_46 = arith.constant 0 : i32
    %dma_start3A_47 = tpu.memref_slice %arg2[%dma_start3A_45, %dma_start3A_46] : memref<10112x40xf32, #tpu.memory_space<hbm>> -> memref<10112x40xf32, #tpu.memory_space<hbm>>
    tpu.enqueue_indirect_dma source(%dma_start3A_47 : memref<10112x40xf32, #tpu.memory_space<hbm>>) target(%arg14 : memref<128x40xf32, #tpu.memory_space<vmem>>) offsets(%dma_start3A_44 : memref<128xi32, #tpu.memory_space<vmem>>) semaphore(%arg24 : memref<!tpu.dma_semaphore, #tpu.memory_space<semaphore_mem>>)
    %dma_start3A_48 = arith.constant 6 : i32
    %dma_start3A_49 = arith.constant 0 : i32
    %dma_start3A_50 = tpu.memref_slice %arg7[%dma_start3A_48, %dma_start3A_49] : memref<80x128xi32, #tpu.memory_space<vmem>> -> memref<1x128xi32, #tpu.memory_space<vmem>>
    %dma_start3A_51 = tpu.memref_squeeze %dma_start3A_50 : memref<1x128xi32, #tpu.memory_space<vmem>> -> memref<128xi32, #tpu.memory_space<vmem>>
    %dma_start3A_52 = arith.constant 0 : i32
    %dma_start3A_53 = arith.constant 0 : i32
    %dma_start3A_54 = tpu.memref_slice %arg2[%dma_start3A_52, %dma_start3A_53] : memref<10112x40xf32, #tpu.memory_space<hbm>> -> memref<10112x40xf32, #tpu.memory_space<hbm>>
    tpu.enqueue_indirect_dma source(%dma_start3A_54 : memref<10112x40xf32, #tpu.memory_space<hbm>>) target(%arg15 : memref<128x40xf32, #tpu.memory_space<vmem>>) offsets(%dma_start3A_51 : memref<128xi32, #tpu.memory_space<vmem>>) semaphore(%arg25 : memref<!tpu.dma_semaphore, #tpu.memory_space<semaphore_mem>>)
    %dma_start3A_55 = arith.constant 7 : i32
    %dma_start3A_56 = arith.constant 0 : i32
    %dma_start3A_57 = tpu.memref_slice %arg7[%dma_start3A_55, %dma_start3A_56] : memref<80x128xi32, #tpu.memory_space<vmem>> -> memref<1x128xi32, #tpu.memory_space<vmem>>
    %dma_start3A_58 = tpu.memref_squeeze %dma_start3A_57 : memref<1x128xi32, #tpu.memory_space<vmem>> -> memref<128xi32, #tpu.memory_space<vmem>>
    %dma_start3A_59 = arith.constant 0 : i32
    %dma_start3A_60 = arith.constant 0 : i32
    %dma_start3A_61 = tpu.memref_slice %arg2[%dma_start3A_59, %dma_start3A_60] : memref<10112x40xf32, #tpu.memory_space<hbm>> -> memref<10112x40xf32, #tpu.memory_space<hbm>>
    tpu.enqueue_indirect_dma source(%dma_start3A_61 : memref<10112x40xf32, #tpu.memory_space<hbm>>) target(%arg16 : memref<128x40xf32, #tpu.memory_space<vmem>>) offsets(%dma_start3A_58 : memref<128xi32, #tpu.memory_space<vmem>>) semaphore(%arg26 : memref<!tpu.dma_semaphore, #tpu.memory_space<semaphore_mem>>)
    %dma_start3A_62 = arith.constant 8 : i32
    %dma_start3A_63 = arith.constant 0 : i32
    %dma_start3A_64 = tpu.memref_slice %arg7[%dma_start3A_62, %dma_start3A_63] : memref<80x128xi32, #tpu.memory_space<vmem>> -> memref<1x128xi32, #tpu.memory_space<vmem>>
    %dma_start3A_65 = tpu.memref_squeeze %dma_start3A_64 : memref<1x128xi32, #tpu.memory_space<vmem>> -> memref<128xi32, #tpu.memory_space<vmem>>
    %dma_start3A_66 = arith.constant 0 : i32
    %dma_start3A_67 = arith.constant 0 : i32
    %dma_start3A_68 = tpu.memref_slice %arg2[%dma_start3A_66, %dma_start3A_67] : memref<10112x40xf32, #tpu.memory_space<hbm>> -> memref<10112x40xf32, #tpu.memory_space<hbm>>
    tpu.enqueue_indirect_dma source(%dma_start3A_68 : memref<10112x40xf32, #tpu.memory_space<hbm>>) target(%arg17 : memref<128x40xf32, #tpu.memory_space<vmem>>) offsets(%dma_start3A_65 : memref<128xi32, #tpu.memory_space<vmem>>) semaphore(%arg27 : memref<!tpu.dma_semaphore, #tpu.memory_space<semaphore_mem>>)
    %dma_start3A_69 = arith.constant 9 : i32
    %dma_start3A_70 = arith.constant 0 : i32
    %dma_start3A_71 = tpu.memref_slice %arg7[%dma_start3A_69, %dma_start3A_70] : memref<80x128xi32, #tpu.memory_space<vmem>> -> memref<1x128xi32, #tpu.memory_space<vmem>>
    %dma_start3A_72 = tpu.memref_squeeze %dma_start3A_71 : memref<1x128xi32, #tpu.memory_space<vmem>> -> memref<128xi32, #tpu.memory_space<vmem>>
    %dma_start3A_73 = arith.constant 0 : i32
    %dma_start3A_74 = arith.constant 0 : i32
    %dma_start3A_75 = tpu.memref_slice %arg2[%dma_start3A_73, %dma_start3A_74] : memref<10112x40xf32, #tpu.memory_space<hbm>> -> memref<10112x40xf32, #tpu.memory_space<hbm>>
    tpu.enqueue_indirect_dma source(%dma_start3A_75 : memref<10112x40xf32, #tpu.memory_space<hbm>>) target(%arg18 : memref<128x40xf32, #tpu.memory_space<vmem>>) offsets(%dma_start3A_72 : memref<128xi32, #tpu.memory_space<vmem>>) semaphore(%arg28 : memref<!tpu.dma_semaphore, #tpu.memory_space<semaphore_mem>>)
    %scan3A = arith.constant 0 : i32
    %scan3A_76 = arith.constant 0 : i32
    %scan3A_77 = arith.constant 8 : i32
    %scan3A_78 = arith.addi %scan3A_76, %scan3A_77 : i32
    %scan3A_79 = arith.constant 1 : i32
    scf.for %scan3A_84 = %scan3A_76 to %scan3A_78 step %scan3A_79  : i32 {
      %mul3A_85 = arith.constant 10 : i32
      %mul3A_86 = arith.muli %scan3A_84, %mul3A_85 : i32
      %add3A_87 = arith.constant 0 : i32
      %add3A_88 = arith.addi %mul3A_86, %add3A_87 : i32
      %dma_wait3A = arith.constant 0 : i32
      %dma_wait3A_89 = tpu.memref_slice %arg7[%add3A_88, %dma_wait3A] : memref<80x128xi32, #tpu.memory_space<vmem>> -> memref<1x128xi32, #tpu.memory_space<vmem>>
      %dma_wait3A_90 = tpu.memref_squeeze %dma_wait3A_89 : memref<1x128xi32, #tpu.memory_space<vmem>> -> memref<128xi32, #tpu.memory_space<vmem>>
      %dma_wait3A_91 = arith.constant 0 : i32
      %dma_wait3A_92 = arith.constant 0 : i32
      %dma_wait3A_93 = tpu.memref_slice %arg2[%dma_wait3A_91, %dma_wait3A_92] : memref<10112x40xf32, #tpu.memory_space<hbm>> -> memref<10112x40xf32, #tpu.memory_space<hbm>>
      tpu.wait_indirect_dma semaphore(%arg19 : memref<!tpu.dma_semaphore, #tpu.memory_space<semaphore_mem>>) src(%dma_wait3A_93 : memref<10112x40xf32, #tpu.memory_space<hbm>>) dst(%arg9 : memref<128x40xf32, #tpu.memory_space<vmem>>)
      %dma_start3A_94 = arith.constant 0 : i32
      %dma_start3A_95 = tpu.memref_slice %arg8[%add3A_88, %dma_start3A_94] : memref<80x128xi32, #tpu.memory_space<vmem>> -> memref<1x128xi32, #tpu.memory_space<vmem>>
      %dma_start3A_96 = tpu.memref_squeeze %dma_start3A_95 : memref<1x128xi32, #tpu.memory_space<vmem>> -> memref<128xi32, #tpu.memory_space<vmem>>
      %dma_start3A_97 = arith.constant 0 : i32
      %dma_start3A_98 = arith.constant 0 : i32
      %dma_start3A_99 = tpu.memref_slice %arg6[%dma_start3A_97, %dma_start3A_98] : memref<10112x40xf32, #tpu.memory_space<vmem_shared>> -> memref<10112x40xf32, #tpu.memory_space<vmem_shared>>
      tpu.enqueue_indirect_dma source(%arg9 : memref<128x40xf32, #tpu.memory_space<vmem>>) target(%dma_start3A_99 : memref<10112x40xf32, #tpu.memory_space<vmem_shared>>) offsets(%dma_start3A_96 : memref<128xi32, #tpu.memory_space<vmem>>) semaphore(%arg29 : memref<!tpu.dma_semaphore, #tpu.memory_space<semaphore_mem>>) {add = true}
      %mul3A_100 = arith.constant 10 : i32
      %mul3A_101 = arith.muli %scan3A_84, %mul3A_100 : i32
      %add3A_102 = arith.constant 1 : i32
      %add3A_103 = arith.addi %mul3A_101, %add3A_102 : i32
      %dma_wait3A_104 = arith.constant 0 : i32
      %dma_wait3A_105 = tpu.memref_slice %arg7[%add3A_103, %dma_wait3A_104] : memref<80x128xi32, #tpu.memory_space<vmem>> -> memref<1x128xi32, #tpu.memory_space<vmem>>
      %dma_wait3A_106 = tpu.memref_squeeze %dma_wait3A_105 : memref<1x128xi32, #tpu.memory_space<vmem>> -> memref<128xi32, #tpu.memory_space<vmem>>
      %dma_wait3A_107 = arith.constant 0 : i32
      %dma_wait3A_108 = arith.constant 0 : i32
      %dma_wait3A_109 = tpu.memref_slice %arg2[%dma_wait3A_107, %dma_wait3A_108] : memref<10112x40xf32, #tpu.memory_space<hbm>> -> memref<10112x40xf32, #tpu.memory_space<hbm>>
      tpu.wait_indirect_dma semaphore(%arg20 : memref<!tpu.dma_semaphore, #tpu.memory_space<semaphore_mem>>) src(%dma_wait3A_109 : memref<10112x40xf32, #tpu.memory_space<hbm>>) dst(%arg10 : memref<128x40xf32, #tpu.memory_space<vmem>>)
      %dma_start3A_110 = arith.constant 0 : i32
      %dma_start3A_111 = tpu.memref_slice %arg8[%add3A_103, %dma_start3A_110] : memref<80x128xi32, #tpu.memory_space<vmem>> -> memref<1x128xi32, #tpu.memory_space<vmem>>
      %dma_start3A_112 = tpu.memref_squeeze %dma_start3A_111 : memref<1x128xi32, #tpu.memory_space<vmem>> -> memref<128xi32, #tpu.memory_space<vmem>>
      %dma_start3A_113 = arith.constant 0 : i32
      %dma_start3A_114 = arith.constant 0 : i32
      %dma_start3A_115 = tpu.memref_slice %arg6[%dma_start3A_113, %dma_start3A_114] : memref<10112x40xf32, #tpu.memory_space<vmem_shared>> -> memref<10112x40xf32, #tpu.memory_space<vmem_shared>>
      tpu.enqueue_indirect_dma source(%arg10 : memref<128x40xf32, #tpu.memory_space<vmem>>) target(%dma_start3A_115 : memref<10112x40xf32, #tpu.memory_space<vmem_shared>>) offsets(%dma_start3A_112 : memref<128xi32, #tpu.memory_space<vmem>>) semaphore(%arg30 : memref<!tpu.dma_semaphore, #tpu.memory_space<semaphore_mem>>) {add = true}
      %mul3A_116 = arith.constant 10 : i32
      %mul3A_117 = arith.muli %scan3A_84, %mul3A_116 : i32
      %add3A_118 = arith.constant 2 : i32
      %add3A_119 = arith.addi %mul3A_117, %add3A_118 : i32
      %dma_wait3A_120 = arith.constant 0 : i32
      %dma_wait3A_121 = tpu.memref_slice %arg7[%add3A_119, %dma_wait3A_120] : memref<80x128xi32, #tpu.memory_space<vmem>> -> memref<1x128xi32, #tpu.memory_space<vmem>>
      %dma_wait3A_122 = tpu.memref_squeeze %dma_wait3A_121 : memref<1x128xi32, #tpu.memory_space<vmem>> -> memref<128xi32, #tpu.memory_space<vmem>>
      %dma_wait3A_123 = arith.constant 0 : i32
      %dma_wait3A_124 = arith.constant 0 : i32
      %dma_wait3A_125 = tpu.memref_slice %arg2[%dma_wait3A_123, %dma_wait3A_124] : memref<10112x40xf32, #tpu.memory_space<hbm>> -> memref<10112x40xf32, #tpu.memory_space<hbm>>
      tpu.wait_indirect_dma semaphore(%arg21 : memref<!tpu.dma_semaphore, #tpu.memory_space<semaphore_mem>>) src(%dma_wait3A_125 : memref<10112x40xf32, #tpu.memory_space<hbm>>) dst(%arg11 : memref<128x40xf32, #tpu.memory_space<vmem>>)
      %dma_start3A_126 = arith.constant 0 : i32
      %dma_start3A_127 = tpu.memref_slice %arg8[%add3A_119, %dma_start3A_126] : memref<80x128xi32, #tpu.memory_space<vmem>> -> memref<1x128xi32, #tpu.memory_space<vmem>>
      %dma_start3A_128 = tpu.memref_squeeze %dma_start3A_127 : memref<1x128xi32, #tpu.memory_space<vmem>> -> memref<128xi32, #tpu.memory_space<vmem>>
      %dma_start3A_129 = arith.constant 0 : i32
      %dma_start3A_130 = arith.constant 0 : i32
      %dma_start3A_131 = tpu.memref_slice %arg6[%dma_start3A_129, %dma_start3A_130] : memref<10112x40xf32, #tpu.memory_space<vmem_shared>> -> memref<10112x40xf32, #tpu.memory_space<vmem_shared>>
      tpu.enqueue_indirect_dma source(%arg11 : memref<128x40xf32, #tpu.memory_space<vmem>>) target(%dma_start3A_131 : memref<10112x40xf32, #tpu.memory_space<vmem_shared>>) offsets(%dma_start3A_128 : memref<128xi32, #tpu.memory_space<vmem>>) semaphore(%arg31 : memref<!tpu.dma_semaphore, #tpu.memory_space<semaphore_mem>>) {add = true}
      %mul3A_132 = arith.constant 10 : i32
      %mul3A_133 = arith.muli %scan3A_84, %mul3A_132 : i32
      %add3A_134 = arith.constant 3 : i32
      %add3A_135 = arith.addi %mul3A_133, %add3A_134 : i32
      %dma_wait3A_136 = arith.constant 0 : i32
      %dma_wait3A_137 = tpu.memref_slice %arg7[%add3A_135, %dma_wait3A_136] : memref<80x128xi32, #tpu.memory_space<vmem>> -> memref<1x128xi32, #tpu.memory_space<vmem>>
      %dma_wait3A_138 = tpu.memref_squeeze %dma_wait3A_137 : memref<1x128xi32, #tpu.memory_space<vmem>> -> memref<128xi32, #tpu.memory_space<vmem>>
      %dma_wait3A_139 = arith.constant 0 : i32
      %dma_wait3A_140 = arith.constant 0 : i32
      %dma_wait3A_141 = tpu.memref_slice %arg2[%dma_wait3A_139, %dma_wait3A_140] : memref<10112x40xf32, #tpu.memory_space<hbm>> -> memref<10112x40xf32, #tpu.memory_space<hbm>>
      tpu.wait_indirect_dma semaphore(%arg22 : memref<!tpu.dma_semaphore, #tpu.memory_space<semaphore_mem>>) src(%dma_wait3A_141 : memref<10112x40xf32, #tpu.memory_space<hbm>>) dst(%arg12 : memref<128x40xf32, #tpu.memory_space<vmem>>)
      %dma_start3A_142 = arith.constant 0 : i32
      %dma_start3A_143 = tpu.memref_slice %arg8[%add3A_135, %dma_start3A_142] : memref<80x128xi32, #tpu.memory_space<vmem>> -> memref<1x128xi32, #tpu.memory_space<vmem>>
      %dma_start3A_144 = tpu.memref_squeeze %dma_start3A_143 : memref<1x128xi32, #tpu.memory_space<vmem>> -> memref<128xi32, #tpu.memory_space<vmem>>
      %dma_start3A_145 = arith.constant 0 : i32
      %dma_start3A_146 = arith.constant 0 : i32
      %dma_start3A_147 = tpu.memref_slice %arg6[%dma_start3A_145, %dma_start3A_146] : memref<10112x40xf32, #tpu.memory_space<vmem_shared>> -> memref<10112x40xf32, #tpu.memory_space<vmem_shared>>
      tpu.enqueue_indirect_dma source(%arg12 : memref<128x40xf32, #tpu.memory_space<vmem>>) target(%dma_start3A_147 : memref<10112x40xf32, #tpu.memory_space<vmem_shared>>) offsets(%dma_start3A_144 : memref<128xi32, #tpu.memory_space<vmem>>) semaphore(%arg32 : memref<!tpu.dma_semaphore, #tpu.memory_space<semaphore_mem>>) {add = true}
      %mul3A_148 = arith.constant 10 : i32
      %mul3A_149 = arith.muli %scan3A_84, %mul3A_148 : i32
      %add3A_150 = arith.constant 4 : i32
      %add3A_151 = arith.addi %mul3A_149, %add3A_150 : i32
      %dma_wait3A_152 = arith.constant 0 : i32
      %dma_wait3A_153 = tpu.memref_slice %arg7[%add3A_151, %dma_wait3A_152] : memref<80x128xi32, #tpu.memory_space<vmem>> -> memref<1x128xi32, #tpu.memory_space<vmem>>
      %dma_wait3A_154 = tpu.memref_squeeze %dma_wait3A_153 : memref<1x128xi32, #tpu.memory_space<vmem>> -> memref<128xi32, #tpu.memory_space<vmem>>
      %dma_wait3A_155 = arith.constant 0 : i32
      %dma_wait3A_156 = arith.constant 0 : i32
      %dma_wait3A_157 = tpu.memref_slice %arg2[%dma_wait3A_155, %dma_wait3A_156] : memref<10112x40xf32, #tpu.memory_space<hbm>> -> memref<10112x40xf32, #tpu.memory_space<hbm>>
      tpu.wait_indirect_dma semaphore(%arg23 : memref<!tpu.dma_semaphore, #tpu.memory_space<semaphore_mem>>) src(%dma_wait3A_157 : memref<10112x40xf32, #tpu.memory_space<hbm>>) dst(%arg13 : memref<128x40xf32, #tpu.memory_space<vmem>>)
      %dma_start3A_158 = arith.constant 0 : i32
      %dma_start3A_159 = tpu.memref_slice %arg8[%add3A_151, %dma_start3A_158] : memref<80x128xi32, #tpu.memory_space<vmem>> -> memref<1x128xi32, #tpu.memory_space<vmem>>
      %dma_start3A_160 = tpu.memref_squeeze %dma_start3A_159 : memref<1x128xi32, #tpu.memory_space<vmem>> -> memref<128xi32, #tpu.memory_space<vmem>>
      %dma_start3A_161 = arith.constant 0 : i32
      %dma_start3A_162 = arith.constant 0 : i32
      %dma_start3A_163 = tpu.memref_slice %arg6[%dma_start3A_161, %dma_start3A_162] : memref<10112x40xf32, #tpu.memory_space<vmem_shared>> -> memref<10112x40xf32, #tpu.memory_space<vmem_shared>>
      tpu.enqueue_indirect_dma source(%arg13 : memref<128x40xf32, #tpu.memory_space<vmem>>) target(%dma_start3A_163 : memref<10112x40xf32, #tpu.memory_space<vmem_shared>>) offsets(%dma_start3A_160 : memref<128xi32, #tpu.memory_space<vmem>>) semaphore(%arg33 : memref<!tpu.dma_semaphore, #tpu.memory_space<semaphore_mem>>) {add = true}
      %mul3A_164 = arith.constant 10 : i32
      %mul3A_165 = arith.muli %scan3A_84, %mul3A_164 : i32
      %add3A_166 = arith.constant 5 : i32
      %add3A_167 = arith.addi %mul3A_165, %add3A_166 : i32
      %dma_wait3A_168 = arith.constant 0 : i32
      %dma_wait3A_169 = tpu.memref_slice %arg7[%add3A_167, %dma_wait3A_168] : memref<80x128xi32, #tpu.memory_space<vmem>> -> memref<1x128xi32, #tpu.memory_space<vmem>>
      %dma_wait3A_170 = tpu.memref_squeeze %dma_wait3A_169 : memref<1x128xi32, #tpu.memory_space<vmem>> -> memref<128xi32, #tpu.memory_space<vmem>>
      %dma_wait3A_171 = arith.constant 0 : i32
      %dma_wait3A_172 = arith.constant 0 : i32
      %dma_wait3A_173 = tpu.memref_slice %arg2[%dma_wait3A_171, %dma_wait3A_172] : memref<10112x40xf32, #tpu.memory_space<hbm>> -> memref<10112x40xf32, #tpu.memory_space<hbm>>
      tpu.wait_indirect_dma semaphore(%arg24 : memref<!tpu.dma_semaphore, #tpu.memory_space<semaphore_mem>>) src(%dma_wait3A_173 : memref<10112x40xf32, #tpu.memory_space<hbm>>) dst(%arg14 : memref<128x40xf32, #tpu.memory_space<vmem>>)
      %dma_start3A_174 = arith.constant 0 : i32
      %dma_start3A_175 = tpu.memref_slice %arg8[%add3A_167, %dma_start3A_174] : memref<80x128xi32, #tpu.memory_space<vmem>> -> memref<1x128xi32, #tpu.memory_space<vmem>>
      %dma_start3A_176 = tpu.memref_squeeze %dma_start3A_175 : memref<1x128xi32, #tpu.memory_space<vmem>> -> memref<128xi32, #tpu.memory_space<vmem>>
      %dma_start3A_177 = arith.constant 0 : i32
      %dma_start3A_178 = arith.constant 0 : i32
      %dma_start3A_179 = tpu.memref_slice %arg6[%dma_start3A_177, %dma_start3A_178] : memref<10112x40xf32, #tpu.memory_space<vmem_shared>> -> memref<10112x40xf32, #tpu.memory_space<vmem_shared>>
      tpu.enqueue_indirect_dma source(%arg14 : memref<128x40xf32, #tpu.memory_space<vmem>>) target(%dma_start3A_179 : memref<10112x40xf32, #tpu.memory_space<vmem_shared>>) offsets(%dma_start3A_176 : memref<128xi32, #tpu.memory_space<vmem>>) semaphore(%arg34 : memref<!tpu.dma_semaphore, #tpu.memory_space<semaphore_mem>>) {add = true}
      %mul3A_180 = arith.constant 10 : i32
      %mul3A_181 = arith.muli %scan3A_84, %mul3A_180 : i32
      %add3A_182 = arith.constant 6 : i32
      %add3A_183 = arith.addi %mul3A_181, %add3A_182 : i32
      %dma_wait3A_184 = arith.constant 0 : i32
      %dma_wait3A_185 = tpu.memref_slice %arg7[%add3A_183, %dma_wait3A_184] : memref<80x128xi32, #tpu.memory_space<vmem>> -> memref<1x128xi32, #tpu.memory_space<vmem>>
      %dma_wait3A_186 = tpu.memref_squeeze %dma_wait3A_185 : memref<1x128xi32, #tpu.memory_space<vmem>> -> memref<128xi32, #tpu.memory_space<vmem>>
      %dma_wait3A_187 = arith.constant 0 : i32
      %dma_wait3A_188 = arith.constant 0 : i32
      %dma_wait3A_189 = tpu.memref_slice %arg2[%dma_wait3A_187, %dma_wait3A_188] : memref<10112x40xf32, #tpu.memory_space<hbm>> -> memref<10112x40xf32, #tpu.memory_space<hbm>>
      tpu.wait_indirect_dma semaphore(%arg25 : memref<!tpu.dma_semaphore, #tpu.memory_space<semaphore_mem>>) src(%dma_wait3A_189 : memref<10112x40xf32, #tpu.memory_space<hbm>>) dst(%arg15 : memref<128x40xf32, #tpu.memory_space<vmem>>)
      %dma_start3A_190 = arith.constant 0 : i32
      %dma_start3A_191 = tpu.memref_slice %arg8[%add3A_183, %dma_start3A_190] : memref<80x128xi32, #tpu.memory_space<vmem>> -> memref<1x128xi32, #tpu.memory_space<vmem>>
      %dma_start3A_192 = tpu.memref_squeeze %dma_start3A_191 : memref<1x128xi32, #tpu.memory_space<vmem>> -> memref<128xi32, #tpu.memory_space<vmem>>
      %dma_start3A_193 = arith.constant 0 : i32
      %dma_start3A_194 = arith.constant 0 : i32
      %dma_start3A_195 = tpu.memref_slice %arg6[%dma_start3A_193, %dma_start3A_194] : memref<10112x40xf32, #tpu.memory_space<vmem_shared>> -> memref<10112x40xf32, #tpu.memory_space<vmem_shared>>
      tpu.enqueue_indirect_dma source(%arg15 : memref<128x40xf32, #tpu.memory_space<vmem>>) target(%dma_start3A_195 : memref<10112x40xf32, #tpu.memory_space<vmem_shared>>) offsets(%dma_start3A_192 : memref<128xi32, #tpu.memory_space<vmem>>) semaphore(%arg35 : memref<!tpu.dma_semaphore, #tpu.memory_space<semaphore_mem>>) {add = true}
      %mul3A_196 = arith.constant 10 : i32
      %mul3A_197 = arith.muli %scan3A_84, %mul3A_196 : i32
      %add3A_198 = arith.constant 7 : i32
      %add3A_199 = arith.addi %mul3A_197, %add3A_198 : i32
      %dma_wait3A_200 = arith.constant 0 : i32
      %dma_wait3A_201 = tpu.memref_slice %arg7[%add3A_199, %dma_wait3A_200] : memref<80x128xi32, #tpu.memory_space<vmem>> -> memref<1x128xi32, #tpu.memory_space<vmem>>
      %dma_wait3A_202 = tpu.memref_squeeze %dma_wait3A_201 : memref<1x128xi32, #tpu.memory_space<vmem>> -> memref<128xi32, #tpu.memory_space<vmem>>
      %dma_wait3A_203 = arith.constant 0 : i32
      %dma_wait3A_204 = arith.constant 0 : i32
      %dma_wait3A_205 = tpu.memref_slice %arg2[%dma_wait3A_203, %dma_wait3A_204] : memref<10112x40xf32, #tpu.memory_space<hbm>> -> memref<10112x40xf32, #tpu.memory_space<hbm>>
      tpu.wait_indirect_dma semaphore(%arg26 : memref<!tpu.dma_semaphore, #tpu.memory_space<semaphore_mem>>) src(%dma_wait3A_205 : memref<10112x40xf32, #tpu.memory_space<hbm>>) dst(%arg16 : memref<128x40xf32, #tpu.memory_space<vmem>>)
      %dma_start3A_206 = arith.constant 0 : i32
      %dma_start3A_207 = tpu.memref_slice %arg8[%add3A_199, %dma_start3A_206] : memref<80x128xi32, #tpu.memory_space<vmem>> -> memref<1x128xi32, #tpu.memory_space<vmem>>
      %dma_start3A_208 = tpu.memref_squeeze %dma_start3A_207 : memref<1x128xi32, #tpu.memory_space<vmem>> -> memref<128xi32, #tpu.memory_space<vmem>>
      %dma_start3A_209 = arith.constant 0 : i32
      %dma_start3A_210 = arith.constant 0 : i32
      %dma_start3A_211 = tpu.memref_slice %arg6[%dma_start3A_209, %dma_start3A_210] : memref<10112x40xf32, #tpu.memory_space<vmem_shared>> -> memref<10112x40xf32, #tpu.memory_space<vmem_shared>>
      tpu.enqueue_indirect_dma source(%arg16 : memref<128x40xf32, #tpu.memory_space<vmem>>) target(%dma_start3A_211 : memref<10112x40xf32, #tpu.memory_space<vmem_shared>>) offsets(%dma_start3A_208 : memref<128xi32, #tpu.memory_space<vmem>>) semaphore(%arg36 : memref<!tpu.dma_semaphore, #tpu.memory_space<semaphore_mem>>) {add = true}
      %mul3A_212 = arith.constant 10 : i32
      %mul3A_213 = arith.muli %scan3A_84, %mul3A_212 : i32
      %add3A_214 = arith.constant 8 : i32
      %add3A_215 = arith.addi %mul3A_213, %add3A_214 : i32
      %dma_wait3A_216 = arith.constant 0 : i32
      %dma_wait3A_217 = tpu.memref_slice %arg7[%add3A_215, %dma_wait3A_216] : memref<80x128xi32, #tpu.memory_space<vmem>> -> memref<1x128xi32, #tpu.memory_space<vmem>>
      %dma_wait3A_218 = tpu.memref_squeeze %dma_wait3A_217 : memref<1x128xi32, #tpu.memory_space<vmem>> -> memref<128xi32, #tpu.memory_space<vmem>>
      %dma_wait3A_219 = arith.constant 0 : i32
      %dma_wait3A_220 = arith.constant 0 : i32
      %dma_wait3A_221 = tpu.memref_slice %arg2[%dma_wait3A_219, %dma_wait3A_220] : memref<10112x40xf32, #tpu.memory_space<hbm>> -> memref<10112x40xf32, #tpu.memory_space<hbm>>
      tpu.wait_indirect_dma semaphore(%arg27 : memref<!tpu.dma_semaphore, #tpu.memory_space<semaphore_mem>>) src(%dma_wait3A_221 : memref<10112x40xf32, #tpu.memory_space<hbm>>) dst(%arg17 : memref<128x40xf32, #tpu.memory_space<vmem>>)
      %dma_start3A_222 = arith.constant 0 : i32
      %dma_start3A_223 = tpu.memref_slice %arg8[%add3A_215, %dma_start3A_222] : memref<80x128xi32, #tpu.memory_space<vmem>> -> memref<1x128xi32, #tpu.memory_space<vmem>>
      %dma_start3A_224 = tpu.memref_squeeze %dma_start3A_223 : memref<1x128xi32, #tpu.memory_space<vmem>> -> memref<128xi32, #tpu.memory_space<vmem>>
      %dma_start3A_225 = arith.constant 0 : i32
      %dma_start3A_226 = arith.constant 0 : i32
      %dma_start3A_227 = tpu.memref_slice %arg6[%dma_start3A_225, %dma_start3A_226] : memref<10112x40xf32, #tpu.memory_space<vmem_shared>> -> memref<10112x40xf32, #tpu.memory_space<vmem_shared>>
      tpu.enqueue_indirect_dma source(%arg17 : memref<128x40xf32, #tpu.memory_space<vmem>>) target(%dma_start3A_227 : memref<10112x40xf32, #tpu.memory_space<vmem_shared>>) offsets(%dma_start3A_224 : memref<128xi32, #tpu.memory_space<vmem>>) semaphore(%arg37 : memref<!tpu.dma_semaphore, #tpu.memory_space<semaphore_mem>>) {add = true}
      %mul3A_228 = arith.constant 10 : i32
      %mul3A_229 = arith.muli %scan3A_84, %mul3A_228 : i32
      %add3A_230 = arith.constant 9 : i32
      %add3A_231 = arith.addi %mul3A_229, %add3A_230 : i32
      %dma_wait3A_232 = arith.constant 0 : i32
      %dma_wait3A_233 = tpu.memref_slice %arg7[%add3A_231, %dma_wait3A_232] : memref<80x128xi32, #tpu.memory_space<vmem>> -> memref<1x128xi32, #tpu.memory_space<vmem>>
      %dma_wait3A_234 = tpu.memref_squeeze %dma_wait3A_233 : memref<1x128xi32, #tpu.memory_space<vmem>> -> memref<128xi32, #tpu.memory_space<vmem>>
      %dma_wait3A_235 = arith.constant 0 : i32
      %dma_wait3A_236 = arith.constant 0 : i32
      %dma_wait3A_237 = tpu.memref_slice %arg2[%dma_wait3A_235, %dma_wait3A_236] : memref<10112x40xf32, #tpu.memory_space<hbm>> -> memref<10112x40xf32, #tpu.memory_space<hbm>>
      tpu.wait_indirect_dma semaphore(%arg28 : memref<!tpu.dma_semaphore, #tpu.memory_space<semaphore_mem>>) src(%dma_wait3A_237 : memref<10112x40xf32, #tpu.memory_space<hbm>>) dst(%arg18 : memref<128x40xf32, #tpu.memory_space<vmem>>)
      %dma_start3A_238 = arith.constant 0 : i32
      %dma_start3A_239 = tpu.memref_slice %arg8[%add3A_231, %dma_start3A_238] : memref<80x128xi32, #tpu.memory_space<vmem>> -> memref<1x128xi32, #tpu.memory_space<vmem>>
      %dma_start3A_240 = tpu.memref_squeeze %dma_start3A_239 : memref<1x128xi32, #tpu.memory_space<vmem>> -> memref<128xi32, #tpu.memory_space<vmem>>
      %dma_start3A_241 = arith.constant 0 : i32
      %dma_start3A_242 = arith.constant 0 : i32
      %dma_start3A_243 = tpu.memref_slice %arg6[%dma_start3A_241, %dma_start3A_242] : memref<10112x40xf32, #tpu.memory_space<vmem_shared>> -> memref<10112x40xf32, #tpu.memory_space<vmem_shared>>
      tpu.enqueue_indirect_dma source(%arg18 : memref<128x40xf32, #tpu.memory_space<vmem>>) target(%dma_start3A_243 : memref<10112x40xf32, #tpu.memory_space<vmem_shared>>) offsets(%dma_start3A_240 : memref<128xi32, #tpu.memory_space<vmem>>) semaphore(%arg38 : memref<!tpu.dma_semaphore, #tpu.memory_space<semaphore_mem>>) {add = true}
      %dma_wait3A_244 = arith.constant 0 : i32
      %dma_wait3A_245 = arith.constant 0 : i32
      %dma_wait3A_246 = tpu.memref_slice %arg8[%dma_wait3A_244, %dma_wait3A_245] : memref<80x128xi32, #tpu.memory_space<vmem>> -> memref<1x128xi32, #tpu.memory_space<vmem>>
      %dma_wait3A_247 = tpu.memref_squeeze %dma_wait3A_246 : memref<1x128xi32, #tpu.memory_space<vmem>> -> memref<128xi32, #tpu.memory_space<vmem>>
      %dma_wait3A_248 = arith.constant 0 : i32
      %dma_wait3A_249 = arith.constant 0 : i32
      %dma_wait3A_250 = tpu.memref_slice %arg6[%dma_wait3A_248, %dma_wait3A_249] : memref<10112x40xf32, #tpu.memory_space<vmem_shared>> -> memref<10112x40xf32, #tpu.memory_space<vmem_shared>>
      tpu.wait_indirect_dma semaphore(%arg29 : memref<!tpu.dma_semaphore, #tpu.memory_space<semaphore_mem>>) src(%arg9 : memref<128x40xf32, #tpu.memory_space<vmem>>) dst(%dma_wait3A_250 : memref<10112x40xf32, #tpu.memory_space<vmem_shared>>)
      %add3A_251 = arith.constant 1 : i32
      %add3A_252 = arith.addi %scan3A_84, %add3A_251 : i32
      %lt3A = arith.constant 8 : i32
      %lt3A_253 = arith.cmpi slt, %add3A_252, %lt3A : i32
      %convert_element_type3A = arith.extui %lt3A_253 : i1 to i32
      %cond3A = arith.constant 0 : i32
      %cond3A_254 = arith.cmpi ne, %convert_element_type3A, %cond3A : i32
      scf.if %cond3A_254 {
        %add3A_381 = arith.constant 1 : i32
        %add3A_382 = arith.addi %scan3A_84, %add3A_381 : i32
        %mul3A_383 = arith.constant 10 : i32
        %mul3A_384 = arith.muli %add3A_382, %mul3A_383 : i32
        %add3A_385 = arith.constant 0 : i32
        %add3A_386 = arith.addi %mul3A_384, %add3A_385 : i32
        %dma_start3A_387 = arith.constant 0 : i32
        %dma_start3A_388 = tpu.memref_slice %arg7[%add3A_386, %dma_start3A_387] : memref<80x128xi32, #tpu.memory_space<vmem>> -> memref<1x128xi32, #tpu.memory_space<vmem>>
        %dma_start3A_389 = tpu.memref_squeeze %dma_start3A_388 : memref<1x128xi32, #tpu.memory_space<vmem>> -> memref<128xi32, #tpu.memory_space<vmem>>
        %dma_start3A_390 = arith.constant 0 : i32
        %dma_start3A_391 = arith.constant 0 : i32
        %dma_start3A_392 = tpu.memref_slice %arg2[%dma_start3A_390, %dma_start3A_391] : memref<10112x40xf32, #tpu.memory_space<hbm>> -> memref<10112x40xf32, #tpu.memory_space<hbm>>
        tpu.enqueue_indirect_dma source(%dma_start3A_392 : memref<10112x40xf32, #tpu.memory_space<hbm>>) target(%arg9 : memref<128x40xf32, #tpu.memory_space<vmem>>) offsets(%dma_start3A_389 : memref<128xi32, #tpu.memory_space<vmem>>) semaphore(%arg19 : memref<!tpu.dma_semaphore, #tpu.memory_space<semaphore_mem>>)
      } else {
      }
      %dma_wait3A_255 = arith.constant 1 : i32
      %dma_wait3A_256 = arith.constant 0 : i32
      %dma_wait3A_257 = tpu.memref_slice %arg8[%dma_wait3A_255, %dma_wait3A_256] : memref<80x128xi32, #tpu.memory_space<vmem>> -> memref<1x128xi32, #tpu.memory_space<vmem>>
      %dma_wait3A_258 = tpu.memref_squeeze %dma_wait3A_257 : memref<1x128xi32, #tpu.memory_space<vmem>> -> memref<128xi32, #tpu.memory_space<vmem>>
      %dma_wait3A_259 = arith.constant 0 : i32
      %dma_wait3A_260 = arith.constant 0 : i32
      %dma_wait3A_261 = tpu.memref_slice %arg6[%dma_wait3A_259, %dma_wait3A_260] : memref<10112x40xf32, #tpu.memory_space<vmem_shared>> -> memref<10112x40xf32, #tpu.memory_space<vmem_shared>>
      tpu.wait_indirect_dma semaphore(%arg30 : memref<!tpu.dma_semaphore, #tpu.memory_space<semaphore_mem>>) src(%arg10 : memref<128x40xf32, #tpu.memory_space<vmem>>) dst(%dma_wait3A_261 : memref<10112x40xf32, #tpu.memory_space<vmem_shared>>)
      %add3A_262 = arith.constant 1 : i32
      %add3A_263 = arith.addi %scan3A_84, %add3A_262 : i32
      %lt3A_264 = arith.constant 8 : i32
      %lt3A_265 = arith.cmpi slt, %add3A_263, %lt3A_264 : i32
      %convert_element_type3A_266 = arith.extui %lt3A_265 : i1 to i32
      %cond3A_267 = arith.constant 0 : i32
      %cond3A_268 = arith.cmpi ne, %convert_element_type3A_266, %cond3A_267 : i32
      scf.if %cond3A_268 {
        %add3A_381 = arith.constant 1 : i32
        %add3A_382 = arith.addi %scan3A_84, %add3A_381 : i32
        %mul3A_383 = arith.constant 10 : i32
        %mul3A_384 = arith.muli %add3A_382, %mul3A_383 : i32
        %add3A_385 = arith.constant 1 : i32
        %add3A_386 = arith.addi %mul3A_384, %add3A_385 : i32
        %dma_start3A_387 = arith.constant 0 : i32
        %dma_start3A_388 = tpu.memref_slice %arg7[%add3A_386, %dma_start3A_387] : memref<80x128xi32, #tpu.memory_space<vmem>> -> memref<1x128xi32, #tpu.memory_space<vmem>>
        %dma_start3A_389 = tpu.memref_squeeze %dma_start3A_388 : memref<1x128xi32, #tpu.memory_space<vmem>> -> memref<128xi32, #tpu.memory_space<vmem>>
        %dma_start3A_390 = arith.constant 0 : i32
        %dma_start3A_391 = arith.constant 0 : i32
        %dma_start3A_392 = tpu.memref_slice %arg2[%dma_start3A_390, %dma_start3A_391] : memref<10112x40xf32, #tpu.memory_space<hbm>> -> memref<10112x40xf32, #tpu.memory_space<hbm>>
        tpu.enqueue_indirect_dma source(%dma_start3A_392 : memref<10112x40xf32, #tpu.memory_space<hbm>>) target(%arg10 : memref<128x40xf32, #tpu.memory_space<vmem>>) offsets(%dma_start3A_389 : memref<128xi32, #tpu.memory_space<vmem>>) semaphore(%arg20 : memref<!tpu.dma_semaphore, #tpu.memory_space<semaphore_mem>>)
      } else {
      }
      %dma_wait3A_269 = arith.constant 2 : i32
      %dma_wait3A_270 = arith.constant 0 : i32
      %dma_wait3A_271 = tpu.memref_slice %arg8[%dma_wait3A_269, %dma_wait3A_270] : memref<80x128xi32, #tpu.memory_space<vmem>> -> memref<1x128xi32, #tpu.memory_space<vmem>>
      %dma_wait3A_272 = tpu.memref_squeeze %dma_wait3A_271 : memref<1x128xi32, #tpu.memory_space<vmem>> -> memref<128xi32, #tpu.memory_space<vmem>>
      %dma_wait3A_273 = arith.constant 0 : i32
      %dma_wait3A_274 = arith.constant 0 : i32
      %dma_wait3A_275 = tpu.memref_slice %arg6[%dma_wait3A_273, %dma_wait3A_274] : memref<10112x40xf32, #tpu.memory_space<vmem_shared>> -> memref<10112x40xf32, #tpu.memory_space<vmem_shared>>
      tpu.wait_indirect_dma semaphore(%arg31 : memref<!tpu.dma_semaphore, #tpu.memory_space<semaphore_mem>>) src(%arg11 : memref<128x40xf32, #tpu.memory_space<vmem>>) dst(%dma_wait3A_275 : memref<10112x40xf32, #tpu.memory_space<vmem_shared>>)
      %add3A_276 = arith.constant 1 : i32
      %add3A_277 = arith.addi %scan3A_84, %add3A_276 : i32
      %lt3A_278 = arith.constant 8 : i32
      %lt3A_279 = arith.cmpi slt, %add3A_277, %lt3A_278 : i32
      %convert_element_type3A_280 = arith.extui %lt3A_279 : i1 to i32
      %cond3A_281 = arith.constant 0 : i32
      %cond3A_282 = arith.cmpi ne, %convert_element_type3A_280, %cond3A_281 : i32
      scf.if %cond3A_282 {
        %add3A_381 = arith.constant 1 : i32
        %add3A_382 = arith.addi %scan3A_84, %add3A_381 : i32
        %mul3A_383 = arith.constant 10 : i32
        %mul3A_384 = arith.muli %add3A_382, %mul3A_383 : i32
        %add3A_385 = arith.constant 2 : i32
        %add3A_386 = arith.addi %mul3A_384, %add3A_385 : i32
        %dma_start3A_387 = arith.constant 0 : i32
        %dma_start3A_388 = tpu.memref_slice %arg7[%add3A_386, %dma_start3A_387] : memref<80x128xi32, #tpu.memory_space<vmem>> -> memref<1x128xi32, #tpu.memory_space<vmem>>
        %dma_start3A_389 = tpu.memref_squeeze %dma_start3A_388 : memref<1x128xi32, #tpu.memory_space<vmem>> -> memref<128xi32, #tpu.memory_space<vmem>>
        %dma_start3A_390 = arith.constant 0 : i32
        %dma_start3A_391 = arith.constant 0 : i32
        %dma_start3A_392 = tpu.memref_slice %arg2[%dma_start3A_390, %dma_start3A_391] : memref<10112x40xf32, #tpu.memory_space<hbm>> -> memref<10112x40xf32, #tpu.memory_space<hbm>>
        tpu.enqueue_indirect_dma source(%dma_start3A_392 : memref<10112x40xf32, #tpu.memory_space<hbm>>) target(%arg11 : memref<128x40xf32, #tpu.memory_space<vmem>>) offsets(%dma_start3A_389 : memref<128xi32, #tpu.memory_space<vmem>>) semaphore(%arg21 : memref<!tpu.dma_semaphore, #tpu.memory_space<semaphore_mem>>)
      } else {
      }
      %dma_wait3A_283 = arith.constant 3 : i32
      %dma_wait3A_284 = arith.constant 0 : i32
      %dma_wait3A_285 = tpu.memref_slice %arg8[%dma_wait3A_283, %dma_wait3A_284] : memref<80x128xi32, #tpu.memory_space<vmem>> -> memref<1x128xi32, #tpu.memory_space<vmem>>
      %dma_wait3A_286 = tpu.memref_squeeze %dma_wait3A_285 : memref<1x128xi32, #tpu.memory_space<vmem>> -> memref<128xi32, #tpu.memory_space<vmem>>
      %dma_wait3A_287 = arith.constant 0 : i32
      %dma_wait3A_288 = arith.constant 0 : i32
      %dma_wait3A_289 = tpu.memref_slice %arg6[%dma_wait3A_287, %dma_wait3A_288] : memref<10112x40xf32, #tpu.memory_space<vmem_shared>> -> memref<10112x40xf32, #tpu.memory_space<vmem_shared>>
      tpu.wait_indirect_dma semaphore(%arg32 : memref<!tpu.dma_semaphore, #tpu.memory_space<semaphore_mem>>) src(%arg12 : memref<128x40xf32, #tpu.memory_space<vmem>>) dst(%dma_wait3A_289 : memref<10112x40xf32, #tpu.memory_space<vmem_shared>>)
      %add3A_290 = arith.constant 1 : i32
      %add3A_291 = arith.addi %scan3A_84, %add3A_290 : i32
      %lt3A_292 = arith.constant 8 : i32
      %lt3A_293 = arith.cmpi slt, %add3A_291, %lt3A_292 : i32
      %convert_element_type3A_294 = arith.extui %lt3A_293 : i1 to i32
      %cond3A_295 = arith.constant 0 : i32
      %cond3A_296 = arith.cmpi ne, %convert_element_type3A_294, %cond3A_295 : i32
      scf.if %cond3A_296 {
        %add3A_381 = arith.constant 1 : i32
        %add3A_382 = arith.addi %scan3A_84, %add3A_381 : i32
        %mul3A_383 = arith.constant 10 : i32
        %mul3A_384 = arith.muli %add3A_382, %mul3A_383 : i32
        %add3A_385 = arith.constant 3 : i32
        %add3A_386 = arith.addi %mul3A_384, %add3A_385 : i32
        %dma_start3A_387 = arith.constant 0 : i32
        %dma_start3A_388 = tpu.memref_slice %arg7[%add3A_386, %dma_start3A_387] : memref<80x128xi32, #tpu.memory_space<vmem>> -> memref<1x128xi32, #tpu.memory_space<vmem>>
        %dma_start3A_389 = tpu.memref_squeeze %dma_start3A_388 : memref<1x128xi32, #tpu.memory_space<vmem>> -> memref<128xi32, #tpu.memory_space<vmem>>
        %dma_start3A_390 = arith.constant 0 : i32
        %dma_start3A_391 = arith.constant 0 : i32
        %dma_start3A_392 = tpu.memref_slice %arg2[%dma_start3A_390, %dma_start3A_391] : memref<10112x40xf32, #tpu.memory_space<hbm>> -> memref<10112x40xf32, #tpu.memory_space<hbm>>
        tpu.enqueue_indirect_dma source(%dma_start3A_392 : memref<10112x40xf32, #tpu.memory_space<hbm>>) target(%arg12 : memref<128x40xf32, #tpu.memory_space<vmem>>) offsets(%dma_start3A_389 : memref<128xi32, #tpu.memory_space<vmem>>) semaphore(%arg22 : memref<!tpu.dma_semaphore, #tpu.memory_space<semaphore_mem>>)
      } else {
      }
      %dma_wait3A_297 = arith.constant 4 : i32
      %dma_wait3A_298 = arith.constant 0 : i32
      %dma_wait3A_299 = tpu.memref_slice %arg8[%dma_wait3A_297, %dma_wait3A_298] : memref<80x128xi32, #tpu.memory_space<vmem>> -> memref<1x128xi32, #tpu.memory_space<vmem>>
      %dma_wait3A_300 = tpu.memref_squeeze %dma_wait3A_299 : memref<1x128xi32, #tpu.memory_space<vmem>> -> memref<128xi32, #tpu.memory_space<vmem>>
      %dma_wait3A_301 = arith.constant 0 : i32
      %dma_wait3A_302 = arith.constant 0 : i32
      %dma_wait3A_303 = tpu.memref_slice %arg6[%dma_wait3A_301, %dma_wait3A_302] : memref<10112x40xf32, #tpu.memory_space<vmem_shared>> -> memref<10112x40xf32, #tpu.memory_space<vmem_shared>>
      tpu.wait_indirect_dma semaphore(%arg33 : memref<!tpu.dma_semaphore, #tpu.memory_space<semaphore_mem>>) src(%arg13 : memref<128x40xf32, #tpu.memory_space<vmem>>) dst(%dma_wait3A_303 : memref<10112x40xf32, #tpu.memory_space<vmem_shared>>)
      %add3A_304 = arith.constant 1 : i32
      %add3A_305 = arith.addi %scan3A_84, %add3A_304 : i32
      %lt3A_306 = arith.constant 8 : i32
      %lt3A_307 = arith.cmpi slt, %add3A_305, %lt3A_306 : i32
      %convert_element_type3A_308 = arith.extui %lt3A_307 : i1 to i32
      %cond3A_309 = arith.constant 0 : i32
      %cond3A_310 = arith.cmpi ne, %convert_element_type3A_308, %cond3A_309 : i32
      scf.if %cond3A_310 {
        %add3A_381 = arith.constant 1 : i32
        %add3A_382 = arith.addi %scan3A_84, %add3A_381 : i32
        %mul3A_383 = arith.constant 10 : i32
        %mul3A_384 = arith.muli %add3A_382, %mul3A_383 : i32
        %add3A_385 = arith.constant 4 : i32
        %add3A_386 = arith.addi %mul3A_384, %add3A_385 : i32
        %dma_start3A_387 = arith.constant 0 : i32
        %dma_start3A_388 = tpu.memref_slice %arg7[%add3A_386, %dma_start3A_387] : memref<80x128xi32, #tpu.memory_space<vmem>> -> memref<1x128xi32, #tpu.memory_space<vmem>>
        %dma_start3A_389 = tpu.memref_squeeze %dma_start3A_388 : memref<1x128xi32, #tpu.memory_space<vmem>> -> memref<128xi32, #tpu.memory_space<vmem>>
        %dma_start3A_390 = arith.constant 0 : i32
        %dma_start3A_391 = arith.constant 0 : i32
        %dma_start3A_392 = tpu.memref_slice %arg2[%dma_start3A_390, %dma_start3A_391] : memref<10112x40xf32, #tpu.memory_space<hbm>> -> memref<10112x40xf32, #tpu.memory_space<hbm>>
        tpu.enqueue_indirect_dma source(%dma_start3A_392 : memref<10112x40xf32, #tpu.memory_space<hbm>>) target(%arg13 : memref<128x40xf32, #tpu.memory_space<vmem>>) offsets(%dma_start3A_389 : memref<128xi32, #tpu.memory_space<vmem>>) semaphore(%arg23 : memref<!tpu.dma_semaphore, #tpu.memory_space<semaphore_mem>>)
      } else {
      }
      %dma_wait3A_311 = arith.constant 5 : i32
      %dma_wait3A_312 = arith.constant 0 : i32
      %dma_wait3A_313 = tpu.memref_slice %arg8[%dma_wait3A_311, %dma_wait3A_312] : memref<80x128xi32, #tpu.memory_space<vmem>> -> memref<1x128xi32, #tpu.memory_space<vmem>>
      %dma_wait3A_314 = tpu.memref_squeeze %dma_wait3A_313 : memref<1x128xi32, #tpu.memory_space<vmem>> -> memref<128xi32, #tpu.memory_space<vmem>>
      %dma_wait3A_315 = arith.constant 0 : i32
      %dma_wait3A_316 = arith.constant 0 : i32
      %dma_wait3A_317 = tpu.memref_slice %arg6[%dma_wait3A_315, %dma_wait3A_316] : memref<10112x40xf32, #tpu.memory_space<vmem_shared>> -> memref<10112x40xf32, #tpu.memory_space<vmem_shared>>
      tpu.wait_indirect_dma semaphore(%arg34 : memref<!tpu.dma_semaphore, #tpu.memory_space<semaphore_mem>>) src(%arg14 : memref<128x40xf32, #tpu.memory_space<vmem>>) dst(%dma_wait3A_317 : memref<10112x40xf32, #tpu.memory_space<vmem_shared>>)
      %add3A_318 = arith.constant 1 : i32
      %add3A_319 = arith.addi %scan3A_84, %add3A_318 : i32
      %lt3A_320 = arith.constant 8 : i32
      %lt3A_321 = arith.cmpi slt, %add3A_319, %lt3A_320 : i32
      %convert_element_type3A_322 = arith.extui %lt3A_321 : i1 to i32
      %cond3A_323 = arith.constant 0 : i32
      %cond3A_324 = arith.cmpi ne, %convert_element_type3A_322, %cond3A_323 : i32
      scf.if %cond3A_324 {
        %add3A_381 = arith.constant 1 : i32
        %add3A_382 = arith.addi %scan3A_84, %add3A_381 : i32
        %mul3A_383 = arith.constant 10 : i32
        %mul3A_384 = arith.muli %add3A_382, %mul3A_383 : i32
        %add3A_385 = arith.constant 5 : i32
        %add3A_386 = arith.addi %mul3A_384, %add3A_385 : i32
        %dma_start3A_387 = arith.constant 0 : i32
        %dma_start3A_388 = tpu.memref_slice %arg7[%add3A_386, %dma_start3A_387] : memref<80x128xi32, #tpu.memory_space<vmem>> -> memref<1x128xi32, #tpu.memory_space<vmem>>
        %dma_start3A_389 = tpu.memref_squeeze %dma_start3A_388 : memref<1x128xi32, #tpu.memory_space<vmem>> -> memref<128xi32, #tpu.memory_space<vmem>>
        %dma_start3A_390 = arith.constant 0 : i32
        %dma_start3A_391 = arith.constant 0 : i32
        %dma_start3A_392 = tpu.memref_slice %arg2[%dma_start3A_390, %dma_start3A_391] : memref<10112x40xf32, #tpu.memory_space<hbm>> -> memref<10112x40xf32, #tpu.memory_space<hbm>>
        tpu.enqueue_indirect_dma source(%dma_start3A_392 : memref<10112x40xf32, #tpu.memory_space<hbm>>) target(%arg14 : memref<128x40xf32, #tpu.memory_space<vmem>>) offsets(%dma_start3A_389 : memref<128xi32, #tpu.memory_space<vmem>>) semaphore(%arg24 : memref<!tpu.dma_semaphore, #tpu.memory_space<semaphore_mem>>)
      } else {
      }
      %dma_wait3A_325 = arith.constant 6 : i32
      %dma_wait3A_326 = arith.constant 0 : i32
      %dma_wait3A_327 = tpu.memref_slice %arg8[%dma_wait3A_325, %dma_wait3A_326] : memref<80x128xi32, #tpu.memory_space<vmem>> -> memref<1x128xi32, #tpu.memory_space<vmem>>
      %dma_wait3A_328 = tpu.memref_squeeze %dma_wait3A_327 : memref<1x128xi32, #tpu.memory_space<vmem>> -> memref<128xi32, #tpu.memory_space<vmem>>
      %dma_wait3A_329 = arith.constant 0 : i32
      %dma_wait3A_330 = arith.constant 0 : i32
      %dma_wait3A_331 = tpu.memref_slice %arg6[%dma_wait3A_329, %dma_wait3A_330] : memref<10112x40xf32, #tpu.memory_space<vmem_shared>> -> memref<10112x40xf32, #tpu.memory_space<vmem_shared>>
      tpu.wait_indirect_dma semaphore(%arg35 : memref<!tpu.dma_semaphore, #tpu.memory_space<semaphore_mem>>) src(%arg15 : memref<128x40xf32, #tpu.memory_space<vmem>>) dst(%dma_wait3A_331 : memref<10112x40xf32, #tpu.memory_space<vmem_shared>>)
      %add3A_332 = arith.constant 1 : i32
      %add3A_333 = arith.addi %scan3A_84, %add3A_332 : i32
      %lt3A_334 = arith.constant 8 : i32
      %lt3A_335 = arith.cmpi slt, %add3A_333, %lt3A_334 : i32
      %convert_element_type3A_336 = arith.extui %lt3A_335 : i1 to i32
      %cond3A_337 = arith.constant 0 : i32
      %cond3A_338 = arith.cmpi ne, %convert_element_type3A_336, %cond3A_337 : i32
      scf.if %cond3A_338 {
        %add3A_381 = arith.constant 1 : i32
        %add3A_382 = arith.addi %scan3A_84, %add3A_381 : i32
        %mul3A_383 = arith.constant 10 : i32
        %mul3A_384 = arith.muli %add3A_382, %mul3A_383 : i32
        %add3A_385 = arith.constant 6 : i32
        %add3A_386 = arith.addi %mul3A_384, %add3A_385 : i32
        %dma_start3A_387 = arith.constant 0 : i32
        %dma_start3A_388 = tpu.memref_slice %arg7[%add3A_386, %dma_start3A_387] : memref<80x128xi32, #tpu.memory_space<vmem>> -> memref<1x128xi32, #tpu.memory_space<vmem>>
        %dma_start3A_389 = tpu.memref_squeeze %dma_start3A_388 : memref<1x128xi32, #tpu.memory_space<vmem>> -> memref<128xi32, #tpu.memory_space<vmem>>
        %dma_start3A_390 = arith.constant 0 : i32
        %dma_start3A_391 = arith.constant 0 : i32
        %dma_start3A_392 = tpu.memref_slice %arg2[%dma_start3A_390, %dma_start3A_391] : memref<10112x40xf32, #tpu.memory_space<hbm>> -> memref<10112x40xf32, #tpu.memory_space<hbm>>
        tpu.enqueue_indirect_dma source(%dma_start3A_392 : memref<10112x40xf32, #tpu.memory_space<hbm>>) target(%arg15 : memref<128x40xf32, #tpu.memory_space<vmem>>) offsets(%dma_start3A_389 : memref<128xi32, #tpu.memory_space<vmem>>) semaphore(%arg25 : memref<!tpu.dma_semaphore, #tpu.memory_space<semaphore_mem>>)
      } else {
      }
      %dma_wait3A_339 = arith.constant 7 : i32
      %dma_wait3A_340 = arith.constant 0 : i32
      %dma_wait3A_341 = tpu.memref_slice %arg8[%dma_wait3A_339, %dma_wait3A_340] : memref<80x128xi32, #tpu.memory_space<vmem>> -> memref<1x128xi32, #tpu.memory_space<vmem>>
      %dma_wait3A_342 = tpu.memref_squeeze %dma_wait3A_341 : memref<1x128xi32, #tpu.memory_space<vmem>> -> memref<128xi32, #tpu.memory_space<vmem>>
      %dma_wait3A_343 = arith.constant 0 : i32
      %dma_wait3A_344 = arith.constant 0 : i32
      %dma_wait3A_345 = tpu.memref_slice %arg6[%dma_wait3A_343, %dma_wait3A_344] : memref<10112x40xf32, #tpu.memory_space<vmem_shared>> -> memref<10112x40xf32, #tpu.memory_space<vmem_shared>>
      tpu.wait_indirect_dma semaphore(%arg36 : memref<!tpu.dma_semaphore, #tpu.memory_space<semaphore_mem>>) src(%arg16 : memref<128x40xf32, #tpu.memory_space<vmem>>) dst(%dma_wait3A_345 : memref<10112x40xf32, #tpu.memory_space<vmem_shared>>)
      %add3A_346 = arith.constant 1 : i32
      %add3A_347 = arith.addi %scan3A_84, %add3A_346 : i32
      %lt3A_348 = arith.constant 8 : i32
      %lt3A_349 = arith.cmpi slt, %add3A_347, %lt3A_348 : i32
      %convert_element_type3A_350 = arith.extui %lt3A_349 : i1 to i32
      %cond3A_351 = arith.constant 0 : i32
      %cond3A_352 = arith.cmpi ne, %convert_element_type3A_350, %cond3A_351 : i32
      scf.if %cond3A_352 {
        %add3A_381 = arith.constant 1 : i32
        %add3A_382 = arith.addi %scan3A_84, %add3A_381 : i32
        %mul3A_383 = arith.constant 10 : i32
        %mul3A_384 = arith.muli %add3A_382, %mul3A_383 : i32
        %add3A_385 = arith.constant 7 : i32
        %add3A_386 = arith.addi %mul3A_384, %add3A_385 : i32
        %dma_start3A_387 = arith.constant 0 : i32
        %dma_start3A_388 = tpu.memref_slice %arg7[%add3A_386, %dma_start3A_387] : memref<80x128xi32, #tpu.memory_space<vmem>> -> memref<1x128xi32, #tpu.memory_space<vmem>>
        %dma_start3A_389 = tpu.memref_squeeze %dma_start3A_388 : memref<1x128xi32, #tpu.memory_space<vmem>> -> memref<128xi32, #tpu.memory_space<vmem>>
        %dma_start3A_390 = arith.constant 0 : i32
        %dma_start3A_391 = arith.constant 0 : i32
        %dma_start3A_392 = tpu.memref_slice %arg2[%dma_start3A_390, %dma_start3A_391] : memref<10112x40xf32, #tpu.memory_space<hbm>> -> memref<10112x40xf32, #tpu.memory_space<hbm>>
        tpu.enqueue_indirect_dma source(%dma_start3A_392 : memref<10112x40xf32, #tpu.memory_space<hbm>>) target(%arg16 : memref<128x40xf32, #tpu.memory_space<vmem>>) offsets(%dma_start3A_389 : memref<128xi32, #tpu.memory_space<vmem>>) semaphore(%arg26 : memref<!tpu.dma_semaphore, #tpu.memory_space<semaphore_mem>>)
      } else {
      }
      %dma_wait3A_353 = arith.constant 8 : i32
      %dma_wait3A_354 = arith.constant 0 : i32
      %dma_wait3A_355 = tpu.memref_slice %arg8[%dma_wait3A_353, %dma_wait3A_354] : memref<80x128xi32, #tpu.memory_space<vmem>> -> memref<1x128xi32, #tpu.memory_space<vmem>>
      %dma_wait3A_356 = tpu.memref_squeeze %dma_wait3A_355 : memref<1x128xi32, #tpu.memory_space<vmem>> -> memref<128xi32, #tpu.memory_space<vmem>>
      %dma_wait3A_357 = arith.constant 0 : i32
      %dma_wait3A_358 = arith.constant 0 : i32
      %dma_wait3A_359 = tpu.memref_slice %arg6[%dma_wait3A_357, %dma_wait3A_358] : memref<10112x40xf32, #tpu.memory_space<vmem_shared>> -> memref<10112x40xf32, #tpu.memory_space<vmem_shared>>
      tpu.wait_indirect_dma semaphore(%arg37 : memref<!tpu.dma_semaphore, #tpu.memory_space<semaphore_mem>>) src(%arg17 : memref<128x40xf32, #tpu.memory_space<vmem>>) dst(%dma_wait3A_359 : memref<10112x40xf32, #tpu.memory_space<vmem_shared>>)
      %add3A_360 = arith.constant 1 : i32
      %add3A_361 = arith.addi %scan3A_84, %add3A_360 : i32
      %lt3A_362 = arith.constant 8 : i32
      %lt3A_363 = arith.cmpi slt, %add3A_361, %lt3A_362 : i32
      %convert_element_type3A_364 = arith.extui %lt3A_363 : i1 to i32
      %cond3A_365 = arith.constant 0 : i32
      %cond3A_366 = arith.cmpi ne, %convert_element_type3A_364, %cond3A_365 : i32
      scf.if %cond3A_366 {
        %add3A_381 = arith.constant 1 : i32
        %add3A_382 = arith.addi %scan3A_84, %add3A_381 : i32
        %mul3A_383 = arith.constant 10 : i32
        %mul3A_384 = arith.muli %add3A_382, %mul3A_383 : i32
        %add3A_385 = arith.constant 8 : i32
        %add3A_386 = arith.addi %mul3A_384, %add3A_385 : i32
        %dma_start3A_387 = arith.constant 0 : i32
        %dma_start3A_388 = tpu.memref_slice %arg7[%add3A_386, %dma_start3A_387] : memref<80x128xi32, #tpu.memory_space<vmem>> -> memref<1x128xi32, #tpu.memory_space<vmem>>
        %dma_start3A_389 = tpu.memref_squeeze %dma_start3A_388 : memref<1x128xi32, #tpu.memory_space<vmem>> -> memref<128xi32, #tpu.memory_space<vmem>>
        %dma_start3A_390 = arith.constant 0 : i32
        %dma_start3A_391 = arith.constant 0 : i32
        %dma_start3A_392 = tpu.memref_slice %arg2[%dma_start3A_390, %dma_start3A_391] : memref<10112x40xf32, #tpu.memory_space<hbm>> -> memref<10112x40xf32, #tpu.memory_space<hbm>>
        tpu.enqueue_indirect_dma source(%dma_start3A_392 : memref<10112x40xf32, #tpu.memory_space<hbm>>) target(%arg17 : memref<128x40xf32, #tpu.memory_space<vmem>>) offsets(%dma_start3A_389 : memref<128xi32, #tpu.memory_space<vmem>>) semaphore(%arg27 : memref<!tpu.dma_semaphore, #tpu.memory_space<semaphore_mem>>)
      } else {
      }
      %dma_wait3A_367 = arith.constant 9 : i32
      %dma_wait3A_368 = arith.constant 0 : i32
      %dma_wait3A_369 = tpu.memref_slice %arg8[%dma_wait3A_367, %dma_wait3A_368] : memref<80x128xi32, #tpu.memory_space<vmem>> -> memref<1x128xi32, #tpu.memory_space<vmem>>
      %dma_wait3A_370 = tpu.memref_squeeze %dma_wait3A_369 : memref<1x128xi32, #tpu.memory_space<vmem>> -> memref<128xi32, #tpu.memory_space<vmem>>
      %dma_wait3A_371 = arith.constant 0 : i32
      %dma_wait3A_372 = arith.constant 0 : i32
      %dma_wait3A_373 = tpu.memref_slice %arg6[%dma_wait3A_371, %dma_wait3A_372] : memref<10112x40xf32, #tpu.memory_space<vmem_shared>> -> memref<10112x40xf32, #tpu.memory_space<vmem_shared>>
      tpu.wait_indirect_dma semaphore(%arg38 : memref<!tpu.dma_semaphore, #tpu.memory_space<semaphore_mem>>) src(%arg18 : memref<128x40xf32, #tpu.memory_space<vmem>>) dst(%dma_wait3A_373 : memref<10112x40xf32, #tpu.memory_space<vmem_shared>>)
      %add3A_374 = arith.constant 1 : i32
      %add3A_375 = arith.addi %scan3A_84, %add3A_374 : i32
      %lt3A_376 = arith.constant 8 : i32
      %lt3A_377 = arith.cmpi slt, %add3A_375, %lt3A_376 : i32
      %convert_element_type3A_378 = arith.extui %lt3A_377 : i1 to i32
      %cond3A_379 = arith.constant 0 : i32
      %cond3A_380 = arith.cmpi ne, %convert_element_type3A_378, %cond3A_379 : i32
      scf.if %cond3A_380 {
        %add3A_381 = arith.constant 1 : i32
        %add3A_382 = arith.addi %scan3A_84, %add3A_381 : i32
        %mul3A_383 = arith.constant 10 : i32
        %mul3A_384 = arith.muli %add3A_382, %mul3A_383 : i32
        %add3A_385 = arith.constant 9 : i32
        %add3A_386 = arith.addi %mul3A_384, %add3A_385 : i32
        %dma_start3A_387 = arith.constant 0 : i32
        %dma_start3A_388 = tpu.memref_slice %arg7[%add3A_386, %dma_start3A_387] : memref<80x128xi32, #tpu.memory_space<vmem>> -> memref<1x128xi32, #tpu.memory_space<vmem>>
        %dma_start3A_389 = tpu.memref_squeeze %dma_start3A_388 : memref<1x128xi32, #tpu.memory_space<vmem>> -> memref<128xi32, #tpu.memory_space<vmem>>
        %dma_start3A_390 = arith.constant 0 : i32
        %dma_start3A_391 = arith.constant 0 : i32
        %dma_start3A_392 = tpu.memref_slice %arg2[%dma_start3A_390, %dma_start3A_391] : memref<10112x40xf32, #tpu.memory_space<hbm>> -> memref<10112x40xf32, #tpu.memory_space<hbm>>
        tpu.enqueue_indirect_dma source(%dma_start3A_392 : memref<10112x40xf32, #tpu.memory_space<hbm>>) target(%arg18 : memref<128x40xf32, #tpu.memory_space<vmem>>) offsets(%dma_start3A_389 : memref<128xi32, #tpu.memory_space<vmem>>) semaphore(%arg28 : memref<!tpu.dma_semaphore, #tpu.memory_space<semaphore_mem>>)
      } else {
      }
    }
    %scan3A_80 = arith.constant 8 : i32
    %barrier3A_81 = arith.constant 0 : index
    tpu.barrier barrier_id(%barrier3A_81)
    %mul3A_82 = arith.constant 40 : i32
    %mul3A_83 = arith.muli %arg0, %mul3A_82 : i32
    "tpu.region"() ({
      %run_scoped3A = tpu.sem_alloc : memref<!tpu.dma_semaphore, #tpu.memory_space<semaphore_mem>>
      %dma_start3A_84 = tpu.memref_slice %arg5[%mul3A_2, %mul3A_83] : memref<10112x80xf32, #tpu.memory_space<hbm>> -> memref<632x40xf32, #tpu.memory_space<hbm>>
      %dma_start3A_85 = arith.constant 0 : i32
      %dma_start3A_86 = tpu.memref_slice %arg6[%mul3A_2, %dma_start3A_85] : memref<10112x40xf32, #tpu.memory_space<vmem_shared>> -> memref<632x40xf32, #tpu.memory_space<vmem_shared>>
      tpu.enqueue_dma source(%dma_start3A_86 : memref<632x40xf32, #tpu.memory_space<vmem_shared>>) target(%dma_start3A_84 : memref<632x40xf32, #tpu.memory_space<hbm>>) target_semaphore(%run_scoped3A : memref<!tpu.dma_semaphore, #tpu.memory_space<semaphore_mem>>)
      %dma_wait3A = tpu.memref_slice %arg5[%mul3A_2, %mul3A_83] : memref<10112x80xf32, #tpu.memory_space<hbm>> -> memref<632x40xf32, #tpu.memory_space<hbm>>
      %dma_wait3A_87 = arith.constant 0 : i32
      %dma_wait3A_88 = tpu.memref_slice %arg6[%mul3A_2, %dma_wait3A_87] : memref<10112x40xf32, #tpu.memory_space<vmem_shared>> -> memref<632x40xf32, #tpu.memory_space<vmem_shared>>
      tpu.wait_dma2 semaphore(%run_scoped3A : memref<!tpu.dma_semaphore, #tpu.memory_space<semaphore_mem>>) src(%dma_wait3A_88 : memref<632x40xf32, #tpu.memory_space<vmem_shared>>) dst(%dma_wait3A : memref<632x40xf32, #tpu.memory_space<hbm>>)
      tpu.yield
    }) : () -> ()
    return
  }
}

module attributes {stable_mosaic.version = 14 : i64} {
  func.func @_tc_first_body(%arg0: memref<32x10112xf32, #tpu.memory_space<vmem>>, %arg1: memref<10000x128xf32, #tpu.memory_space<vmem>>, %arg2: memref<8x128xf32, #tpu.memory_space<vmem>>, %arg3: memref<1x10112xf32, #tpu.memory_space<vmem>>, %arg4: memref<8x10112xf32, #tpu.memory_space<vmem>>) attributes {dimension_semantics = [], scalar_prefetch = 0 : i64, scratch_operands = 0 : i64, tpu.core_type = #tpu.core_type<tc>} {
    %broadcast_in_dim3A = arith.constant 1.000000e+00 : f32
    %broadcast_in_dim3A_0 = vector.broadcast %broadcast_in_dim3A : f32 to vector<1x32xf32>
    %get3A = arith.constant 0 : index
    %get3A_1 = arith.constant 0 : index
    %get3A_2 = vector.load %arg0[%get3A, %get3A_1] : memref<32x10112xf32, #tpu.memory_space<vmem>>, vector<32x10112xf32>
    %dot_general3A = arith.constant dense<0.000000e+00> : vector<1x10112xf32>
    %dot_general3A_3 = tpu.matmul %broadcast_in_dim3A_0, %get3A_2, %dot_general3A {dimension_numbers = #tpu.dot_dimension_numbers<[1], [0], [0], [1], [0, 0, 1, 1], [], []>, transpose_lhs_hint = false} : vector<1x32xf32>, vector<32x10112xf32>, vector<1x10112xf32> -> vector<1x10112xf32>
    %iota3A = tpu.iota {dimensions = array<i32: 1>} : vector<1x10112xi32>
    %lt3A = arith.constant 10000 : i32
    %lt3A_4 = vector.broadcast %lt3A : i32 to vector<1x10112xi32>
    %lt3A_5 = arith.cmpi slt, %iota3A, %lt3A_4 : vector<1x10112xi32>
    %add3A = arith.constant 1.000000e+00 : f32
    %add3A_6 = vector.broadcast %add3A : f32 to vector<1x10112xf32>
    %add3A_7 = arith.addf %dot_general3A_3, %add3A_6 : vector<1x10112xf32>
    %rsqrt3A = math.rsqrt %add3A_7 : vector<1x10112xf32>
    %jit3A = arith.constant 0.000000e+00 : f32
    %broadcast_in_dim3A_8 = vector.broadcast %jit3A : f32 to vector<1x10112xf32>
    %select_n3A = arith.select %lt3A_5, %rsqrt3A, %broadcast_in_dim3A_8 : vector<1x10112xi1>, vector<1x10112xf32>
    %swap3A = arith.constant 0 : index
    %swap3A_9 = arith.constant 0 : index
    %swap3A_10 = vector.load %arg3[%swap3A, %swap3A_9] : memref<1x10112xf32, #tpu.memory_space<vmem>>, vector<1x10112xf32>
    tpu.vector_store %arg3[%swap3A, %swap3A_9], %select_n3A {strides = array<i32>} : memref<1x10112xf32, #tpu.memory_space<vmem>>, vector<1x10112xf32>,
    %get3A_11 = arith.constant 0 : index
    %get3A_12 = arith.constant 0 : index
    %get3A_13 = vector.load %arg2[%get3A_11, %get3A_12] : memref<8x128xf32, #tpu.memory_space<vmem>>, vector<8x128xf32>
    %get3A_14 = arith.constant 0 : index
    %get3A_15 = arith.constant 0 : index
    %get3A_16 = vector.load %arg1[%get3A_14, %get3A_15] : memref<10000x128xf32, #tpu.memory_space<vmem>>, vector<10000x128xf32>
    %dot_general3A_17 = arith.constant dense<0.000000e+00> : vector<8x10000xf32>
    %dot_general3A_18 = tpu.matmul %get3A_13, %get3A_16, %dot_general3A_17 {dimension_numbers = #tpu.dot_dimension_numbers<[1], [1], [0], [0], [0, 0, 1, 0], [], []>, transpose_lhs_hint = false} : vector<8x128xf32>, vector<10000x128xf32>, vector<8x10000xf32> -> vector<8x10000xf32>
    %broadcast_in_dim3A_19 = arith.constant 0.000000e+00 : f32
    %broadcast_in_dim3A_20 = vector.broadcast %broadcast_in_dim3A_19 : f32 to vector<8x112xf32>
    %concatenate3A = tpu.concatenate %dot_general3A_18, %broadcast_in_dim3A_20 in 1 : vector<8x10000xf32>, vector<8x112xf32> -> vector<8x10112xf32>
    %mul3A = vector.broadcast %select_n3A : vector<1x10112xf32> to vector<8x10112xf32>
    %mul3A_21 = arith.mulf %mul3A, %concatenate3A : vector<8x10112xf32>
    %swap3A_22 = arith.constant 0 : index
    %swap3A_23 = arith.constant 0 : index
    %swap3A_24 = vector.load %arg4[%swap3A_22, %swap3A_23] : memref<8x10112xf32, #tpu.memory_space<vmem>>, vector<8x10112xf32>
    tpu.vector_store %arg4[%swap3A_22, %swap3A_23], %mul3A_21 {strides = array<i32>} : memref<8x10112xf32, #tpu.memory_space<vmem>>, vector<8x10112xf32>,
    return
  }
}

module attributes {stable_mosaic.version = 14 : i64} {
  func.func @_tc_mid_body(%arg0: memref<1x10112xf32, #tpu.memory_space<vmem>>, %arg1: memref<16x10112xf32, #tpu.memory_space<vmem>>, %arg2: memref<8x10112xf32, #tpu.memory_space<vmem>>, %arg3: memref<8x1xf32, #tpu.memory_space<vmem>>, %arg4: memref<16x8xf32, #tpu.memory_space<vmem>>, %arg5: memref<16x10112xf32, #tpu.memory_space<vmem>>) attributes {dimension_semantics = [], scalar_prefetch = 0 : i64, scratch_operands = 0 : i64, tpu.core_type = #tpu.core_type<tc>} {
    %get3A = arith.constant 0 : index
    %get3A_0 = arith.constant 0 : index
    %get3A_1 = vector.load %arg0[%get3A, %get3A_0] : memref<1x10112xf32, #tpu.memory_space<vmem>>, vector<1x10112xf32>
    %get3A_2 = arith.constant 0 : index
    %get3A_3 = arith.constant 0 : index
    %get3A_4 = vector.load %arg1[%get3A_2, %get3A_3] : memref<16x10112xf32, #tpu.memory_space<vmem>>, vector<16x10112xf32>
    %slice3A = vector.extract_strided_slice %get3A_4 {offsets = [0, 0], sizes = [8, 10112], strides = [1, 1]} : vector<16x10112xf32> to vector<8x10112xf32>
    %slice3A_5 = vector.extract_strided_slice %get3A_4 {offsets = [8, 0], sizes = [8, 10112], strides = [1, 1]} : vector<16x10112xf32> to vector<8x10112xf32>
    %add3A = arith.addf %slice3A, %slice3A_5 : vector<8x10112xf32>
    %get3A_6 = arith.constant 0 : index
    %get3A_7 = arith.constant 0 : index
    %get3A_8 = vector.load %arg2[%get3A_6, %get3A_7] : memref<8x10112xf32, #tpu.memory_space<vmem>>, vector<8x10112xf32>
    %sub3A = arith.subf %add3A, %get3A_8 : vector<8x10112xf32>
    %mul3A = vector.broadcast %get3A_1 : vector<1x10112xf32> to vector<8x10112xf32>
    %mul3A_9 = arith.mulf %mul3A, %sub3A : vector<8x10112xf32>
    %get3A_10 = arith.constant 0 : index
    %get3A_11 = arith.constant 0 : index
    %get3A_12 = vector.load %arg3[%get3A_10, %get3A_11] : memref<8x1xf32, #tpu.memory_space<vmem>>, vector<8x1xf32>
    %add3A_13 = vector.broadcast %get3A_12 : vector<8x1xf32> to vector<8x10112xf32>
    %add3A_14 = arith.addf %mul3A_9, %add3A_13 : vector<8x10112xf32>
    %max3A = arith.constant 0.000000e+00 : f32
    %max3A_15 = vector.broadcast %max3A : f32 to vector<8x10112xf32>
    %max3A_16 = arith.maximumf %add3A_14, %max3A_15 : vector<8x10112xf32>
    %get3A_17 = arith.constant 0 : index
    %get3A_18 = arith.constant 0 : index
    %get3A_19 = vector.load %arg4[%get3A_17, %get3A_18] : memref<16x8xf32, #tpu.memory_space<vmem>>, vector<16x8xf32>
    %dot_general3A = arith.constant dense<0.000000e+00> : vector<16x10112xf32>
    %dot_general3A_20 = tpu.matmul %get3A_19, %max3A_16, %dot_general3A {dimension_numbers = #tpu.dot_dimension_numbers<[1], [0], [0], [1], [0, 0, 1, 1], [], []>, transpose_lhs_hint = false} : vector<16x8xf32>, vector<8x10112xf32>, vector<16x10112xf32> -> vector<16x10112xf32>
    %mul3A_21 = vector.broadcast %get3A_1 : vector<1x10112xf32> to vector<16x10112xf32>
    %mul3A_22 = arith.mulf %mul3A_21, %dot_general3A_20 : vector<16x10112xf32>
    %swap3A = arith.constant 0 : index
    %swap3A_23 = arith.constant 0 : index
    %swap3A_24 = vector.load %arg5[%swap3A, %swap3A_23] : memref<16x10112xf32, #tpu.memory_space<vmem>>, vector<16x10112xf32>
    tpu.vector_store %arg5[%swap3A, %swap3A_23], %mul3A_22 {strides = array<i32>} : memref<16x10112xf32, #tpu.memory_space<vmem>>, vector<16x10112xf32>,
    return
  }
}

module attributes {stable_mosaic.version = 14 : i64} {
  func.func @_tc_mid_body(%arg0: memref<1x10112xf32, #tpu.memory_space<vmem>>, %arg1: memref<32x10112xf32, #tpu.memory_space<vmem>>, %arg2: memref<16x10112xf32, #tpu.memory_space<vmem>>, %arg3: memref<16x1xf32, #tpu.memory_space<vmem>>, %arg4: memref<8x16xf32, #tpu.memory_space<vmem>>, %arg5: memref<8x10112xf32, #tpu.memory_space<vmem>>) attributes {dimension_semantics = [], scalar_prefetch = 0 : i64, scratch_operands = 0 : i64, tpu.core_type = #tpu.core_type<tc>} {
    %get3A = arith.constant 0 : index
    %get3A_0 = arith.constant 0 : index
    %get3A_1 = vector.load %arg0[%get3A, %get3A_0] : memref<1x10112xf32, #tpu.memory_space<vmem>>, vector<1x10112xf32>
    %get3A_2 = arith.constant 0 : index
    %get3A_3 = arith.constant 0 : index
    %get3A_4 = vector.load %arg1[%get3A_2, %get3A_3] : memref<32x10112xf32, #tpu.memory_space<vmem>>, vector<32x10112xf32>
    %slice3A = vector.extract_strided_slice %get3A_4 {offsets = [0, 0], sizes = [16, 10112], strides = [1, 1]} : vector<32x10112xf32> to vector<16x10112xf32>
    %slice3A_5 = vector.extract_strided_slice %get3A_4 {offsets = [16, 0], sizes = [16, 10112], strides = [1, 1]} : vector<32x10112xf32> to vector<16x10112xf32>
    %add3A = arith.addf %slice3A, %slice3A_5 : vector<16x10112xf32>
    %get3A_6 = arith.constant 0 : index
    %get3A_7 = arith.constant 0 : index
    %get3A_8 = vector.load %arg2[%get3A_6, %get3A_7] : memref<16x10112xf32, #tpu.memory_space<vmem>>, vector<16x10112xf32>
    %sub3A = arith.subf %add3A, %get3A_8 : vector<16x10112xf32>
    %mul3A = vector.broadcast %get3A_1 : vector<1x10112xf32> to vector<16x10112xf32>
    %mul3A_9 = arith.mulf %mul3A, %sub3A : vector<16x10112xf32>
    %get3A_10 = arith.constant 0 : index
    %get3A_11 = arith.constant 0 : index
    %get3A_12 = vector.load %arg3[%get3A_10, %get3A_11] : memref<16x1xf32, #tpu.memory_space<vmem>>, vector<16x1xf32>
    %add3A_13 = vector.broadcast %get3A_12 : vector<16x1xf32> to vector<16x10112xf32>
    %add3A_14 = arith.addf %mul3A_9, %add3A_13 : vector<16x10112xf32>
    %max3A = arith.constant 0.000000e+00 : f32
    %max3A_15 = vector.broadcast %max3A : f32 to vector<16x10112xf32>
    %max3A_16 = arith.maximumf %add3A_14, %max3A_15 : vector<16x10112xf32>
    %get3A_17 = arith.constant 0 : index
    %get3A_18 = arith.constant 0 : index
    %get3A_19 = vector.load %arg4[%get3A_17, %get3A_18] : memref<8x16xf32, #tpu.memory_space<vmem>>, vector<8x16xf32>
    %dot_general3A = arith.constant dense<0.000000e+00> : vector<8x10112xf32>
    %dot_general3A_20 = tpu.matmul %get3A_19, %max3A_16, %dot_general3A {dimension_numbers = #tpu.dot_dimension_numbers<[1], [0], [0], [1], [0, 0, 1, 1], [], []>, transpose_lhs_hint = false} : vector<8x16xf32>, vector<16x10112xf32>, vector<8x10112xf32> -> vector<8x10112xf32>
    %mul3A_21 = vector.broadcast %get3A_1 : vector<1x10112xf32> to vector<8x10112xf32>
    %mul3A_22 = arith.mulf %mul3A_21, %dot_general3A_20 : vector<8x10112xf32>
    %swap3A = arith.constant 0 : index
    %swap3A_23 = arith.constant 0 : index
    %swap3A_24 = vector.load %arg5[%swap3A, %swap3A_23] : memref<8x10112xf32, #tpu.memory_space<vmem>>, vector<8x10112xf32>
    tpu.vector_store %arg5[%swap3A, %swap3A_23], %mul3A_22 {strides = array<i32>} : memref<8x10112xf32, #tpu.memory_space<vmem>>, vector<8x10112xf32>,
    return
  }
}

module attributes {stable_mosaic.version = 14 : i64} {
  func.func @_tc_mid_body(%arg0: memref<1x10112xf32, #tpu.memory_space<vmem>>, %arg1: memref<16x10112xf32, #tpu.memory_space<vmem>>, %arg2: memref<8x10112xf32, #tpu.memory_space<vmem>>, %arg3: memref<8x1xf32, #tpu.memory_space<vmem>>, %arg4: memref<40x8xf32, #tpu.memory_space<vmem>>, %arg5: memref<40x10112xf32, #tpu.memory_space<vmem>>) attributes {dimension_semantics = [], scalar_prefetch = 0 : i64, scratch_operands = 0 : i64, tpu.core_type = #tpu.core_type<tc>} {
    %get3A = arith.constant 0 : index
    %get3A_0 = arith.constant 0 : index
    %get3A_1 = vector.load %arg0[%get3A, %get3A_0] : memref<1x10112xf32, #tpu.memory_space<vmem>>, vector<1x10112xf32>
    %get3A_2 = arith.constant 0 : index
    %get3A_3 = arith.constant 0 : index
    %get3A_4 = vector.load %arg1[%get3A_2, %get3A_3] : memref<16x10112xf32, #tpu.memory_space<vmem>>, vector<16x10112xf32>
    %slice3A = vector.extract_strided_slice %get3A_4 {offsets = [0, 0], sizes = [8, 10112], strides = [1, 1]} : vector<16x10112xf32> to vector<8x10112xf32>
    %slice3A_5 = vector.extract_strided_slice %get3A_4 {offsets = [8, 0], sizes = [8, 10112], strides = [1, 1]} : vector<16x10112xf32> to vector<8x10112xf32>
    %add3A = arith.addf %slice3A, %slice3A_5 : vector<8x10112xf32>
    %get3A_6 = arith.constant 0 : index
    %get3A_7 = arith.constant 0 : index
    %get3A_8 = vector.load %arg2[%get3A_6, %get3A_7] : memref<8x10112xf32, #tpu.memory_space<vmem>>, vector<8x10112xf32>
    %sub3A = arith.subf %add3A, %get3A_8 : vector<8x10112xf32>
    %mul3A = vector.broadcast %get3A_1 : vector<1x10112xf32> to vector<8x10112xf32>
    %mul3A_9 = arith.mulf %mul3A, %sub3A : vector<8x10112xf32>
    %get3A_10 = arith.constant 0 : index
    %get3A_11 = arith.constant 0 : index
    %get3A_12 = vector.load %arg3[%get3A_10, %get3A_11] : memref<8x1xf32, #tpu.memory_space<vmem>>, vector<8x1xf32>
    %add3A_13 = vector.broadcast %get3A_12 : vector<8x1xf32> to vector<8x10112xf32>
    %add3A_14 = arith.addf %mul3A_9, %add3A_13 : vector<8x10112xf32>
    %max3A = arith.constant 0.000000e+00 : f32
    %max3A_15 = vector.broadcast %max3A : f32 to vector<8x10112xf32>
    %max3A_16 = arith.maximumf %add3A_14, %max3A_15 : vector<8x10112xf32>
    %get3A_17 = arith.constant 0 : index
    %get3A_18 = arith.constant 0 : index
    %get3A_19 = vector.load %arg4[%get3A_17, %get3A_18] : memref<40x8xf32, #tpu.memory_space<vmem>>, vector<40x8xf32>
    %dot_general3A = arith.constant dense<0.000000e+00> : vector<40x10112xf32>
    %dot_general3A_20 = tpu.matmul %get3A_19, %max3A_16, %dot_general3A {dimension_numbers = #tpu.dot_dimension_numbers<[1], [0], [0], [1], [0, 0, 1, 1], [], []>, transpose_lhs_hint = false} : vector<40x8xf32>, vector<8x10112xf32>, vector<40x10112xf32> -> vector<40x10112xf32>
    %mul3A_21 = vector.broadcast %get3A_1 : vector<1x10112xf32> to vector<40x10112xf32>
    %mul3A_22 = arith.mulf %mul3A_21, %dot_general3A_20 : vector<40x10112xf32>
    %swap3A = arith.constant 0 : index
    %swap3A_23 = arith.constant 0 : index
    %swap3A_24 = vector.load %arg5[%swap3A, %swap3A_23] : memref<40x10112xf32, #tpu.memory_space<vmem>>, vector<40x10112xf32>
    tpu.vector_store %arg5[%swap3A, %swap3A_23], %mul3A_22 {strides = array<i32>} : memref<40x10112xf32, #tpu.memory_space<vmem>>, vector<40x10112xf32>,
    return
  }
}

module attributes {stable_mosaic.version = 14 : i64} {
  func.func @_tc_last_body(%arg0: memref<1x10112xf32, #tpu.memory_space<vmem>>, %arg1: memref<80x10112xf32, #tpu.memory_space<vmem>>, %arg2: memref<40x10112xf32, #tpu.memory_space<vmem>>, %arg3: memref<40x1xf32, #tpu.memory_space<vmem>>, %arg4: memref<40x10000xf32, #tpu.memory_space<vmem>>) attributes {dimension_semantics = [], scalar_prefetch = 0 : i64, scratch_operands = 0 : i64, tpu.core_type = #tpu.core_type<tc>} {
    %get3A = arith.constant 0 : index
    %get3A_0 = arith.constant 0 : index
    %get3A_1 = vector.load %arg0[%get3A, %get3A_0] : memref<1x10112xf32, #tpu.memory_space<vmem>>, vector<1x10112xf32>
    %slice3A = vector.extract_strided_slice %get3A_1 {offsets = [0, 0], sizes = [1, 10000], strides = [1, 1]} : vector<1x10112xf32> to vector<1x10000xf32>
    %get3A_2 = arith.constant 0 : index
    %get3A_3 = arith.constant 0 : index
    %get3A_4 = vector.load %arg1[%get3A_2, %get3A_3] : memref<80x10112xf32, #tpu.memory_space<vmem>>, vector<80x10000xf32>
    %slice3A_5 = vector.extract_strided_slice %get3A_4 {offsets = [0, 0], sizes = [40, 10000], strides = [1, 1]} : vector<80x10000xf32> to vector<40x10000xf32>
    %slice3A_6 = vector.extract_strided_slice %get3A_4 {offsets = [40, 0], sizes = [40, 10000], strides = [1, 1]} : vector<80x10000xf32> to vector<40x10000xf32>
    %add3A = arith.addf %slice3A_5, %slice3A_6 : vector<40x10000xf32>
    %get3A_7 = arith.constant 0 : index
    %get3A_8 = arith.constant 0 : index
    %get3A_9 = vector.load %arg2[%get3A_7, %get3A_8] : memref<40x10112xf32, #tpu.memory_space<vmem>>, vector<40x10000xf32>
    %sub3A = arith.subf %add3A, %get3A_9 : vector<40x10000xf32>
    %mul3A = vector.broadcast %slice3A : vector<1x10000xf32> to vector<40x10000xf32>
    %mul3A_10 = arith.mulf %mul3A, %sub3A : vector<40x10000xf32>
    %get3A_11 = arith.constant 0 : index
    %get3A_12 = arith.constant 0 : index
    %get3A_13 = vector.load %arg3[%get3A_11, %get3A_12] : memref<40x1xf32, #tpu.memory_space<vmem>>, vector<40x1xf32>
    %add3A_14 = vector.broadcast %get3A_13 : vector<40x1xf32> to vector<40x10000xf32>
    %add3A_15 = arith.addf %mul3A_10, %add3A_14 : vector<40x10000xf32>
    %reduce_max3A = arith.constant dense<0xFF800000> : vector<10000xf32>
    %reduce_max3A_16 = vector.multi_reduction <maximumf>, %add3A_15, %reduce_max3A [0] : vector<40x10000xf32> to vector<10000xf32>
    %broadcast_in_dim3A = vector.shape_cast %reduce_max3A_16 : vector<10000xf32> to vector<1x10000xf32>
    %sub3A_17 = vector.broadcast %broadcast_in_dim3A : vector<1x10000xf32> to vector<40x10000xf32>
    %sub3A_18 = arith.subf %add3A_15, %sub3A_17 : vector<40x10000xf32>
    %exp3A = math.exp %sub3A_18 : vector<40x10000xf32>
    %reduce_sum3A = arith.constant dense<0.000000e+00> : vector<10000xf32>
    %reduce_sum3A_19 = vector.multi_reduction <add>, %exp3A, %reduce_sum3A [0] : vector<40x10000xf32> to vector<10000xf32>
    %broadcast_in_dim3A_20 = vector.shape_cast %reduce_sum3A_19 : vector<10000xf32> to vector<1x10000xf32>
    %log3A = math.log %broadcast_in_dim3A_20 : vector<1x10000xf32>
    %add3A_21 = arith.addf %log3A, %broadcast_in_dim3A : vector<1x10000xf32>
    %sub3A_22 = vector.broadcast %add3A_21 : vector<1x10000xf32> to vector<40x10000xf32>
    %sub3A_23 = arith.subf %add3A_15, %sub3A_22 : vector<40x10000xf32>
    %swap3A = arith.constant 0 : index
    %swap3A_24 = arith.constant 0 : index
    %swap3A_25 = vector.load %arg4[%swap3A, %swap3A_24] : memref<40x10000xf32, #tpu.memory_space<vmem>>, vector<40x10000xf32>
    tpu.vector_store %arg4[%swap3A, %swap3A_24], %sub3A_23 {strides = array<i32>} : memref<40x10000xf32, #tpu.memory_space<vmem>>, vector<40x10000xf32>,
    return
  }
}

</mosaic_0001>

<sc_bundles>
// kernel: kernel.12.cloned.1.call-start
scs
__scs_entry_jumppad:
0x0: {  	(pc) =	sbr.rel $0x88, $3  }
0x1: {  	(tag) =	ssettag $0x0;
	lr =	simm.s32 $0x1  }
0x2: {  	[smem:$0x3F97] =	sst lr;
	_ =	strace $0xD0000000  }
0x3: {  	_ = 	snop  }
0x4: {  	_ = 	snop  }
0x5: {  	_ = 	snop  }
0x6: {  	_ = 	snop  }
0x7: {  	_ = 	snop  }
__scs_overlays_trampoline_lowered:
0x8: {  	[smem:$0x3FA6] =	sst s0  }
0x9: {  	[smem:$0x3FA7] =	sst s1  }
0xa: {  	[smem:$0x3FA8] =	sst s2  }
0xb: {  	[smem:$0x3FA9] =	sst s3  }
0xc: {  	[smem:$0x3FAA] =	sst s4  }
0xd: {  	[smem:$0x3FAB] =	sst s5  }
0xe: {  	[smem:$0x3FAC] =	sst s6  }
0xf: {  	[smem:$0x3FAD] =	sst s7  }
0x10: {  	[smem:$0x3FAE] =	sst s8  }
0x11: {  	[smem:$0x3FAF] =	sst s9;
	s0 =	simm.s32 @!p0 $0x0  }
0x12: {  	s1 =	sld [smem:$0x3F95];
	s0 =	simm.s32 @p0 $0x1  }
0x13: {  	[smem:$0x3FB0] =	sst s0;
	s0 =	simm.s32 @!p1 $0x0  }
0x14: {  	s2 =	sld [smem:$0x3F94];
	s0 =	simm.s32 @p1 $0x1  }
0x15: {  	[smem:$0x3FB1] =	sst s0;
	s0 =	simm.s32 @!p2 $0x0  }
0x16: {  	s3 =	sld [smem:$0x3FDB];
	s0 =	simm.s32 @p2 $0x1  }
0x17: {  	s4 =	simm.s32 $0x1BF5;
	[smem:$0x3FB3] =	sst s0  }
0x18: {  	s0 =	sld [smem:$0x3F96];
	_ =	swait.ge [sflag:s4], $0x0  }
0x19: {  	s7 =	sld [smem:$0x3F97]  }
0x1a: {  	s8 =	sadd.s32 $0xFFFFE003, lr  }
0x1b: {  	s9 =	sadd.s32 $0xFFFFFEF7, lr;
	s5 =	simm.s32 $0xFFFFFFFF;
	p2 =	slt.u32 s8, $0xFFFFF086  }
0x1c: {  	p1 =	slt.u32 s9, $0xF7A;
	s5 =	simm.s32 @!p2 $0x0  }
0x1d: {  	s5 =	simm.s32 @p1 $0x1;
	p0 =	seq.s32 s7, s2  }
0x1e: {  	s7 =	smul.u32 @!p0 $0xF7A, s2;
	p2 =	seq.s32 @!p0 s5, $0x0  }
0x1f: {  	s9 =	smul.u32 $0xF7A, s1;
	s8 =	simm.s32 @!p0 $0x1BF5;
	p2 =	por !p2, p0  }
0x20: {  	[sflag:s8] =	ssyncset.s32 @!p0 $0xFFFFF086;
	s6 =	sadd.s32 @!p0 s3, s7;
	s7 =	simm.s32 @!p0 $0x108  }
0x21: {  	s3 =	sadd.s32 s3, s9;
	s6 =	sadd.s32 @!p0 $0x88, s6;
	s7 =	simm.s32 @p2 $0x1082  }
0x22: {  	[simem:s7], [sflag:s8] =	dma.local @!p0 [hbm:s6], $0xF7A  }
0x23: {  	s9 =	sor.u32 $0xD0000000, s2;
	s6 =	simm.s32 $0x108;
	_ =	swait.ge @!p0 [sflag:s8], $0x0  }
0x24: {  	s3 =	sadd.s32 $0x88, s3;
	s6 =	simm.s32 @!p1 $0x1082;
	[sflag:s4] =	ssyncset.s32 $0xFFFFF086  }
0x25: {  	[simem:s6], [sflag:s4] =	dma.local [hbm:s3], $0xF7A  }
0x26: {  	[smem:$0x3F97] =	sst s1;
	(tag) =	ssettag s2;
	_ =	strace s9  }
0x27: {  	s1 =	sld [smem:$0x3FA7]  }
0x28: {  	s2 =	sld [smem:$0x3FA8]  }
0x29: {  	s4 =	sld [smem:$0x3FAA]  }
0x2a: {  	p0 =	seq.s32 s5, $0x0;
	s5 =	sld [smem:$0x3FAB]  }
0x2b: {  	s6 =	sld [smem:$0x3FAC]  }
0x2c: {  	s7 =	sld [smem:$0x3FAD]  }
0x2d: {  	s3 =	simm.s32 $0x108;
	s8 =	sld [smem:$0x3FAE]  }
0x2e: {  	s3 =	simm.s32 @!p0 $0x1082;
	s9 =	sld [smem:$0x3FAF]  }
0x2f: {  	lr =	sadd.s32 s0, s3;
	s0 =	sld [smem:$0x3FA6]  }
0x30: {  	s3 =	sld [smem:$0x3FA9]  }
0x31: {  	[smem:$0x3FB2] =	sst s10  }
0x32: {  	s10 =	sld [smem:$0x3FB0];
	_ =	sdelay $0x3  }
0x33: {  	p0 =	seq.s32 s10, $0x1;
	s10 =	sld [smem:$0x3FB2];
	_ =	sdelay $0x3  }
0x34: {  	[smem:$0x3FB2] =	sst s10  }
0x35: {  	s10 =	sld [smem:$0x3FB1];
	_ =	sdelay $0x3  }
0x36: {  	p1 =	seq.s32 s10, $0x1;
	s10 =	sld [smem:$0x3FB2];
	_ =	sdelay $0x3  }
0x37: {  	[smem:$0x3FB2] =	sst s10  }
0x38: {  	s10 =	sld [smem:$0x3FB3]  }
0x39: {  	_ = 	snop;
	(pc) =	sbr.ind lr, $3  }
0x3a: {  	_ = 	snop  }
0x3b: {  	_ = 	snop  }
0x3c: {  	p2 =	seq.s32 s10, $0x1;
	s10 =	sld [smem:$0x3FB2]  }
0x3d: {  	_ =	shalt  }
0x3e: {  	_ =	shalt  }
0x3f: {  	_ =	shalt  }
0x40: {  	_ =	shalt  }
0x41: {  	_ =	shalt  }
0x42: {  	_ =	shalt  }
0x43: {  	_ =	shalt  }
0x44: {  	_ =	shalt  }
0x45: {  	_ =	shalt  }
0x46: {  	_ =	shalt  }
0x47: {  	_ =	shalt  }
0x48: {  	_ =	shalt  }
0x49: {  	_ =	shalt  }
0x4a: {  	_ =	shalt  }
0x4b: {  	_ =	shalt  }
0x4c: {  	_ =	shalt  }
0x4d: {  	_ =	shalt  }
0x4e: {  	_ =	shalt  }
0x4f: {  	_ =	shalt  }
0x50: {  	_ =	shalt  }
0x51: {  	_ =	shalt  }
0x52: {  	_ =	shalt  }
0x53: {  	_ =	shalt  }
0x54: {  	_ =	shalt  }
0x55: {  	_ =	shalt  }
0x56: {  	_ =	shalt  }
0x57: {  	_ =	shalt  }
0x58: {  	_ =	shalt  }
0x59: {  	_ =	shalt  }
0x5a: {  	_ =	shalt  }
0x5b: {  	_ =	shalt  }
0x5c: {  	_ =	shalt  }
0x5d: {  	_ =	shalt  }
0x5e: {  	_ =	shalt  }
0x5f: {  	_ =	shalt  }
0x60: {  	_ =	shalt  }
0x61: {  	_ =	shalt  }
0x62: {  	_ =	shalt  }
0x63: {  	_ =	shalt  }
0x64: {  	_ =	shalt  }
0x65: {  	_ =	shalt  }
0x66: {  	_ =	shalt  }
0x67: {  	_ =	shalt  }
0x68: {  	_ =	shalt  }
0x69: {  	_ =	shalt  }
0x6a: {  	_ =	shalt  }
0x6b: {  	_ =	shalt  }
0x6c: {  	_ =	shalt  }
0x6d: {  	_ =	shalt  }
0x6e: {  	_ =	shalt  }
0x6f: {  	_ =	shalt  }
0x70: {  	_ =	shalt  }
0x71: {  	_ =	shalt  }
0x72: {  	_ =	shalt  }
0x73: {  	_ =	shalt  }
0x74: {  	_ =	shalt  }
0x75: {  	_ =	shalt  }
0x76: {  	_ =	shalt  }
0x77: {  	_ =	shalt  }
0x78: {  	_ =	shalt  }
0x79: {  	_ =	shalt  }
0x7a: {  	_ =	shalt  }
0x7b: {  	_ =	shalt  }
0x7c: {  	_ =	shalt  }
0x7d: {  	_ =	shalt  }
0x7e: {  	_ =	shalt  }
0x7f: {  	_ =	shalt  }
0x80: {  	_ =	shalt  }
0x81: {  	_ =	shalt  }
0x82: {  	_ =	shalt  }
0x83: {  	_ =	shalt  }
0x84: {  	_ =	shalt  }
0x85: {  	_ =	shalt  }
0x86: {  	_ =	shalt  }
0x87: {  	_ =	shalt  }
.Lfunc_end0:
.L_simem_size_0:
called_computation_lowered:
.L_overlay_start_0:
0x88: {  	s2 =	sld [smem:$0x3FD9]  }
0x89: {  	s3 =	sld [smem:$0x3FFE];
	_ =	sdelay $0x1  }
0x8a: {  	s1 =	srdreg.scid  }
0x8b: {  	s0 =	sand.u32 $0x1, s1  }
0x8c: {  	s17 =	sshll.u32 s0, $0xA;
	s2 =	sadd.s32 s3, s2  }
0x8d: {  	s2 =	sadd.s32 s2, s17  }
0x8e: {  	[smem:$0x3FBE] =	sst s2  }
0x8f: {  	_ = 	snop  }
0x90: {  	s2 =	sld [smem:$0x3FD0];
	(tm) =	ssettm $0x1  }
0x91: {  	s18 =	sld [smem:$0x3FFB];
	_ =	sdelay $0x3  }
0x92: {  	_ =	strace s18  }
0x93: {  	s3 =	sld [smem:$0x3FFC];
	_ =	sdelay $0x3  }
0x94: {  	_ =	strace s3  }
0x95: {  	s3 =	sld [smem:$0x3FFD];
	_ =	sdelay $0x3  }
0x96: {  	_ =	strace s3  }
0x97: {  	_ =	strace $0x8FFFFFFF  }
0x98: {  	s19 =	sld [smem:$0x3FDB];
	_ =	sdelay $0x1  }
0x99: {  	s4 =	simm.s32 $_scs_section_size  }
0x9a: {  	s5 =	simm.s32 $_size__tile_overlayer_lowered;
	s6 =	simm.s32 $_tile_overlayer_lowered  }
0x9b: {  	s22 =	simm.s32 $0x1BFF;
	s21 =	sshll.u32 s6, $0x1;
	s3 =	sadd.s32 s4, s19  }
0x9c: {  	s7 =	simm.s32 $0x0;
	s20 =	sshll.u32 s5, $0x1;
	s5 =	sadd.s32 s21, s3  }
0x9d: {  	[timem:s7], [sflag:s22] =	dma.local [hbm:s5], s20  }
0x9e: {  	_ =	swait.ge [sflag:s22], s20  }
0x9f: {  	s4 =	ssub.s32 $0x0, s20;
	[sflag:s22] =	ssyncset.done $0x0  }
0xa0: {  	[sflag:s22] =	ssyncadd.s32 s4;
	_ =	sdelay $0x1  }
0xa1: {  	s23 =	simm.s32 $0x1B8B  }
0xa2: {  	_ =	swait.ge [sflag:s23], $0x1  }
0xa3: {  	[sflag:s23] =	ssyncset.done $0x0  }
0xa4: {  	s25 =	simm.s32 $0x1B8E;
	s24 =	sld [smem:$0x3FFE];
	[sflag:s23] =	ssyncadd.s32 $0xFFFFFFFF  }
0xa5: {  	s26 =	simm.s32 $execute0_lowered;
	[smem:$0x3FD2] =	sst s25  }
0xa6: {  	s5 =	sshll.u32 s26, $0x1;
	_ =	strace $0x80000046;
	[dreg:$0x1] =	wrdreg $0xFFFFFFFF  }
0xa7: {  	s28 =	simm.s32 $_size_execute0_lowered;
	s3 =	sadd.s32 s3, s5;
	[dreg:$0x0] =	wrdreg $0x0  }
0xa8: {  	s5 =	sshll.u32 s28, $0x1;
	[dreg:$0x2] =	wrdreg s3  }
0xa9: {  	[dreg:$0x3] =	wrdreg s5  }
0xaa: {  	[dreg:$0x4] =	wrdreg $0xC0  }
0xab: {  	_ =	task [dreg:s7], $0x5FFFF  }
0xac: {  	[dreg:$0x1] =	wrdreg $0xFFFFFFFF  }
0xad: {  	[dreg:$0x0] =	wrdreg $0x60  }
0xae: {  	[dreg:$0x2] =	wrdreg s24  }
0xaf: {  	[dreg:$0x3] =	wrdreg s2  }
0xb0: {  	[dreg:$0x4] =	wrdreg $0x9  }
0xb1: {  	_ =	task.clear_ibuf [dreg:s7], $0x5FFFF;
	_ =	strace $0x90000046  }
0xb2: {  	s29 =	simm.s32 $0x9;
	_ =	strace $0x80000048  }
0xb3: {  	_ =	swait.ge [sflag:s29], $0x1  }
0xb4: {  	[sflag:s29] =	ssyncadd.s32 $0xFFFFFFFF  }
0xb5: {  	_ =	strace $0x90000048  }
0xb6: {  	_ =	sfence  }
0xb7: {  	s30 =	sld [smem:$0x0];
	_ =	sdelay $0x2  }
0xb8: {  	s31 =	sshll.u32 s1, $0xD;
	s1 =	sshrl.u32 s1, $0x2  }
0xb9: {  	s3 =	sand.u32 $0x4000, s31;
	s1 =	sadd.s32 s1, s30  }
0xba: {  	s0 =	sor.u32 s3, s0;
	s1 =	sshll.u32 s1, $0x11  }
0xbb: {  	s0 =	sor.u32 s1, s0  }
0xbc: {  	s0 =	sadd.s32 $0x8F2B, s0  }
0xbd: {  	[sflag:s0] =	ssyncadd.remote.s32 $0x1  }
0xbe: {  	_ =	sfence.sel $0xFFFF  }
0xbf: {  	[dreg:$0x0] =	wrdreg $0xFFFFFFFF;
	(pc) =	sbr.abs _section_cstart, $3  }
0xc0: {  	[dreg:$0x1] =	wrdreg $0xFFFFFFFF  }
0xc1: {  	_ =	task.clear_ibuf [dreg:s7], $0x2FFFF;
	_ =	strace $0x9FFFFFFF  }
0xc2: {  	(tm) =	ssettm $0x7FFFFFFF  }
0xc3: {  	_ =	shalt  }
tec
execute0_lowered:
.L_overlay_start_1:
0x0: {  	(tag) =	ssettag $0x1  }
0x1: {  	s3 =	rddreg [dreg:$0x0]  }
0x2: {  	s1 =	srdreg.scid;
	s0 =	stileid.u32  }
0x3: {  	s4 =	rddreg [dreg:$0x1];
	s5 =	sand.u32 $0x1, s1;
	s2 =	sshll.u32 s0, $0x1  }
0x4: {  	s1 =	rddreg [dreg:$0x2];
	s6 =	sor.u32 s5, s2  }
0x5: {  	s2 =	simm.s32 $0x0;
	s5 =	ssub.s32 $0x2, s5;
	s7 =	smul.u32 $0x500, s6  }
0x6: {  	[smem:$0x7FF] =	sst s2;
	s8 =	sshrl.u32 s5, $0x1;
	s6 =	smul.u32 $0x4F0, s6  }
0x7: {  	_ =	strace $0x80000047;
	s5 =	ssub.s32 s5, s8;
	s8 =	simm.s32 $0x0  }
0x8: {  	s3 =	sadd.s32 s7, s3;
	s4 =	sadd.s32 s4, s6;
	s5 =	smax.u32 s5, $0x1  }
0x9: {  	v0 =	vimm.f32 $0.0e+00;
	v1 =	vimm.f32 $1.000000000e+00;
	s6 =	simm.s32 $0x2780;
	s7 =	simm.s32 $0x1;
	s3 =	sadd.s32 $0xC800, s3  }
.LBB2_1:
0xa: {  	s9 =	simm.s32 $0x40;
	s10 =	simm.s32 $0x0  }
.LBB2_2:
0xb: {  	p0 =	sne.s32 s9, $0x9DC0;
	[tilespmem:s10+$0x0] =	vst v0;
	s10 =	smov.u32 s9;
	s9 =	sadd.s32 $0x40, s9  }
.Ltmp0:
0xc: {  	(pc) =	sbr.rel @p0 .LBB2_2-.Ltmp0, $2  }
0xd: {  	_ =	sdelay $0x2  }
0xe: {  	s10 =	sshra.s32 s10, $0x2  }
0xf: {  	[tilespmem:s10+$0x0] =	vst v0;
	s9 =	simm.s32 $0x0  }
0x10: {  	[tilespmem:s6], [sflag:$0x1] =	stream.linear.gather [hbm4b:s3+s9], $0x2800, $0x38;
	[tilespmem:$0x4F80] =	vst v63  }
0x11: {  	s31 =	sand.u32 $0xFE00, s9;
	_ =	swait.ge [sflag:s7], $0x2800  }
0x12: {  	s9 =	sand.u32 $0x70, s9;
	s10 =	sshrl.u32 s31, $0x2;
	[sflag:s7] =	ssyncset.done $0x0  }
0x13: {  	s9 =	sor.u32 s9, s10;
	[sflag:s7] =	ssyncadd.s32 $0xFFFFD800  }
0x14: {  	v2 =	vld [tilespmem:s9+$0x2780];
	_ =	sdelay $0x4  }
0x15: {  	s11 =	simm.s32 $0x40  }
0x16: {  	s11 =	sand.u32 $0xFE00, s11;
	s10 =	simm.s32 $0x80;
	s9 =	simm.s32 $0x10  }
.LBB2_4:
0x17: {  	p0 =	sne.s32 s10, $0x9FC0;
	s12 =	sand.u32 $0x70, s9;
	s11 =	sshrl.u32 s11, $0x2  }
0x18: {  	s11 =	sor.u32 s12, s11;
	[tilespmem:v2+s2+$0x0] =	vst.idx.add.f32.msk $0xffff, v1  }
0x19: {  	v2 =	vld [tilespmem:s11+$0x2780];
	_ =	sdelay $0x1  }
.Ltmp1:
0x1a: {  	(pc) =	sbr.rel @p0 .LBB2_4-.Ltmp1, $2  }
0x1b: {  	_ =	sdelay $0x2  }
0x1c: {  	s9 =	sadd.s32 $0x10, s9;
	s11 =	sand.u32 $0xFE00, s10;
	s10 =	sadd.s32 $0x40, s10  }
0x1d: {  	_ =	sdelay $0x2  }
0x1e: {  	s9 =	sand.u32 $0x70, s9;
	s10 =	sshrl.u32 s11, $0x2  }
0x1f: {  	[tilespmem:v2+s2+$0x0] =	vst.idx.add.f32.msk $0xffff, v1;
	s9 =	sor.u32 s9, s10  }
0x20: {  	v2 =	vld [tilespmem:s9+$0x2780];
	_ =	sdelay $0x5  }
0x21: {  	s8 =	sadd.s32 $0x1, s8  }
0x22: {  	p0 =	sne.s32 s8, s5  }
.Ltmp2:
0x23: {  	[tilespmem:v2+s2+$0x0] =	vst.idx.add.f32.msk $0xffff, v1;
	(pc) =	sbr.rel @p0 .LBB2_1-.Ltmp2, $4  }
0x24: {  	[hbm4b:s4+s2] =	stream.linear.scatter [tilespmem:s2], [sflag:$0x1], $0x2780, $0x38;
	[tilespmem:$0x4F80] =	vst v63  }
0x25: {  	_ =	swait.ge [sflag:s7], $0x2780  }
0x26: {  	[sflag:s7] =	ssyncset.done $0x0  }
0x27: {  	[sflag:s7] =	ssyncadd.s32 $0xFFFFD880  }
0x28: {  	_ =	sfence.sel $0x180000  }
0x29: {  	[bflag:$0x0] =	sbarrier.arrive $0xFFFF  }
0x2a: {  	p0 =	sne.s32 s0, $0x0;
	_ =	strace $0x90000047  }
0x2b: {  	s0 =	sadd.s32 @!p0 $0x100000, s1;
	[bflag:$0x2] =	sbarrier.arrive $0xFFFF  }
0x2c: {  	[sflag:s0] =	ssyncadd.tile.s32 @!p0 $0x1;
	_ =	shalt  }
.Lfunc_end2:
_tile_overlayer_lowered:
.L_overlay_start_2:
0x2d: {  	(tag) =	ssettag $0x2  }
0x2e: {  	s0 =	rddreg [dreg:$0x0];
	s2 =	stileid.u32  }
0x2f: {  	s1 =	rddreg [dreg:$0x1];
	p0 =	sne.s32 s2, $0x0  }
0x30: {  	s3 =	rddreg [dreg:$0x2];
	[bflag:$0x3] =	sbarrier.arrive $0xFFFF;
	s2 =	simm.s32 @!p0 $0x1C01  }
0x31: {  	[timem:s3], [sflag:s2] =	dma.local @!p0 [hbm:s0], s1  }
0x32: {  	s0 =	simm.s32 @!p0 $0x1  }
0x33: {  	_ =	swait.ge @!p0 [sflag:s0], s1  }
0x34: {  	s1 =	ssub.s32 @!p0 $0x0, s1;
	[sflag:s0] =	ssyncset.done @!p0 $0x0  }
0x35: {  	[sflag:s0] =	ssyncadd.s32 @!p0 s1  }
0x36: {  	[bflag:$0x3] =	sbarrier.arrive $0xFFFF  }
0x37: {  	_ =	shalt  }

// kernel: kernel.15.cloned.1.call-start
scs
__scs_entry_jumppad:
0x0: {  	(pc) =	sbr.rel $0x88, $3  }
0x1: {  	(tag) =	ssettag $0x0;
	lr =	simm.s32 $0x1  }
0x2: {  	[smem:$0x3F97] =	sst lr;
	_ =	strace $0xD0000000  }
0x3: {  	_ = 	snop  }
0x4: {  	_ = 	snop  }
0x5: {  	_ = 	snop  }
0x6: {  	_ = 	snop  }
0x7: {  	_ = 	snop  }
__scs_overlays_trampoline_lowered:
0x8: {  	[smem:$0x3FA6] =	sst s0  }
0x9: {  	[smem:$0x3FA7] =	sst s1  }
0xa: {  	[smem:$0x3FA8] =	sst s2  }
0xb: {  	[smem:$0x3FA9] =	sst s3  }
0xc: {  	[smem:$0x3FAA] =	sst s4  }
0xd: {  	[smem:$0x3FAB] =	sst s5  }
0xe: {  	[smem:$0x3FAC] =	sst s6  }
0xf: {  	[smem:$0x3FAD] =	sst s7  }
0x10: {  	[smem:$0x3FAE] =	sst s8  }
0x11: {  	[smem:$0x3FAF] =	sst s9;
	s0 =	simm.s32 @!p0 $0x0  }
0x12: {  	s1 =	sld [smem:$0x3F95];
	s0 =	simm.s32 @p0 $0x1  }
0x13: {  	[smem:$0x3FB0] =	sst s0;
	s0 =	simm.s32 @!p1 $0x0  }
0x14: {  	s2 =	sld [smem:$0x3F94];
	s0 =	simm.s32 @p1 $0x1  }
0x15: {  	[smem:$0x3FB1] =	sst s0;
	s0 =	simm.s32 @!p2 $0x0  }
0x16: {  	s3 =	sld [smem:$0x3FDB];
	s0 =	simm.s32 @p2 $0x1  }
0x17: {  	s4 =	simm.s32 $0x1BF5;
	[smem:$0x3FB3] =	sst s0  }
0x18: {  	s0 =	sld [smem:$0x3F96];
	_ =	swait.ge [sflag:s4], $0x0  }
0x19: {  	s7 =	sld [smem:$0x3F97]  }
0x1a: {  	s8 =	sadd.s32 $0xFFFFE003, lr  }
0x1b: {  	s9 =	sadd.s32 $0xFFFFFEF7, lr;
	s5 =	simm.s32 $0xFFFFFFFF;
	p2 =	slt.u32 s8, $0xFFFFF086  }
0x1c: {  	p1 =	slt.u32 s9, $0xF7A;
	s5 =	simm.s32 @!p2 $0x0  }
0x1d: {  	s5 =	simm.s32 @p1 $0x1;
	p0 =	seq.s32 s7, s2  }
0x1e: {  	s7 =	smul.u32 @!p0 $0xF7A, s2;
	p2 =	seq.s32 @!p0 s5, $0x0  }
0x1f: {  	s9 =	smul.u32 $0xF7A, s1;
	s8 =	simm.s32 @!p0 $0x1BF5;
	p2 =	por !p2, p0  }
0x20: {  	[sflag:s8] =	ssyncset.s32 @!p0 $0xFFFFF086;
	s6 =	sadd.s32 @!p0 s3, s7;
	s7 =	simm.s32 @!p0 $0x108  }
0x21: {  	s3 =	sadd.s32 s3, s9;
	s6 =	sadd.s32 @!p0 $0x88, s6;
	s7 =	simm.s32 @p2 $0x1082  }
0x22: {  	[simem:s7], [sflag:s8] =	dma.local @!p0 [hbm:s6], $0xF7A  }
0x23: {  	s9 =	sor.u32 $0xD0000000, s2;
	s6 =	simm.s32 $0x108;
	_ =	swait.ge @!p0 [sflag:s8], $0x0  }
0x24: {  	s3 =	sadd.s32 $0x88, s3;
	s6 =	simm.s32 @!p1 $0x1082;
	[sflag:s4] =	ssyncset.s32 $0xFFFFF086  }
0x25: {  	[simem:s6], [sflag:s4] =	dma.local [hbm:s3], $0xF7A  }
0x26: {  	[smem:$0x3F97] =	sst s1;
	(tag) =	ssettag s2;
	_ =	strace s9  }
0x27: {  	s1 =	sld [smem:$0x3FA7]  }
0x28: {  	s2 =	sld [smem:$0x3FA8]  }
0x29: {  	s4 =	sld [smem:$0x3FAA]  }
0x2a: {  	p0 =	seq.s32 s5, $0x0;
	s5 =	sld [smem:$0x3FAB]  }
0x2b: {  	s6 =	sld [smem:$0x3FAC]  }
0x2c: {  	s7 =	sld [smem:$0x3FAD]  }
0x2d: {  	s3 =	simm.s32 $0x108;
	s8 =	sld [smem:$0x3FAE]  }
0x2e: {  	s3 =	simm.s32 @!p0 $0x1082;
	s9 =	sld [smem:$0x3FAF]  }
0x2f: {  	lr =	sadd.s32 s0, s3;
	s0 =	sld [smem:$0x3FA6]  }
0x30: {  	s3 =	sld [smem:$0x3FA9]  }
0x31: {  	[smem:$0x3FB2] =	sst s10  }
0x32: {  	s10 =	sld [smem:$0x3FB0];
	_ =	sdelay $0x3  }
0x33: {  	p0 =	seq.s32 s10, $0x1;
	s10 =	sld [smem:$0x3FB2];
	_ =	sdelay $0x3  }
0x34: {  	[smem:$0x3FB2] =	sst s10  }
0x35: {  	s10 =	sld [smem:$0x3FB1];
	_ =	sdelay $0x3  }
0x36: {  	p1 =	seq.s32 s10, $0x1;
	s10 =	sld [smem:$0x3FB2];
	_ =	sdelay $0x3  }
0x37: {  	[smem:$0x3FB2] =	sst s10  }
0x38: {  	s10 =	sld [smem:$0x3FB3]  }
0x39: {  	_ = 	snop;
	(pc) =	sbr.ind lr, $3  }
0x3a: {  	_ = 	snop  }
0x3b: {  	_ = 	snop  }
0x3c: {  	p2 =	seq.s32 s10, $0x1;
	s10 =	sld [smem:$0x3FB2]  }
0x3d: {  	_ =	shalt  }
0x3e: {  	_ =	shalt  }
0x3f: {  	_ =	shalt  }
0x40: {  	_ =	shalt  }
0x41: {  	_ =	shalt  }
0x42: {  	_ =	shalt  }
0x43: {  	_ =	shalt  }
0x44: {  	_ =	shalt  }
0x45: {  	_ =	shalt  }
0x46: {  	_ =	shalt  }
0x47: {  	_ =	shalt  }
0x48: {  	_ =	shalt  }
0x49: {  	_ =	shalt  }
0x4a: {  	_ =	shalt  }
0x4b: {  	_ =	shalt  }
0x4c: {  	_ =	shalt  }
0x4d: {  	_ =	shalt  }
0x4e: {  	_ =	shalt  }
0x4f: {  	_ =	shalt  }
0x50: {  	_ =	shalt  }
0x51: {  	_ =	shalt  }
0x52: {  	_ =	shalt  }
0x53: {  	_ =	shalt  }
0x54: {  	_ =	shalt  }
0x55: {  	_ =	shalt  }
0x56: {  	_ =	shalt  }
0x57: {  	_ =	shalt  }
0x58: {  	_ =	shalt  }
0x59: {  	_ =	shalt  }
0x5a: {  	_ =	shalt  }
0x5b: {  	_ =	shalt  }
0x5c: {  	_ =	shalt  }
0x5d: {  	_ =	shalt  }
0x5e: {  	_ =	shalt  }
0x5f: {  	_ =	shalt  }
0x60: {  	_ =	shalt  }
0x61: {  	_ =	shalt  }
0x62: {  	_ =	shalt  }
0x63: {  	_ =	shalt  }
0x64: {  	_ =	shalt  }
0x65: {  	_ =	shalt  }
0x66: {  	_ =	shalt  }
0x67: {  	_ =	shalt  }
0x68: {  	_ =	shalt  }
0x69: {  	_ =	shalt  }
0x6a: {  	_ =	shalt  }
0x6b: {  	_ =	shalt  }
0x6c: {  	_ =	shalt  }
0x6d: {  	_ =	shalt  }
0x6e: {  	_ =	shalt  }
0x6f: {  	_ =	shalt  }
0x70: {  	_ =	shalt  }
0x71: {  	_ =	shalt  }
0x72: {  	_ =	shalt  }
0x73: {  	_ =	shalt  }
0x74: {  	_ =	shalt  }
0x75: {  	_ =	shalt  }
0x76: {  	_ =	shalt  }
0x77: {  	_ =	shalt  }
0x78: {  	_ =	shalt  }
0x79: {  	_ =	shalt  }
0x7a: {  	_ =	shalt  }
0x7b: {  	_ =	shalt  }
0x7c: {  	_ =	shalt  }
0x7d: {  	_ =	shalt  }
0x7e: {  	_ =	shalt  }
0x7f: {  	_ =	shalt  }
0x80: {  	_ =	shalt  }
0x81: {  	_ =	shalt  }
0x82: {  	_ =	shalt  }
0x83: {  	_ =	shalt  }
0x84: {  	_ =	shalt  }
0x85: {  	_ =	shalt  }
0x86: {  	_ =	shalt  }
0x87: {  	_ =	shalt  }
.Lfunc_end0:
.L_simem_size_0:
called_computation.1_lowered:
.L_overlay_start_0:
0x88: {  	s2 =	sld [smem:$0x3FD9]  }
0x89: {  	s3 =	sld [smem:$0x3FFE];
	_ =	sdelay $0x1  }
0x8a: {  	s1 =	srdreg.scid  }
0x8b: {  	s0 =	sand.u32 $0x1, s1  }
0x8c: {  	s17 =	sshll.u32 s0, $0xA;
	s2 =	sadd.s32 s3, s2  }
0x8d: {  	s2 =	sadd.s32 s2, s17  }
0x8e: {  	[smem:$0x3FBE] =	sst s2  }
0x8f: {  	_ = 	snop  }
0x90: {  	s2 =	sld [smem:$0x3FD0];
	(tm) =	ssettm $0x1  }
0x91: {  	s18 =	sld [smem:$0x3FFB];
	_ =	sdelay $0x3  }
0x92: {  	_ =	strace s18  }
0x93: {  	s3 =	sld [smem:$0x3FFC];
	_ =	sdelay $0x3  }
0x94: {  	_ =	strace s3  }
0x95: {  	s3 =	sld [smem:$0x3FFD];
	_ =	sdelay $0x3  }
0x96: {  	_ =	strace s3  }
0x97: {  	_ =	strace $0x8FFFFFFF  }
0x98: {  	s19 =	sld [smem:$0x3FDB];
	_ =	sdelay $0x1  }
0x99: {  	s4 =	simm.s32 $_scs_section_size  }
0x9a: {  	s5 =	simm.s32 $_size__tile_overlayer_lowered;
	s6 =	simm.s32 $_tile_overlayer_lowered  }
0x9b: {  	s22 =	simm.s32 $0x1BFF;
	s21 =	sshll.u32 s6, $0x1;
	s3 =	sadd.s32 s4, s19  }
0x9c: {  	s7 =	simm.s32 $0x0;
	s20 =	sshll.u32 s5, $0x1;
	s5 =	sadd.s32 s21, s3  }
0x9d: {  	[timem:s7], [sflag:s22] =	dma.local [hbm:s5], s20  }
0x9e: {  	_ =	swait.ge [sflag:s22], s20  }
0x9f: {  	s4 =	ssub.s32 $0x0, s20;
	[sflag:s22] =	ssyncset.done $0x0  }
0xa0: {  	[sflag:s22] =	ssyncadd.s32 s4;
	_ =	sdelay $0x1  }
0xa1: {  	s23 =	simm.s32 $0x1B8B  }
0xa2: {  	_ =	swait.ge [sflag:s23], $0x1  }
0xa3: {  	[sflag:s23] =	ssyncset.done $0x0  }
0xa4: {  	s25 =	simm.s32 $0x1B8E;
	s24 =	sld [smem:$0x3FFE];
	[sflag:s23] =	ssyncadd.s32 $0xFFFFFFFF  }
0xa5: {  	s26 =	simm.s32 $execute0_lowered;
	[smem:$0x3FD2] =	sst s25  }
0xa6: {  	s5 =	sshll.u32 s26, $0x1;
	_ =	strace $0x80000049;
	[dreg:$0x1] =	wrdreg $0xFFFFFFFF  }
0xa7: {  	s28 =	simm.s32 $_size_execute0_lowered;
	s3 =	sadd.s32 s3, s5;
	[dreg:$0x0] =	wrdreg $0x0  }
0xa8: {  	s5 =	sshll.u32 s28, $0x1;
	[dreg:$0x2] =	wrdreg s3  }
0xa9: {  	[dreg:$0x3] =	wrdreg s5  }
0xaa: {  	[dreg:$0x4] =	wrdreg $0xC0  }
0xab: {  	_ =	task [dreg:s7], $0x5FFFF  }
0xac: {  	[dreg:$0x1] =	wrdreg $0xFFFFFFFF  }
0xad: {  	[dreg:$0x0] =	wrdreg $0x60  }
0xae: {  	[dreg:$0x2] =	wrdreg s24  }
0xaf: {  	[dreg:$0x3] =	wrdreg s2  }
0xb0: {  	[dreg:$0x4] =	wrdreg $0x0  }
0xb1: {  	[dreg:$0x5] =	wrdreg $0x9  }
0xb2: {  	_ =	task.clear_ibuf [dreg:s7], $0x6FFFF;
	_ =	strace $0x90000049  }
0xb3: {  	s29 =	simm.s32 $0x9;
	_ =	strace $0x8000004B  }
0xb4: {  	_ =	swait.ge [sflag:s29], $0x1  }
0xb5: {  	[sflag:s29] =	ssyncadd.s32 $0xFFFFFFFF  }
0xb6: {  	_ =	strace $0x9000004B  }
0xb7: {  	_ =	sfence  }
0xb8: {  	s30 =	sld [smem:$0x0];
	_ =	sdelay $0x2  }
0xb9: {  	s31 =	sshll.u32 s1, $0xD;
	s1 =	sshrl.u32 s1, $0x2  }
0xba: {  	s3 =	sand.u32 $0x4000, s31;
	s1 =	sadd.s32 s1, s30  }
0xbb: {  	s0 =	sor.u32 s3, s0;
	s1 =	sshll.u32 s1, $0x11  }
0xbc: {  	s0 =	sor.u32 s1, s0  }
0xbd: {  	s0 =	sadd.s32 $0x8F2B, s0  }
0xbe: {  	[sflag:s0] =	ssyncadd.remote.s32 $0x1  }
0xbf: {  	_ =	sfence.sel $0xFFFF  }
0xc0: {  	[dreg:$0x0] =	wrdreg $0xFFFFFFFF;
	(pc) =	sbr.abs _section_cstart, $3  }
0xc1: {  	[dreg:$0x1] =	wrdreg $0xFFFFFFFF  }
0xc2: {  	_ =	task.clear_ibuf [dreg:s7], $0x2FFFF;
	_ =	strace $0x9FFFFFFF  }
0xc3: {  	(tm) =	ssettm $0x7FFFFFFF  }
tec
execute0_lowered:
.L_overlay_start_1:
0x0: {  	(tag) =	ssettag $0x1  }
0x1: {  	s0 =	rddreg [dreg:$0x0]  }
0x2: {  	s1 =	rddreg [dreg:$0x1];
	s3 =	srdreg.scid  }
0x3: {  	s8 =	stileid.u32;
	s2 =	rddreg [dreg:$0x2];
	s5 =	simm.s32 $0x0  }
0x4: {  	s15 =	simm.s32 $0x80;
	s14 =	simm.s32 $0x8;
	s9 =	simm.s32 $0xD  }
0x5: {  	s13 =	simm.s32 $0xE;
	s10 =	simm.s32 $0xF;
	s11 =	simm.s32 $0x11  }
0x6: {  	s12 =	simm.s32 $0x12;
	s16 =	simm.s32 $0x13;
	s18 =	simm.s32 $0x14  }
0x7: {  	s29 =	simm.s32 $0x67C0;
	s31 =	simm.s32 $0x6BC0;
	s17 =	simm.s32 $0x73C0  }
0x8: {  	s28 =	simm.s32 $0x7FC0;
	s30 =	simm.s32 $0x1;
	s3 =	sand.u32 $0x1, s3  }
0x9: {  	s4 =	sshll.u32 s8, $0x1;
	[smem:$0x7FF] =	sst s5;
	s7 =	smul.u32 $0x13C0, s8  }
0xa: {  	s23 =	sshll.u32 s8, $0x6;
	s8 =	smul.u32 $0x4F0, s8;
	s4 =	sor.u32 s3, s4  }
0xb: {  	_ =	strace $0x8000004A;
	s6 =	ssub.s32 $0x2, s3;
	s22 =	sor.u32 $0x1C15, s23  }
0xc: {  	s1 =	sadd.s32 s1, s3;
	s3 =	simm.s32 $0x9;
	s23 =	simm.s32 $0x77C0  }
0xd: {  	s19 =	smul.u32 $0x500, s4;
	s4 =	sadd.s32 $0x16800, s0;
	s20 =	sshrl.u32 s6, $0x1  }
0xe: {  	s21 =	sadd.s32 s7, s2;
	s7 =	sshrl.u32 s7, $0x3;
	s25 =	sadd.s32 s8, s1  }
0xf: {  	s8 =	simm.s32 $0xC;
	[dreg:$0x5] =	wrdreg s22;
	s1 =	simm.s32 $0x2  }
0x10: {  	s5 =	ssub.s32 s6, s20;
	s7 =	sadd.s32 s4, s7;
	[dreg:$0x8] =	wrdreg s25  }
0x11: {  	s6 =	simm.s32 $0x10;
	s25 =	simm.s32 $0x7BC0;
	s0 =	sadd.s32 s19, s0  }
.Ltmp0:
0x12: {  	[dreg:$0x4] =	wrdreg s7;
	s26 =	smax.u32 s5, $0x1;
	(pc) =	sbr.rel .LBB2_1-.Ltmp0, $4  }
0x13: {  	s5 =	simm.s32 $0xA;
	s24 =	sadd.s32 $0x2800, s0;
	[dreg:$0x9] =	wrdreg s26  }
0x14: {  	s7 =	simm.s32 $0xB;
	s0 =	sadd.s32 $0xC800, s0;
	[dreg:$0x6] =	wrdreg s24  }
0x15: {  	s19 =	simm.s32 $0x83C0;
	[dreg:$0x7] =	wrdreg s0;
	s24 =	sshrl.u32 s21, $0x3  }
0x16: {  	s21 =	simm.s32 $0x87C0;
	s0 =	simm.s32 $0x0;
	[dreg:$0xa] =	wrdreg s24  }
.LBB2_3:
0x17: {  	_ =	swait.ge [sflag:s8], $0x400  }
0x18: {  	[sflag:s8] =	ssyncset.done $0x0  }
0x19: {  	[sflag:s8] =	ssyncadd.s32 $0xFFFFFC00  }
0x1a: {  	_ =	swait.ge [sflag:s9], $0x400  }
0x1b: {  	[sflag:s9] =	ssyncset.done $0x0  }
0x1c: {  	[sflag:s9] =	ssyncadd.s32 $0xFFFFFC00  }
0x1d: {  	_ =	swait.ge [sflag:s13], $0x400  }
0x1e: {  	[sflag:s13] =	ssyncset.done $0x0  }
0x1f: {  	[sflag:s13] =	ssyncadd.s32 $0xFFFFFC00  }
0x20: {  	_ =	swait.ge [sflag:s10], $0x400  }
0x21: {  	[sflag:s10] =	ssyncset.done $0x0  }
0x22: {  	[sflag:s10] =	ssyncadd.s32 $0xFFFFFC00  }
0x23: {  	_ =	swait.ge [sflag:s6], $0x400  }
0x24: {  	[sflag:s6] =	ssyncset.done $0x0  }
0x25: {  	[sflag:s6] =	ssyncadd.s32 $0xFFFFFC00  }
0x26: {  	_ =	swait.ge [sflag:s11], $0x400  }
0x27: {  	[sflag:s11] =	ssyncset.done $0x0  }
0x28: {  	[sflag:s11] =	ssyncadd.s32 $0xFFFFFC00  }
0x29: {  	_ =	swait.ge [sflag:s12], $0x400  }
0x2a: {  	[sflag:s12] =	ssyncset.done $0x0  }
0x2b: {  	[sflag:s12] =	ssyncadd.s32 $0xFFFFFC00  }
0x2c: {  	_ =	swait.ge [sflag:s16], $0x400  }
0x2d: {  	[sflag:s16] =	ssyncset.done $0x0  }
0x2e: {  	[sflag:s16] =	ssyncadd.s32 $0xFFFFFC00  }
0x2f: {  	_ =	swait.ge [sflag:s18], $0x400  }
0x30: {  	[sflag:s18] =	ssyncset.done $0x0  }
0x31: {  	[sflag:s18] =	ssyncadd.s32 $0xFFFFFC00  }
.LBB2_5:
0x32: {  	[bflag:$0x0] =	sbarrier.arrive $0xFFFF  }
0x33: {  	s22 =	rddreg [dreg:$0x5]  }
0x34: {  	s20 =	rddreg [dreg:$0x8]  }
0x35: {  	s26 =	simm.s32 $0x15;
	s24 =	rddreg [dreg:$0xa]  }
0x36: {  	[hbm:s20@s1], [sflag:s22] =	dma.strided [spmem:s24@s30], $0x278, s30, $0x1   }
0x37: {  	_ =	swait.ge [sflag:s26], $0x278  }
0x38: {  	s0 =	rddreg [dreg:$0xb]  }
0x39: {  	s21 =	rddreg [dreg:$0x9];
	s0 =	sadd.s32 $0x1, s0  }
0x3a: {  	p0 =	sne.s32 s0, s21  }
.Ltmp1:
0x3b: {  	_ = 	snop;
	(pc) =	sbr.rel @!p0 .LBB2_6-.Ltmp1, $3  }
0x3c: {  	_ =	sdelay $0x1  }
0x3d: {  	[sflag:s26] =	ssyncset.done $0x0;
	s26 =	simm.s32 $0x15  }
0x3e: {  	[sflag:s26] =	ssyncadd.s32 $0xFFFFFD88;
	s21 =	simm.s32 $0x87C0  }
.LBB2_1:
0x3f: {  	[dreg:$0xb] =	wrdreg s0  }
0x40: {  	s26 =	simm.s32 $0x15;
	s20 =	rddreg [dreg:$0x4]  }
0x41: {  	[spmem:s24], [sflag:s22] =	dma.local [hbm:s20], $0x278  }
0x42: {  	_ =	swait.ge [sflag:s26], $0x278  }
0x43: {  	s0 =	simm.s32 $0x13C0;
	[sflag:s26] =	ssyncset.done $0x0  }
0x44: {  	s20 =	simm.s32 $0x0;
	s24 =	rddreg [dreg:$0x6];
	[sflag:s26] =	ssyncadd.s32 $0xFFFFFD88  }
0x45: {  	[tilespmem:s0], [sflag:$0x15] =	stream.linear.gather [hbm4b:s24+s20], $0x2800, $0x38;
	[tilespmem:$0x8BC0] =	vst v63  }
0x46: {  	_ =	swait.ge [sflag:s26], $0x2800  }
0x47: {  	[sflag:s26] =	ssyncset.done $0x0  }
0x48: {  	s24 =	simm.s32 $0x3BC0;
	s22 =	rddreg [dreg:$0x7];
	[sflag:s26] =	ssyncadd.s32 $0xFFFFD800  }
0x49: {  	[tilespmem:s24], [sflag:$0x15] =	stream.linear.gather [hbm4b:s22+s20], $0x2800, $0x38;
	[tilespmem:$0x8BC0] =	vst v63  }
0x4a: {  	_ =	swait.ge [sflag:s26], $0x2800  }
0x4b: {  	[sflag:s26] =	ssyncset.done $0x0  }
0x4c: {  	[sflag:s26] =	ssyncadd.s32 $0xFFFFD800  }
0x4d: {  	s26 =	simm.s32 $0x63C0;
	[bflag:$0x0] =	sbarrier.arrive $0xFFFF  }
0x4e: {  	[tilespmem:s26], [sflag:$0x1] =	stream.indirect.gather [hbm4b:s4+s15], $0x8, s0, s15, $0xb8;
	[tilespmem:$0x8BC0] =	vst v63  }
0x4f: {  	s0 =	simm.s32 $0x1440  }
0x50: {  	[tilespmem:s29], [sflag:$0x2] =	stream.indirect.gather [hbm4b:s4+s15], $0x8, s0, s15, $0xb8;
	[tilespmem:$0x8BC0] =	vst v63  }
0x51: {  	s22 =	simm.s32 $0x14C0  }
0x52: {  	[tilespmem:s31], [sflag:$0x3] =	stream.indirect.gather [hbm4b:s4+s15], $0x8, s22, s15, $0xb8;
	[tilespmem:$0x8BC0] =	vst v63  }
0x53: {  	s24 =	simm.s32 $0x1540;
	s0 =	simm.s32 $0x6FC0  }
0x54: {  	[tilespmem:s0], [sflag:$0x4] =	stream.indirect.gather [hbm4b:s4+s15], $0x8, s24, s15, $0xb8;
	[tilespmem:$0x8BC0] =	vst v63  }
0x55: {  	s22 =	simm.s32 $0x15C0  }
0x56: {  	[tilespmem:s17], [sflag:$0x5] =	stream.indirect.gather [hbm4b:s4+s15], $0x8, s22, s15, $0xb8;
	[tilespmem:$0x8BC0] =	vst v63  }
0x57: {  	s24 =	simm.s32 $0x1640  }
0x58: {  	[tilespmem:s23], [sflag:$0x6] =	stream.indirect.gather [hbm4b:s4+s15], $0x8, s24, s15, $0xb8;
	[tilespmem:$0x8BC0] =	vst v63  }
0x59: {  	s22 =	simm.s32 $0x16C0  }
0x5a: {  	[tilespmem:s25], [sflag:$0x7] =	stream.indirect.gather [hbm4b:s4+s15], $0x8, s22, s15, $0xb8;
	[tilespmem:$0x8BC0] =	vst v63  }
0x5b: {  	s24 =	simm.s32 $0x1740  }
0x5c: {  	[tilespmem:s28], [sflag:$0x8] =	stream.indirect.gather [hbm4b:s4+s15], $0x8, s24, s15, $0xb8;
	[tilespmem:$0x8BC0] =	vst v63  }
0x5d: {  	s22 =	simm.s32 $0x17C0  }
0x5e: {  	[tilespmem:s19], [sflag:$0x9] =	stream.indirect.gather [hbm4b:s4+s15], $0x8, s22, s15, $0xb8;
	[tilespmem:$0x8BC0] =	vst v63  }
0x5f: {  	s24 =	simm.s32 $0x1840  }
0x60: {  	[tilespmem:s21], [sflag:$0xA] =	stream.indirect.gather [hbm4b:s4+s15], $0x8, s24, s15, $0xb8;
	[tilespmem:$0x8BC0] =	vst v63  }
0x61: {  	s20 =	simm.s32 $0x0;
	s21 =	simm.s32 $0x87C0  }
.LBB2_2:
0x62: {  	s24 =	simm.s32 $0x1  }
0x63: {  	_ =	swait.ge [sflag:s24], $0x400  }
0x64: {  	s22 =	sshra.s32 s20, $0x2;
	[sflag:s24] =	ssyncset.done $0x0  }
0x65: {  	[sflag:s24] =	ssyncadd.s32 $0xFFFFFC00;
	s24 =	sadd.s32 $0x3BC0, s22  }
0x66: {  	[spmem:s2] =	stream.indirect.scatter.add.f32 [tilespmem:s26], [sflag:$0xB], $0x8, s24, s15, $0xb8;
	[tilespmem:$0x8BC0] =	vst v63  }
0x67: {  	s24 =	simm.s32 $0x2  }
0x68: {  	_ =	swait.ge [sflag:s24], $0x400  }
0x69: {  	[sflag:s24] =	ssyncset.done $0x0  }
0x6a: {  	[sflag:s24] =	ssyncadd.s32 $0xFFFFFC00;
	s24 =	sadd.s32 $0x3C40, s22  }
0x6b: {  	[spmem:s2] =	stream.indirect.scatter.add.f32 [tilespmem:s29], [sflag:$0xC], $0x8, s24, s15, $0xb8;
	[tilespmem:$0x8BC0] =	vst v63  }
0x6c: {  	s24 =	simm.s32 $0x3  }
0x6d: {  	_ =	swait.ge [sflag:s24], $0x400  }
0x6e: {  	[sflag:s24] =	ssyncset.done $0x0  }
0x6f: {  	[sflag:s24] =	ssyncadd.s32 $0xFFFFFC00;
	s24 =	sadd.s32 $0x3CC0, s22  }
0x70: {  	[spmem:s2] =	stream.indirect.scatter.add.f32 [tilespmem:s31], [sflag:$0xD], $0x8, s24, s15, $0xb8;
	[tilespmem:$0x8BC0] =	vst v63  }
0x71: {  	s24 =	simm.s32 $0x4  }
0x72: {  	_ =	swait.ge [sflag:s24], $0x400  }
0x73: {  	[sflag:s24] =	ssyncset.done $0x0  }
0x74: {  	[sflag:s24] =	ssyncadd.s32 $0xFFFFFC00;
	s24 =	sadd.s32 $0x3D40, s22  }
0x75: {  	[spmem:s2] =	stream.indirect.scatter.add.f32 [tilespmem:s0], [sflag:$0xE], $0x8, s24, s15, $0xb8;
	[tilespmem:$0x8BC0] =	vst v63  }
0x76: {  	s24 =	simm.s32 $0x5  }
0x77: {  	_ =	swait.ge [sflag:s24], $0x400  }
0x78: {  	[sflag:s24] =	ssyncset.done $0x0  }
0x79: {  	[sflag:s24] =	ssyncadd.s32 $0xFFFFFC00;
	s24 =	sadd.s32 $0x3DC0, s22  }
0x7a: {  	[spmem:s2] =	stream.indirect.scatter.add.f32 [tilespmem:s17], [sflag:$0xF], $0x8, s24, s15, $0xb8;
	[tilespmem:$0x8BC0] =	vst v63  }
0x7b: {  	s24 =	simm.s32 $0x6  }
0x7c: {  	_ =	swait.ge [sflag:s24], $0x400  }
0x7d: {  	[sflag:s24] =	ssyncset.done $0x0  }
0x7e: {  	[sflag:s24] =	ssyncadd.s32 $0xFFFFFC00;
	s24 =	sadd.s32 $0x3E40, s22  }
0x7f: {  	[spmem:s2] =	stream.indirect.scatter.add.f32 [tilespmem:s23], [sflag:$0x10], $0x8, s24, s15, $0xb8;
	[tilespmem:$0x8BC0] =	vst v63  }
0x80: {  	s24 =	simm.s32 $0x7  }
0x81: {  	_ =	swait.ge [sflag:s24], $0x400  }
0x82: {  	[sflag:s24] =	ssyncset.done $0x0  }
0x83: {  	[sflag:s24] =	ssyncadd.s32 $0xFFFFFC00;
	s24 =	sadd.s32 $0x3EC0, s22  }
0x84: {  	[spmem:s2] =	stream.indirect.scatter.add.f32 [tilespmem:s25], [sflag:$0x11], $0x8, s24, s15, $0xb8;
	[tilespmem:$0x8BC0] =	vst v63  }
0x85: {  	_ =	swait.ge [sflag:s14], $0x400  }
0x86: {  	[sflag:s14] =	ssyncset.done $0x0  }
0x87: {  	s24 =	sadd.s32 $0x3F40, s22;
	[sflag:s14] =	ssyncadd.s32 $0xFFFFFC00  }
0x88: {  	[spmem:s2] =	stream.indirect.scatter.add.f32 [tilespmem:s28], [sflag:$0x12], $0x8, s24, s15, $0xb8;
	[tilespmem:$0x8BC0] =	vst v63  }
0x89: {  	_ =	swait.ge [sflag:s3], $0x400  }
0x8a: {  	[sflag:s3] =	ssyncset.done $0x0  }
0x8b: {  	s24 =	sadd.s32 $0x3FC0, s22;
	[sflag:s3] =	ssyncadd.s32 $0xFFFFFC00  }
0x8c: {  	[spmem:s2] =	stream.indirect.scatter.add.f32 [tilespmem:s19], [sflag:$0x13], $0x8, s24, s15, $0xb8;
	[tilespmem:$0x8BC0] =	vst v63  }
0x8d: {  	_ =	swait.ge [sflag:s5], $0x400  }
0x8e: {  	p0 =	sne.s32 s20, $0x8C00;
	[sflag:s5] =	ssyncset.done $0x0  }
.Ltmp2:
0x8f: {  	s24 =	sadd.s32 $0x4040, s22;
	[sflag:s5] =	ssyncadd.s32 $0xFFFFFC00;
	(pc) =	sbr.rel @!p0 .LBB2_3-.Ltmp2, $4  }
0x90: {  	[spmem:s2] =	stream.indirect.scatter.add.f32 [tilespmem:s21], [sflag:$0x14], $0x8, s24, s15, $0xb8;
	[tilespmem:$0x8BC0] =	vst v63  }
0x91: {  	_ =	swait.ge [sflag:s7], $0x400  }
0x92: {  	[sflag:s7] =	ssyncset.done $0x0  }
0x93: {  	[sflag:s7] =	ssyncadd.s32 $0xFFFFFC00  }
0x94: {  	s24 =	sadd.s32 $0x18C0, s22  }
0x95: {  	[tilespmem:s26], [sflag:$0x1] =	stream.indirect.gather [hbm4b:s4+s15], $0x8, s24, s15, $0xb8;
	[tilespmem:$0x8BC0] =	vst v63  }
0x96: {  	_ =	swait.ge [sflag:s8], $0x400  }
0x97: {  	[sflag:s8] =	ssyncset.done $0x0  }
0x98: {  	s24 =	sadd.s32 $0x1940, s22;
	[sflag:s8] =	ssyncadd.s32 $0xFFFFFC00  }
0x99: {  	[tilespmem:s29], [sflag:$0x2] =	stream.indirect.gather [hbm4b:s4+s15], $0x8, s24, s15, $0xb8;
	[tilespmem:$0x8BC0] =	vst v63  }
0x9a: {  	_ =	swait.ge [sflag:s9], $0x400  }
0x9b: {  	[sflag:s9] =	ssyncset.done $0x0  }
0x9c: {  	s24 =	sadd.s32 $0x19C0, s22;
	[sflag:s9] =	ssyncadd.s32 $0xFFFFFC00  }
0x9d: {  	[tilespmem:s31], [sflag:$0x3] =	stream.indirect.gather [hbm4b:s4+s15], $0x8, s24, s15, $0xb8;
	[tilespmem:$0x8BC0] =	vst v63  }
0x9e: {  	_ =	swait.ge [sflag:s13], $0x400  }
0x9f: {  	[sflag:s13] =	ssyncset.done $0x0  }
0xa0: {  	s24 =	sadd.s32 $0x1A40, s22;
	[sflag:s13] =	ssyncadd.s32 $0xFFFFFC00  }
0xa1: {  	[tilespmem:s0], [sflag:$0x4] =	stream.indirect.gather [hbm4b:s4+s15], $0x8, s24, s15, $0xb8;
	[tilespmem:$0x8BC0] =	vst v63  }
0xa2: {  	_ =	swait.ge [sflag:s10], $0x400  }
0xa3: {  	[sflag:s10] =	ssyncset.done $0x0  }
0xa4: {  	s24 =	sadd.s32 $0x1AC0, s22;
	[sflag:s10] =	ssyncadd.s32 $0xFFFFFC00  }
0xa5: {  	[tilespmem:s17], [sflag:$0x5] =	stream.indirect.gather [hbm4b:s4+s15], $0x8, s24, s15, $0xb8;
	[tilespmem:$0x8BC0] =	vst v63  }
0xa6: {  	_ =	swait.ge [sflag:s6], $0x400  }
0xa7: {  	[sflag:s6] =	ssyncset.done $0x0  }
0xa8: {  	s24 =	sadd.s32 $0x1B40, s22;
	[sflag:s6] =	ssyncadd.s32 $0xFFFFFC00  }
0xa9: {  	[tilespmem:s23], [sflag:$0x6] =	stream.indirect.gather [hbm4b:s4+s15], $0x8, s24, s15, $0xb8;
	[tilespmem:$0x8BC0] =	vst v63  }
0xaa: {  	_ =	swait.ge [sflag:s11], $0x400  }
0xab: {  	[sflag:s11] =	ssyncset.done $0x0  }
0xac: {  	s24 =	sadd.s32 $0x1BC0, s22;
	[sflag:s11] =	ssyncadd.s32 $0xFFFFFC00  }
0xad: {  	[tilespmem:s25], [sflag:$0x7] =	stream.indirect.gather [hbm4b:s4+s15], $0x8, s24, s15, $0xb8;
	[tilespmem:$0x8BC0] =	vst v63  }
0xae: {  	_ =	swait.ge [sflag:s12], $0x400  }
0xaf: {  	[sflag:s12] =	ssyncset.done $0x0  }
0xb0: {  	s24 =	sadd.s32 $0x1C40, s22;
	[sflag:s12] =	ssyncadd.s32 $0xFFFFFC00  }
0xb1: {  	[tilespmem:s28], [sflag:$0x8] =	stream.indirect.gather [hbm4b:s4+s15], $0x8, s24, s15, $0xb8;
	[tilespmem:$0x8BC0] =	vst v63  }
0xb2: {  	_ =	swait.ge [sflag:s16], $0x400  }
0xb3: {  	s20 =	sadd.s32 $0x1400, s20;
	[sflag:s16] =	ssyncset.done $0x0  }
0xb4: {  	p0 =	sne.s32 s20, $0xA000;
	s24 =	sadd.s32 $0x1CC0, s22;
	[sflag:s16] =	ssyncadd.s32 $0xFFFFFC00  }
0xb5: {  	[tilespmem:s19], [sflag:$0x9] =	stream.indirect.gather [hbm4b:s4+s15], $0x8, s24, s15, $0xb8;
	[tilespmem:$0x8BC0] =	vst v63  }
.Ltmp3:
0xb6: {  	_ = 	snop;
	(pc) =	sbr.rel @p0 .LBB2_2-.Ltmp3, $4  }
.Ltmp4:
0xb7: {  	_ =	swait.ge [sflag:s18], $0x400;
	(pc) =	sbr.rel @!p0 .LBB2_5-.Ltmp4, $4  }
0xb8: {  	[sflag:s18] =	ssyncset.done $0x0  }
0xb9: {  	s24 =	sadd.s32 $0x1D40, s22;
	[sflag:s18] =	ssyncadd.s32 $0xFFFFFC00  }
0xba: {  	[tilespmem:s21], [sflag:$0xA] =	stream.indirect.gather [hbm4b:s4+s15], $0x8, s24, s15, $0xb8;
	[tilespmem:$0x8BC0] =	vst v63  }
0xbb: {  	_ = 	snop  }
.LBB2_6:
0xbc: {  	_ =	sfence.sel $0x180000  }
0xbd: {  	[bflag:$0x0] =	sbarrier.arrive $0xFFFF  }
0xbe: {  	_ =	strace $0x9000004A  }
0xbf: {  	s0 =	stileid.u32;
	[bflag:$0x2] =	sbarrier.arrive $0xFFFF  }
0xc0: {  	p0 =	sne.s32 s0, $0x0;
	s0 =	rddreg [dreg:$0x3]  }
0xc1: {  	s0 =	sadd.s32 @!p0 $0x100000, s0  }
0xc2: {  	[sflag:s0] =	ssyncadd.tile.s32 @!p0 $0x1;
	_ =	shalt  }
.Lfunc_end2:
_tile_overlayer_lowered:
.L_overlay_start_2:
0xc3: {  	(tag) =	ssettag $0x2  }
0xc4: {  	s0 =	rddreg [dreg:$0x0];
	s2 =	stileid.u32  }
0xc5: {  	s1 =	rddreg [dreg:$0x1];
	p0 =	sne.s32 s2, $0x0  }
0xc6: {  	s3 =	rddreg [dreg:$0x2];
	[bflag:$0x3] =	sbarrier.arrive $0xFFFF;
	s2 =	simm.s32 @!p0 $0x1C15  }
0xc7: {  	[timem:s3], [sflag:s2] =	dma.local @!p0 [hbm:s0], s1  }
0xc8: {  	s0 =	simm.s32 @!p0 $0x15  }
0xc9: {  	_ =	swait.ge @!p0 [sflag:s0], s1  }
0xca: {  	s1 =	ssub.s32 @!p0 $0x0, s1;
	[sflag:s0] =	ssyncset.done @!p0 $0x0  }
0xcb: {  	[sflag:s0] =	ssyncadd.s32 @!p0 s1  }
0xcc: {  	[bflag:$0x3] =	sbarrier.arrive $0xFFFF  }
0xcd: {  	_ =	shalt  }

// kernel: kernel.18.cloned.1.call-start
scs
__scs_entry_jumppad:
0x0: {  	(pc) =	sbr.rel $0x88, $3  }
0x1: {  	(tag) =	ssettag $0x0;
	lr =	simm.s32 $0x1  }
0x2: {  	[smem:$0x3F97] =	sst lr;
	_ =	strace $0xD0000000  }
0x3: {  	_ = 	snop  }
0x4: {  	_ = 	snop  }
0x5: {  	_ = 	snop  }
0x6: {  	_ = 	snop  }
0x7: {  	_ = 	snop  }
__scs_overlays_trampoline_lowered:
0x8: {  	[smem:$0x3FA6] =	sst s0  }
0x9: {  	[smem:$0x3FA7] =	sst s1  }
0xa: {  	[smem:$0x3FA8] =	sst s2  }
0xb: {  	[smem:$0x3FA9] =	sst s3  }
0xc: {  	[smem:$0x3FAA] =	sst s4  }
0xd: {  	[smem:$0x3FAB] =	sst s5  }
0xe: {  	[smem:$0x3FAC] =	sst s6  }
0xf: {  	[smem:$0x3FAD] =	sst s7  }
0x10: {  	[smem:$0x3FAE] =	sst s8  }
0x11: {  	[smem:$0x3FAF] =	sst s9;
	s0 =	simm.s32 @!p0 $0x0  }
0x12: {  	s1 =	sld [smem:$0x3F95];
	s0 =	simm.s32 @p0 $0x1  }
0x13: {  	[smem:$0x3FB0] =	sst s0;
	s0 =	simm.s32 @!p1 $0x0  }
0x14: {  	s2 =	sld [smem:$0x3F94];
	s0 =	simm.s32 @p1 $0x1  }
0x15: {  	[smem:$0x3FB1] =	sst s0;
	s0 =	simm.s32 @!p2 $0x0  }
0x16: {  	s3 =	sld [smem:$0x3FDB];
	s0 =	simm.s32 @p2 $0x1  }
0x17: {  	s4 =	simm.s32 $0x1BF5;
	[smem:$0x3FB3] =	sst s0  }
0x18: {  	s0 =	sld [smem:$0x3F96];
	_ =	swait.ge [sflag:s4], $0x0  }
0x19: {  	s7 =	sld [smem:$0x3F97]  }
0x1a: {  	s8 =	sadd.s32 $0xFFFFE003, lr  }
0x1b: {  	s9 =	sadd.s32 $0xFFFFFEF7, lr;
	s5 =	simm.s32 $0xFFFFFFFF;
	p2 =	slt.u32 s8, $0xFFFFF086  }
0x1c: {  	p1 =	slt.u32 s9, $0xF7A;
	s5 =	simm.s32 @!p2 $0x0  }
0x1d: {  	s5 =	simm.s32 @p1 $0x1;
	p0 =	seq.s32 s7, s2  }
0x1e: {  	s7 =	smul.u32 @!p0 $0xF7A, s2;
	p2 =	seq.s32 @!p0 s5, $0x0  }
0x1f: {  	s9 =	smul.u32 $0xF7A, s1;
	s8 =	simm.s32 @!p0 $0x1BF5;
	p2 =	por !p2, p0  }
0x20: {  	[sflag:s8] =	ssyncset.s32 @!p0 $0xFFFFF086;
	s6 =	sadd.s32 @!p0 s3, s7;
	s7 =	simm.s32 @!p0 $0x108  }
0x21: {  	s3 =	sadd.s32 s3, s9;
	s6 =	sadd.s32 @!p0 $0x88, s6;
	s7 =	simm.s32 @p2 $0x1082  }
0x22: {  	[simem:s7], [sflag:s8] =	dma.local @!p0 [hbm:s6], $0xF7A  }
0x23: {  	s9 =	sor.u32 $0xD0000000, s2;
	s6 =	simm.s32 $0x108;
	_ =	swait.ge @!p0 [sflag:s8], $0x0  }
0x24: {  	s3 =	sadd.s32 $0x88, s3;
	s6 =	simm.s32 @!p1 $0x1082;
	[sflag:s4] =	ssyncset.s32 $0xFFFFF086  }
0x25: {  	[simem:s6], [sflag:s4] =	dma.local [hbm:s3], $0xF7A  }
0x26: {  	[smem:$0x3F97] =	sst s1;
	(tag) =	ssettag s2;
	_ =	strace s9  }
0x27: {  	s1 =	sld [smem:$0x3FA7]  }
0x28: {  	s2 =	sld [smem:$0x3FA8]  }
0x29: {  	s4 =	sld [smem:$0x3FAA]  }
0x2a: {  	p0 =	seq.s32 s5, $0x0;
	s5 =	sld [smem:$0x3FAB]  }
0x2b: {  	s6 =	sld [smem:$0x3FAC]  }
0x2c: {  	s7 =	sld [smem:$0x3FAD]  }
0x2d: {  	s3 =	simm.s32 $0x108;
	s8 =	sld [smem:$0x3FAE]  }
0x2e: {  	s3 =	simm.s32 @!p0 $0x1082;
	s9 =	sld [smem:$0x3FAF]  }
0x2f: {  	lr =	sadd.s32 s0, s3;
	s0 =	sld [smem:$0x3FA6]  }
0x30: {  	s3 =	sld [smem:$0x3FA9]  }
0x31: {  	[smem:$0x3FB2] =	sst s10  }
0x32: {  	s10 =	sld [smem:$0x3FB0];
	_ =	sdelay $0x3  }
0x33: {  	p0 =	seq.s32 s10, $0x1;
	s10 =	sld [smem:$0x3FB2];
	_ =	sdelay $0x3  }
0x34: {  	[smem:$0x3FB2] =	sst s10  }
0x35: {  	s10 =	sld [smem:$0x3FB1];
	_ =	sdelay $0x3  }
0x36: {  	p1 =	seq.s32 s10, $0x1;
	s10 =	sld [smem:$0x3FB2];
	_ =	sdelay $0x3  }
0x37: {  	[smem:$0x3FB2] =	sst s10  }
0x38: {  	s10 =	sld [smem:$0x3FB3]  }
0x39: {  	_ = 	snop;
	(pc) =	sbr.ind lr, $3  }
0x3a: {  	_ = 	snop  }
0x3b: {  	_ = 	snop  }
0x3c: {  	p2 =	seq.s32 s10, $0x1;
	s10 =	sld [smem:$0x3FB2]  }
0x3d: {  	_ =	shalt  }
0x3e: {  	_ =	shalt  }
0x3f: {  	_ =	shalt  }
0x40: {  	_ =	shalt  }
0x41: {  	_ =	shalt  }
0x42: {  	_ =	shalt  }
0x43: {  	_ =	shalt  }
0x44: {  	_ =	shalt  }
0x45: {  	_ =	shalt  }
0x46: {  	_ =	shalt  }
0x47: {  	_ =	shalt  }
0x48: {  	_ =	shalt  }
0x49: {  	_ =	shalt  }
0x4a: {  	_ =	shalt  }
0x4b: {  	_ =	shalt  }
0x4c: {  	_ =	shalt  }
0x4d: {  	_ =	shalt  }
0x4e: {  	_ =	shalt  }
0x4f: {  	_ =	shalt  }
0x50: {  	_ =	shalt  }
0x51: {  	_ =	shalt  }
0x52: {  	_ =	shalt  }
0x53: {  	_ =	shalt  }
0x54: {  	_ =	shalt  }
0x55: {  	_ =	shalt  }
0x56: {  	_ =	shalt  }
0x57: {  	_ =	shalt  }
0x58: {  	_ =	shalt  }
0x59: {  	_ =	shalt  }
0x5a: {  	_ =	shalt  }
0x5b: {  	_ =	shalt  }
0x5c: {  	_ =	shalt  }
0x5d: {  	_ =	shalt  }
0x5e: {  	_ =	shalt  }
0x5f: {  	_ =	shalt  }
0x60: {  	_ =	shalt  }
0x61: {  	_ =	shalt  }
0x62: {  	_ =	shalt  }
0x63: {  	_ =	shalt  }
0x64: {  	_ =	shalt  }
0x65: {  	_ =	shalt  }
0x66: {  	_ =	shalt  }
0x67: {  	_ =	shalt  }
0x68: {  	_ =	shalt  }
0x69: {  	_ =	shalt  }
0x6a: {  	_ =	shalt  }
0x6b: {  	_ =	shalt  }
0x6c: {  	_ =	shalt  }
0x6d: {  	_ =	shalt  }
0x6e: {  	_ =	shalt  }
0x6f: {  	_ =	shalt  }
0x70: {  	_ =	shalt  }
0x71: {  	_ =	shalt  }
0x72: {  	_ =	shalt  }
0x73: {  	_ =	shalt  }
0x74: {  	_ =	shalt  }
0x75: {  	_ =	shalt  }
0x76: {  	_ =	shalt  }
0x77: {  	_ =	shalt  }
0x78: {  	_ =	shalt  }
0x79: {  	_ =	shalt  }
0x7a: {  	_ =	shalt  }
0x7b: {  	_ =	shalt  }
0x7c: {  	_ =	shalt  }
0x7d: {  	_ =	shalt  }
0x7e: {  	_ =	shalt  }
0x7f: {  	_ =	shalt  }
0x80: {  	_ =	shalt  }
0x81: {  	_ =	shalt  }
0x82: {  	_ =	shalt  }
0x83: {  	_ =	shalt  }
0x84: {  	_ =	shalt  }
0x85: {  	_ =	shalt  }
0x86: {  	_ =	shalt  }
0x87: {  	_ =	shalt  }
.Lfunc_end0:
.L_simem_size_0:
called_computation.2_lowered:
.L_overlay_start_0:
0x88: {  	s2 =	sld [smem:$0x3FD9]  }
0x89: {  	s3 =	sld [smem:$0x3FFE];
	_ =	sdelay $0x1  }
0x8a: {  	s1 =	srdreg.scid  }
0x8b: {  	s0 =	sand.u32 $0x1, s1  }
0x8c: {  	s17 =	sshll.u32 s0, $0xA;
	s2 =	sadd.s32 s3, s2  }
0x8d: {  	s2 =	sadd.s32 s2, s17  }
0x8e: {  	[smem:$0x3FBE] =	sst s2  }
0x8f: {  	_ = 	snop  }
0x90: {  	s2 =	sld [smem:$0x3FD0];
	(tm) =	ssettm $0x1  }
0x91: {  	s18 =	sld [smem:$0x3FFB];
	_ =	sdelay $0x3  }
0x92: {  	_ =	strace s18  }
0x93: {  	s3 =	sld [smem:$0x3FFC];
	_ =	sdelay $0x3  }
0x94: {  	_ =	strace s3  }
0x95: {  	s3 =	sld [smem:$0x3FFD];
	_ =	sdelay $0x3  }
0x96: {  	_ =	strace s3  }
0x97: {  	_ =	strace $0x8FFFFFFF  }
0x98: {  	s19 =	sld [smem:$0x3FDB];
	_ =	sdelay $0x1  }
0x99: {  	s4 =	simm.s32 $_scs_section_size  }
0x9a: {  	s5 =	simm.s32 $_size__tile_overlayer_lowered;
	s6 =	simm.s32 $_tile_overlayer_lowered  }
0x9b: {  	s22 =	simm.s32 $0x1BFF;
	s21 =	sshll.u32 s6, $0x1;
	s3 =	sadd.s32 s4, s19  }
0x9c: {  	s7 =	simm.s32 $0x0;
	s20 =	sshll.u32 s5, $0x1;
	s5 =	sadd.s32 s21, s3  }
0x9d: {  	[timem:s7], [sflag:s22] =	dma.local [hbm:s5], s20  }
0x9e: {  	_ =	swait.ge [sflag:s22], s20  }
0x9f: {  	s4 =	ssub.s32 $0x0, s20;
	[sflag:s22] =	ssyncset.done $0x0  }
0xa0: {  	[sflag:s22] =	ssyncadd.s32 s4;
	_ =	sdelay $0x1  }
0xa1: {  	s23 =	simm.s32 $0x1B8B  }
0xa2: {  	_ =	swait.ge [sflag:s23], $0x1  }
0xa3: {  	[sflag:s23] =	ssyncset.done $0x0  }
0xa4: {  	s25 =	simm.s32 $0x1B8E;
	s24 =	sld [smem:$0x3FFE];
	[sflag:s23] =	ssyncadd.s32 $0xFFFFFFFF  }
0xa5: {  	s26 =	simm.s32 $execute0_lowered;
	[smem:$0x3FD2] =	sst s25  }
0xa6: {  	s5 =	sshll.u32 s26, $0x1;
	_ =	strace $0x8000004C;
	[dreg:$0x1] =	wrdreg $0xFFFFFFFF  }
0xa7: {  	s28 =	simm.s32 $_size_execute0_lowered;
	s3 =	sadd.s32 s3, s5;
	[dreg:$0x0] =	wrdreg $0x0  }
0xa8: {  	s5 =	sshll.u32 s28, $0x1;
	[dreg:$0x2] =	wrdreg s3  }
0xa9: {  	[dreg:$0x3] =	wrdreg s5  }
0xaa: {  	[dreg:$0x4] =	wrdreg $0xC0  }
0xab: {  	_ =	task [dreg:s7], $0x5FFFF  }
0xac: {  	[dreg:$0x1] =	wrdreg $0xFFFFFFFF  }
0xad: {  	[dreg:$0x0] =	wrdreg $0x60  }
0xae: {  	[dreg:$0x2] =	wrdreg s24  }
0xaf: {  	[dreg:$0x3] =	wrdreg s2  }
0xb0: {  	[dreg:$0x4] =	wrdreg $0x0  }
0xb1: {  	[dreg:$0x5] =	wrdreg $0x9  }
0xb2: {  	_ =	task.clear_ibuf [dreg:s7], $0x6FFFF;
	_ =	strace $0x9000004C  }
0xb3: {  	s29 =	simm.s32 $0x9;
	_ =	strace $0x8000004E  }
0xb4: {  	_ =	swait.ge [sflag:s29], $0x1  }
0xb5: {  	[sflag:s29] =	ssyncadd.s32 $0xFFFFFFFF  }
0xb6: {  	_ =	strace $0x9000004E  }
0xb7: {  	_ =	sfence  }
0xb8: {  	s30 =	sld [smem:$0x0];
	_ =	sdelay $0x2  }
0xb9: {  	s31 =	sshll.u32 s1, $0xD;
	s1 =	sshrl.u32 s1, $0x2  }
0xba: {  	s3 =	sand.u32 $0x4000, s31;
	s1 =	sadd.s32 s1, s30  }
0xbb: {  	s0 =	sor.u32 s3, s0;
	s1 =	sshll.u32 s1, $0x11  }
0xbc: {  	s0 =	sor.u32 s1, s0  }
0xbd: {  	s0 =	sadd.s32 $0x8F2B, s0  }
0xbe: {  	[sflag:s0] =	ssyncadd.remote.s32 $0x1  }
0xbf: {  	_ =	sfence.sel $0xFFFF  }
0xc0: {  	[dreg:$0x0] =	wrdreg $0xFFFFFFFF;
	(pc) =	sbr.abs _section_cstart, $3  }
0xc1: {  	[dreg:$0x1] =	wrdreg $0xFFFFFFFF  }
0xc2: {  	_ =	task.clear_ibuf [dreg:s7], $0x2FFFF;
	_ =	strace $0x9FFFFFFF  }
0xc3: {  	(tm) =	ssettm $0x7FFFFFFF  }
tec
execute0_lowered:
.L_overlay_start_1:
0x0: {  	(tag) =	ssettag $0x1  }
0x1: {  	s0 =	rddreg [dreg:$0x0]  }
0x2: {  	s1 =	rddreg [dreg:$0x1]  }
0x3: {  	s2 =	rddreg [dreg:$0x2]  }
0x4: {  	s3 =	srdreg.scid;
	s9 =	stileid.u32  }
0x5: {  	s5 =	simm.s32 $0x0;
	s15 =	simm.s32 $0x80;
	s13 =	simm.s32 $0xE  }
0x6: {  	s10 =	simm.s32 $0xF;
	s11 =	simm.s32 $0x11;
	s12 =	simm.s32 $0x12  }
0x7: {  	s16 =	simm.s32 $0x13;
	s29 =	simm.s32 $0x7F80;
	s31 =	simm.s32 $0x8780  }
0x8: {  	s17 =	simm.s32 $0x9780;
	s28 =	simm.s32 $0xA780;
	s30 =	simm.s32 $0xB780  }
0x9: {  	s14 =	simm.s32 $0x2;
	s3 =	sand.u32 $0x1, s3;
	s8 =	smul.u32 $0x2780, s9  }
0xa: {  	s4 =	sshll.u32 s9, $0x1;
	[smem:$0x7FF] =	sst s5;
	s20 =	smul.u32 $0x4F00, s9  }
0xb: {  	s23 =	sshll.u32 s9, $0x6;
	s5 =	simm.s32 $0xA;
	s9 =	simm.s32 $0xD  }
0xc: {  	s4 =	sor.u32 s3, s4;
	_ =	strace $0x8000004D;
	s6 =	ssub.s32 $0x2, s3  }
0xd: {  	s3 =	sshll.u32 s3, $0x4;
	s22 =	sor.u32 $0x1C15, s23;
	s23 =	simm.s32 $0x9F80  }
0xe: {  	s18 =	smul.u32 $0x500, s4;
	s4 =	sadd.s32 $0x16800, s0;
	s7 =	sshrl.u32 s6, $0x1  }
0xf: {  	s21 =	sadd.s32 s8, s2;
	s8 =	sshrl.u32 s8, $0x3;
	s3 =	sor.u32 s3, s20  }
0x10: {  	[dreg:$0x5] =	wrdreg s22;
	s19 =	ssub.s32 s6, s7;
	s8 =	sadd.s32 s4, s8  }
0x11: {  	s3 =	sshrl.u32 s3, $0x3;
	s7 =	simm.s32 $0xB;
	s6 =	simm.s32 $0x10  }
0x12: {  	s0 =	sadd.s32 s18, s0;
	[dreg:$0x4] =	wrdreg s8;
	s25 =	sadd.s32 s1, s3  }
0x13: {  	s26 =	smax.u32 s19, $0x1;
	s3 =	simm.s32 $0x9;
	s8 =	simm.s32 $0xC  }
.Ltmp0:
0x14: {  	s18 =	simm.s32 $0x14;
	[dreg:$0x8] =	wrdreg s25;
	(pc) =	sbr.rel .LBB2_1-.Ltmp0, $4  }
0x15: {  	s1 =	simm.s32 $0x0;
	s24 =	sadd.s32 $0x2800, s0;
	[dreg:$0x9] =	wrdreg s26  }
0x16: {  	s19 =	simm.s32 $0xAF80;
	s0 =	sadd.s32 $0xC800, s0;
	[dreg:$0x6] =	wrdreg s24  }
0x17: {  	s25 =	simm.s32 $0x4;
	[dreg:$0x7] =	wrdreg s0;
	s24 =	sshrl.u32 s21, $0x3  }
0x18: {  	s0 =	simm.s32 $0xBF80;
	s21 =	simm.s32 $0x1;
	[dreg:$0xa] =	wrdreg s24  }
.LBB2_3:
0x19: {  	_ =	swait.ge [sflag:s8], $0x800  }
0x1a: {  	[sflag:s8] =	ssyncset.done $0x0  }
0x1b: {  	[sflag:s8] =	ssyncadd.s32 $0xFFFFF800  }
0x1c: {  	_ =	swait.ge [sflag:s9], $0x800  }
0x1d: {  	[sflag:s9] =	ssyncset.done $0x0  }
0x1e: {  	[sflag:s9] =	ssyncadd.s32 $0xFFFFF800  }
0x1f: {  	_ =	swait.ge [sflag:s13], $0x800  }
0x20: {  	[sflag:s13] =	ssyncset.done $0x0  }
0x21: {  	[sflag:s13] =	ssyncadd.s32 $0xFFFFF800  }
0x22: {  	_ =	swait.ge [sflag:s10], $0x800  }
0x23: {  	[sflag:s10] =	ssyncset.done $0x0  }
0x24: {  	[sflag:s10] =	ssyncadd.s32 $0xFFFFF800  }
0x25: {  	_ =	swait.ge [sflag:s6], $0x800  }
0x26: {  	[sflag:s6] =	ssyncset.done $0x0  }
0x27: {  	[sflag:s6] =	ssyncadd.s32 $0xFFFFF800  }
0x28: {  	_ =	swait.ge [sflag:s11], $0x800  }
0x29: {  	[sflag:s11] =	ssyncset.done $0x0  }
0x2a: {  	[sflag:s11] =	ssyncadd.s32 $0xFFFFF800  }
0x2b: {  	_ =	swait.ge [sflag:s12], $0x800  }
0x2c: {  	[sflag:s12] =	ssyncset.done $0x0  }
0x2d: {  	[sflag:s12] =	ssyncadd.s32 $0xFFFFF800  }
0x2e: {  	_ =	swait.ge [sflag:s16], $0x800  }
0x2f: {  	[sflag:s16] =	ssyncset.done $0x0  }
0x30: {  	[sflag:s16] =	ssyncadd.s32 $0xFFFFF800  }
0x31: {  	_ =	swait.ge [sflag:s18], $0x800  }
0x32: {  	[sflag:s18] =	ssyncset.done $0x0  }
0x33: {  	[sflag:s18] =	ssyncadd.s32 $0xFFFFF800  }
.LBB2_5:
0x34: {  	[bflag:$0x0] =	sbarrier.arrive $0xFFFF  }
0x35: {  	s22 =	rddreg [dreg:$0x5]  }
0x36: {  	s20 =	rddreg [dreg:$0x8]  }
0x37: {  	s26 =	simm.s32 $0x15;
	s24 =	rddreg [dreg:$0xa]  }
0x38: {  	[hbm:s20@s25], [sflag:s22] =	dma.strided [spmem:s24@s14], $0x4F0, s21, $0x2   }
0x39: {  	_ =	swait.ge [sflag:s26], $0x4F0  }
0x3a: {  	s1 =	rddreg [dreg:$0xb]  }
0x3b: {  	s0 =	rddreg [dreg:$0x9];
	s1 =	sadd.s32 $0x1, s1  }
0x3c: {  	p0 =	sne.s32 s1, s0  }
.Ltmp1:
0x3d: {  	_ = 	snop;
	(pc) =	sbr.rel @!p0 .LBB2_6-.Ltmp1, $3  }
0x3e: {  	_ =	sdelay $0x1  }
0x3f: {  	[sflag:s26] =	ssyncset.done $0x0;
	s26 =	simm.s32 $0x15  }
0x40: {  	[sflag:s26] =	ssyncadd.s32 $0xFFFFFB10;
	s0 =	simm.s32 $0xBF80  }
.LBB2_1:
0x41: {  	[dreg:$0xb] =	wrdreg s1  }
0x42: {  	s26 =	simm.s32 $0x15;
	s20 =	rddreg [dreg:$0x4]  }
0x43: {  	[spmem:s24], [sflag:s22] =	dma.local [hbm:s20], $0x4F0  }
0x44: {  	_ =	swait.ge [sflag:s26], $0x4F0  }
0x45: {  	s1 =	simm.s32 $0x2780;
	[sflag:s26] =	ssyncset.done $0x0  }
0x46: {  	s20 =	simm.s32 $0x0;
	s24 =	rddreg [dreg:$0x6];
	[sflag:s26] =	ssyncadd.s32 $0xFFFFFB10  }
0x47: {  	[tilespmem:s1], [sflag:$0x15] =	stream.linear.gather [hbm4b:s24+s20], $0x2800, $0x38;
	[tilespmem:$0xC780] =	vst v63  }
0x48: {  	_ =	swait.ge [sflag:s26], $0x2800  }
0x49: {  	[sflag:s26] =	ssyncset.done $0x0  }
0x4a: {  	s24 =	simm.s32 $0x4F80;
	s22 =	rddreg [dreg:$0x7];
	[sflag:s26] =	ssyncadd.s32 $0xFFFFD800  }
0x4b: {  	[tilespmem:s24], [sflag:$0x15] =	stream.linear.gather [hbm4b:s22+s20], $0x2800, $0x38;
	[tilespmem:$0xC780] =	vst v63  }
0x4c: {  	_ =	swait.ge [sflag:s26], $0x2800  }
0x4d: {  	[sflag:s26] =	ssyncset.done $0x0  }
0x4e: {  	[sflag:s26] =	ssyncadd.s32 $0xFFFFD800  }
0x4f: {  	s26 =	simm.s32 $0x7780;
	[bflag:$0x0] =	sbarrier.arrive $0xFFFF  }
0x50: {  	[tilespmem:s26], [sflag:$0x1] =	stream.indirect.gather [hbm4b:s4+s15], $0x10, s1, s15, $0xb8;
	[tilespmem:$0xC780] =	vst v63  }
0x51: {  	s1 =	simm.s32 $0x2800  }
0x52: {  	[tilespmem:s29], [sflag:$0x2] =	stream.indirect.gather [hbm4b:s4+s15], $0x10, s1, s15, $0xb8;
	[tilespmem:$0xC780] =	vst v63  }
0x53: {  	s22 =	simm.s32 $0x2880  }
0x54: {  	[tilespmem:s31], [sflag:$0x3] =	stream.indirect.gather [hbm4b:s4+s15], $0x10, s22, s15, $0xb8;
	[tilespmem:$0xC780] =	vst v63  }
0x55: {  	s24 =	simm.s32 $0x2900;
	s1 =	simm.s32 $0x8F80  }
0x56: {  	[tilespmem:s1], [sflag:$0x4] =	stream.indirect.gather [hbm4b:s4+s15], $0x10, s24, s15, $0xb8;
	[tilespmem:$0xC780] =	vst v63  }
0x57: {  	s22 =	simm.s32 $0x2980  }
0x58: {  	[tilespmem:s17], [sflag:$0x5] =	stream.indirect.gather [hbm4b:s4+s15], $0x10, s22, s15, $0xb8;
	[tilespmem:$0xC780] =	vst v63  }
0x59: {  	s24 =	simm.s32 $0x2A00  }
0x5a: {  	[tilespmem:s23], [sflag:$0x6] =	stream.indirect.gather [hbm4b:s4+s15], $0x10, s24, s15, $0xb8;
	[tilespmem:$0xC780] =	vst v63  }
0x5b: {  	s22 =	simm.s32 $0x2A80  }
0x5c: {  	[tilespmem:s28], [sflag:$0x7] =	stream.indirect.gather [hbm4b:s4+s15], $0x10, s22, s15, $0xb8;
	[tilespmem:$0xC780] =	vst v63  }
0x5d: {  	s24 =	simm.s32 $0x2B00  }
0x5e: {  	[tilespmem:s19], [sflag:$0x8] =	stream.indirect.gather [hbm4b:s4+s15], $0x10, s24, s15, $0xb8;
	[tilespmem:$0xC780] =	vst v63  }
0x5f: {  	s22 =	simm.s32 $0x2B80  }
0x60: {  	[tilespmem:s30], [sflag:$0x9] =	stream.indirect.gather [hbm4b:s4+s15], $0x10, s22, s15, $0xb8;
	[tilespmem:$0xC780] =	vst v63  }
0x61: {  	s24 =	simm.s32 $0x2C00  }
0x62: {  	[tilespmem:s0], [sflag:$0xA] =	stream.indirect.gather [hbm4b:s4+s15], $0x10, s24, s15, $0xb8;
	[tilespmem:$0xC780] =	vst v63  }
0x63: {  	s20 =	simm.s32 $0x0;
	s0 =	simm.s32 $0xBF80  }
.LBB2_2:
0x64: {  	s24 =	simm.s32 $0x1  }
0x65: {  	_ =	swait.ge [sflag:s24], $0x800  }
0x66: {  	s22 =	sshra.s32 s20, $0x2;
	[sflag:s24] =	ssyncset.done $0x0  }
0x67: {  	[sflag:s24] =	ssyncadd.s32 $0xFFFFF800;
	s24 =	sadd.s32 $0x4F80, s22  }
0x68: {  	[spmem:s2] =	stream.indirect.scatter.add.f32 [tilespmem:s26], [sflag:$0xB], $0x10, s24, s15, $0xb8;
	[tilespmem:$0xC780] =	vst v63  }
0x69: {  	s24 =	simm.s32 $0x2  }
0x6a: {  	_ =	swait.ge [sflag:s24], $0x800  }
0x6b: {  	[sflag:s24] =	ssyncset.done $0x0  }
0x6c: {  	[sflag:s24] =	ssyncadd.s32 $0xFFFFF800;
	s24 =	sadd.s32 $0x5000, s22  }
0x6d: {  	[spmem:s2] =	stream.indirect.scatter.add.f32 [tilespmem:s29], [sflag:$0xC], $0x10, s24, s15, $0xb8;
	[tilespmem:$0xC780] =	vst v63  }
0x6e: {  	s24 =	simm.s32 $0x3  }
0x6f: {  	_ =	swait.ge [sflag:s24], $0x800  }
0x70: {  	[sflag:s24] =	ssyncset.done $0x0  }
0x71: {  	[sflag:s24] =	ssyncadd.s32 $0xFFFFF800;
	s24 =	sadd.s32 $0x5080, s22  }
0x72: {  	[spmem:s2] =	stream.indirect.scatter.add.f32 [tilespmem:s31], [sflag:$0xD], $0x10, s24, s15, $0xb8;
	[tilespmem:$0xC780] =	vst v63  }
0x73: {  	_ =	swait.ge [sflag:s25], $0x800  }
0x74: {  	[sflag:s25] =	ssyncset.done $0x0  }
0x75: {  	s24 =	sadd.s32 $0x5100, s22;
	[sflag:s25] =	ssyncadd.s32 $0xFFFFF800  }
0x76: {  	[spmem:s2] =	stream.indirect.scatter.add.f32 [tilespmem:s1], [sflag:$0xE], $0x10, s24, s15, $0xb8;
	[tilespmem:$0xC780] =	vst v63  }
0x77: {  	s24 =	simm.s32 $0x5  }
0x78: {  	_ =	swait.ge [sflag:s24], $0x800  }
0x79: {  	[sflag:s24] =	ssyncset.done $0x0  }
0x7a: {  	[sflag:s24] =	ssyncadd.s32 $0xFFFFF800;
	s24 =	sadd.s32 $0x5180, s22  }
0x7b: {  	[spmem:s2] =	stream.indirect.scatter.add.f32 [tilespmem:s17], [sflag:$0xF], $0x10, s24, s15, $0xb8;
	[tilespmem:$0xC780] =	vst v63  }
0x7c: {  	s24 =	simm.s32 $0x6  }
0x7d: {  	_ =	swait.ge [sflag:s24], $0x800  }
0x7e: {  	[sflag:s24] =	ssyncset.done $0x0  }
0x7f: {  	[sflag:s24] =	ssyncadd.s32 $0xFFFFF800;
	s24 =	sadd.s32 $0x5200, s22  }
0x80: {  	[spmem:s2] =	stream.indirect.scatter.add.f32 [tilespmem:s23], [sflag:$0x10], $0x10, s24, s15, $0xb8;
	[tilespmem:$0xC780] =	vst v63  }
0x81: {  	s24 =	simm.s32 $0x7  }
0x82: {  	_ =	swait.ge [sflag:s24], $0x800  }
0x83: {  	[sflag:s24] =	ssyncset.done $0x0  }
0x84: {  	[sflag:s24] =	ssyncadd.s32 $0xFFFFF800;
	s24 =	sadd.s32 $0x5280, s22  }
0x85: {  	[spmem:s2] =	stream.indirect.scatter.add.f32 [tilespmem:s28], [sflag:$0x11], $0x10, s24, s15, $0xb8;
	[tilespmem:$0xC780] =	vst v63  }
0x86: {  	s24 =	simm.s32 $0x8  }
0x87: {  	_ =	swait.ge [sflag:s24], $0x800  }
0x88: {  	[sflag:s24] =	ssyncset.done $0x0  }
0x89: {  	[sflag:s24] =	ssyncadd.s32 $0xFFFFF800;
	s24 =	sadd.s32 $0x5300, s22  }
0x8a: {  	[spmem:s2] =	stream.indirect.scatter.add.f32 [tilespmem:s19], [sflag:$0x12], $0x10, s24, s15, $0xb8;
	[tilespmem:$0xC780] =	vst v63  }
0x8b: {  	_ =	swait.ge [sflag:s3], $0x800  }
0x8c: {  	[sflag:s3] =	ssyncset.done $0x0  }
0x8d: {  	s24 =	sadd.s32 $0x5380, s22;
	[sflag:s3] =	ssyncadd.s32 $0xFFFFF800  }
0x8e: {  	[spmem:s2] =	stream.indirect.scatter.add.f32 [tilespmem:s30], [sflag:$0x13], $0x10, s24, s15, $0xb8;
	[tilespmem:$0xC780] =	vst v63  }
0x8f: {  	_ =	swait.ge [sflag:s5], $0x800  }
0x90: {  	p0 =	sne.s32 s20, $0x8C00;
	[sflag:s5] =	ssyncset.done $0x0  }
.Ltmp2:
0x91: {  	s24 =	sadd.s32 $0x5400, s22;
	[sflag:s5] =	ssyncadd.s32 $0xFFFFF800;
	(pc) =	sbr.rel @!p0 .LBB2_3-.Ltmp2, $4  }
0x92: {  	[spmem:s2] =	stream.indirect.scatter.add.f32 [tilespmem:s0], [sflag:$0x14], $0x10, s24, s15, $0xb8;
	[tilespmem:$0xC780] =	vst v63  }
0x93: {  	_ =	swait.ge [sflag:s7], $0x800  }
0x94: {  	[sflag:s7] =	ssyncset.done $0x0  }
0x95: {  	[sflag:s7] =	ssyncadd.s32 $0xFFFFF800  }
0x96: {  	s24 =	sadd.s32 $0x2C80, s22  }
0x97: {  	[tilespmem:s26], [sflag:$0x1] =	stream.indirect.gather [hbm4b:s4+s15], $0x10, s24, s15, $0xb8;
	[tilespmem:$0xC780] =	vst v63  }
0x98: {  	_ =	swait.ge [sflag:s8], $0x800  }
0x99: {  	[sflag:s8] =	ssyncset.done $0x0  }
0x9a: {  	s24 =	sadd.s32 $0x2D00, s22;
	[sflag:s8] =	ssyncadd.s32 $0xFFFFF800  }
0x9b: {  	[tilespmem:s29], [sflag:$0x2] =	stream.indirect.gather [hbm4b:s4+s15], $0x10, s24, s15, $0xb8;
	[tilespmem:$0xC780] =	vst v63  }
0x9c: {  	_ =	swait.ge [sflag:s9], $0x800  }
0x9d: {  	[sflag:s9] =	ssyncset.done $0x0  }
0x9e: {  	s24 =	sadd.s32 $0x2D80, s22;
	[sflag:s9] =	ssyncadd.s32 $0xFFFFF800  }
0x9f: {  	[tilespmem:s31], [sflag:$0x3] =	stream.indirect.gather [hbm4b:s4+s15], $0x10, s24, s15, $0xb8;
	[tilespmem:$0xC780] =	vst v63  }
0xa0: {  	_ =	swait.ge [sflag:s13], $0x800  }
0xa1: {  	[sflag:s13] =	ssyncset.done $0x0  }
0xa2: {  	s24 =	sadd.s32 $0x2E00, s22;
	[sflag:s13] =	ssyncadd.s32 $0xFFFFF800  }
0xa3: {  	[tilespmem:s1], [sflag:$0x4] =	stream.indirect.gather [hbm4b:s4+s15], $0x10, s24, s15, $0xb8;
	[tilespmem:$0xC780] =	vst v63  }
0xa4: {  	_ =	swait.ge [sflag:s10], $0x800  }
0xa5: {  	[sflag:s10] =	ssyncset.done $0x0  }
0xa6: {  	s24 =	sadd.s32 $0x2E80, s22;
	[sflag:s10] =	ssyncadd.s32 $0xFFFFF800  }
0xa7: {  	[tilespmem:s17], [sflag:$0x5] =	stream.indirect.gather [hbm4b:s4+s15], $0x10, s24, s15, $0xb8;
	[tilespmem:$0xC780] =	vst v63  }
0xa8: {  	_ =	swait.ge [sflag:s6], $0x800  }
0xa9: {  	[sflag:s6] =	ssyncset.done $0x0  }
0xaa: {  	s24 =	sadd.s32 $0x2F00, s22;
	[sflag:s6] =	ssyncadd.s32 $0xFFFFF800  }
0xab: {  	[tilespmem:s23], [sflag:$0x6] =	stream.indirect.gather [hbm4b:s4+s15], $0x10, s24, s15, $0xb8;
	[tilespmem:$0xC780] =	vst v63  }
0xac: {  	_ =	swait.ge [sflag:s11], $0x800  }
0xad: {  	[sflag:s11] =	ssyncset.done $0x0  }
0xae: {  	s24 =	sadd.s32 $0x2F80, s22;
	[sflag:s11] =	ssyncadd.s32 $0xFFFFF800  }
0xaf: {  	[tilespmem:s28], [sflag:$0x7] =	stream.indirect.gather [hbm4b:s4+s15], $0x10, s24, s15, $0xb8;
	[tilespmem:$0xC780] =	vst v63  }
0xb0: {  	_ =	swait.ge [sflag:s12], $0x800  }
0xb1: {  	[sflag:s12] =	ssyncset.done $0x0  }
0xb2: {  	s24 =	sadd.s32 $0x3000, s22;
	[sflag:s12] =	ssyncadd.s32 $0xFFFFF800  }
0xb3: {  	[tilespmem:s19], [sflag:$0x8] =	stream.indirect.gather [hbm4b:s4+s15], $0x10, s24, s15, $0xb8;
	[tilespmem:$0xC780] =	vst v63  }
0xb4: {  	_ =	swait.ge [sflag:s16], $0x800  }
0xb5: {  	s20 =	sadd.s32 $0x1400, s20;
	[sflag:s16] =	ssyncset.done $0x0  }
0xb6: {  	p0 =	sne.s32 s20, $0xA000;
	s24 =	sadd.s32 $0x3080, s22;
	[sflag:s16] =	ssyncadd.s32 $0xFFFFF800  }
0xb7: {  	[tilespmem:s30], [sflag:$0x9] =	stream.indirect.gather [hbm4b:s4+s15], $0x10, s24, s15, $0xb8;
	[tilespmem:$0xC780] =	vst v63  }
.Ltmp3:
0xb8: {  	_ = 	snop;
	(pc) =	sbr.rel @p0 .LBB2_2-.Ltmp3, $4  }
.Ltmp4:
0xb9: {  	_ =	swait.ge [sflag:s18], $0x800;
	(pc) =	sbr.rel @!p0 .LBB2_5-.Ltmp4, $4  }
0xba: {  	[sflag:s18] =	ssyncset.done $0x0  }
0xbb: {  	s24 =	sadd.s32 $0x3100, s22;
	[sflag:s18] =	ssyncadd.s32 $0xFFFFF800  }
0xbc: {  	[tilespmem:s0], [sflag:$0xA] =	stream.indirect.gather [hbm4b:s4+s15], $0x10, s24, s15, $0xb8;
	[tilespmem:$0xC780] =	vst v63  }
0xbd: {  	_ = 	snop  }
.LBB2_6:
0xbe: {  	_ =	sfence.sel $0x180000  }
0xbf: {  	[bflag:$0x0] =	sbarrier.arrive $0xFFFF  }
0xc0: {  	_ =	strace $0x9000004D  }
0xc1: {  	s0 =	stileid.u32;
	[bflag:$0x2] =	sbarrier.arrive $0xFFFF  }
0xc2: {  	p0 =	sne.s32 s0, $0x0;
	s0 =	rddreg [dreg:$0x3]  }
0xc3: {  	s0 =	sadd.s32 @!p0 $0x100000, s0  }
0xc4: {  	[sflag:s0] =	ssyncadd.tile.s32 @!p0 $0x1;
	_ =	shalt  }
.Lfunc_end2:
_tile_overlayer_lowered:
.L_overlay_start_2:
0xc5: {  	(tag) =	ssettag $0x2  }
0xc6: {  	s0 =	rddreg [dreg:$0x0];
	s2 =	stileid.u32  }
0xc7: {  	s1 =	rddreg [dreg:$0x1];
	p0 =	sne.s32 s2, $0x0  }
0xc8: {  	s3 =	rddreg [dreg:$0x2];
	[bflag:$0x3] =	sbarrier.arrive $0xFFFF;
	s2 =	simm.s32 @!p0 $0x1C15  }
0xc9: {  	[timem:s3], [sflag:s2] =	dma.local @!p0 [hbm:s0], s1  }
0xca: {  	s0 =	simm.s32 @!p0 $0x15  }
0xcb: {  	_ =	swait.ge @!p0 [sflag:s0], s1  }
0xcc: {  	s1 =	ssub.s32 @!p0 $0x0, s1;
	[sflag:s0] =	ssyncset.done @!p0 $0x0  }
0xcd: {  	[sflag:s0] =	ssyncadd.s32 @!p0 s1  }
0xce: {  	[bflag:$0x3] =	sbarrier.arrive $0xFFFF  }
0xcf: {  	_ =	shalt  }

// kernel: kernel.21.cloned.1.call-start
scs
__scs_entry_jumppad:
0x0: {  	(pc) =	sbr.rel $0x88, $3  }
0x1: {  	(tag) =	ssettag $0x0;
	lr =	simm.s32 $0x1  }
0x2: {  	[smem:$0x3F97] =	sst lr;
	_ =	strace $0xD0000000  }
0x3: {  	_ = 	snop  }
0x4: {  	_ = 	snop  }
0x5: {  	_ = 	snop  }
0x6: {  	_ = 	snop  }
0x7: {  	_ = 	snop  }
__scs_overlays_trampoline_lowered:
0x8: {  	[smem:$0x3FA6] =	sst s0  }
0x9: {  	[smem:$0x3FA7] =	sst s1  }
0xa: {  	[smem:$0x3FA8] =	sst s2  }
0xb: {  	[smem:$0x3FA9] =	sst s3  }
0xc: {  	[smem:$0x3FAA] =	sst s4  }
0xd: {  	[smem:$0x3FAB] =	sst s5  }
0xe: {  	[smem:$0x3FAC] =	sst s6  }
0xf: {  	[smem:$0x3FAD] =	sst s7  }
0x10: {  	[smem:$0x3FAE] =	sst s8  }
0x11: {  	[smem:$0x3FAF] =	sst s9;
	s0 =	simm.s32 @!p0 $0x0  }
0x12: {  	s1 =	sld [smem:$0x3F95];
	s0 =	simm.s32 @p0 $0x1  }
0x13: {  	[smem:$0x3FB0] =	sst s0;
	s0 =	simm.s32 @!p1 $0x0  }
0x14: {  	s2 =	sld [smem:$0x3F94];
	s0 =	simm.s32 @p1 $0x1  }
0x15: {  	[smem:$0x3FB1] =	sst s0;
	s0 =	simm.s32 @!p2 $0x0  }
0x16: {  	s3 =	sld [smem:$0x3FDB];
	s0 =	simm.s32 @p2 $0x1  }
0x17: {  	s4 =	simm.s32 $0x1BF5;
	[smem:$0x3FB3] =	sst s0  }
0x18: {  	s0 =	sld [smem:$0x3F96];
	_ =	swait.ge [sflag:s4], $0x0  }
0x19: {  	s7 =	sld [smem:$0x3F97]  }
0x1a: {  	s8 =	sadd.s32 $0xFFFFE003, lr  }
0x1b: {  	s9 =	sadd.s32 $0xFFFFFEF7, lr;
	s5 =	simm.s32 $0xFFFFFFFF;
	p2 =	slt.u32 s8, $0xFFFFF086  }
0x1c: {  	p1 =	slt.u32 s9, $0xF7A;
	s5 =	simm.s32 @!p2 $0x0  }
0x1d: {  	s5 =	simm.s32 @p1 $0x1;
	p0 =	seq.s32 s7, s2  }
0x1e: {  	s7 =	smul.u32 @!p0 $0xF7A, s2;
	p2 =	seq.s32 @!p0 s5, $0x0  }
0x1f: {  	s9 =	smul.u32 $0xF7A, s1;
	s8 =	simm.s32 @!p0 $0x1BF5;
	p2 =	por !p2, p0  }
0x20: {  	[sflag:s8] =	ssyncset.s32 @!p0 $0xFFFFF086;
	s6 =	sadd.s32 @!p0 s3, s7;
	s7 =	simm.s32 @!p0 $0x108  }
0x21: {  	s3 =	sadd.s32 s3, s9;
	s6 =	sadd.s32 @!p0 $0x88, s6;
	s7 =	simm.s32 @p2 $0x1082  }
0x22: {  	[simem:s7], [sflag:s8] =	dma.local @!p0 [hbm:s6], $0xF7A  }
0x23: {  	s9 =	sor.u32 $0xD0000000, s2;
	s6 =	simm.s32 $0x108;
	_ =	swait.ge @!p0 [sflag:s8], $0x0  }
0x24: {  	s3 =	sadd.s32 $0x88, s3;
	s6 =	simm.s32 @!p1 $0x1082;
	[sflag:s4] =	ssyncset.s32 $0xFFFFF086  }
0x25: {  	[simem:s6], [sflag:s4] =	dma.local [hbm:s3], $0xF7A  }
0x26: {  	[smem:$0x3F97] =	sst s1;
	(tag) =	ssettag s2;
	_ =	strace s9  }
0x27: {  	s1 =	sld [smem:$0x3FA7]  }
0x28: {  	s2 =	sld [smem:$0x3FA8]  }
0x29: {  	s4 =	sld [smem:$0x3FAA]  }
0x2a: {  	p0 =	seq.s32 s5, $0x0;
	s5 =	sld [smem:$0x3FAB]  }
0x2b: {  	s6 =	sld [smem:$0x3FAC]  }
0x2c: {  	s7 =	sld [smem:$0x3FAD]  }
0x2d: {  	s3 =	simm.s32 $0x108;
	s8 =	sld [smem:$0x3FAE]  }
0x2e: {  	s3 =	simm.s32 @!p0 $0x1082;
	s9 =	sld [smem:$0x3FAF]  }
0x2f: {  	lr =	sadd.s32 s0, s3;
	s0 =	sld [smem:$0x3FA6]  }
0x30: {  	s3 =	sld [smem:$0x3FA9]  }
0x31: {  	[smem:$0x3FB2] =	sst s10  }
0x32: {  	s10 =	sld [smem:$0x3FB0];
	_ =	sdelay $0x3  }
0x33: {  	p0 =	seq.s32 s10, $0x1;
	s10 =	sld [smem:$0x3FB2];
	_ =	sdelay $0x3  }
0x34: {  	[smem:$0x3FB2] =	sst s10  }
0x35: {  	s10 =	sld [smem:$0x3FB1];
	_ =	sdelay $0x3  }
0x36: {  	p1 =	seq.s32 s10, $0x1;
	s10 =	sld [smem:$0x3FB2];
	_ =	sdelay $0x3  }
0x37: {  	[smem:$0x3FB2] =	sst s10  }
0x38: {  	s10 =	sld [smem:$0x3FB3]  }
0x39: {  	_ = 	snop;
	(pc) =	sbr.ind lr, $3  }
0x3a: {  	_ = 	snop  }
0x3b: {  	_ = 	snop  }
0x3c: {  	p2 =	seq.s32 s10, $0x1;
	s10 =	sld [smem:$0x3FB2]  }
0x3d: {  	_ =	shalt  }
0x3e: {  	_ =	shalt  }
0x3f: {  	_ =	shalt  }
0x40: {  	_ =	shalt  }
0x41: {  	_ =	shalt  }
0x42: {  	_ =	shalt  }
0x43: {  	_ =	shalt  }
0x44: {  	_ =	shalt  }
0x45: {  	_ =	shalt  }
0x46: {  	_ =	shalt  }
0x47: {  	_ =	shalt  }
0x48: {  	_ =	shalt  }
0x49: {  	_ =	shalt  }
0x4a: {  	_ =	shalt  }
0x4b: {  	_ =	shalt  }
0x4c: {  	_ =	shalt  }
0x4d: {  	_ =	shalt  }
0x4e: {  	_ =	shalt  }
0x4f: {  	_ =	shalt  }
0x50: {  	_ =	shalt  }
0x51: {  	_ =	shalt  }
0x52: {  	_ =	shalt  }
0x53: {  	_ =	shalt  }
0x54: {  	_ =	shalt  }
0x55: {  	_ =	shalt  }
0x56: {  	_ =	shalt  }
0x57: {  	_ =	shalt  }
0x58: {  	_ =	shalt  }
0x59: {  	_ =	shalt  }
0x5a: {  	_ =	shalt  }
0x5b: {  	_ =	shalt  }
0x5c: {  	_ =	shalt  }
0x5d: {  	_ =	shalt  }
0x5e: {  	_ =	shalt  }
0x5f: {  	_ =	shalt  }
0x60: {  	_ =	shalt  }
0x61: {  	_ =	shalt  }
0x62: {  	_ =	shalt  }
0x63: {  	_ =	shalt  }
0x64: {  	_ =	shalt  }
0x65: {  	_ =	shalt  }
0x66: {  	_ =	shalt  }
0x67: {  	_ =	shalt  }
0x68: {  	_ =	shalt  }
0x69: {  	_ =	shalt  }
0x6a: {  	_ =	shalt  }
0x6b: {  	_ =	shalt  }
0x6c: {  	_ =	shalt  }
0x6d: {  	_ =	shalt  }
0x6e: {  	_ =	shalt  }
0x6f: {  	_ =	shalt  }
0x70: {  	_ =	shalt  }
0x71: {  	_ =	shalt  }
0x72: {  	_ =	shalt  }
0x73: {  	_ =	shalt  }
0x74: {  	_ =	shalt  }
0x75: {  	_ =	shalt  }
0x76: {  	_ =	shalt  }
0x77: {  	_ =	shalt  }
0x78: {  	_ =	shalt  }
0x79: {  	_ =	shalt  }
0x7a: {  	_ =	shalt  }
0x7b: {  	_ =	shalt  }
0x7c: {  	_ =	shalt  }
0x7d: {  	_ =	shalt  }
0x7e: {  	_ =	shalt  }
0x7f: {  	_ =	shalt  }
0x80: {  	_ =	shalt  }
0x81: {  	_ =	shalt  }
0x82: {  	_ =	shalt  }
0x83: {  	_ =	shalt  }
0x84: {  	_ =	shalt  }
0x85: {  	_ =	shalt  }
0x86: {  	_ =	shalt  }
0x87: {  	_ =	shalt  }
.Lfunc_end0:
.L_simem_size_0:
called_computation.3_lowered:
.L_overlay_start_0:
0x88: {  	s2 =	sld [smem:$0x3FD9]  }
0x89: {  	s3 =	sld [smem:$0x3FFE];
	_ =	sdelay $0x1  }
0x8a: {  	s1 =	srdreg.scid  }
0x8b: {  	s0 =	sand.u32 $0x1, s1  }
0x8c: {  	s17 =	sshll.u32 s0, $0xA;
	s2 =	sadd.s32 s3, s2  }
0x8d: {  	s2 =	sadd.s32 s2, s17  }
0x8e: {  	[smem:$0x3FBE] =	sst s2  }
0x8f: {  	_ = 	snop  }
0x90: {  	s2 =	sld [smem:$0x3FD0];
	(tm) =	ssettm $0x1  }
0x91: {  	s18 =	sld [smem:$0x3FFB];
	_ =	sdelay $0x3  }
0x92: {  	_ =	strace s18  }
0x93: {  	s3 =	sld [smem:$0x3FFC];
	_ =	sdelay $0x3  }
0x94: {  	_ =	strace s3  }
0x95: {  	s3 =	sld [smem:$0x3FFD];
	_ =	sdelay $0x3  }
0x96: {  	_ =	strace s3  }
0x97: {  	_ =	strace $0x8FFFFFFF  }
0x98: {  	s19 =	sld [smem:$0x3FDB];
	_ =	sdelay $0x1  }
0x99: {  	s4 =	simm.s32 $_scs_section_size  }
0x9a: {  	s5 =	simm.s32 $_size__tile_overlayer_lowered;
	s6 =	simm.s32 $_tile_overlayer_lowered  }
0x9b: {  	s22 =	simm.s32 $0x1BFF;
	s21 =	sshll.u32 s6, $0x1;
	s3 =	sadd.s32 s4, s19  }
0x9c: {  	s7 =	simm.s32 $0x0;
	s20 =	sshll.u32 s5, $0x1;
	s5 =	sadd.s32 s21, s3  }
0x9d: {  	[timem:s7], [sflag:s22] =	dma.local [hbm:s5], s20  }
0x9e: {  	_ =	swait.ge [sflag:s22], s20  }
0x9f: {  	s4 =	ssub.s32 $0x0, s20;
	[sflag:s22] =	ssyncset.done $0x0  }
0xa0: {  	[sflag:s22] =	ssyncadd.s32 s4;
	_ =	sdelay $0x1  }
0xa1: {  	s23 =	simm.s32 $0x1B8B  }
0xa2: {  	_ =	swait.ge [sflag:s23], $0x1  }
0xa3: {  	[sflag:s23] =	ssyncset.done $0x0  }
0xa4: {  	s25 =	simm.s32 $0x1B8E;
	s24 =	sld [smem:$0x3FFE];
	[sflag:s23] =	ssyncadd.s32 $0xFFFFFFFF  }
0xa5: {  	s26 =	simm.s32 $execute0_lowered;
	[smem:$0x3FD2] =	sst s25  }
0xa6: {  	s5 =	sshll.u32 s26, $0x1;
	_ =	strace $0x8000004F;
	[dreg:$0x1] =	wrdreg $0xFFFFFFFF  }
0xa7: {  	s28 =	simm.s32 $_size_execute0_lowered;
	s3 =	sadd.s32 s3, s5;
	[dreg:$0x0] =	wrdreg $0x0  }
0xa8: {  	s5 =	sshll.u32 s28, $0x1;
	[dreg:$0x2] =	wrdreg s3  }
0xa9: {  	[dreg:$0x3] =	wrdreg s5  }
0xaa: {  	[dreg:$0x4] =	wrdreg $0xC0  }
0xab: {  	_ =	task [dreg:s7], $0x5FFFF  }
0xac: {  	[dreg:$0x1] =	wrdreg $0xFFFFFFFF  }
0xad: {  	[dreg:$0x0] =	wrdreg $0x60  }
0xae: {  	[dreg:$0x2] =	wrdreg s24  }
0xaf: {  	[dreg:$0x3] =	wrdreg s2  }
0xb0: {  	[dreg:$0x4] =	wrdreg $0x0  }
0xb1: {  	[dreg:$0x5] =	wrdreg $0x9  }
0xb2: {  	_ =	task.clear_ibuf [dreg:s7], $0x6FFFF;
	_ =	strace $0x9000004F  }
0xb3: {  	s29 =	simm.s32 $0x9;
	_ =	strace $0x80000051  }
0xb4: {  	_ =	swait.ge [sflag:s29], $0x1  }
0xb5: {  	[sflag:s29] =	ssyncadd.s32 $0xFFFFFFFF  }
0xb6: {  	_ =	strace $0x90000051  }
0xb7: {  	_ =	sfence  }
0xb8: {  	s30 =	sld [smem:$0x0];
	_ =	sdelay $0x2  }
0xb9: {  	s31 =	sshll.u32 s1, $0xD;
	s1 =	sshrl.u32 s1, $0x2  }
0xba: {  	s3 =	sand.u32 $0x4000, s31;
	s1 =	sadd.s32 s1, s30  }
0xbb: {  	s0 =	sor.u32 s3, s0;
	s1 =	sshll.u32 s1, $0x11  }
0xbc: {  	s0 =	sor.u32 s1, s0  }
0xbd: {  	s0 =	sadd.s32 $0x8F2B, s0  }
0xbe: {  	[sflag:s0] =	ssyncadd.remote.s32 $0x1  }
0xbf: {  	_ =	sfence.sel $0xFFFF  }
0xc0: {  	[dreg:$0x0] =	wrdreg $0xFFFFFFFF;
	(pc) =	sbr.abs _section_cstart, $3  }
0xc1: {  	[dreg:$0x1] =	wrdreg $0xFFFFFFFF  }
0xc2: {  	_ =	task.clear_ibuf [dreg:s7], $0x2FFFF;
	_ =	strace $0x9FFFFFFF  }
0xc3: {  	(tm) =	ssettm $0x7FFFFFFF  }
tec
execute0_lowered:
.L_overlay_start_1:
0x0: {  	(tag) =	ssettag $0x1  }
0x1: {  	s0 =	rddreg [dreg:$0x0]  }
0x2: {  	s1 =	rddreg [dreg:$0x1];
	s3 =	srdreg.scid  }
0x3: {  	s8 =	stileid.u32;
	s2 =	rddreg [dreg:$0x2];
	s5 =	simm.s32 $0x0  }
0x4: {  	s15 =	simm.s32 $0x80;
	s14 =	simm.s32 $0x8;
	s9 =	simm.s32 $0xD  }
0x5: {  	s13 =	simm.s32 $0xE;
	s10 =	simm.s32 $0xF;
	s11 =	simm.s32 $0x11  }
0x6: {  	s12 =	simm.s32 $0x12;
	s16 =	simm.s32 $0x13;
	s18 =	simm.s32 $0x14  }
0x7: {  	s29 =	simm.s32 $0x67C0;
	s31 =	simm.s32 $0x6BC0;
	s17 =	simm.s32 $0x73C0  }
0x8: {  	s28 =	simm.s32 $0x7FC0;
	s30 =	simm.s32 $0x1;
	s3 =	sand.u32 $0x1, s3  }
0x9: {  	s4 =	sshll.u32 s8, $0x1;
	[smem:$0x7FF] =	sst s5;
	s7 =	smul.u32 $0x13C0, s8  }
0xa: {  	s23 =	sshll.u32 s8, $0x6;
	s8 =	smul.u32 $0x4F0, s8;
	s4 =	sor.u32 s3, s4  }
0xb: {  	_ =	strace $0x80000050;
	s6 =	ssub.s32 $0x2, s3;
	s22 =	sor.u32 $0x1C15, s23  }
0xc: {  	s1 =	sadd.s32 s1, s3;
	s3 =	simm.s32 $0x9;
	s23 =	simm.s32 $0x77C0  }
0xd: {  	s19 =	smul.u32 $0x500, s4;
	s4 =	sadd.s32 $0x16800, s0;
	s20 =	sshrl.u32 s6, $0x1  }
0xe: {  	s21 =	sadd.s32 s7, s2;
	s7 =	sshrl.u32 s7, $0x3;
	s25 =	sadd.s32 s8, s1  }
0xf: {  	s8 =	simm.s32 $0xC;
	[dreg:$0x5] =	wrdreg s22;
	s1 =	simm.s32 $0x2  }
0x10: {  	s5 =	ssub.s32 s6, s20;
	s7 =	sadd.s32 s4, s7;
	[dreg:$0x8] =	wrdreg s25  }
0x11: {  	s6 =	simm.s32 $0x10;
	s25 =	simm.s32 $0x7BC0;
	s0 =	sadd.s32 s19, s0  }
.Ltmp0:
0x12: {  	[dreg:$0x4] =	wrdreg s7;
	s26 =	smax.u32 s5, $0x1;
	(pc) =	sbr.rel .LBB2_1-.Ltmp0, $4  }
0x13: {  	s5 =	simm.s32 $0xA;
	s24 =	sadd.s32 $0x2800, s0;
	[dreg:$0x9] =	wrdreg s26  }
0x14: {  	s7 =	simm.s32 $0xB;
	s0 =	sadd.s32 $0xC800, s0;
	[dreg:$0x6] =	wrdreg s24  }
0x15: {  	s19 =	simm.s32 $0x83C0;
	[dreg:$0x7] =	wrdreg s0;
	s24 =	sshrl.u32 s21, $0x3  }
0x16: {  	s21 =	simm.s32 $0x87C0;
	s0 =	simm.s32 $0x0;
	[dreg:$0xa] =	wrdreg s24  }
.LBB2_3:
0x17: {  	_ =	swait.ge [sflag:s8], $0x400  }
0x18: {  	[sflag:s8] =	ssyncset.done $0x0  }
0x19: {  	[sflag:s8] =	ssyncadd.s32 $0xFFFFFC00  }
0x1a: {  	_ =	swait.ge [sflag:s9], $0x400  }
0x1b: {  	[sflag:s9] =	ssyncset.done $0x0  }
0x1c: {  	[sflag:s9] =	ssyncadd.s32 $0xFFFFFC00  }
0x1d: {  	_ =	swait.ge [sflag:s13], $0x400  }
0x1e: {  	[sflag:s13] =	ssyncset.done $0x0  }
0x1f: {  	[sflag:s13] =	ssyncadd.s32 $0xFFFFFC00  }
0x20: {  	_ =	swait.ge [sflag:s10], $0x400  }
0x21: {  	[sflag:s10] =	ssyncset.done $0x0  }
0x22: {  	[sflag:s10] =	ssyncadd.s32 $0xFFFFFC00  }
0x23: {  	_ =	swait.ge [sflag:s6], $0x400  }
0x24: {  	[sflag:s6] =	ssyncset.done $0x0  }
0x25: {  	[sflag:s6] =	ssyncadd.s32 $0xFFFFFC00  }
0x26: {  	_ =	swait.ge [sflag:s11], $0x400  }
0x27: {  	[sflag:s11] =	ssyncset.done $0x0  }
0x28: {  	[sflag:s11] =	ssyncadd.s32 $0xFFFFFC00  }
0x29: {  	_ =	swait.ge [sflag:s12], $0x400  }
0x2a: {  	[sflag:s12] =	ssyncset.done $0x0  }
0x2b: {  	[sflag:s12] =	ssyncadd.s32 $0xFFFFFC00  }
0x2c: {  	_ =	swait.ge [sflag:s16], $0x400  }
0x2d: {  	[sflag:s16] =	ssyncset.done $0x0  }
0x2e: {  	[sflag:s16] =	ssyncadd.s32 $0xFFFFFC00  }
0x2f: {  	_ =	swait.ge [sflag:s18], $0x400  }
0x30: {  	[sflag:s18] =	ssyncset.done $0x0  }
0x31: {  	[sflag:s18] =	ssyncadd.s32 $0xFFFFFC00  }
.LBB2_5:
0x32: {  	[bflag:$0x0] =	sbarrier.arrive $0xFFFF  }
0x33: {  	s22 =	rddreg [dreg:$0x5]  }
0x34: {  	s20 =	rddreg [dreg:$0x8]  }
0x35: {  	s26 =	simm.s32 $0x15;
	s24 =	rddreg [dreg:$0xa]  }
0x36: {  	[hbm:s20@s1], [sflag:s22] =	dma.strided [spmem:s24@s30], $0x278, s30, $0x1   }
0x37: {  	_ =	swait.ge [sflag:s26], $0x278  }
0x38: {  	s0 =	rddreg [dreg:$0xb]  }
0x39: {  	s21 =	rddreg [dreg:$0x9];
	s0 =	sadd.s32 $0x1, s0  }
0x3a: {  	p0 =	sne.s32 s0, s21  }
.Ltmp1:
0x3b: {  	_ = 	snop;
	(pc) =	sbr.rel @!p0 .LBB2_6-.Ltmp1, $3  }
0x3c: {  	_ =	sdelay $0x1  }
0x3d: {  	[sflag:s26] =	ssyncset.done $0x0;
	s26 =	simm.s32 $0x15  }
0x3e: {  	[sflag:s26] =	ssyncadd.s32 $0xFFFFFD88;
	s21 =	simm.s32 $0x87C0  }
.LBB2_1:
0x3f: {  	[dreg:$0xb] =	wrdreg s0  }
0x40: {  	s26 =	simm.s32 $0x15;
	s20 =	rddreg [dreg:$0x4]  }
0x41: {  	[spmem:s24], [sflag:s22] =	dma.local [hbm:s20], $0x278  }
0x42: {  	_ =	swait.ge [sflag:s26], $0x278  }
0x43: {  	s0 =	simm.s32 $0x13C0;
	[sflag:s26] =	ssyncset.done $0x0  }
0x44: {  	s20 =	simm.s32 $0x0;
	s24 =	rddreg [dreg:$0x6];
	[sflag:s26] =	ssyncadd.s32 $0xFFFFFD88  }
0x45: {  	[tilespmem:s0], [sflag:$0x15] =	stream.linear.gather [hbm4b:s24+s20], $0x2800, $0x38;
	[tilespmem:$0x8BC0] =	vst v63  }
0x46: {  	_ =	swait.ge [sflag:s26], $0x2800  }
0x47: {  	[sflag:s26] =	ssyncset.done $0x0  }
0x48: {  	s24 =	simm.s32 $0x3BC0;
	s22 =	rddreg [dreg:$0x7];
	[sflag:s26] =	ssyncadd.s32 $0xFFFFD800  }
0x49: {  	[tilespmem:s24], [sflag:$0x15] =	stream.linear.gather [hbm4b:s22+s20], $0x2800, $0x38;
	[tilespmem:$0x8BC0] =	vst v63  }
0x4a: {  	_ =	swait.ge [sflag:s26], $0x2800  }
0x4b: {  	[sflag:s26] =	ssyncset.done $0x0  }
0x4c: {  	[sflag:s26] =	ssyncadd.s32 $0xFFFFD800  }
0x4d: {  	s26 =	simm.s32 $0x63C0;
	[bflag:$0x0] =	sbarrier.arrive $0xFFFF  }
0x4e: {  	[tilespmem:s26], [sflag:$0x1] =	stream.indirect.gather [hbm4b:s4+s15], $0x8, s0, s15, $0xb8;
	[tilespmem:$0x8BC0] =	vst v63  }
0x4f: {  	s0 =	simm.s32 $0x1440  }
0x50: {  	[tilespmem:s29], [sflag:$0x2] =	stream.indirect.gather [hbm4b:s4+s15], $0x8, s0, s15, $0xb8;
	[tilespmem:$0x8BC0] =	vst v63  }
0x51: {  	s22 =	simm.s32 $0x14C0  }
0x52: {  	[tilespmem:s31], [sflag:$0x3] =	stream.indirect.gather [hbm4b:s4+s15], $0x8, s22, s15, $0xb8;
	[tilespmem:$0x8BC0] =	vst v63  }
0x53: {  	s24 =	simm.s32 $0x1540;
	s0 =	simm.s32 $0x6FC0  }
0x54: {  	[tilespmem:s0], [sflag:$0x4] =	stream.indirect.gather [hbm4b:s4+s15], $0x8, s24, s15, $0xb8;
	[tilespmem:$0x8BC0] =	vst v63  }
0x55: {  	s22 =	simm.s32 $0x15C0  }
0x56: {  	[tilespmem:s17], [sflag:$0x5] =	stream.indirect.gather [hbm4b:s4+s15], $0x8, s22, s15, $0xb8;
	[tilespmem:$0x8BC0] =	vst v63  }
0x57: {  	s24 =	simm.s32 $0x1640  }
0x58: {  	[tilespmem:s23], [sflag:$0x6] =	stream.indirect.gather [hbm4b:s4+s15], $0x8, s24, s15, $0xb8;
	[tilespmem:$0x8BC0] =	vst v63  }
0x59: {  	s22 =	simm.s32 $0x16C0  }
0x5a: {  	[tilespmem:s25], [sflag:$0x7] =	stream.indirect.gather [hbm4b:s4+s15], $0x8, s22, s15, $0xb8;
	[tilespmem:$0x8BC0] =	vst v63  }
0x5b: {  	s24 =	simm.s32 $0x1740  }
0x5c: {  	[tilespmem:s28], [sflag:$0x8] =	stream.indirect.gather [hbm4b:s4+s15], $0x8, s24, s15, $0xb8;
	[tilespmem:$0x8BC0] =	vst v63  }
0x5d: {  	s22 =	simm.s32 $0x17C0  }
0x5e: {  	[tilespmem:s19], [sflag:$0x9] =	stream.indirect.gather [hbm4b:s4+s15], $0x8, s22, s15, $0xb8;
	[tilespmem:$0x8BC0] =	vst v63  }
0x5f: {  	s24 =	simm.s32 $0x1840  }
0x60: {  	[tilespmem:s21], [sflag:$0xA] =	stream.indirect.gather [hbm4b:s4+s15], $0x8, s24, s15, $0xb8;
	[tilespmem:$0x8BC0] =	vst v63  }
0x61: {  	s20 =	simm.s32 $0x0;
	s21 =	simm.s32 $0x87C0  }
.LBB2_2:
0x62: {  	s24 =	simm.s32 $0x1  }
0x63: {  	_ =	swait.ge [sflag:s24], $0x400  }
0x64: {  	s22 =	sshra.s32 s20, $0x2;
	[sflag:s24] =	ssyncset.done $0x0  }
0x65: {  	[sflag:s24] =	ssyncadd.s32 $0xFFFFFC00;
	s24 =	sadd.s32 $0x3BC0, s22  }
0x66: {  	[spmem:s2] =	stream.indirect.scatter.add.f32 [tilespmem:s26], [sflag:$0xB], $0x8, s24, s15, $0xb8;
	[tilespmem:$0x8BC0] =	vst v63  }
0x67: {  	s24 =	simm.s32 $0x2  }
0x68: {  	_ =	swait.ge [sflag:s24], $0x400  }
0x69: {  	[sflag:s24] =	ssyncset.done $0x0  }
0x6a: {  	[sflag:s24] =	ssyncadd.s32 $0xFFFFFC00;
	s24 =	sadd.s32 $0x3C40, s22  }
0x6b: {  	[spmem:s2] =	stream.indirect.scatter.add.f32 [tilespmem:s29], [sflag:$0xC], $0x8, s24, s15, $0xb8;
	[tilespmem:$0x8BC0] =	vst v63  }
0x6c: {  	s24 =	simm.s32 $0x3  }
0x6d: {  	_ =	swait.ge [sflag:s24], $0x400  }
0x6e: {  	[sflag:s24] =	ssyncset.done $0x0  }
0x6f: {  	[sflag:s24] =	ssyncadd.s32 $0xFFFFFC00;
	s24 =	sadd.s32 $0x3CC0, s22  }
0x70: {  	[spmem:s2] =	stream.indirect.scatter.add.f32 [tilespmem:s31], [sflag:$0xD], $0x8, s24, s15, $0xb8;
	[tilespmem:$0x8BC0] =	vst v63  }
0x71: {  	s24 =	simm.s32 $0x4  }
0x72: {  	_ =	swait.ge [sflag:s24], $0x400  }
0x73: {  	[sflag:s24] =	ssyncset.done $0x0  }
0x74: {  	[sflag:s24] =	ssyncadd.s32 $0xFFFFFC00;
	s24 =	sadd.s32 $0x3D40, s22  }
0x75: {  	[spmem:s2] =	stream.indirect.scatter.add.f32 [tilespmem:s0], [sflag:$0xE], $0x8, s24, s15, $0xb8;
	[tilespmem:$0x8BC0] =	vst v63  }
0x76: {  	s24 =	simm.s32 $0x5  }
0x77: {  	_ =	swait.ge [sflag:s24], $0x400  }
0x78: {  	[sflag:s24] =	ssyncset.done $0x0  }
0x79: {  	[sflag:s24] =	ssyncadd.s32 $0xFFFFFC00;
	s24 =	sadd.s32 $0x3DC0, s22  }
0x7a: {  	[spmem:s2] =	stream.indirect.scatter.add.f32 [tilespmem:s17], [sflag:$0xF], $0x8, s24, s15, $0xb8;
	[tilespmem:$0x8BC0] =	vst v63  }
0x7b: {  	s24 =	simm.s32 $0x6  }
0x7c: {  	_ =	swait.ge [sflag:s24], $0x400  }
0x7d: {  	[sflag:s24] =	ssyncset.done $0x0  }
0x7e: {  	[sflag:s24] =	ssyncadd.s32 $0xFFFFFC00;
	s24 =	sadd.s32 $0x3E40, s22  }
0x7f: {  	[spmem:s2] =	stream.indirect.scatter.add.f32 [tilespmem:s23], [sflag:$0x10], $0x8, s24, s15, $0xb8;
	[tilespmem:$0x8BC0] =	vst v63  }
0x80: {  	s24 =	simm.s32 $0x7  }
0x81: {  	_ =	swait.ge [sflag:s24], $0x400  }
0x82: {  	[sflag:s24] =	ssyncset.done $0x0  }
0x83: {  	[sflag:s24] =	ssyncadd.s32 $0xFFFFFC00;
	s24 =	sadd.s32 $0x3EC0, s22  }
0x84: {  	[spmem:s2] =	stream.indirect.scatter.add.f32 [tilespmem:s25], [sflag:$0x11], $0x8, s24, s15, $0xb8;
	[tilespmem:$0x8BC0] =	vst v63  }
0x85: {  	_ =	swait.ge [sflag:s14], $0x400  }
0x86: {  	[sflag:s14] =	ssyncset.done $0x0  }
0x87: {  	s24 =	sadd.s32 $0x3F40, s22;
	[sflag:s14] =	ssyncadd.s32 $0xFFFFFC00  }
0x88: {  	[spmem:s2] =	stream.indirect.scatter.add.f32 [tilespmem:s28], [sflag:$0x12], $0x8, s24, s15, $0xb8;
	[tilespmem:$0x8BC0] =	vst v63  }
0x89: {  	_ =	swait.ge [sflag:s3], $0x400  }
0x8a: {  	[sflag:s3] =	ssyncset.done $0x0  }
0x8b: {  	s24 =	sadd.s32 $0x3FC0, s22;
	[sflag:s3] =	ssyncadd.s32 $0xFFFFFC00  }
0x8c: {  	[spmem:s2] =	stream.indirect.scatter.add.f32 [tilespmem:s19], [sflag:$0x13], $0x8, s24, s15, $0xb8;
	[tilespmem:$0x8BC0] =	vst v63  }
0x8d: {  	_ =	swait.ge [sflag:s5], $0x400  }
0x8e: {  	p0 =	sne.s32 s20, $0x8C00;
	[sflag:s5] =	ssyncset.done $0x0  }
.Ltmp2:
0x8f: {  	s24 =	sadd.s32 $0x4040, s22;
	[sflag:s5] =	ssyncadd.s32 $0xFFFFFC00;
	(pc) =	sbr.rel @!p0 .LBB2_3-.Ltmp2, $4  }
0x90: {  	[spmem:s2] =	stream.indirect.scatter.add.f32 [tilespmem:s21], [sflag:$0x14], $0x8, s24, s15, $0xb8;
	[tilespmem:$0x8BC0] =	vst v63  }
0x91: {  	_ =	swait.ge [sflag:s7], $0x400  }
0x92: {  	[sflag:s7] =	ssyncset.done $0x0  }
0x93: {  	[sflag:s7] =	ssyncadd.s32 $0xFFFFFC00  }
0x94: {  	s24 =	sadd.s32 $0x18C0, s22  }
0x95: {  	[tilespmem:s26], [sflag:$0x1] =	stream.indirect.gather [hbm4b:s4+s15], $0x8, s24, s15, $0xb8;
	[tilespmem:$0x8BC0] =	vst v63  }
0x96: {  	_ =	swait.ge [sflag:s8], $0x400  }
0x97: {  	[sflag:s8] =	ssyncset.done $0x0  }
0x98: {  	s24 =	sadd.s32 $0x1940, s22;
	[sflag:s8] =	ssyncadd.s32 $0xFFFFFC00  }
0x99: {  	[tilespmem:s29], [sflag:$0x2] =	stream.indirect.gather [hbm4b:s4+s15], $0x8, s24, s15, $0xb8;
	[tilespmem:$0x8BC0] =	vst v63  }
0x9a: {  	_ =	swait.ge [sflag:s9], $0x400  }
0x9b: {  	[sflag:s9] =	ssyncset.done $0x0  }
0x9c: {  	s24 =	sadd.s32 $0x19C0, s22;
	[sflag:s9] =	ssyncadd.s32 $0xFFFFFC00  }
0x9d: {  	[tilespmem:s31], [sflag:$0x3] =	stream.indirect.gather [hbm4b:s4+s15], $0x8, s24, s15, $0xb8;
	[tilespmem:$0x8BC0] =	vst v63  }
0x9e: {  	_ =	swait.ge [sflag:s13], $0x400  }
0x9f: {  	[sflag:s13] =	ssyncset.done $0x0  }
0xa0: {  	s24 =	sadd.s32 $0x1A40, s22;
	[sflag:s13] =	ssyncadd.s32 $0xFFFFFC00  }
0xa1: {  	[tilespmem:s0], [sflag:$0x4] =	stream.indirect.gather [hbm4b:s4+s15], $0x8, s24, s15, $0xb8;
	[tilespmem:$0x8BC0] =	vst v63  }
0xa2: {  	_ =	swait.ge [sflag:s10], $0x400  }
0xa3: {  	[sflag:s10] =	ssyncset.done $0x0  }
0xa4: {  	s24 =	sadd.s32 $0x1AC0, s22;
	[sflag:s10] =	ssyncadd.s32 $0xFFFFFC00  }
0xa5: {  	[tilespmem:s17], [sflag:$0x5] =	stream.indirect.gather [hbm4b:s4+s15], $0x8, s24, s15, $0xb8;
	[tilespmem:$0x8BC0] =	vst v63  }
0xa6: {  	_ =	swait.ge [sflag:s6], $0x400  }
0xa7: {  	[sflag:s6] =	ssyncset.done $0x0  }
0xa8: {  	s24 =	sadd.s32 $0x1B40, s22;
	[sflag:s6] =	ssyncadd.s32 $0xFFFFFC00  }
0xa9: {  	[tilespmem:s23], [sflag:$0x6] =	stream.indirect.gather [hbm4b:s4+s15], $0x8, s24, s15, $0xb8;
	[tilespmem:$0x8BC0] =	vst v63  }
0xaa: {  	_ =	swait.ge [sflag:s11], $0x400  }
0xab: {  	[sflag:s11] =	ssyncset.done $0x0  }
0xac: {  	s24 =	sadd.s32 $0x1BC0, s22;
	[sflag:s11] =	ssyncadd.s32 $0xFFFFFC00  }
0xad: {  	[tilespmem:s25], [sflag:$0x7] =	stream.indirect.gather [hbm4b:s4+s15], $0x8, s24, s15, $0xb8;
	[tilespmem:$0x8BC0] =	vst v63  }
0xae: {  	_ =	swait.ge [sflag:s12], $0x400  }
0xaf: {  	[sflag:s12] =	ssyncset.done $0x0  }
0xb0: {  	s24 =	sadd.s32 $0x1C40, s22;
	[sflag:s12] =	ssyncadd.s32 $0xFFFFFC00  }
0xb1: {  	[tilespmem:s28], [sflag:$0x8] =	stream.indirect.gather [hbm4b:s4+s15], $0x8, s24, s15, $0xb8;
	[tilespmem:$0x8BC0] =	vst v63  }
0xb2: {  	_ =	swait.ge [sflag:s16], $0x400  }
0xb3: {  	s20 =	sadd.s32 $0x1400, s20;
	[sflag:s16] =	ssyncset.done $0x0  }
0xb4: {  	p0 =	sne.s32 s20, $0xA000;
	s24 =	sadd.s32 $0x1CC0, s22;
	[sflag:s16] =	ssyncadd.s32 $0xFFFFFC00  }
0xb5: {  	[tilespmem:s19], [sflag:$0x9] =	stream.indirect.gather [hbm4b:s4+s15], $0x8, s24, s15, $0xb8;
	[tilespmem:$0x8BC0] =	vst v63  }
.Ltmp3:
0xb6: {  	_ = 	snop;
	(pc) =	sbr.rel @p0 .LBB2_2-.Ltmp3, $4  }
.Ltmp4:
0xb7: {  	_ =	swait.ge [sflag:s18], $0x400;
	(pc) =	sbr.rel @!p0 .LBB2_5-.Ltmp4, $4  }
0xb8: {  	[sflag:s18] =	ssyncset.done $0x0  }
0xb9: {  	s24 =	sadd.s32 $0x1D40, s22;
	[sflag:s18] =	ssyncadd.s32 $0xFFFFFC00  }
0xba: {  	[tilespmem:s21], [sflag:$0xA] =	stream.indirect.gather [hbm4b:s4+s15], $0x8, s24, s15, $0xb8;
	[tilespmem:$0x8BC0] =	vst v63  }
0xbb: {  	_ = 	snop  }
.LBB2_6:
0xbc: {  	_ =	sfence.sel $0x180000  }
0xbd: {  	[bflag:$0x0] =	sbarrier.arrive $0xFFFF  }
0xbe: {  	_ =	strace $0x90000050  }
0xbf: {  	s0 =	stileid.u32;
	[bflag:$0x2] =	sbarrier.arrive $0xFFFF  }
0xc0: {  	p0 =	sne.s32 s0, $0x0;
	s0 =	rddreg [dreg:$0x3]  }
0xc1: {  	s0 =	sadd.s32 @!p0 $0x100000, s0  }
0xc2: {  	[sflag:s0] =	ssyncadd.tile.s32 @!p0 $0x1;
	_ =	shalt  }
.Lfunc_end2:
_tile_overlayer_lowered:
.L_overlay_start_2:
0xc3: {  	(tag) =	ssettag $0x2  }
0xc4: {  	s0 =	rddreg [dreg:$0x0];
	s2 =	stileid.u32  }
0xc5: {  	s1 =	rddreg [dreg:$0x1];
	p0 =	sne.s32 s2, $0x0  }
0xc6: {  	s3 =	rddreg [dreg:$0x2];
	[bflag:$0x3] =	sbarrier.arrive $0xFFFF;
	s2 =	simm.s32 @!p0 $0x1C15  }
0xc7: {  	[timem:s3], [sflag:s2] =	dma.local @!p0 [hbm:s0], s1  }
0xc8: {  	s0 =	simm.s32 @!p0 $0x15  }
0xc9: {  	_ =	swait.ge @!p0 [sflag:s0], s1  }
0xca: {  	s1 =	ssub.s32 @!p0 $0x0, s1;
	[sflag:s0] =	ssyncset.done @!p0 $0x0  }
0xcb: {  	[sflag:s0] =	ssyncadd.s32 @!p0 s1  }
0xcc: {  	[bflag:$0x3] =	sbarrier.arrive $0xFFFF  }
0xcd: {  	_ =	shalt  }

// kernel: kernel.24.cloned.1.call-start
scs
__scs_entry_jumppad:
0x0: {  	(pc) =	sbr.rel $0x88, $3  }
0x1: {  	(tag) =	ssettag $0x0;
	lr =	simm.s32 $0x1  }
0x2: {  	[smem:$0x3F97] =	sst lr;
	_ =	strace $0xD0000000  }
0x3: {  	_ = 	snop  }
0x4: {  	_ = 	snop  }
0x5: {  	_ = 	snop  }
0x6: {  	_ = 	snop  }
0x7: {  	_ = 	snop  }
__scs_overlays_trampoline_lowered:
0x8: {  	[smem:$0x3FA6] =	sst s0  }
0x9: {  	[smem:$0x3FA7] =	sst s1  }
0xa: {  	[smem:$0x3FA8] =	sst s2  }
0xb: {  	[smem:$0x3FA9] =	sst s3  }
0xc: {  	[smem:$0x3FAA] =	sst s4  }
0xd: {  	[smem:$0x3FAB] =	sst s5  }
0xe: {  	[smem:$0x3FAC] =	sst s6  }
0xf: {  	[smem:$0x3FAD] =	sst s7  }
0x10: {  	[smem:$0x3FAE] =	sst s8  }
0x11: {  	[smem:$0x3FAF] =	sst s9;
	s0 =	simm.s32 @!p0 $0x0  }
0x12: {  	s1 =	sld [smem:$0x3F95];
	s0 =	simm.s32 @p0 $0x1  }
0x13: {  	[smem:$0x3FB0] =	sst s0;
	s0 =	simm.s32 @!p1 $0x0  }
0x14: {  	s2 =	sld [smem:$0x3F94];
	s0 =	simm.s32 @p1 $0x1  }
0x15: {  	[smem:$0x3FB1] =	sst s0;
	s0 =	simm.s32 @!p2 $0x0  }
0x16: {  	s3 =	sld [smem:$0x3FDB];
	s0 =	simm.s32 @p2 $0x1  }
0x17: {  	s4 =	simm.s32 $0x1BF5;
	[smem:$0x3FB3] =	sst s0  }
0x18: {  	s0 =	sld [smem:$0x3F96];
	_ =	swait.ge [sflag:s4], $0x0  }
0x19: {  	s7 =	sld [smem:$0x3F97]  }
0x1a: {  	s8 =	sadd.s32 $0xFFFFE003, lr  }
0x1b: {  	s9 =	sadd.s32 $0xFFFFFEF7, lr;
	s5 =	simm.s32 $0xFFFFFFFF;
	p2 =	slt.u32 s8, $0xFFFFF086  }
0x1c: {  	p1 =	slt.u32 s9, $0xF7A;
	s5 =	simm.s32 @!p2 $0x0  }
0x1d: {  	s5 =	simm.s32 @p1 $0x1;
	p0 =	seq.s32 s7, s2  }
0x1e: {  	s7 =	smul.u32 @!p0 $0xF7A, s2;
	p2 =	seq.s32 @!p0 s5, $0x0  }
0x1f: {  	s9 =	smul.u32 $0xF7A, s1;
	s8 =	simm.s32 @!p0 $0x1BF5;
	p2 =	por !p2, p0  }
0x20: {  	[sflag:s8] =	ssyncset.s32 @!p0 $0xFFFFF086;
	s6 =	sadd.s32 @!p0 s3, s7;
	s7 =	simm.s32 @!p0 $0x108  }
0x21: {  	s3 =	sadd.s32 s3, s9;
	s6 =	sadd.s32 @!p0 $0x88, s6;
	s7 =	simm.s32 @p2 $0x1082  }
0x22: {  	[simem:s7], [sflag:s8] =	dma.local @!p0 [hbm:s6], $0xF7A  }
0x23: {  	s9 =	sor.u32 $0xD0000000, s2;
	s6 =	simm.s32 $0x108;
	_ =	swait.ge @!p0 [sflag:s8], $0x0  }
0x24: {  	s3 =	sadd.s32 $0x88, s3;
	s6 =	simm.s32 @!p1 $0x1082;
	[sflag:s4] =	ssyncset.s32 $0xFFFFF086  }
0x25: {  	[simem:s6], [sflag:s4] =	dma.local [hbm:s3], $0xF7A  }
0x26: {  	[smem:$0x3F97] =	sst s1;
	(tag) =	ssettag s2;
	_ =	strace s9  }
0x27: {  	s1 =	sld [smem:$0x3FA7]  }
0x28: {  	s2 =	sld [smem:$0x3FA8]  }
0x29: {  	s4 =	sld [smem:$0x3FAA]  }
0x2a: {  	p0 =	seq.s32 s5, $0x0;
	s5 =	sld [smem:$0x3FAB]  }
0x2b: {  	s6 =	sld [smem:$0x3FAC]  }
0x2c: {  	s7 =	sld [smem:$0x3FAD]  }
0x2d: {  	s3 =	simm.s32 $0x108;
	s8 =	sld [smem:$0x3FAE]  }
0x2e: {  	s3 =	simm.s32 @!p0 $0x1082;
	s9 =	sld [smem:$0x3FAF]  }
0x2f: {  	lr =	sadd.s32 s0, s3;
	s0 =	sld [smem:$0x3FA6]  }
0x30: {  	s3 =	sld [smem:$0x3FA9]  }
0x31: {  	[smem:$0x3FB2] =	sst s10  }
0x32: {  	s10 =	sld [smem:$0x3FB0];
	_ =	sdelay $0x3  }
0x33: {  	p0 =	seq.s32 s10, $0x1;
	s10 =	sld [smem:$0x3FB2];
	_ =	sdelay $0x3  }
0x34: {  	[smem:$0x3FB2] =	sst s10  }
0x35: {  	s10 =	sld [smem:$0x3FB1];
	_ =	sdelay $0x3  }
0x36: {  	p1 =	seq.s32 s10, $0x1;
	s10 =	sld [smem:$0x3FB2];
	_ =	sdelay $0x3  }
0x37: {  	[smem:$0x3FB2] =	sst s10  }
0x38: {  	s10 =	sld [smem:$0x3FB3]  }
0x39: {  	_ = 	snop;
	(pc) =	sbr.ind lr, $3  }
0x3a: {  	_ = 	snop  }
0x3b: {  	_ = 	snop  }
0x3c: {  	p2 =	seq.s32 s10, $0x1;
	s10 =	sld [smem:$0x3FB2]  }
0x3d: {  	_ =	shalt  }
0x3e: {  	_ =	shalt  }
0x3f: {  	_ =	shalt  }
0x40: {  	_ =	shalt  }
0x41: {  	_ =	shalt  }
0x42: {  	_ =	shalt  }
0x43: {  	_ =	shalt  }
0x44: {  	_ =	shalt  }
0x45: {  	_ =	shalt  }
0x46: {  	_ =	shalt  }
0x47: {  	_ =	shalt  }
0x48: {  	_ =	shalt  }
0x49: {  	_ =	shalt  }
0x4a: {  	_ =	shalt  }
0x4b: {  	_ =	shalt  }
0x4c: {  	_ =	shalt  }
0x4d: {  	_ =	shalt  }
0x4e: {  	_ =	shalt  }
0x4f: {  	_ =	shalt  }
0x50: {  	_ =	shalt  }
0x51: {  	_ =	shalt  }
0x52: {  	_ =	shalt  }
0x53: {  	_ =	shalt  }
0x54: {  	_ =	shalt  }
0x55: {  	_ =	shalt  }
0x56: {  	_ =	shalt  }
0x57: {  	_ =	shalt  }
0x58: {  	_ =	shalt  }
0x59: {  	_ =	shalt  }
0x5a: {  	_ =	shalt  }
0x5b: {  	_ =	shalt  }
0x5c: {  	_ =	shalt  }
0x5d: {  	_ =	shalt  }
0x5e: {  	_ =	shalt  }
0x5f: {  	_ =	shalt  }
0x60: {  	_ =	shalt  }
0x61: {  	_ =	shalt  }
0x62: {  	_ =	shalt  }
0x63: {  	_ =	shalt  }
0x64: {  	_ =	shalt  }
0x65: {  	_ =	shalt  }
0x66: {  	_ =	shalt  }
0x67: {  	_ =	shalt  }
0x68: {  	_ =	shalt  }
0x69: {  	_ =	shalt  }
0x6a: {  	_ =	shalt  }
0x6b: {  	_ =	shalt  }
0x6c: {  	_ =	shalt  }
0x6d: {  	_ =	shalt  }
0x6e: {  	_ =	shalt  }
0x6f: {  	_ =	shalt  }
0x70: {  	_ =	shalt  }
0x71: {  	_ =	shalt  }
0x72: {  	_ =	shalt  }
0x73: {  	_ =	shalt  }
0x74: {  	_ =	shalt  }
0x75: {  	_ =	shalt  }
0x76: {  	_ =	shalt  }
0x77: {  	_ =	shalt  }
0x78: {  	_ =	shalt  }
0x79: {  	_ =	shalt  }
0x7a: {  	_ =	shalt  }
0x7b: {  	_ =	shalt  }
0x7c: {  	_ =	shalt  }
0x7d: {  	_ =	shalt  }
0x7e: {  	_ =	shalt  }
0x7f: {  	_ =	shalt  }
0x80: {  	_ =	shalt  }
0x81: {  	_ =	shalt  }
0x82: {  	_ =	shalt  }
0x83: {  	_ =	shalt  }
0x84: {  	_ =	shalt  }
0x85: {  	_ =	shalt  }
0x86: {  	_ =	shalt  }
0x87: {  	_ =	shalt  }
.Lfunc_end0:
.L_simem_size_0:
called_computation.4_lowered:
.L_overlay_start_0:
0x88: {  	s2 =	sld [smem:$0x3FD9]  }
0x89: {  	s3 =	sld [smem:$0x3FFE];
	_ =	sdelay $0x1  }
0x8a: {  	s1 =	srdreg.scid  }
0x8b: {  	s0 =	sand.u32 $0x1, s1  }
0x8c: {  	s17 =	sshll.u32 s0, $0xA;
	s2 =	sadd.s32 s3, s2  }
0x8d: {  	s2 =	sadd.s32 s2, s17  }
0x8e: {  	[smem:$0x3FBE] =	sst s2  }
0x8f: {  	_ = 	snop  }
0x90: {  	s2 =	sld [smem:$0x3FD0];
	(tm) =	ssettm $0x1  }
0x91: {  	s18 =	sld [smem:$0x3FFB];
	_ =	sdelay $0x3  }
0x92: {  	_ =	strace s18  }
0x93: {  	s3 =	sld [smem:$0x3FFC];
	_ =	sdelay $0x3  }
0x94: {  	_ =	strace s3  }
0x95: {  	s3 =	sld [smem:$0x3FFD];
	_ =	sdelay $0x3  }
0x96: {  	_ =	strace s3  }
0x97: {  	_ =	strace $0x8FFFFFFF  }
0x98: {  	s19 =	sld [smem:$0x3FDB];
	_ =	sdelay $0x1  }
0x99: {  	s4 =	simm.s32 $_scs_section_size  }
0x9a: {  	s5 =	simm.s32 $_size__tile_overlayer_lowered;
	s6 =	simm.s32 $_tile_overlayer_lowered  }
0x9b: {  	s22 =	simm.s32 $0x1BFF;
	s21 =	sshll.u32 s6, $0x1;
	s3 =	sadd.s32 s4, s19  }
0x9c: {  	s7 =	simm.s32 $0x0;
	s20 =	sshll.u32 s5, $0x1;
	s5 =	sadd.s32 s21, s3  }
0x9d: {  	[timem:s7], [sflag:s22] =	dma.local [hbm:s5], s20  }
0x9e: {  	_ =	swait.ge [sflag:s22], s20  }
0x9f: {  	s4 =	ssub.s32 $0x0, s20;
	[sflag:s22] =	ssyncset.done $0x0  }
0xa0: {  	[sflag:s22] =	ssyncadd.s32 s4;
	_ =	sdelay $0x1  }
0xa1: {  	s23 =	simm.s32 $0x1B8B  }
0xa2: {  	_ =	swait.ge [sflag:s23], $0x1  }
0xa3: {  	[sflag:s23] =	ssyncset.done $0x0  }
0xa4: {  	s25 =	simm.s32 $0x1B8E;
	s24 =	sld [smem:$0x3FFE];
	[sflag:s23] =	ssyncadd.s32 $0xFFFFFFFF  }
0xa5: {  	s26 =	simm.s32 $execute0_lowered;
	[smem:$0x3FD2] =	sst s25  }
0xa6: {  	s5 =	sshll.u32 s26, $0x1;
	_ =	strace $0x80000052;
	[dreg:$0x1] =	wrdreg $0xFFFFFFFF  }
0xa7: {  	s28 =	simm.s32 $_size_execute0_lowered;
	s3 =	sadd.s32 s3, s5;
	[dreg:$0x0] =	wrdreg $0x0  }
0xa8: {  	s5 =	sshll.u32 s28, $0x1;
	[dreg:$0x2] =	wrdreg s3  }
0xa9: {  	[dreg:$0x3] =	wrdreg s5  }
0xaa: {  	[dreg:$0x4] =	wrdreg $0xC0  }
0xab: {  	_ =	task [dreg:s7], $0x5FFFF  }
0xac: {  	[dreg:$0x1] =	wrdreg $0xFFFFFFFF  }
0xad: {  	[dreg:$0x0] =	wrdreg $0x60  }
0xae: {  	[dreg:$0x2] =	wrdreg s2  }
0xaf: {  	[dreg:$0x3] =	wrdreg s24  }
0xb0: {  	[dreg:$0x4] =	wrdreg $0x0  }
0xb1: {  	[dreg:$0x5] =	wrdreg $0x9  }
0xb2: {  	_ =	task.clear_ibuf [dreg:s7], $0x6FFFF;
	_ =	strace $0x90000052  }
0xb3: {  	s29 =	simm.s32 $0x9;
	_ =	strace $0x80000054  }
0xb4: {  	_ =	swait.ge [sflag:s29], $0x1  }
0xb5: {  	[sflag:s29] =	ssyncadd.s32 $0xFFFFFFFF  }
0xb6: {  	_ =	strace $0x90000054  }
0xb7: {  	_ =	sfence  }
0xb8: {  	s30 =	sld [smem:$0x0];
	_ =	sdelay $0x2  }
0xb9: {  	s31 =	sshll.u32 s1, $0xD;
	s1 =	sshrl.u32 s1, $0x2  }
0xba: {  	s3 =	sand.u32 $0x4000, s31;
	s1 =	sadd.s32 s1, s30  }
0xbb: {  	s0 =	sor.u32 s3, s0;
	s1 =	sshll.u32 s1, $0x11  }
0xbc: {  	s0 =	sor.u32 s1, s0  }
0xbd: {  	s0 =	sadd.s32 $0x8F2B, s0  }
0xbe: {  	[sflag:s0] =	ssyncadd.remote.s32 $0x1  }
0xbf: {  	_ =	sfence.sel $0xFFFF  }
0xc0: {  	[dreg:$0x0] =	wrdreg $0xFFFFFFFF;
	(pc) =	sbr.abs _section_cstart, $3  }
0xc1: {  	[dreg:$0x1] =	wrdreg $0xFFFFFFFF  }
0xc2: {  	_ =	task.clear_ibuf [dreg:s7], $0x2FFFF;
	_ =	strace $0x9FFFFFFF  }
0xc3: {  	(tm) =	ssettm $0x7FFFFFFF  }
tec
execute0_lowered:
.L_overlay_start_1:
0x0: {  	(tag) =	ssettag $0x1  }
0x1: {  	s1 =	rddreg [dreg:$0x0]  }
0x2: {  	s0 =	rddreg [dreg:$0x1]  }
0x3: {  	s3 =	rddreg [dreg:$0x2]  }
0x4: {  	s2 =	srdreg.scid;
	s8 =	stileid.u32  }
0x5: {  	s5 =	simm.s32 $0x0;
	s15 =	simm.s32 $0x80;
	s28 =	simm.s32 $0x5  }
0x6: {  	s14 =	simm.s32 $0x8;
	s9 =	simm.s32 $0xD;
	s13 =	simm.s32 $0xE  }
0x7: {  	s10 =	simm.s32 $0xF;
	s11 =	simm.s32 $0x11;
	s12 =	simm.s32 $0x12  }
0x8: {  	s16 =	simm.s32 $0x13;
	s18 =	simm.s32 $0x14;
	s29 =	simm.s32 $0xC6C0  }
0x9: {  	s31 =	simm.s32 $0xDAC0;
	s17 =	simm.s32 $0x102C0;
	s30 =	simm.s32 $0x1  }
0xa: {  	s2 =	sand.u32 $0x1, s2;
	s4 =	smul.u32 $0xC580, s8;
	[smem:$0x7FF] =	sst s5  }
0xb: {  	s19 =	sshll.u32 s8, $0x1;
	s7 =	smul.u32 $0x62C0, s8;
	s24 =	sshll.u32 s8, $0x6  }
0xc: {  	s8 =	simm.s32 $0xC;
	s6 =	smul.u32 $0x28, s2;
	_ =	strace $0x80000053  }
0xd: {  	s5 =	sor.u32 s2, s19;
	s2 =	ssub.s32 $0x2, s2;
	s22 =	sor.u32 $0x1C15, s24  }
0xe: {  	s19 =	simm.s32 $0x152C0;
	s5 =	smul.u32 $0x500, s5;
	s20 =	sshrl.u32 s2, $0x1  }
0xf: {  	s21 =	sadd.s32 s7, s3;
	s23 =	sshrl.u32 s7, $0x3;
	s7 =	simm.s32 $0xB  }
0x10: {  	[dreg:$0x5] =	wrdreg s22;
	s4 =	sor.u32 s6, s4;
	s2 =	ssub.s32 s2, s20  }
0x11: {  	s6 =	sadd.s32 s1, s23;
	s24 =	sshrl.u32 s21, $0x3;
	s21 =	simm.s32 $0x116C0  }
0x12: {  	s23 =	simm.s32 $0x12AC0;
	s4 =	sshrl.u32 s4, $0x3;
	s5 =	sadd.s32 s5, s0  }
0x13: {  	[dreg:$0x4] =	wrdreg s6;
	s26 =	smax.u32 s2, $0x1;
	s6 =	simm.s32 $0x10  }
.Ltmp0:
0x14: {  	s2 =	simm.s32 $0x0;
	[dreg:$0xa] =	wrdreg s24;
	(pc) =	sbr.rel .LBB2_1-.Ltmp0, $4  }
0x15: {  	s0 =	sadd.s32 s4, s0;
	s25 =	sadd.s32 $0x2800, s5;
	[dreg:$0x9] =	wrdreg s26  }
0x16: {  	s5 =	sadd.s32 $0xC800, s5;
	s4 =	simm.s32 $0x9;
	[dreg:$0x6] =	wrdreg s25  }
0x17: {  	[dreg:$0x7] =	wrdreg s5;
	s0 =	sadd.s32 $0x16800, s0;
	s5 =	simm.s32 $0xA  }
0x18: {  	s25 =	simm.s32 $0x13EC0;
	[dreg:$0x8] =	wrdreg s0;
	s0 =	simm.s32 $0x166C0  }
.LBB2_3:
0x19: {  	_ =	swait.ge [sflag:s8], $0x1400  }
0x1a: {  	[sflag:s8] =	ssyncset.done $0x0  }
0x1b: {  	[sflag:s8] =	ssyncadd.s32 $0xFFFFEC00  }
0x1c: {  	_ =	swait.ge [sflag:s9], $0x1400  }
0x1d: {  	[sflag:s9] =	ssyncset.done $0x0  }
0x1e: {  	[sflag:s9] =	ssyncadd.s32 $0xFFFFEC00  }
0x1f: {  	_ =	swait.ge [sflag:s13], $0x1400  }
0x20: {  	[sflag:s13] =	ssyncset.done $0x0  }
0x21: {  	[sflag:s13] =	ssyncadd.s32 $0xFFFFEC00  }
0x22: {  	_ =	swait.ge [sflag:s10], $0x1400  }
0x23: {  	[sflag:s10] =	ssyncset.done $0x0  }
0x24: {  	[sflag:s10] =	ssyncadd.s32 $0xFFFFEC00  }
0x25: {  	_ =	swait.ge [sflag:s6], $0x1400  }
0x26: {  	[sflag:s6] =	ssyncset.done $0x0  }
0x27: {  	[sflag:s6] =	ssyncadd.s32 $0xFFFFEC00  }
0x28: {  	_ =	swait.ge [sflag:s11], $0x1400  }
0x29: {  	[sflag:s11] =	ssyncset.done $0x0  }
0x2a: {  	[sflag:s11] =	ssyncadd.s32 $0xFFFFEC00  }
0x2b: {  	_ =	swait.ge [sflag:s12], $0x1400  }
0x2c: {  	[sflag:s12] =	ssyncset.done $0x0  }
0x2d: {  	[sflag:s12] =	ssyncadd.s32 $0xFFFFEC00  }
0x2e: {  	_ =	swait.ge [sflag:s16], $0x1400  }
0x2f: {  	[sflag:s16] =	ssyncset.done $0x0  }
0x30: {  	[sflag:s16] =	ssyncadd.s32 $0xFFFFEC00  }
0x31: {  	_ =	swait.ge [sflag:s18], $0x1400  }
0x32: {  	[sflag:s18] =	ssyncset.done $0x0  }
0x33: {  	[sflag:s18] =	ssyncadd.s32 $0xFFFFEC00  }
.LBB2_5:
0x34: {  	[bflag:$0x0] =	sbarrier.arrive $0xFFFF  }
0x35: {  	s22 =	rddreg [dreg:$0x5]  }
0x36: {  	s20 =	rddreg [dreg:$0x8]  }
0x37: {  	s26 =	simm.s32 $0x15;
	s24 =	rddreg [dreg:$0xa]  }
0x38: {  	[hbm:s20@s5], [sflag:s22] =	dma.strided [spmem:s24@s28], $0xC58, s30, $0x5   }
0x39: {  	_ =	swait.ge [sflag:s26], $0xC58  }
0x3a: {  	s2 =	rddreg [dreg:$0xb]  }
0x3b: {  	s0 =	rddreg [dreg:$0x9];
	s2 =	sadd.s32 $0x1, s2  }
0x3c: {  	p0 =	sne.s32 s2, s0  }
.Ltmp1:
0x3d: {  	_ = 	snop;
	(pc) =	sbr.rel @!p0 .LBB2_6-.Ltmp1, $3  }
0x3e: {  	_ =	sdelay $0x1  }
0x3f: {  	[sflag:s26] =	ssyncset.done $0x0;
	s26 =	simm.s32 $0x15  }
0x40: {  	[sflag:s26] =	ssyncadd.s32 $0xFFFFF3A8;
	s0 =	simm.s32 $0x166C0  }
.LBB2_1:
0x41: {  	[dreg:$0xb] =	wrdreg s2  }
0x42: {  	s26 =	simm.s32 $0x15;
	s20 =	rddreg [dreg:$0x4]  }
0x43: {  	[spmem:s24], [sflag:s22] =	dma.local [hbm:s20], $0xC58  }
0x44: {  	_ =	swait.ge [sflag:s26], $0xC58  }
0x45: {  	s2 =	simm.s32 $0x62C0;
	[sflag:s26] =	ssyncset.done $0x0  }
0x46: {  	s20 =	simm.s32 $0x0;
	s24 =	rddreg [dreg:$0x6];
	[sflag:s26] =	ssyncadd.s32 $0xFFFFF3A8  }
0x47: {  	[tilespmem:s2], [sflag:$0x15] =	stream.linear.gather [hbm4b:s24+s20], $0x2800, $0x38;
	[tilespmem:$0x17AC0] =	vst v63  }
0x48: {  	_ =	swait.ge [sflag:s26], $0x2800  }
0x49: {  	[sflag:s26] =	ssyncset.done $0x0  }
0x4a: {  	s24 =	simm.s32 $0x8AC0;
	s22 =	rddreg [dreg:$0x7];
	[sflag:s26] =	ssyncadd.s32 $0xFFFFD800  }
0x4b: {  	[tilespmem:s24], [sflag:$0x15] =	stream.linear.gather [hbm4b:s22+s20], $0x2800, $0x38;
	[tilespmem:$0x17AC0] =	vst v63  }
0x4c: {  	_ =	swait.ge [sflag:s26], $0x2800  }
0x4d: {  	[sflag:s26] =	ssyncset.done $0x0  }
0x4e: {  	[sflag:s26] =	ssyncadd.s32 $0xFFFFD800  }
0x4f: {  	s26 =	simm.s32 $0xB2C0;
	[bflag:$0x0] =	sbarrier.arrive $0xFFFF  }
0x50: {  	[tilespmem:s26], [sflag:$0x1] =	stream.indirect.gather [hbm4b:s1+s15], $0x28, s2, s15, $0xb8;
	[tilespmem:$0x17AC0] =	vst v63  }
0x51: {  	s2 =	simm.s32 $0x6340  }
0x52: {  	[tilespmem:s29], [sflag:$0x2] =	stream.indirect.gather [hbm4b:s1+s15], $0x28, s2, s15, $0xb8;
	[tilespmem:$0x17AC0] =	vst v63  }
0x53: {  	s22 =	simm.s32 $0x63C0  }
0x54: {  	[tilespmem:s31], [sflag:$0x3] =	stream.indirect.gather [hbm4b:s1+s15], $0x28, s22, s15, $0xb8;
	[tilespmem:$0x17AC0] =	vst v63  }
0x55: {  	s24 =	simm.s32 $0x6440;
	s2 =	simm.s32 $0xEEC0  }
0x56: {  	[tilespmem:s2], [sflag:$0x4] =	stream.indirect.gather [hbm4b:s1+s15], $0x28, s24, s15, $0xb8;
	[tilespmem:$0x17AC0] =	vst v63  }
0x57: {  	s22 =	simm.s32 $0x64C0  }
0x58: {  	[tilespmem:s17], [sflag:$0x5] =	stream.indirect.gather [hbm4b:s1+s15], $0x28, s22, s15, $0xb8;
	[tilespmem:$0x17AC0] =	vst v63  }
0x59: {  	s24 =	simm.s32 $0x6540  }
0x5a: {  	[tilespmem:s21], [sflag:$0x6] =	stream.indirect.gather [hbm4b:s1+s15], $0x28, s24, s15, $0xb8;
	[tilespmem:$0x17AC0] =	vst v63  }
0x5b: {  	s22 =	simm.s32 $0x65C0  }
0x5c: {  	[tilespmem:s23], [sflag:$0x7] =	stream.indirect.gather [hbm4b:s1+s15], $0x28, s22, s15, $0xb8;
	[tilespmem:$0x17AC0] =	vst v63  }
0x5d: {  	s24 =	simm.s32 $0x6640  }
0x5e: {  	[tilespmem:s25], [sflag:$0x8] =	stream.indirect.gather [hbm4b:s1+s15], $0x28, s24, s15, $0xb8;
	[tilespmem:$0x17AC0] =	vst v63  }
0x5f: {  	s22 =	simm.s32 $0x66C0  }
0x60: {  	[tilespmem:s19], [sflag:$0x9] =	stream.indirect.gather [hbm4b:s1+s15], $0x28, s22, s15, $0xb8;
	[tilespmem:$0x17AC0] =	vst v63  }
0x61: {  	s24 =	simm.s32 $0x6740  }
0x62: {  	[tilespmem:s0], [sflag:$0xA] =	stream.indirect.gather [hbm4b:s1+s15], $0x28, s24, s15, $0xb8;
	[tilespmem:$0x17AC0] =	vst v63  }
0x63: {  	s20 =	simm.s32 $0x0;
	s0 =	simm.s32 $0x166C0  }
.LBB2_2:
0x64: {  	s24 =	simm.s32 $0x1  }
0x65: {  	_ =	swait.ge [sflag:s24], $0x1400  }
0x66: {  	s22 =	sshra.s32 s20, $0x2;
	[sflag:s24] =	ssyncset.done $0x0  }
0x67: {  	[sflag:s24] =	ssyncadd.s32 $0xFFFFEC00;
	s24 =	sadd.s32 $0x8AC0, s22  }
0x68: {  	[spmem:s3] =	stream.indirect.scatter.add.f32 [tilespmem:s26], [sflag:$0xB], $0x28, s24, s15, $0xb8;
	[tilespmem:$0x17AC0] =	vst v63  }
0x69: {  	s24 =	simm.s32 $0x2  }
0x6a: {  	_ =	swait.ge [sflag:s24], $0x1400  }
0x6b: {  	[sflag:s24] =	ssyncset.done $0x0  }
0x6c: {  	[sflag:s24] =	ssyncadd.s32 $0xFFFFEC00;
	s24 =	sadd.s32 $0x8B40, s22  }
0x6d: {  	[spmem:s3] =	stream.indirect.scatter.add.f32 [tilespmem:s29], [sflag:$0xC], $0x28, s24, s15, $0xb8;
	[tilespmem:$0x17AC0] =	vst v63  }
0x6e: {  	s24 =	simm.s32 $0x3  }
0x6f: {  	_ =	swait.ge [sflag:s24], $0x1400  }
0x70: {  	[sflag:s24] =	ssyncset.done $0x0  }
0x71: {  	[sflag:s24] =	ssyncadd.s32 $0xFFFFEC00;
	s24 =	sadd.s32 $0x8BC0, s22  }
0x72: {  	[spmem:s3] =	stream.indirect.scatter.add.f32 [tilespmem:s31], [sflag:$0xD], $0x28, s24, s15, $0xb8;
	[tilespmem:$0x17AC0] =	vst v63  }
0x73: {  	s24 =	simm.s32 $0x4  }
0x74: {  	_ =	swait.ge [sflag:s24], $0x1400  }
0x75: {  	[sflag:s24] =	ssyncset.done $0x0  }
0x76: {  	[sflag:s24] =	ssyncadd.s32 $0xFFFFEC00;
	s24 =	sadd.s32 $0x8C40, s22  }
0x77: {  	[spmem:s3] =	stream.indirect.scatter.add.f32 [tilespmem:s2], [sflag:$0xE], $0x28, s24, s15, $0xb8;
	[tilespmem:$0x17AC0] =	vst v63  }
0x78: {  	_ =	swait.ge [sflag:s28], $0x1400  }
0x79: {  	[sflag:s28] =	ssyncset.done $0x0  }
0x7a: {  	s24 =	sadd.s32 $0x8CC0, s22;
	[sflag:s28] =	ssyncadd.s32 $0xFFFFEC00  }
0x7b: {  	[spmem:s3] =	stream.indirect.scatter.add.f32 [tilespmem:s17], [sflag:$0xF], $0x28, s24, s15, $0xb8;
	[tilespmem:$0x17AC0] =	vst v63  }
0x7c: {  	s24 =	simm.s32 $0x6  }
0x7d: {  	_ =	swait.ge [sflag:s24], $0x1400  }
0x7e: {  	[sflag:s24] =	ssyncset.done $0x0  }
0x7f: {  	[sflag:s24] =	ssyncadd.s32 $0xFFFFEC00;
	s24 =	sadd.s32 $0x8D40, s22  }
0x80: {  	[spmem:s3] =	stream.indirect.scatter.add.f32 [tilespmem:s21], [sflag:$0x10], $0x28, s24, s15, $0xb8;
	[tilespmem:$0x17AC0] =	vst v63  }
0x81: {  	s24 =	simm.s32 $0x7  }
0x82: {  	_ =	swait.ge [sflag:s24], $0x1400  }
0x83: {  	[sflag:s24] =	ssyncset.done $0x0  }
0x84: {  	[sflag:s24] =	ssyncadd.s32 $0xFFFFEC00;
	s24 =	sadd.s32 $0x8DC0, s22  }
0x85: {  	[spmem:s3] =	stream.indirect.scatter.add.f32 [tilespmem:s23], [sflag:$0x11], $0x28, s24, s15, $0xb8;
	[tilespmem:$0x17AC0] =	vst v63  }
0x86: {  	_ =	swait.ge [sflag:s14], $0x1400  }
0x87: {  	[sflag:s14] =	ssyncset.done $0x0  }
0x88: {  	s24 =	sadd.s32 $0x8E40, s22;
	[sflag:s14] =	ssyncadd.s32 $0xFFFFEC00  }
0x89: {  	[spmem:s3] =	stream.indirect.scatter.add.f32 [tilespmem:s25], [sflag:$0x12], $0x28, s24, s15, $0xb8;
	[tilespmem:$0x17AC0] =	vst v63  }
0x8a: {  	_ =	swait.ge [sflag:s4], $0x1400  }
0x8b: {  	[sflag:s4] =	ssyncset.done $0x0  }
0x8c: {  	s24 =	sadd.s32 $0x8EC0, s22;
	[sflag:s4] =	ssyncadd.s32 $0xFFFFEC00  }
0x8d: {  	[spmem:s3] =	stream.indirect.scatter.add.f32 [tilespmem:s19], [sflag:$0x13], $0x28, s24, s15, $0xb8;
	[tilespmem:$0x17AC0] =	vst v63  }
0x8e: {  	_ =	swait.ge [sflag:s5], $0x1400  }
0x8f: {  	p0 =	sne.s32 s20, $0x8C00;
	[sflag:s5] =	ssyncset.done $0x0  }
.Ltmp2:
0x90: {  	s24 =	sadd.s32 $0x8F40, s22;
	[sflag:s5] =	ssyncadd.s32 $0xFFFFEC00;
	(pc) =	sbr.rel @!p0 .LBB2_3-.Ltmp2, $4  }
0x91: {  	[spmem:s3] =	stream.indirect.scatter.add.f32 [tilespmem:s0], [sflag:$0x14], $0x28, s24, s15, $0xb8;
	[tilespmem:$0x17AC0] =	vst v63  }
0x92: {  	_ =	swait.ge [sflag:s7], $0x1400  }
0x93: {  	[sflag:s7] =	ssyncset.done $0x0  }
0x94: {  	[sflag:s7] =	ssyncadd.s32 $0xFFFFEC00  }
0x95: {  	s24 =	sadd.s32 $0x67C0, s22  }
0x96: {  	[tilespmem:s26], [sflag:$0x1] =	stream.indirect.gather [hbm4b:s1+s15], $0x28, s24, s15, $0xb8;
	[tilespmem:$0x17AC0] =	vst v63  }
0x97: {  	_ =	swait.ge [sflag:s8], $0x1400  }
0x98: {  	[sflag:s8] =	ssyncset.done $0x0  }
0x99: {  	s24 =	sadd.s32 $0x6840, s22;
	[sflag:s8] =	ssyncadd.s32 $0xFFFFEC00  }
0x9a: {  	[tilespmem:s29], [sflag:$0x2] =	stream.indirect.gather [hbm4b:s1+s15], $0x28, s24, s15, $0xb8;
	[tilespmem:$0x17AC0] =	vst v63  }
0x9b: {  	_ =	swait.ge [sflag:s9], $0x1400  }
0x9c: {  	[sflag:s9] =	ssyncset.done $0x0  }
0x9d: {  	s24 =	sadd.s32 $0x68C0, s22;
	[sflag:s9] =	ssyncadd.s32 $0xFFFFEC00  }
0x9e: {  	[tilespmem:s31], [sflag:$0x3] =	stream.indirect.gather [hbm4b:s1+s15], $0x28, s24, s15, $0xb8;
	[tilespmem:$0x17AC0] =	vst v63  }
0x9f: {  	_ =	swait.ge [sflag:s13], $0x1400  }
0xa0: {  	[sflag:s13] =	ssyncset.done $0x0  }
0xa1: {  	s24 =	sadd.s32 $0x6940, s22;
	[sflag:s13] =	ssyncadd.s32 $0xFFFFEC00  }
0xa2: {  	[tilespmem:s2], [sflag:$0x4] =	stream.indirect.gather [hbm4b:s1+s15], $0x28, s24, s15, $0xb8;
	[tilespmem:$0x17AC0] =	vst v63  }
0xa3: {  	_ =	swait.ge [sflag:s10], $0x1400  }
0xa4: {  	[sflag:s10] =	ssyncset.done $0x0  }
0xa5: {  	s24 =	sadd.s32 $0x69C0, s22;
	[sflag:s10] =	ssyncadd.s32 $0xFFFFEC00  }
0xa6: {  	[tilespmem:s17], [sflag:$0x5] =	stream.indirect.gather [hbm4b:s1+s15], $0x28, s24, s15, $0xb8;
	[tilespmem:$0x17AC0] =	vst v63  }
0xa7: {  	_ =	swait.ge [sflag:s6], $0x1400  }
0xa8: {  	[sflag:s6] =	ssyncset.done $0x0  }
0xa9: {  	s24 =	sadd.s32 $0x6A40, s22;
	[sflag:s6] =	ssyncadd.s32 $0xFFFFEC00  }
0xaa: {  	[tilespmem:s21], [sflag:$0x6] =	stream.indirect.gather [hbm4b:s1+s15], $0x28, s24, s15, $0xb8;
	[tilespmem:$0x17AC0] =	vst v63  }
0xab: {  	_ =	swait.ge [sflag:s11], $0x1400  }
0xac: {  	[sflag:s11] =	ssyncset.done $0x0  }
0xad: {  	s24 =	sadd.s32 $0x6AC0, s22;
	[sflag:s11] =	ssyncadd.s32 $0xFFFFEC00  }
0xae: {  	[tilespmem:s23], [sflag:$0x7] =	stream.indirect.gather [hbm4b:s1+s15], $0x28, s24, s15, $0xb8;
	[tilespmem:$0x17AC0] =	vst v63  }
0xaf: {  	_ =	swait.ge [sflag:s12], $0x1400  }
0xb0: {  	[sflag:s12] =	ssyncset.done $0x0  }
0xb1: {  	s24 =	sadd.s32 $0x6B40, s22;
	[sflag:s12] =	ssyncadd.s32 $0xFFFFEC00  }
0xb2: {  	[tilespmem:s25], [sflag:$0x8] =	stream.indirect.gather [hbm4b:s1+s15], $0x28, s24, s15, $0xb8;
	[tilespmem:$0x17AC0] =	vst v63  }
0xb3: {  	_ =	swait.ge [sflag:s16], $0x1400  }
0xb4: {  	s20 =	sadd.s32 $0x1400, s20;
	[sflag:s16] =	ssyncset.done $0x0  }
0xb5: {  	p0 =	sne.s32 s20, $0xA000;
	s24 =	sadd.s32 $0x6BC0, s22;
	[sflag:s16] =	ssyncadd.s32 $0xFFFFEC00  }
0xb6: {  	[tilespmem:s19], [sflag:$0x9] =	stream.indirect.gather [hbm4b:s1+s15], $0x28, s24, s15, $0xb8;
	[tilespmem:$0x17AC0] =	vst v63  }
.Ltmp3:
0xb7: {  	_ = 	snop;
	(pc) =	sbr.rel @p0 .LBB2_2-.Ltmp3, $4  }
.Ltmp4:
0xb8: {  	_ =	swait.ge [sflag:s18], $0x1400;
	(pc) =	sbr.rel @!p0 .LBB2_5-.Ltmp4, $4  }
0xb9: {  	[sflag:s18] =	ssyncset.done $0x0  }
0xba: {  	s24 =	sadd.s32 $0x6C40, s22;
	[sflag:s18] =	ssyncadd.s32 $0xFFFFEC00  }
0xbb: {  	[tilespmem:s0], [sflag:$0xA] =	stream.indirect.gather [hbm4b:s1+s15], $0x28, s24, s15, $0xb8;
	[tilespmem:$0x17AC0] =	vst v63  }
0xbc: {  	_ = 	snop  }
.LBB2_6:
0xbd: {  	_ =	sfence.sel $0x180000  }
0xbe: {  	[bflag:$0x0] =	sbarrier.arrive $0xFFFF  }
0xbf: {  	_ =	strace $0x90000053  }
0xc0: {  	s0 =	stileid.u32;
	[bflag:$0x2] =	sbarrier.arrive $0xFFFF  }
0xc1: {  	p0 =	sne.s32 s0, $0x0;
	s0 =	rddreg [dreg:$0x3]  }
0xc2: {  	s0 =	sadd.s32 @!p0 $0x100000, s0  }
0xc3: {  	[sflag:s0] =	ssyncadd.tile.s32 @!p0 $0x1;
	_ =	shalt  }
.Lfunc_end2:
_tile_overlayer_lowered:
.L_overlay_start_2:
0xc4: {  	(tag) =	ssettag $0x2  }
0xc5: {  	s0 =	rddreg [dreg:$0x0];
	s2 =	stileid.u32  }
0xc6: {  	s1 =	rddreg [dreg:$0x1];
	p0 =	sne.s32 s2, $0x0  }
0xc7: {  	s3 =	rddreg [dreg:$0x2];
	[bflag:$0x3] =	sbarrier.arrive $0xFFFF;
	s2 =	simm.s32 @!p0 $0x1C15  }
0xc8: {  	[timem:s3], [sflag:s2] =	dma.local @!p0 [hbm:s0], s1  }
0xc9: {  	s0 =	simm.s32 @!p0 $0x15  }
0xca: {  	_ =	swait.ge @!p0 [sflag:s0], s1  }
0xcb: {  	s1 =	ssub.s32 @!p0 $0x0, s1;
	[sflag:s0] =	ssyncset.done @!p0 $0x0  }
0xcc: {  	[sflag:s0] =	ssyncadd.s32 @!p0 s1  }
0xcd: {  	[bflag:$0x3] =	sbarrier.arrive $0xFFFF  }
0xce: {  	_ =	shalt  }

</sc_bundles>
